<compile_context>
chip_gen: v7x
topology: tpu7x:2x2x1
jax: 0.10.2.dev20260603
libtpu: 0.0.44.dev20260713+nightly
codegen_flags: <defaults>
</compile_context>

<pallas_src>
import functools

import jax
import jax.numpy as jnp
from jax import lax
from jax.experimental import pallas as pl
from jax.experimental.pallas import tpu as pltpu
from jax.experimental.pallas import tpu_sc as plsc

N = 8192
C = 2048
L = 16
NUM_CORES = 2
NUM_SUBCORES = 16
NW = NUM_CORES * NUM_SUBCORES
ROWS_PER_W = N // NW
GROUPS = ROWS_PER_W // L
U = 8
GL = L * C
PL = L + 1
TL = C * PL
NB = 256
PB = NB + 1
HL = L * (NB + 8)
SCAN_U = 4


def _body(x_hbm, out_hbm, buf0, buf1, buf_t, hcnt, hsum, in_sem):
    cid = lax.axis_index("c")
    sid = lax.axis_index("s")
    wid = sid * NUM_CORES + cid
    colbase = lax.iota(jnp.int32, L) * PL
    histbase = lax.iota(jnp.int32, L) * PB
    ones = jnp.ones((L,), jnp.float32)
    zeros = jnp.zeros((L,), jnp.float32)

    def src(g):
        base = (wid * GROUPS + lax.rem(g, GROUPS)) * GL
        return x_hbm.at[pl.ds(base, GL)]

    pltpu.async_copy(src(0), buf0, in_sem)

    def do_group(g, buf):
        base = (wid * GROUPS + g) * GL

        @plsc.parallel_loop(0, C, step=L, carry=colbase)
        def trans_loop(j, idx0):
            for l in range(L):
                v = buf[pl.ds(l * C + j, L)]
                plsc.store_scatter(buf_t, [idx0 + l], v)
            return idx0 + L * PL

        @plsc.parallel_loop(0, TL, step=U * PL,
                            carry=(jnp.full((L,), -1e30, jnp.float32),) * U)
        def max_loop(o, ms):
            return tuple(
                jnp.maximum(ms[u], buf_t[pl.ds(o + u * PL, L)])
                for u in range(U))

        m = functools.reduce(jnp.maximum, max_loop)

        @plsc.parallel_loop(0, HL // L, step=U)
        def zero_loop(j):
            for u in range(U):
                hcnt[pl.ds((j + u) * L, L)] = zeros
                hsum[pl.ds((j + u) * L, L)] = zeros

        @plsc.parallel_loop(0, TL, step=U * PL)
        def hist_loop(o):
            for u in range(U):
                v = buf_t[pl.ds(o + u * PL, L)]
                e = (m - v) * 256.0
                msk = e < 256.0
                idx = histbase + e.astype(jnp.int32)
                plsc.addupdate_scatter(hcnt, [idx], ones, mask=msk)
                plsc.addupdate_scatter(hsum, [idx], v, mask=msk)

        def scan_step(i, st):
            idx, tj, Kc, Sc, Kat, Sat, found = st
            for _ in range(SCAN_U):
                Kc = Kc + plsc.load_gather(hcnt, [idx])
                Sc = Sc + plsc.load_gather(hsum, [idx])
                cross = jnp.logical_and(Sc - tj * Kc >= 1.0,
                                        jnp.logical_not(found))
                Kat = jnp.where(cross, Kc, Kat)
                Sat = jnp.where(cross, Sc, Sat)
                found = jnp.logical_or(found, cross)
                idx = idx + 1
                tj = tj - (1.0 / 256.0)
            return idx, tj, Kc, Sc, Kat, Sat, found

        _, _, _, _, Kat, Sat, _ = lax.fori_loop(
            0, NB // SCAN_U, scan_step,
            (histbase, m - (1.0 / 256.0), zeros, zeros, ones, m,
             jnp.zeros((L,), jnp.bool_)))
        tau = (Sat - 1.0) / Kat

        for _ in range(2):
            t = tau

            @plsc.parallel_loop(0, TL, step=U * PL,
                                carry=(zeros,) * (2 * U))
            def ks_loop(o, ks):
                ks = list(ks)
                for u in range(U):
                    v = buf_t[pl.ds(o + u * PL, L)]
                    act = v > t
                    ks[2 * u] = ks[2 * u] + jnp.where(act, 1.0, 0.0)
                    ks[2 * u + 1] = ks[2 * u + 1] + jnp.where(act, v, 0.0)
                return tuple(ks)

            k = functools.reduce(jnp.add, ks_loop[0::2])
            s = functools.reduce(jnp.add, ks_loop[1::2])
            tau = (s - 1.0) / jnp.maximum(k, 1.0)

        @plsc.parallel_loop(0, TL, step=U * PL)
        def relu_loop(o):
            for u in range(U):
                sl = pl.ds(o + u * PL, L)
                buf_t[sl] = jnp.maximum(buf_t[sl] - tau, 0.0)

        @plsc.parallel_loop(0, C, step=L, carry=colbase)
        def out_loop(j, idx0):
            for l in range(L):
                buf[pl.ds(l * C + j, L)] = plsc.load_gather(buf_t, [idx0 + l])
            return idx0 + L * PL

        pltpu.sync_copy(buf, out_hbm.at[pl.ds(base, GL)])

    def do_pair(h, carry):
        g0 = 2 * h
        pltpu.make_async_copy(src(g0), buf0, in_sem).wait()
        pltpu.async_copy(src(g0 + 1), buf1, in_sem)
        do_group(g0, buf0)
        pltpu.make_async_copy(src(g0 + 1), buf1, in_sem).wait()
        pltpu.async_copy(src(g0 + 2), buf0, in_sem)
        do_group(g0 + 1, buf1)
        return carry

    lax.fori_loop(0, GROUPS // 2, do_pair, 0)
    pltpu.make_async_copy(src(0), buf0, in_sem).wait()


_sparsemax_sc = functools.partial(
    pl.kernel,
    out_type=jax.ShapeDtypeStruct((N * C,), jnp.float32),
    mesh=plsc.VectorSubcoreMesh(
        core_axis_name="c", subcore_axis_name="s",
        num_cores=NUM_CORES, num_subcores=NUM_SUBCORES),
    scratch_types=[
        pltpu.VMEM((GL,), jnp.float32),
        pltpu.VMEM((GL,), jnp.float32),
        pltpu.VMEM((TL,), jnp.float32),
        pltpu.VMEM((HL,), jnp.float32),
        pltpu.VMEM((HL,), jnp.float32),
        pltpu.SemaphoreType.DMA,
    ],
    compiler_params=pltpu.CompilerParams(
        use_tc_tiling_on_sc=False, needs_layout_passes=False),
)(_body)


def kernel(input):
    return _sparsemax_sc(input.reshape(N * C)).reshape(N, C)

# --- scband reference (transcript-rebuilt; emitter-appended) ---
"""Pipeline reference for scband-sparsemax-37529424232954 (READ-ONLY COPY).

The authoritative reference and input builder live on the scoring server;
editing this copy changes nothing except your own understanding.
"""

import jax, jax.numpy as jnp
import numpy as np

def setup_inputs(seed: int = 0) -> dict:
    key = jax.random.key(seed)
    x = jax.random.normal(key, (8192, 2048), dtype=jnp.float32)
    return {"input": x}

def reference(input) -> jnp.ndarray:
    x = input - jnp.max(input, axis=1, keepdims=True)
    # descending sort along dim 1
    z_sorted = jnp.sort(x, axis=1)[:, ::-1]
    C = x.shape[1]
    range_ = jnp.arange(1, C + 1, dtype=x.dtype)
    bound = 1.0 + range_ * z_sorted
    cumsum_zs = jnp.cumsum(z_sorted, axis=1)
    is_gt = (bound > cumsum_zs).astype(x.dtype)
    k = jnp.max(is_gt * range_, axis=1, keepdims=True)
    zs_sparse = is_gt * z_sorted
    taus = (jnp.sum(zs_sparse, axis=1, keepdims=True) - 1.0) / k
    output = jnp.clip(x - taus, 0.0, None)
    return output

if __name__ == "__main__":
    import jax
    _d = setup_inputs()
    print(jax.jit(kernel)(*tuple(_d.values())))

</pallas_src>

<mosaic_0001>
#map = affine_map<(d0, d1) -> (0)>
module attributes {stable_mosaic.version = 14 : i64} {
  func.func @_body(%arg0: i32, %arg1: i32, %arg2: memref<16777216xf32, #tpu.memory_space<hbm>>, %arg3: memref<16777216xf32, #tpu.memory_space<hbm>>, %arg4: memref<32768xf32, #tpu.memory_space<vmem>>, %arg5: memref<32768xf32, #tpu.memory_space<vmem>>, %arg6: memref<34816xf32, #tpu.memory_space<vmem>>, %arg7: memref<4224xf32, #tpu.memory_space<vmem>>, %arg8: memref<4224xf32, #tpu.memory_space<vmem>>, %arg9: memref<!tpu.dma_semaphore, #tpu.memory_space<semaphore_mem>>) attributes {dimension_semantics = [#tpu.dimension_semantics<core_parallel>, #tpu.dimension_semantics<subcore_parallel>], iteration_bounds = array<i64: 2, 16>, scalar_prefetch = 0 : i64, scratch_operands = 6 : i64, tpu.core_type = #tpu.core_type<sc_vector_subcore>, window_params = [{transform_indices = #map}, {transform_indices = #map}]} {
    %mul3A = arith.constant 2 : i32
    %mul3A_0 = arith.muli %arg1, %mul3A : i32
    %add3A = arith.addi %mul3A_0, %arg0 : i32
    %iota3A = tpu.iota {dimensions = array<i32: 0>} : vector<16xi32>
    %mul3A_1 = arith.constant 17 : i32
    %mul3A_2 = vector.broadcast %mul3A_1 : i32 to vector<16xi32>
    %mul3A_3 = arith.muli %iota3A, %mul3A_2 : vector<16xi32>
    %iota3A_4 = tpu.iota {dimensions = array<i32: 0>} : vector<16xi32>
    %mul3A_5 = arith.constant 257 : i32
    %mul3A_6 = vector.broadcast %mul3A_5 : i32 to vector<16xi32>
    %mul3A_7 = arith.muli %iota3A_4, %mul3A_6 : vector<16xi32>
    %broadcast_in_dim3A = arith.constant 1.000000e+00 : f32
    %broadcast_in_dim3A_8 = vector.broadcast %broadcast_in_dim3A : f32 to vector<16xf32>
    %broadcast_in_dim3A_9 = arith.constant 0.000000e+00 : f32
    %broadcast_in_dim3A_10 = vector.broadcast %broadcast_in_dim3A_9 : f32 to vector<16xf32>
    %mul3A_11 = arith.constant 16 : i32
    %mul3A_12 = arith.muli %add3A, %mul3A_11 : i32
    %rem3A = arith.constant 0 : i32
    %rem3A_13 = arith.constant 16 : i32
    %rem3A_14 = arith.remsi %rem3A, %rem3A_13 : i32
    %add3A_15 = arith.addi %mul3A_12, %rem3A_14 : i32
    %mul3A_16 = arith.constant 32768 : i32
    %mul3A_17 = arith.muli %add3A_15, %mul3A_16 : i32
    %dma_start3A = tpu.memref_slice %arg2[%mul3A_17] : memref<16777216xf32, #tpu.memory_space<hbm>> -> memref<32768xf32, #tpu.memory_space<hbm>>
    %dma_start3A_18 = tpu.memref_slice %arg2[%mul3A_17] : memref<16777216xf32, #tpu.memory_space<hbm>> -> memref<32768xf32, #tpu.memory_space<hbm>>
    tpu.enqueue_dma source(%dma_start3A_18 : memref<32768xf32, #tpu.memory_space<hbm>>) target(%arg4 : memref<32768xf32, #tpu.memory_space<vmem>>) target_semaphore(%arg9 : memref<!tpu.dma_semaphore, #tpu.memory_space<semaphore_mem>>)
    %scan3A = arith.constant 0 : i32
    %scan3A_19 = arith.constant 0 : i32
    %scan3A_20 = arith.constant 8 : i32
    %scan3A_21 = arith.addi %scan3A_19, %scan3A_20 : i32
    %scan3A_22 = arith.constant 1 : i32
    scf.for %scan3A_33 = %scan3A_19 to %scan3A_21 step %scan3A_22  : i32 {
      %mul3A_34 = arith.constant 2 : i32
      %mul3A_35 = arith.muli %mul3A_34, %scan3A_33 : i32
      %mul3A_36 = arith.constant 16 : i32
      %mul3A_37 = arith.muli %add3A, %mul3A_36 : i32
      %rem3A_38 = arith.constant 16 : i32
      %rem3A_39 = arith.remsi %mul3A_35, %rem3A_38 : i32
      %add3A_40 = arith.addi %mul3A_37, %rem3A_39 : i32
      %mul3A_41 = arith.constant 32768 : i32
      %mul3A_42 = arith.muli %add3A_40, %mul3A_41 : i32
      %dma_wait3A_43 = tpu.memref_slice %arg2[%mul3A_42] : memref<16777216xf32, #tpu.memory_space<hbm>> -> memref<32768xf32, #tpu.memory_space<hbm>>
      %dma_wait3A_44 = tpu.memref_slice %arg2[%mul3A_42] : memref<16777216xf32, #tpu.memory_space<hbm>> -> memref<32768xf32, #tpu.memory_space<hbm>>
      tpu.wait_dma2 semaphore(%arg9 : memref<!tpu.dma_semaphore, #tpu.memory_space<semaphore_mem>>) src(%dma_wait3A_44 : memref<32768xf32, #tpu.memory_space<hbm>>) dst(%arg4 : memref<32768xf32, #tpu.memory_space<vmem>>)
      %add3A_45 = arith.constant 1 : i32
      %add3A_46 = arith.addi %mul3A_35, %add3A_45 : i32
      %mul3A_47 = arith.constant 16 : i32
      %mul3A_48 = arith.muli %add3A, %mul3A_47 : i32
      %rem3A_49 = arith.constant 16 : i32
      %rem3A_50 = arith.remsi %add3A_46, %rem3A_49 : i32
      %add3A_51 = arith.addi %mul3A_48, %rem3A_50 : i32
      %mul3A_52 = arith.constant 32768 : i32
      %mul3A_53 = arith.muli %add3A_51, %mul3A_52 : i32
      %dma_start3A_54 = tpu.memref_slice %arg2[%mul3A_53] : memref<16777216xf32, #tpu.memory_space<hbm>> -> memref<32768xf32, #tpu.memory_space<hbm>>
      %dma_start3A_55 = tpu.memref_slice %arg2[%mul3A_53] : memref<16777216xf32, #tpu.memory_space<hbm>> -> memref<32768xf32, #tpu.memory_space<hbm>>
      tpu.enqueue_dma source(%dma_start3A_55 : memref<32768xf32, #tpu.memory_space<hbm>>) target(%arg5 : memref<32768xf32, #tpu.memory_space<vmem>>) target_semaphore(%arg9 : memref<!tpu.dma_semaphore, #tpu.memory_space<semaphore_mem>>)
      %mul3A_56 = arith.constant 16 : i32
      %mul3A_57 = arith.muli %add3A, %mul3A_56 : i32
      %add3A_58 = arith.addi %mul3A_57, %mul3A_35 : i32
      %mul3A_59 = arith.constant 32768 : i32
      %mul3A_60 = arith.muli %add3A_58, %mul3A_59 : i32
      %parallel_loop3A = arith.constant 0 : i32
      %parallel_loop3A_61 = arith.constant 2048 : i32
      %parallel_loop3A_62 = arith.constant 16 : i32
      %parallel_loop3A_63 = scf.for %parallel_loop3A_276 = %parallel_loop3A to %parallel_loop3A_61 step %parallel_loop3A_62 iter_args(%parallel_loop3A_277 = %mul3A_3) -> (vector<16xi32>)  : i32 {
        %parallel_loop3A_278 = arith.constant 0 : i32
        %parallel_loop3A_279 = arith.addi %parallel_loop3A_278, %parallel_loop3A_276 : i32
        %parallel_loop3A_280 = arith.index_cast %parallel_loop3A_279 : i32 to index
        %parallel_loop3A_281 = tpu.vector_load %arg4[%parallel_loop3A_280] {strides = array<i32>} : memref<32768xf32, #tpu.memory_space<vmem>>, vector<16xf32>,
        %parallel_loop3A_282 = arith.constant 0 : i32
        %parallel_loop3A_283 = vector.broadcast %parallel_loop3A_282 : i32 to vector<16xi32>
        %parallel_loop3A_284 = arith.addi %parallel_loop3A_277, %parallel_loop3A_283 : vector<16xi32>
        tpu.vector_store_idx %arg6[%parallel_loop3A_284], %parallel_loop3A_281 : memref<34816xf32, #tpu.memory_space<vmem>>[vector<16xi32>], vector<16xf32>,
        %parallel_loop3A_285 = arith.constant 2048 : i32
        %parallel_loop3A_286 = arith.addi %parallel_loop3A_285, %parallel_loop3A_276 : i32
        %parallel_loop3A_287 = arith.index_cast %parallel_loop3A_286 : i32 to index
        %parallel_loop3A_288 = tpu.vector_load %arg4[%parallel_loop3A_287] {strides = array<i32>} : memref<32768xf32, #tpu.memory_space<vmem>>, vector<16xf32>,
        %parallel_loop3A_289 = arith.constant 1 : i32
        %parallel_loop3A_290 = vector.broadcast %parallel_loop3A_289 : i32 to vector<16xi32>
        %parallel_loop3A_291 = arith.addi %parallel_loop3A_277, %parallel_loop3A_290 : vector<16xi32>
        tpu.vector_store_idx %arg6[%parallel_loop3A_291], %parallel_loop3A_288 : memref<34816xf32, #tpu.memory_space<vmem>>[vector<16xi32>], vector<16xf32>,
        %parallel_loop3A_292 = arith.constant 4096 : i32
        %parallel_loop3A_293 = arith.addi %parallel_loop3A_292, %parallel_loop3A_276 : i32
        %parallel_loop3A_294 = arith.index_cast %parallel_loop3A_293 : i32 to index
        %parallel_loop3A_295 = tpu.vector_load %arg4[%parallel_loop3A_294] {strides = array<i32>} : memref<32768xf32, #tpu.memory_space<vmem>>, vector<16xf32>,
        %parallel_loop3A_296 = arith.constant 2 : i32
        %parallel_loop3A_297 = vector.broadcast %parallel_loop3A_296 : i32 to vector<16xi32>
        %parallel_loop3A_298 = arith.addi %parallel_loop3A_277, %parallel_loop3A_297 : vector<16xi32>
        tpu.vector_store_idx %arg6[%parallel_loop3A_298], %parallel_loop3A_295 : memref<34816xf32, #tpu.memory_space<vmem>>[vector<16xi32>], vector<16xf32>,
        %parallel_loop3A_299 = arith.constant 6144 : i32
        %parallel_loop3A_300 = arith.addi %parallel_loop3A_299, %parallel_loop3A_276 : i32
        %parallel_loop3A_301 = arith.index_cast %parallel_loop3A_300 : i32 to index
        %parallel_loop3A_302 = tpu.vector_load %arg4[%parallel_loop3A_301] {strides = array<i32>} : memref<32768xf32, #tpu.memory_space<vmem>>, vector<16xf32>,
        %parallel_loop3A_303 = arith.constant 3 : i32
        %parallel_loop3A_304 = vector.broadcast %parallel_loop3A_303 : i32 to vector<16xi32>
        %parallel_loop3A_305 = arith.addi %parallel_loop3A_277, %parallel_loop3A_304 : vector<16xi32>
        tpu.vector_store_idx %arg6[%parallel_loop3A_305], %parallel_loop3A_302 : memref<34816xf32, #tpu.memory_space<vmem>>[vector<16xi32>], vector<16xf32>,
        %parallel_loop3A_306 = arith.constant 8192 : i32
        %parallel_loop3A_307 = arith.addi %parallel_loop3A_306, %parallel_loop3A_276 : i32
        %parallel_loop3A_308 = arith.index_cast %parallel_loop3A_307 : i32 to index
        %parallel_loop3A_309 = tpu.vector_load %arg4[%parallel_loop3A_308] {strides = array<i32>} : memref<32768xf32, #tpu.memory_space<vmem>>, vector<16xf32>,
        %parallel_loop3A_310 = arith.constant 4 : i32
        %parallel_loop3A_311 = vector.broadcast %parallel_loop3A_310 : i32 to vector<16xi32>
        %parallel_loop3A_312 = arith.addi %parallel_loop3A_277, %parallel_loop3A_311 : vector<16xi32>
        tpu.vector_store_idx %arg6[%parallel_loop3A_312], %parallel_loop3A_309 : memref<34816xf32, #tpu.memory_space<vmem>>[vector<16xi32>], vector<16xf32>,
        %parallel_loop3A_313 = arith.constant 10240 : i32
        %parallel_loop3A_314 = arith.addi %parallel_loop3A_313, %parallel_loop3A_276 : i32
        %parallel_loop3A_315 = arith.index_cast %parallel_loop3A_314 : i32 to index
        %parallel_loop3A_316 = tpu.vector_load %arg4[%parallel_loop3A_315] {strides = array<i32>} : memref<32768xf32, #tpu.memory_space<vmem>>, vector<16xf32>,
        %parallel_loop3A_317 = arith.constant 5 : i32
        %parallel_loop3A_318 = vector.broadcast %parallel_loop3A_317 : i32 to vector<16xi32>
        %parallel_loop3A_319 = arith.addi %parallel_loop3A_277, %parallel_loop3A_318 : vector<16xi32>
        tpu.vector_store_idx %arg6[%parallel_loop3A_319], %parallel_loop3A_316 : memref<34816xf32, #tpu.memory_space<vmem>>[vector<16xi32>], vector<16xf32>,
        %parallel_loop3A_320 = arith.constant 12288 : i32
        %parallel_loop3A_321 = arith.addi %parallel_loop3A_320, %parallel_loop3A_276 : i32
        %parallel_loop3A_322 = arith.index_cast %parallel_loop3A_321 : i32 to index
        %parallel_loop3A_323 = tpu.vector_load %arg4[%parallel_loop3A_322] {strides = array<i32>} : memref<32768xf32, #tpu.memory_space<vmem>>, vector<16xf32>,
        %parallel_loop3A_324 = arith.constant 6 : i32
        %parallel_loop3A_325 = vector.broadcast %parallel_loop3A_324 : i32 to vector<16xi32>
        %parallel_loop3A_326 = arith.addi %parallel_loop3A_277, %parallel_loop3A_325 : vector<16xi32>
        tpu.vector_store_idx %arg6[%parallel_loop3A_326], %parallel_loop3A_323 : memref<34816xf32, #tpu.memory_space<vmem>>[vector<16xi32>], vector<16xf32>,
        %parallel_loop3A_327 = arith.constant 14336 : i32
        %parallel_loop3A_328 = arith.addi %parallel_loop3A_327, %parallel_loop3A_276 : i32
        %parallel_loop3A_329 = arith.index_cast %parallel_loop3A_328 : i32 to index
        %parallel_loop3A_330 = tpu.vector_load %arg4[%parallel_loop3A_329] {strides = array<i32>} : memref<32768xf32, #tpu.memory_space<vmem>>, vector<16xf32>,
        %parallel_loop3A_331 = arith.constant 7 : i32
        %parallel_loop3A_332 = vector.broadcast %parallel_loop3A_331 : i32 to vector<16xi32>
        %parallel_loop3A_333 = arith.addi %parallel_loop3A_277, %parallel_loop3A_332 : vector<16xi32>
        tpu.vector_store_idx %arg6[%parallel_loop3A_333], %parallel_loop3A_330 : memref<34816xf32, #tpu.memory_space<vmem>>[vector<16xi32>], vector<16xf32>,
        %parallel_loop3A_334 = arith.constant 16384 : i32
        %parallel_loop3A_335 = arith.addi %parallel_loop3A_334, %parallel_loop3A_276 : i32
        %parallel_loop3A_336 = arith.index_cast %parallel_loop3A_335 : i32 to index
        %parallel_loop3A_337 = tpu.vector_load %arg4[%parallel_loop3A_336] {strides = array<i32>} : memref<32768xf32, #tpu.memory_space<vmem>>, vector<16xf32>,
        %parallel_loop3A_338 = arith.constant 8 : i32
        %parallel_loop3A_339 = vector.broadcast %parallel_loop3A_338 : i32 to vector<16xi32>
        %parallel_loop3A_340 = arith.addi %parallel_loop3A_277, %parallel_loop3A_339 : vector<16xi32>
        tpu.vector_store_idx %arg6[%parallel_loop3A_340], %parallel_loop3A_337 : memref<34816xf32, #tpu.memory_space<vmem>>[vector<16xi32>], vector<16xf32>,
        %parallel_loop3A_341 = arith.constant 18432 : i32
        %parallel_loop3A_342 = arith.addi %parallel_loop3A_341, %parallel_loop3A_276 : i32
        %parallel_loop3A_343 = arith.index_cast %parallel_loop3A_342 : i32 to index
        %parallel_loop3A_344 = tpu.vector_load %arg4[%parallel_loop3A_343] {strides = array<i32>} : memref<32768xf32, #tpu.memory_space<vmem>>, vector<16xf32>,
        %parallel_loop3A_345 = arith.constant 9 : i32
        %parallel_loop3A_346 = vector.broadcast %parallel_loop3A_345 : i32 to vector<16xi32>
        %parallel_loop3A_347 = arith.addi %parallel_loop3A_277, %parallel_loop3A_346 : vector<16xi32>
        tpu.vector_store_idx %arg6[%parallel_loop3A_347], %parallel_loop3A_344 : memref<34816xf32, #tpu.memory_space<vmem>>[vector<16xi32>], vector<16xf32>,
        %parallel_loop3A_348 = arith.constant 20480 : i32
        %parallel_loop3A_349 = arith.addi %parallel_loop3A_348, %parallel_loop3A_276 : i32
        %parallel_loop3A_350 = arith.index_cast %parallel_loop3A_349 : i32 to index
        %parallel_loop3A_351 = tpu.vector_load %arg4[%parallel_loop3A_350] {strides = array<i32>} : memref<32768xf32, #tpu.memory_space<vmem>>, vector<16xf32>,
        %parallel_loop3A_352 = arith.constant 10 : i32
        %parallel_loop3A_353 = vector.broadcast %parallel_loop3A_352 : i32 to vector<16xi32>
        %parallel_loop3A_354 = arith.addi %parallel_loop3A_277, %parallel_loop3A_353 : vector<16xi32>
        tpu.vector_store_idx %arg6[%parallel_loop3A_354], %parallel_loop3A_351 : memref<34816xf32, #tpu.memory_space<vmem>>[vector<16xi32>], vector<16xf32>,
        %parallel_loop3A_355 = arith.constant 22528 : i32
        %parallel_loop3A_356 = arith.addi %parallel_loop3A_355, %parallel_loop3A_276 : i32
        %parallel_loop3A_357 = arith.index_cast %parallel_loop3A_356 : i32 to index
        %parallel_loop3A_358 = tpu.vector_load %arg4[%parallel_loop3A_357] {strides = array<i32>} : memref<32768xf32, #tpu.memory_space<vmem>>, vector<16xf32>,
        %parallel_loop3A_359 = arith.constant 11 : i32
        %parallel_loop3A_360 = vector.broadcast %parallel_loop3A_359 : i32 to vector<16xi32>
        %parallel_loop3A_361 = arith.addi %parallel_loop3A_277, %parallel_loop3A_360 : vector<16xi32>
        tpu.vector_store_idx %arg6[%parallel_loop3A_361], %parallel_loop3A_358 : memref<34816xf32, #tpu.memory_space<vmem>>[vector<16xi32>], vector<16xf32>,
        %parallel_loop3A_362 = arith.constant 24576 : i32
        %parallel_loop3A_363 = arith.addi %parallel_loop3A_362, %parallel_loop3A_276 : i32
        %parallel_loop3A_364 = arith.index_cast %parallel_loop3A_363 : i32 to index
        %parallel_loop3A_365 = tpu.vector_load %arg4[%parallel_loop3A_364] {strides = array<i32>} : memref<32768xf32, #tpu.memory_space<vmem>>, vector<16xf32>,
        %parallel_loop3A_366 = arith.constant 12 : i32
        %parallel_loop3A_367 = vector.broadcast %parallel_loop3A_366 : i32 to vector<16xi32>
        %parallel_loop3A_368 = arith.addi %parallel_loop3A_277, %parallel_loop3A_367 : vector<16xi32>
        tpu.vector_store_idx %arg6[%parallel_loop3A_368], %parallel_loop3A_365 : memref<34816xf32, #tpu.memory_space<vmem>>[vector<16xi32>], vector<16xf32>,
        %parallel_loop3A_369 = arith.constant 26624 : i32
        %parallel_loop3A_370 = arith.addi %parallel_loop3A_369, %parallel_loop3A_276 : i32
        %parallel_loop3A_371 = arith.index_cast %parallel_loop3A_370 : i32 to index
        %parallel_loop3A_372 = tpu.vector_load %arg4[%parallel_loop3A_371] {strides = array<i32>} : memref<32768xf32, #tpu.memory_space<vmem>>, vector<16xf32>,
        %parallel_loop3A_373 = arith.constant 13 : i32
        %parallel_loop3A_374 = vector.broadcast %parallel_loop3A_373 : i32 to vector<16xi32>
        %parallel_loop3A_375 = arith.addi %parallel_loop3A_277, %parallel_loop3A_374 : vector<16xi32>
        tpu.vector_store_idx %arg6[%parallel_loop3A_375], %parallel_loop3A_372 : memref<34816xf32, #tpu.memory_space<vmem>>[vector<16xi32>], vector<16xf32>,
        %parallel_loop3A_376 = arith.constant 28672 : i32
        %parallel_loop3A_377 = arith.addi %parallel_loop3A_376, %parallel_loop3A_276 : i32
        %parallel_loop3A_378 = arith.index_cast %parallel_loop3A_377 : i32 to index
        %parallel_loop3A_379 = tpu.vector_load %arg4[%parallel_loop3A_378] {strides = array<i32>} : memref<32768xf32, #tpu.memory_space<vmem>>, vector<16xf32>,
        %parallel_loop3A_380 = arith.constant 14 : i32
        %parallel_loop3A_381 = vector.broadcast %parallel_loop3A_380 : i32 to vector<16xi32>
        %parallel_loop3A_382 = arith.addi %parallel_loop3A_277, %parallel_loop3A_381 : vector<16xi32>
        tpu.vector_store_idx %arg6[%parallel_loop3A_382], %parallel_loop3A_379 : memref<34816xf32, #tpu.memory_space<vmem>>[vector<16xi32>], vector<16xf32>,
        %parallel_loop3A_383 = arith.constant 30720 : i32
        %parallel_loop3A_384 = arith.addi %parallel_loop3A_383, %parallel_loop3A_276 : i32
        %parallel_loop3A_385 = arith.index_cast %parallel_loop3A_384 : i32 to index
        %parallel_loop3A_386 = tpu.vector_load %arg4[%parallel_loop3A_385] {strides = array<i32>} : memref<32768xf32, #tpu.memory_space<vmem>>, vector<16xf32>,
        %parallel_loop3A_387 = arith.constant 15 : i32
        %parallel_loop3A_388 = vector.broadcast %parallel_loop3A_387 : i32 to vector<16xi32>
        %parallel_loop3A_389 = arith.addi %parallel_loop3A_277, %parallel_loop3A_388 : vector<16xi32>
        tpu.vector_store_idx %arg6[%parallel_loop3A_389], %parallel_loop3A_386 : memref<34816xf32, #tpu.memory_space<vmem>>[vector<16xi32>], vector<16xf32>,
        %parallel_loop3A_390 = arith.constant 272 : i32
        %parallel_loop3A_391 = vector.broadcast %parallel_loop3A_390 : i32 to vector<16xi32>
        %parallel_loop3A_392 = arith.addi %parallel_loop3A_277, %parallel_loop3A_391 : vector<16xi32>
        scf.yield %parallel_loop3A_392 : vector<16xi32>
      } {sc.loop_unroll_factor = 1 : i64, sc.parallel_access}
      %broadcast_in_dim3A_64 = arith.constant -1.000000e+30 : f32
      %broadcast_in_dim3A_65 = vector.broadcast %broadcast_in_dim3A_64 : f32 to vector<16xf32>
      %parallel_loop3A_66 = arith.constant 0 : i32
      %parallel_loop3A_67 = arith.constant 34816 : i32
      %parallel_loop3A_68 = arith.constant 136 : i32
      %parallel_loop3A_69:8 = scf.for %parallel_loop3A_276 = %parallel_loop3A_66 to %parallel_loop3A_67 step %parallel_loop3A_68 iter_args(%parallel_loop3A_277 = %broadcast_in_dim3A_65, %parallel_loop3A_278 = %broadcast_in_dim3A_65, %parallel_loop3A_279 = %broadcast_in_dim3A_65, %parallel_loop3A_280 = %broadcast_in_dim3A_65, %parallel_loop3A_281 = %broadcast_in_dim3A_65, %parallel_loop3A_282 = %broadcast_in_dim3A_65, %parallel_loop3A_283 = %broadcast_in_dim3A_65, %parallel_loop3A_284 = %broadcast_in_dim3A_65) -> (vector<16xf32>, vector<16xf32>, vector<16xf32>, vector<16xf32>, vector<16xf32>, vector<16xf32>, vector<16xf32>, vector<16xf32>)  : i32 {
        %parallel_loop3A_285 = arith.constant 0 : i32
        %parallel_loop3A_286 = arith.addi %parallel_loop3A_276, %parallel_loop3A_285 : i32
        %parallel_loop3A_287 = arith.index_cast %parallel_loop3A_286 : i32 to index
        %parallel_loop3A_288 = tpu.vector_load %arg6[%parallel_loop3A_287] {strides = array<i32>} : memref<34816xf32, #tpu.memory_space<vmem>>, vector<16xf32>,
        %parallel_loop3A_289 = arith.maximumf %parallel_loop3A_277, %parallel_loop3A_288 : vector<16xf32>
        %parallel_loop3A_290 = arith.constant 17 : i32
        %parallel_loop3A_291 = arith.addi %parallel_loop3A_276, %parallel_loop3A_290 : i32
        %parallel_loop3A_292 = arith.index_cast %parallel_loop3A_291 : i32 to index
        %parallel_loop3A_293 = tpu.vector_load %arg6[%parallel_loop3A_292] {strides = array<i32>} : memref<34816xf32, #tpu.memory_space<vmem>>, vector<16xf32>,
        %parallel_loop3A_294 = arith.maximumf %parallel_loop3A_278, %parallel_loop3A_293 : vector<16xf32>
        %parallel_loop3A_295 = arith.constant 34 : i32
        %parallel_loop3A_296 = arith.addi %parallel_loop3A_276, %parallel_loop3A_295 : i32
        %parallel_loop3A_297 = arith.index_cast %parallel_loop3A_296 : i32 to index
        %parallel_loop3A_298 = tpu.vector_load %arg6[%parallel_loop3A_297] {strides = array<i32>} : memref<34816xf32, #tpu.memory_space<vmem>>, vector<16xf32>,
        %parallel_loop3A_299 = arith.maximumf %parallel_loop3A_279, %parallel_loop3A_298 : vector<16xf32>
        %parallel_loop3A_300 = arith.constant 51 : i32
        %parallel_loop3A_301 = arith.addi %parallel_loop3A_276, %parallel_loop3A_300 : i32
        %parallel_loop3A_302 = arith.index_cast %parallel_loop3A_301 : i32 to index
        %parallel_loop3A_303 = tpu.vector_load %arg6[%parallel_loop3A_302] {strides = array<i32>} : memref<34816xf32, #tpu.memory_space<vmem>>, vector<16xf32>,
        %parallel_loop3A_304 = arith.maximumf %parallel_loop3A_280, %parallel_loop3A_303 : vector<16xf32>
        %parallel_loop3A_305 = arith.constant 68 : i32
        %parallel_loop3A_306 = arith.addi %parallel_loop3A_276, %parallel_loop3A_305 : i32
        %parallel_loop3A_307 = arith.index_cast %parallel_loop3A_306 : i32 to index
        %parallel_loop3A_308 = tpu.vector_load %arg6[%parallel_loop3A_307] {strides = array<i32>} : memref<34816xf32, #tpu.memory_space<vmem>>, vector<16xf32>,
        %parallel_loop3A_309 = arith.maximumf %parallel_loop3A_281, %parallel_loop3A_308 : vector<16xf32>
        %parallel_loop3A_310 = arith.constant 85 : i32
        %parallel_loop3A_311 = arith.addi %parallel_loop3A_276, %parallel_loop3A_310 : i32
        %parallel_loop3A_312 = arith.index_cast %parallel_loop3A_311 : i32 to index
        %parallel_loop3A_313 = tpu.vector_load %arg6[%parallel_loop3A_312] {strides = array<i32>} : memref<34816xf32, #tpu.memory_space<vmem>>, vector<16xf32>,
        %parallel_loop3A_314 = arith.maximumf %parallel_loop3A_282, %parallel_loop3A_313 : vector<16xf32>
        %parallel_loop3A_315 = arith.constant 102 : i32
        %parallel_loop3A_316 = arith.addi %parallel_loop3A_276, %parallel_loop3A_315 : i32
        %parallel_loop3A_317 = arith.index_cast %parallel_loop3A_316 : i32 to index
        %parallel_loop3A_318 = tpu.vector_load %arg6[%parallel_loop3A_317] {strides = array<i32>} : memref<34816xf32, #tpu.memory_space<vmem>>, vector<16xf32>,
        %parallel_loop3A_319 = arith.maximumf %parallel_loop3A_283, %parallel_loop3A_318 : vector<16xf32>
        %parallel_loop3A_320 = arith.constant 119 : i32
        %parallel_loop3A_321 = arith.addi %parallel_loop3A_276, %parallel_loop3A_320 : i32
        %parallel_loop3A_322 = arith.index_cast %parallel_loop3A_321 : i32 to index
        %parallel_loop3A_323 = tpu.vector_load %arg6[%parallel_loop3A_322] {strides = array<i32>} : memref<34816xf32, #tpu.memory_space<vmem>>, vector<16xf32>,
        %parallel_loop3A_324 = arith.maximumf %parallel_loop3A_284, %parallel_loop3A_323 : vector<16xf32>
        scf.yield %parallel_loop3A_289, %parallel_loop3A_294, %parallel_loop3A_299, %parallel_loop3A_304, %parallel_loop3A_309, %parallel_loop3A_314, %parallel_loop3A_319, %parallel_loop3A_324 : vector<16xf32>, vector<16xf32>, vector<16xf32>, vector<16xf32>, vector<16xf32>, vector<16xf32>, vector<16xf32>, vector<16xf32>
      } {sc.loop_unroll_factor = 1 : i64, sc.parallel_access}
      %max3A = arith.maximumf %parallel_loop3A_69#0, %parallel_loop3A_69#1 : vector<16xf32>
      %max3A_70 = arith.maximumf %max3A, %parallel_loop3A_69#2 : vector<16xf32>
      %max3A_71 = arith.maximumf %max3A_70, %parallel_loop3A_69#3 : vector<16xf32>
      %max3A_72 = arith.maximumf %max3A_71, %parallel_loop3A_69#4 : vector<16xf32>
      %max3A_73 = arith.maximumf %max3A_72, %parallel_loop3A_69#5 : vector<16xf32>
      %max3A_74 = arith.maximumf %max3A_73, %parallel_loop3A_69#6 : vector<16xf32>
      %max3A_75 = arith.maximumf %max3A_74, %parallel_loop3A_69#7 : vector<16xf32>
      %parallel_loop3A_76 = arith.constant 0 : i32
      %parallel_loop3A_77 = arith.constant 264 : i32
      %parallel_loop3A_78 = arith.constant 8 : i32
      scf.for %parallel_loop3A_276 = %parallel_loop3A_76 to %parallel_loop3A_77 step %parallel_loop3A_78  : i32 {
        %parallel_loop3A_277 = arith.constant 0 : i32
        %parallel_loop3A_278 = arith.addi %parallel_loop3A_276, %parallel_loop3A_277 : i32
        %parallel_loop3A_279 = arith.constant 16 : i32
        %parallel_loop3A_280 = arith.muli %parallel_loop3A_278, %parallel_loop3A_279 : i32
        %parallel_loop3A_281 = arith.index_cast %parallel_loop3A_280 : i32 to index
        %parallel_loop3A_282 = tpu.vector_load %arg7[%parallel_loop3A_281] {strides = array<i32>} : memref<4224xf32, #tpu.memory_space<vmem>>, vector<16xf32>,
        tpu.vector_store %arg7[%parallel_loop3A_281], %broadcast_in_dim3A_10 {strides = array<i32>} : memref<4224xf32, #tpu.memory_space<vmem>>, vector<16xf32>,
        %parallel_loop3A_283 = arith.constant 0 : i32
        %parallel_loop3A_284 = arith.addi %parallel_loop3A_276, %parallel_loop3A_283 : i32
        %parallel_loop3A_285 = arith.constant 16 : i32
        %parallel_loop3A_286 = arith.muli %parallel_loop3A_284, %parallel_loop3A_285 : i32
        %parallel_loop3A_287 = arith.index_cast %parallel_loop3A_286 : i32 to index
        %parallel_loop3A_288 = tpu.vector_load %arg8[%parallel_loop3A_287] {strides = array<i32>} : memref<4224xf32, #tpu.memory_space<vmem>>, vector<16xf32>,
        tpu.vector_store %arg8[%parallel_loop3A_287], %broadcast_in_dim3A_10 {strides = array<i32>} : memref<4224xf32, #tpu.memory_space<vmem>>, vector<16xf32>,
        %parallel_loop3A_289 = arith.constant 1 : i32
        %parallel_loop3A_290 = arith.addi %parallel_loop3A_276, %parallel_loop3A_289 : i32
        %parallel_loop3A_291 = arith.constant 16 : i32
        %parallel_loop3A_292 = arith.muli %parallel_loop3A_290, %parallel_loop3A_291 : i32
        %parallel_loop3A_293 = arith.index_cast %parallel_loop3A_292 : i32 to index
        %parallel_loop3A_294 = tpu.vector_load %arg7[%parallel_loop3A_293] {strides = array<i32>} : memref<4224xf32, #tpu.memory_space<vmem>>, vector<16xf32>,
        tpu.vector_store %arg7[%parallel_loop3A_293], %broadcast_in_dim3A_10 {strides = array<i32>} : memref<4224xf32, #tpu.memory_space<vmem>>, vector<16xf32>,
        %parallel_loop3A_295 = arith.constant 1 : i32
        %parallel_loop3A_296 = arith.addi %parallel_loop3A_276, %parallel_loop3A_295 : i32
        %parallel_loop3A_297 = arith.constant 16 : i32
        %parallel_loop3A_298 = arith.muli %parallel_loop3A_296, %parallel_loop3A_297 : i32
        %parallel_loop3A_299 = arith.index_cast %parallel_loop3A_298 : i32 to index
        %parallel_loop3A_300 = tpu.vector_load %arg8[%parallel_loop3A_299] {strides = array<i32>} : memref<4224xf32, #tpu.memory_space<vmem>>, vector<16xf32>,
        tpu.vector_store %arg8[%parallel_loop3A_299], %broadcast_in_dim3A_10 {strides = array<i32>} : memref<4224xf32, #tpu.memory_space<vmem>>, vector<16xf32>,
        %parallel_loop3A_301 = arith.constant 2 : i32
        %parallel_loop3A_302 = arith.addi %parallel_loop3A_276, %parallel_loop3A_301 : i32
        %parallel_loop3A_303 = arith.constant 16 : i32
        %parallel_loop3A_304 = arith.muli %parallel_loop3A_302, %parallel_loop3A_303 : i32
        %parallel_loop3A_305 = arith.index_cast %parallel_loop3A_304 : i32 to index
        %parallel_loop3A_306 = tpu.vector_load %arg7[%parallel_loop3A_305] {strides = array<i32>} : memref<4224xf32, #tpu.memory_space<vmem>>, vector<16xf32>,
        tpu.vector_store %arg7[%parallel_loop3A_305], %broadcast_in_dim3A_10 {strides = array<i32>} : memref<4224xf32, #tpu.memory_space<vmem>>, vector<16xf32>,
        %parallel_loop3A_307 = arith.constant 2 : i32
        %parallel_loop3A_308 = arith.addi %parallel_loop3A_276, %parallel_loop3A_307 : i32
        %parallel_loop3A_309 = arith.constant 16 : i32
        %parallel_loop3A_310 = arith.muli %parallel_loop3A_308, %parallel_loop3A_309 : i32
        %parallel_loop3A_311 = arith.index_cast %parallel_loop3A_310 : i32 to index
        %parallel_loop3A_312 = tpu.vector_load %arg8[%parallel_loop3A_311] {strides = array<i32>} : memref<4224xf32, #tpu.memory_space<vmem>>, vector<16xf32>,
        tpu.vector_store %arg8[%parallel_loop3A_311], %broadcast_in_dim3A_10 {strides = array<i32>} : memref<4224xf32, #tpu.memory_space<vmem>>, vector<16xf32>,
        %parallel_loop3A_313 = arith.constant 3 : i32
        %parallel_loop3A_314 = arith.addi %parallel_loop3A_276, %parallel_loop3A_313 : i32
        %parallel_loop3A_315 = arith.constant 16 : i32
        %parallel_loop3A_316 = arith.muli %parallel_loop3A_314, %parallel_loop3A_315 : i32
        %parallel_loop3A_317 = arith.index_cast %parallel_loop3A_316 : i32 to index
        %parallel_loop3A_318 = tpu.vector_load %arg7[%parallel_loop3A_317] {strides = array<i32>} : memref<4224xf32, #tpu.memory_space<vmem>>, vector<16xf32>,
        tpu.vector_store %arg7[%parallel_loop3A_317], %broadcast_in_dim3A_10 {strides = array<i32>} : memref<4224xf32, #tpu.memory_space<vmem>>, vector<16xf32>,
        %parallel_loop3A_319 = arith.constant 3 : i32
        %parallel_loop3A_320 = arith.addi %parallel_loop3A_276, %parallel_loop3A_319 : i32
        %parallel_loop3A_321 = arith.constant 16 : i32
        %parallel_loop3A_322 = arith.muli %parallel_loop3A_320, %parallel_loop3A_321 : i32
        %parallel_loop3A_323 = arith.index_cast %parallel_loop3A_322 : i32 to index
        %parallel_loop3A_324 = tpu.vector_load %arg8[%parallel_loop3A_323] {strides = array<i32>} : memref<4224xf32, #tpu.memory_space<vmem>>, vector<16xf32>,
        tpu.vector_store %arg8[%parallel_loop3A_323], %broadcast_in_dim3A_10 {strides = array<i32>} : memref<4224xf32, #tpu.memory_space<vmem>>, vector<16xf32>,
        %parallel_loop3A_325 = arith.constant 4 : i32
        %parallel_loop3A_326 = arith.addi %parallel_loop3A_276, %parallel_loop3A_325 : i32
        %parallel_loop3A_327 = arith.constant 16 : i32
        %parallel_loop3A_328 = arith.muli %parallel_loop3A_326, %parallel_loop3A_327 : i32
        %parallel_loop3A_329 = arith.index_cast %parallel_loop3A_328 : i32 to index
        %parallel_loop3A_330 = tpu.vector_load %arg7[%parallel_loop3A_329] {strides = array<i32>} : memref<4224xf32, #tpu.memory_space<vmem>>, vector<16xf32>,
        tpu.vector_store %arg7[%parallel_loop3A_329], %broadcast_in_dim3A_10 {strides = array<i32>} : memref<4224xf32, #tpu.memory_space<vmem>>, vector<16xf32>,
        %parallel_loop3A_331 = arith.constant 4 : i32
        %parallel_loop3A_332 = arith.addi %parallel_loop3A_276, %parallel_loop3A_331 : i32
        %parallel_loop3A_333 = arith.constant 16 : i32
        %parallel_loop3A_334 = arith.muli %parallel_loop3A_332, %parallel_loop3A_333 : i32
        %parallel_loop3A_335 = arith.index_cast %parallel_loop3A_334 : i32 to index
        %parallel_loop3A_336 = tpu.vector_load %arg8[%parallel_loop3A_335] {strides = array<i32>} : memref<4224xf32, #tpu.memory_space<vmem>>, vector<16xf32>,
        tpu.vector_store %arg8[%parallel_loop3A_335], %broadcast_in_dim3A_10 {strides = array<i32>} : memref<4224xf32, #tpu.memory_space<vmem>>, vector<16xf32>,
        %parallel_loop3A_337 = arith.constant 5 : i32
        %parallel_loop3A_338 = arith.addi %parallel_loop3A_276, %parallel_loop3A_337 : i32
        %parallel_loop3A_339 = arith.constant 16 : i32
        %parallel_loop3A_340 = arith.muli %parallel_loop3A_338, %parallel_loop3A_339 : i32
        %parallel_loop3A_341 = arith.index_cast %parallel_loop3A_340 : i32 to index
        %parallel_loop3A_342 = tpu.vector_load %arg7[%parallel_loop3A_341] {strides = array<i32>} : memref<4224xf32, #tpu.memory_space<vmem>>, vector<16xf32>,
        tpu.vector_store %arg7[%parallel_loop3A_341], %broadcast_in_dim3A_10 {strides = array<i32>} : memref<4224xf32, #tpu.memory_space<vmem>>, vector<16xf32>,
        %parallel_loop3A_343 = arith.constant 5 : i32
        %parallel_loop3A_344 = arith.addi %parallel_loop3A_276, %parallel_loop3A_343 : i32
        %parallel_loop3A_345 = arith.constant 16 : i32
        %parallel_loop3A_346 = arith.muli %parallel_loop3A_344, %parallel_loop3A_345 : i32
        %parallel_loop3A_347 = arith.index_cast %parallel_loop3A_346 : i32 to index
        %parallel_loop3A_348 = tpu.vector_load %arg8[%parallel_loop3A_347] {strides = array<i32>} : memref<4224xf32, #tpu.memory_space<vmem>>, vector<16xf32>,
        tpu.vector_store %arg8[%parallel_loop3A_347], %broadcast_in_dim3A_10 {strides = array<i32>} : memref<4224xf32, #tpu.memory_space<vmem>>, vector<16xf32>,
        %parallel_loop3A_349 = arith.constant 6 : i32
        %parallel_loop3A_350 = arith.addi %parallel_loop3A_276, %parallel_loop3A_349 : i32
        %parallel_loop3A_351 = arith.constant 16 : i32
        %parallel_loop3A_352 = arith.muli %parallel_loop3A_350, %parallel_loop3A_351 : i32
        %parallel_loop3A_353 = arith.index_cast %parallel_loop3A_352 : i32 to index
        %parallel_loop3A_354 = tpu.vector_load %arg7[%parallel_loop3A_353] {strides = array<i32>} : memref<4224xf32, #tpu.memory_space<vmem>>, vector<16xf32>,
        tpu.vector_store %arg7[%parallel_loop3A_353], %broadcast_in_dim3A_10 {strides = array<i32>} : memref<4224xf32, #tpu.memory_space<vmem>>, vector<16xf32>,
        %parallel_loop3A_355 = arith.constant 6 : i32
        %parallel_loop3A_356 = arith.addi %parallel_loop3A_276, %parallel_loop3A_355 : i32
        %parallel_loop3A_357 = arith.constant 16 : i32
        %parallel_loop3A_358 = arith.muli %parallel_loop3A_356, %parallel_loop3A_357 : i32
        %parallel_loop3A_359 = arith.index_cast %parallel_loop3A_358 : i32 to index
        %parallel_loop3A_360 = tpu.vector_load %arg8[%parallel_loop3A_359] {strides = array<i32>} : memref<4224xf32, #tpu.memory_space<vmem>>, vector<16xf32>,
        tpu.vector_store %arg8[%parallel_loop3A_359], %broadcast_in_dim3A_10 {strides = array<i32>} : memref<4224xf32, #tpu.memory_space<vmem>>, vector<16xf32>,
        %parallel_loop3A_361 = arith.constant 7 : i32
        %parallel_loop3A_362 = arith.addi %parallel_loop3A_276, %parallel_loop3A_361 : i32
        %parallel_loop3A_363 = arith.constant 16 : i32
        %parallel_loop3A_364 = arith.muli %parallel_loop3A_362, %parallel_loop3A_363 : i32
        %parallel_loop3A_365 = arith.index_cast %parallel_loop3A_364 : i32 to index
        %parallel_loop3A_366 = tpu.vector_load %arg7[%parallel_loop3A_365] {strides = array<i32>} : memref<4224xf32, #tpu.memory_space<vmem>>, vector<16xf32>,
        tpu.vector_store %arg7[%parallel_loop3A_365], %broadcast_in_dim3A_10 {strides = array<i32>} : memref<4224xf32, #tpu.memory_space<vmem>>, vector<16xf32>,
        %parallel_loop3A_367 = arith.constant 7 : i32
        %parallel_loop3A_368 = arith.addi %parallel_loop3A_276, %parallel_loop3A_367 : i32
        %parallel_loop3A_369 = arith.constant 16 : i32
        %parallel_loop3A_370 = arith.muli %parallel_loop3A_368, %parallel_loop3A_369 : i32
        %parallel_loop3A_371 = arith.index_cast %parallel_loop3A_370 : i32 to index
        %parallel_loop3A_372 = tpu.vector_load %arg8[%parallel_loop3A_371] {strides = array<i32>} : memref<4224xf32, #tpu.memory_space<vmem>>, vector<16xf32>,
        tpu.vector_store %arg8[%parallel_loop3A_371], %broadcast_in_dim3A_10 {strides = array<i32>} : memref<4224xf32, #tpu.memory_space<vmem>>, vector<16xf32>,
      } {sc.loop_unroll_factor = 1 : i64, sc.parallel_access}
      %parallel_loop3A_79 = arith.constant 0 : i32
      %parallel_loop3A_80 = arith.constant 34816 : i32
      %parallel_loop3A_81 = arith.constant 136 : i32
      scf.for %parallel_loop3A_276 = %parallel_loop3A_79 to %parallel_loop3A_80 step %parallel_loop3A_81  : i32 {
        %parallel_loop3A_277 = arith.constant 0 : i32
        %parallel_loop3A_278 = arith.addi %parallel_loop3A_276, %parallel_loop3A_277 : i32
        %parallel_loop3A_279 = arith.index_cast %parallel_loop3A_278 : i32 to index
        %parallel_loop3A_280 = tpu.vector_load %arg6[%parallel_loop3A_279] {strides = array<i32>} : memref<34816xf32, #tpu.memory_space<vmem>>, vector<16xf32>,
        %parallel_loop3A_281 = arith.subf %max3A_75, %parallel_loop3A_280 : vector<16xf32>
        %parallel_loop3A_282 = arith.constant 2.560000e+02 : f32
        %parallel_loop3A_283 = vector.broadcast %parallel_loop3A_282 : f32 to vector<16xf32>
        %parallel_loop3A_284 = arith.mulf %parallel_loop3A_281, %parallel_loop3A_283 : vector<16xf32>
        %parallel_loop3A_285 = arith.constant 2.560000e+02 : f32
        %parallel_loop3A_286 = vector.broadcast %parallel_loop3A_285 : f32 to vector<16xf32>
        %parallel_loop3A_287 = arith.cmpf olt, %parallel_loop3A_284, %parallel_loop3A_286 : vector<16xf32>
        %parallel_loop3A_288 = arith.fptosi %parallel_loop3A_284 : vector<16xf32> to vector<16xi32>
        %parallel_loop3A_289 = arith.addi %mul3A_7, %parallel_loop3A_288 : vector<16xi32>
        tpu.vector_store_idx %arg7[%parallel_loop3A_289], %broadcast_in_dim3A_8 masked %parallel_loop3A_287 {add = true} : memref<4224xf32, #tpu.memory_space<vmem>>[vector<16xi32>], vector<16xf32>, vector<16xi1>
        tpu.vector_store_idx %arg8[%parallel_loop3A_289], %parallel_loop3A_280 masked %parallel_loop3A_287 {add = true} : memref<4224xf32, #tpu.memory_space<vmem>>[vector<16xi32>], vector<16xf32>, vector<16xi1>
        %parallel_loop3A_290 = arith.constant 17 : i32
        %parallel_loop3A_291 = arith.addi %parallel_loop3A_276, %parallel_loop3A_290 : i32
        %parallel_loop3A_292 = arith.index_cast %parallel_loop3A_291 : i32 to index
        %parallel_loop3A_293 = tpu.vector_load %arg6[%parallel_loop3A_292] {strides = array<i32>} : memref<34816xf32, #tpu.memory_space<vmem>>, vector<16xf32>,
        %parallel_loop3A_294 = arith.subf %max3A_75, %parallel_loop3A_293 : vector<16xf32>
        %parallel_loop3A_295 = arith.constant 2.560000e+02 : f32
        %parallel_loop3A_296 = vector.broadcast %parallel_loop3A_295 : f32 to vector<16xf32>
        %parallel_loop3A_297 = arith.mulf %parallel_loop3A_294, %parallel_loop3A_296 : vector<16xf32>
        %parallel_loop3A_298 = arith.constant 2.560000e+02 : f32
        %parallel_loop3A_299 = vector.broadcast %parallel_loop3A_298 : f32 to vector<16xf32>
        %parallel_loop3A_300 = arith.cmpf olt, %parallel_loop3A_297, %parallel_loop3A_299 : vector<16xf32>
        %parallel_loop3A_301 = arith.fptosi %parallel_loop3A_297 : vector<16xf32> to vector<16xi32>
        %parallel_loop3A_302 = arith.addi %mul3A_7, %parallel_loop3A_301 : vector<16xi32>
        tpu.vector_store_idx %arg7[%parallel_loop3A_302], %broadcast_in_dim3A_8 masked %parallel_loop3A_300 {add = true} : memref<4224xf32, #tpu.memory_space<vmem>>[vector<16xi32>], vector<16xf32>, vector<16xi1>
        tpu.vector_store_idx %arg8[%parallel_loop3A_302], %parallel_loop3A_293 masked %parallel_loop3A_300 {add = true} : memref<4224xf32, #tpu.memory_space<vmem>>[vector<16xi32>], vector<16xf32>, vector<16xi1>
        %parallel_loop3A_303 = arith.constant 34 : i32
        %parallel_loop3A_304 = arith.addi %parallel_loop3A_276, %parallel_loop3A_303 : i32
        %parallel_loop3A_305 = arith.index_cast %parallel_loop3A_304 : i32 to index
        %parallel_loop3A_306 = tpu.vector_load %arg6[%parallel_loop3A_305] {strides = array<i32>} : memref<34816xf32, #tpu.memory_space<vmem>>, vector<16xf32>,
        %parallel_loop3A_307 = arith.subf %max3A_75, %parallel_loop3A_306 : vector<16xf32>
        %parallel_loop3A_308 = arith.constant 2.560000e+02 : f32
        %parallel_loop3A_309 = vector.broadcast %parallel_loop3A_308 : f32 to vector<16xf32>
        %parallel_loop3A_310 = arith.mulf %parallel_loop3A_307, %parallel_loop3A_309 : vector<16xf32>
        %parallel_loop3A_311 = arith.constant 2.560000e+02 : f32
        %parallel_loop3A_312 = vector.broadcast %parallel_loop3A_311 : f32 to vector<16xf32>
        %parallel_loop3A_313 = arith.cmpf olt, %parallel_loop3A_310, %parallel_loop3A_312 : vector<16xf32>
        %parallel_loop3A_314 = arith.fptosi %parallel_loop3A_310 : vector<16xf32> to vector<16xi32>
        %parallel_loop3A_315 = arith.addi %mul3A_7, %parallel_loop3A_314 : vector<16xi32>
        tpu.vector_store_idx %arg7[%parallel_loop3A_315], %broadcast_in_dim3A_8 masked %parallel_loop3A_313 {add = true} : memref<4224xf32, #tpu.memory_space<vmem>>[vector<16xi32>], vector<16xf32>, vector<16xi1>
        tpu.vector_store_idx %arg8[%parallel_loop3A_315], %parallel_loop3A_306 masked %parallel_loop3A_313 {add = true} : memref<4224xf32, #tpu.memory_space<vmem>>[vector<16xi32>], vector<16xf32>, vector<16xi1>
        %parallel_loop3A_316 = arith.constant 51 : i32
        %parallel_loop3A_317 = arith.addi %parallel_loop3A_276, %parallel_loop3A_316 : i32
        %parallel_loop3A_318 = arith.index_cast %parallel_loop3A_317 : i32 to index
        %parallel_loop3A_319 = tpu.vector_load %arg6[%parallel_loop3A_318] {strides = array<i32>} : memref<34816xf32, #tpu.memory_space<vmem>>, vector<16xf32>,
        %parallel_loop3A_320 = arith.subf %max3A_75, %parallel_loop3A_319 : vector<16xf32>
        %parallel_loop3A_321 = arith.constant 2.560000e+02 : f32
        %parallel_loop3A_322 = vector.broadcast %parallel_loop3A_321 : f32 to vector<16xf32>
        %parallel_loop3A_323 = arith.mulf %parallel_loop3A_320, %parallel_loop3A_322 : vector<16xf32>
        %parallel_loop3A_324 = arith.constant 2.560000e+02 : f32
        %parallel_loop3A_325 = vector.broadcast %parallel_loop3A_324 : f32 to vector<16xf32>
        %parallel_loop3A_326 = arith.cmpf olt, %parallel_loop3A_323, %parallel_loop3A_325 : vector<16xf32>
        %parallel_loop3A_327 = arith.fptosi %parallel_loop3A_323 : vector<16xf32> to vector<16xi32>
        %parallel_loop3A_328 = arith.addi %mul3A_7, %parallel_loop3A_327 : vector<16xi32>
        tpu.vector_store_idx %arg7[%parallel_loop3A_328], %broadcast_in_dim3A_8 masked %parallel_loop3A_326 {add = true} : memref<4224xf32, #tpu.memory_space<vmem>>[vector<16xi32>], vector<16xf32>, vector<16xi1>
        tpu.vector_store_idx %arg8[%parallel_loop3A_328], %parallel_loop3A_319 masked %parallel_loop3A_326 {add = true} : memref<4224xf32, #tpu.memory_space<vmem>>[vector<16xi32>], vector<16xf32>, vector<16xi1>
        %parallel_loop3A_329 = arith.constant 68 : i32
        %parallel_loop3A_330 = arith.addi %parallel_loop3A_276, %parallel_loop3A_329 : i32
        %parallel_loop3A_331 = arith.index_cast %parallel_loop3A_330 : i32 to index
        %parallel_loop3A_332 = tpu.vector_load %arg6[%parallel_loop3A_331] {strides = array<i32>} : memref<34816xf32, #tpu.memory_space<vmem>>, vector<16xf32>,
        %parallel_loop3A_333 = arith.subf %max3A_75, %parallel_loop3A_332 : vector<16xf32>
        %parallel_loop3A_334 = arith.constant 2.560000e+02 : f32
        %parallel_loop3A_335 = vector.broadcast %parallel_loop3A_334 : f32 to vector<16xf32>
        %parallel_loop3A_336 = arith.mulf %parallel_loop3A_333, %parallel_loop3A_335 : vector<16xf32>
        %parallel_loop3A_337 = arith.constant 2.560000e+02 : f32
        %parallel_loop3A_338 = vector.broadcast %parallel_loop3A_337 : f32 to vector<16xf32>
        %parallel_loop3A_339 = arith.cmpf olt, %parallel_loop3A_336, %parallel_loop3A_338 : vector<16xf32>
        %parallel_loop3A_340 = arith.fptosi %parallel_loop3A_336 : vector<16xf32> to vector<16xi32>
        %parallel_loop3A_341 = arith.addi %mul3A_7, %parallel_loop3A_340 : vector<16xi32>
        tpu.vector_store_idx %arg7[%parallel_loop3A_341], %broadcast_in_dim3A_8 masked %parallel_loop3A_339 {add = true} : memref<4224xf32, #tpu.memory_space<vmem>>[vector<16xi32>], vector<16xf32>, vector<16xi1>
        tpu.vector_store_idx %arg8[%parallel_loop3A_341], %parallel_loop3A_332 masked %parallel_loop3A_339 {add = true} : memref<4224xf32, #tpu.memory_space<vmem>>[vector<16xi32>], vector<16xf32>, vector<16xi1>
        %parallel_loop3A_342 = arith.constant 85 : i32
        %parallel_loop3A_343 = arith.addi %parallel_loop3A_276, %parallel_loop3A_342 : i32
        %parallel_loop3A_344 = arith.index_cast %parallel_loop3A_343 : i32 to index
        %parallel_loop3A_345 = tpu.vector_load %arg6[%parallel_loop3A_344] {strides = array<i32>} : memref<34816xf32, #tpu.memory_space<vmem>>, vector<16xf32>,
        %parallel_loop3A_346 = arith.subf %max3A_75, %parallel_loop3A_345 : vector<16xf32>
        %parallel_loop3A_347 = arith.constant 2.560000e+02 : f32
        %parallel_loop3A_348 = vector.broadcast %parallel_loop3A_347 : f32 to vector<16xf32>
        %parallel_loop3A_349 = arith.mulf %parallel_loop3A_346, %parallel_loop3A_348 : vector<16xf32>
        %parallel_loop3A_350 = arith.constant 2.560000e+02 : f32
        %parallel_loop3A_351 = vector.broadcast %parallel_loop3A_350 : f32 to vector<16xf32>
        %parallel_loop3A_352 = arith.cmpf olt, %parallel_loop3A_349, %parallel_loop3A_351 : vector<16xf32>
        %parallel_loop3A_353 = arith.fptosi %parallel_loop3A_349 : vector<16xf32> to vector<16xi32>
        %parallel_loop3A_354 = arith.addi %mul3A_7, %parallel_loop3A_353 : vector<16xi32>
        tpu.vector_store_idx %arg7[%parallel_loop3A_354], %broadcast_in_dim3A_8 masked %parallel_loop3A_352 {add = true} : memref<4224xf32, #tpu.memory_space<vmem>>[vector<16xi32>], vector<16xf32>, vector<16xi1>
        tpu.vector_store_idx %arg8[%parallel_loop3A_354], %parallel_loop3A_345 masked %parallel_loop3A_352 {add = true} : memref<4224xf32, #tpu.memory_space<vmem>>[vector<16xi32>], vector<16xf32>, vector<16xi1>
        %parallel_loop3A_355 = arith.constant 102 : i32
        %parallel_loop3A_356 = arith.addi %parallel_loop3A_276, %parallel_loop3A_355 : i32
        %parallel_loop3A_357 = arith.index_cast %parallel_loop3A_356 : i32 to index
        %parallel_loop3A_358 = tpu.vector_load %arg6[%parallel_loop3A_357] {strides = array<i32>} : memref<34816xf32, #tpu.memory_space<vmem>>, vector<16xf32>,
        %parallel_loop3A_359 = arith.subf %max3A_75, %parallel_loop3A_358 : vector<16xf32>
        %parallel_loop3A_360 = arith.constant 2.560000e+02 : f32
        %parallel_loop3A_361 = vector.broadcast %parallel_loop3A_360 : f32 to vector<16xf32>
        %parallel_loop3A_362 = arith.mulf %parallel_loop3A_359, %parallel_loop3A_361 : vector<16xf32>
        %parallel_loop3A_363 = arith.constant 2.560000e+02 : f32
        %parallel_loop3A_364 = vector.broadcast %parallel_loop3A_363 : f32 to vector<16xf32>
        %parallel_loop3A_365 = arith.cmpf olt, %parallel_loop3A_362, %parallel_loop3A_364 : vector<16xf32>
        %parallel_loop3A_366 = arith.fptosi %parallel_loop3A_362 : vector<16xf32> to vector<16xi32>
        %parallel_loop3A_367 = arith.addi %mul3A_7, %parallel_loop3A_366 : vector<16xi32>
        tpu.vector_store_idx %arg7[%parallel_loop3A_367], %broadcast_in_dim3A_8 masked %parallel_loop3A_365 {add = true} : memref<4224xf32, #tpu.memory_space<vmem>>[vector<16xi32>], vector<16xf32>, vector<16xi1>
        tpu.vector_store_idx %arg8[%parallel_loop3A_367], %parallel_loop3A_358 masked %parallel_loop3A_365 {add = true} : memref<4224xf32, #tpu.memory_space<vmem>>[vector<16xi32>], vector<16xf32>, vector<16xi1>
        %parallel_loop3A_368 = arith.constant 119 : i32
        %parallel_loop3A_369 = arith.addi %parallel_loop3A_276, %parallel_loop3A_368 : i32
        %parallel_loop3A_370 = arith.index_cast %parallel_loop3A_369 : i32 to index
        %parallel_loop3A_371 = tpu.vector_load %arg6[%parallel_loop3A_370] {strides = array<i32>} : memref<34816xf32, #tpu.memory_space<vmem>>, vector<16xf32>,
        %parallel_loop3A_372 = arith.subf %max3A_75, %parallel_loop3A_371 : vector<16xf32>
        %parallel_loop3A_373 = arith.constant 2.560000e+02 : f32
        %parallel_loop3A_374 = vector.broadcast %parallel_loop3A_373 : f32 to vector<16xf32>
        %parallel_loop3A_375 = arith.mulf %parallel_loop3A_372, %parallel_loop3A_374 : vector<16xf32>
        %parallel_loop3A_376 = arith.constant 2.560000e+02 : f32
        %parallel_loop3A_377 = vector.broadcast %parallel_loop3A_376 : f32 to vector<16xf32>
        %parallel_loop3A_378 = arith.cmpf olt, %parallel_loop3A_375, %parallel_loop3A_377 : vector<16xf32>
        %parallel_loop3A_379 = arith.fptosi %parallel_loop3A_375 : vector<16xf32> to vector<16xi32>
        %parallel_loop3A_380 = arith.addi %mul3A_7, %parallel_loop3A_379 : vector<16xi32>
        tpu.vector_store_idx %arg7[%parallel_loop3A_380], %broadcast_in_dim3A_8 masked %parallel_loop3A_378 {add = true} : memref<4224xf32, #tpu.memory_space<vmem>>[vector<16xi32>], vector<16xf32>, vector<16xi1>
        tpu.vector_store_idx %arg8[%parallel_loop3A_380], %parallel_loop3A_371 masked %parallel_loop3A_378 {add = true} : memref<4224xf32, #tpu.memory_space<vmem>>[vector<16xi32>], vector<16xf32>, vector<16xi1>
      } {sc.loop_unroll_factor = 1 : i64, sc.parallel_access}
      %sub3A = arith.constant 3.906250e-03 : f32
      %sub3A_82 = vector.broadcast %sub3A : f32 to vector<16xf32>
      %sub3A_83 = arith.subf %max3A_75, %sub3A_82 : vector<16xf32>
      %broadcast_in_dim3A_84 = arith.constant false
      %broadcast_in_dim3A_85 = vector.broadcast %broadcast_in_dim3A_84 : i1 to vector<16xi1>
      %scan3A_86 = arith.constant 0 : i32
      %scan3A_87 = arith.constant 64 : i32
      %scan3A_88 = arith.addi %scan3A_86, %scan3A_87 : i32
      %scan3A_89 = arith.constant 1 : i32
      %scan3A_90:7 = scf.for %scan3A_276 = %scan3A_86 to %scan3A_88 step %scan3A_89 iter_args(%scan3A_277 = %mul3A_7, %scan3A_278 = %sub3A_83, %scan3A_279 = %broadcast_in_dim3A_10, %scan3A_280 = %broadcast_in_dim3A_10, %scan3A_281 = %broadcast_in_dim3A_8, %scan3A_282 = %max3A_75, %scan3A_283 = %broadcast_in_dim3A_85) -> (vector<16xi32>, vector<16xf32>, vector<16xf32>, vector<16xf32>, vector<16xf32>, vector<16xf32>, vector<16xi1>)  : i32 {
        %gather3A = tpu.vector_load_idx %arg7[%scan3A_277] : memref<4224xf32, #tpu.memory_space<vmem>>[vector<16xi32>], vector<16xf32>,
        %add3A_284 = arith.addf %scan3A_279, %gather3A : vector<16xf32>
        %gather3A_285 = tpu.vector_load_idx %arg8[%scan3A_277] : memref<4224xf32, #tpu.memory_space<vmem>>[vector<16xi32>], vector<16xf32>,
        %add3A_286 = arith.addf %scan3A_280, %gather3A_285 : vector<16xf32>
        %mul3A_287 = arith.mulf %scan3A_278, %add3A_284 : vector<16xf32>
        %sub3A_288 = arith.subf %add3A_286, %mul3A_287 : vector<16xf32>
        %ge3A = arith.constant 1.000000e+00 : f32
        %ge3A_289 = vector.broadcast %ge3A : f32 to vector<16xf32>
        %ge3A_290 = arith.cmpf oge, %sub3A_288, %ge3A_289 : vector<16xf32>
        %not3A = arith.constant dense<true> : vector<16xi1>
        %not3A_291 = arith.xori %scan3A_283, %not3A : vector<16xi1>
        %and3A = arith.andi %ge3A_290, %not3A_291 : vector<16xi1>
        %select_n3A = arith.select %and3A, %add3A_284, %scan3A_281 : vector<16xi1>, vector<16xf32>
        %select_n3A_292 = arith.select %and3A, %add3A_286, %scan3A_282 : vector<16xi1>, vector<16xf32>
        %or3A = arith.ori %scan3A_283, %and3A : vector<16xi1>
        %add3A_293 = arith.constant 1 : i32
        %add3A_294 = vector.broadcast %add3A_293 : i32 to vector<16xi32>
        %add3A_295 = arith.addi %scan3A_277, %add3A_294 : vector<16xi32>
        %sub3A_296 = arith.constant 3.906250e-03 : f32
        %sub3A_297 = vector.broadcast %sub3A_296 : f32 to vector<16xf32>
        %sub3A_298 = arith.subf %scan3A_278, %sub3A_297 : vector<16xf32>
        %gather3A_299 = tpu.vector_load_idx %arg7[%add3A_295] : memref<4224xf32, #tpu.memory_space<vmem>>[vector<16xi32>], vector<16xf32>,
        %add3A_300 = arith.addf %add3A_284, %gather3A_299 : vector<16xf32>
        %gather3A_301 = tpu.vector_load_idx %arg8[%add3A_295] : memref<4224xf32, #tpu.memory_space<vmem>>[vector<16xi32>], vector<16xf32>,
        %add3A_302 = arith.addf %add3A_286, %gather3A_301 : vector<16xf32>
        %mul3A_303 = arith.mulf %sub3A_298, %add3A_300 : vector<16xf32>
        %sub3A_304 = arith.subf %add3A_302, %mul3A_303 : vector<16xf32>
        %ge3A_305 = arith.constant 1.000000e+00 : f32
        %ge3A_306 = vector.broadcast %ge3A_305 : f32 to vector<16xf32>
        %ge3A_307 = arith.cmpf oge, %sub3A_304, %ge3A_306 : vector<16xf32>
        %not3A_308 = arith.constant dense<true> : vector<16xi1>
        %not3A_309 = arith.xori %or3A, %not3A_308 : vector<16xi1>
        %and3A_310 = arith.andi %ge3A_307, %not3A_309 : vector<16xi1>
        %select_n3A_311 = arith.select %and3A_310, %add3A_300, %select_n3A : vector<16xi1>, vector<16xf32>
        %select_n3A_312 = arith.select %and3A_310, %add3A_302, %select_n3A_292 : vector<16xi1>, vector<16xf32>
        %or3A_313 = arith.ori %or3A, %and3A_310 : vector<16xi1>
        %add3A_314 = arith.constant 1 : i32
        %add3A_315 = vector.broadcast %add3A_314 : i32 to vector<16xi32>
        %add3A_316 = arith.addi %add3A_295, %add3A_315 : vector<16xi32>
        %sub3A_317 = arith.constant 3.906250e-03 : f32
        %sub3A_318 = vector.broadcast %sub3A_317 : f32 to vector<16xf32>
        %sub3A_319 = arith.subf %sub3A_298, %sub3A_318 : vector<16xf32>
        %gather3A_320 = tpu.vector_load_idx %arg7[%add3A_316] : memref<4224xf32, #tpu.memory_space<vmem>>[vector<16xi32>], vector<16xf32>,
        %add3A_321 = arith.addf %add3A_300, %gather3A_320 : vector<16xf32>
        %gather3A_322 = tpu.vector_load_idx %arg8[%add3A_316] : memref<4224xf32, #tpu.memory_space<vmem>>[vector<16xi32>], vector<16xf32>,
        %add3A_323 = arith.addf %add3A_302, %gather3A_322 : vector<16xf32>
        %mul3A_324 = arith.mulf %sub3A_319, %add3A_321 : vector<16xf32>
        %sub3A_325 = arith.subf %add3A_323, %mul3A_324 : vector<16xf32>
        %ge3A_326 = arith.constant 1.000000e+00 : f32
        %ge3A_327 = vector.broadcast %ge3A_326 : f32 to vector<16xf32>
        %ge3A_328 = arith.cmpf oge, %sub3A_325, %ge3A_327 : vector<16xf32>
        %not3A_329 = arith.constant dense<true> : vector<16xi1>
        %not3A_330 = arith.xori %or3A_313, %not3A_329 : vector<16xi1>
        %and3A_331 = arith.andi %ge3A_328, %not3A_330 : vector<16xi1>
        %select_n3A_332 = arith.select %and3A_331, %add3A_321, %select_n3A_311 : vector<16xi1>, vector<16xf32>
        %select_n3A_333 = arith.select %and3A_331, %add3A_323, %select_n3A_312 : vector<16xi1>, vector<16xf32>
        %or3A_334 = arith.ori %or3A_313, %and3A_331 : vector<16xi1>
        %add3A_335 = arith.constant 1 : i32
        %add3A_336 = vector.broadcast %add3A_335 : i32 to vector<16xi32>
        %add3A_337 = arith.addi %add3A_316, %add3A_336 : vector<16xi32>
        %sub3A_338 = arith.constant 3.906250e-03 : f32
        %sub3A_339 = vector.broadcast %sub3A_338 : f32 to vector<16xf32>
        %sub3A_340 = arith.subf %sub3A_319, %sub3A_339 : vector<16xf32>
        %gather3A_341 = tpu.vector_load_idx %arg7[%add3A_337] : memref<4224xf32, #tpu.memory_space<vmem>>[vector<16xi32>], vector<16xf32>,
        %add3A_342 = arith.addf %add3A_321, %gather3A_341 : vector<16xf32>
        %gather3A_343 = tpu.vector_load_idx %arg8[%add3A_337] : memref<4224xf32, #tpu.memory_space<vmem>>[vector<16xi32>], vector<16xf32>,
        %add3A_344 = arith.addf %add3A_323, %gather3A_343 : vector<16xf32>
        %mul3A_345 = arith.mulf %sub3A_340, %add3A_342 : vector<16xf32>
        %sub3A_346 = arith.subf %add3A_344, %mul3A_345 : vector<16xf32>
        %ge3A_347 = arith.constant 1.000000e+00 : f32
        %ge3A_348 = vector.broadcast %ge3A_347 : f32 to vector<16xf32>
        %ge3A_349 = arith.cmpf oge, %sub3A_346, %ge3A_348 : vector<16xf32>
        %not3A_350 = arith.constant dense<true> : vector<16xi1>
        %not3A_351 = arith.xori %or3A_334, %not3A_350 : vector<16xi1>
        %and3A_352 = arith.andi %ge3A_349, %not3A_351 : vector<16xi1>
        %select_n3A_353 = arith.select %and3A_352, %add3A_342, %select_n3A_332 : vector<16xi1>, vector<16xf32>
        %select_n3A_354 = arith.select %and3A_352, %add3A_344, %select_n3A_333 : vector<16xi1>, vector<16xf32>
        %or3A_355 = arith.ori %or3A_334, %and3A_352 : vector<16xi1>
        %add3A_356 = arith.constant 1 : i32
        %add3A_357 = vector.broadcast %add3A_356 : i32 to vector<16xi32>
        %add3A_358 = arith.addi %add3A_337, %add3A_357 : vector<16xi32>
        %sub3A_359 = arith.constant 3.906250e-03 : f32
        %sub3A_360 = vector.broadcast %sub3A_359 : f32 to vector<16xf32>
        %sub3A_361 = arith.subf %sub3A_340, %sub3A_360 : vector<16xf32>
        scf.yield %add3A_358, %sub3A_361, %add3A_342, %add3A_344, %select_n3A_353, %select_n3A_354, %or3A_355 : vector<16xi32>, vector<16xf32>, vector<16xf32>, vector<16xf32>, vector<16xf32>, vector<16xf32>, vector<16xi1>
      }
      %scan3A_91 = arith.constant 64 : i32
      %sub3A_92 = arith.constant 1.000000e+00 : f32
      %sub3A_93 = vector.broadcast %sub3A_92 : f32 to vector<16xf32>
      %sub3A_94 = arith.subf %scan3A_90#5, %sub3A_93 : vector<16xf32>
      %div3A = arith.divf %sub3A_94, %scan3A_90#4 : vector<16xf32>
      %parallel_loop3A_95 = arith.constant 0 : i32
      %parallel_loop3A_96 = arith.constant 34816 : i32
      %parallel_loop3A_97 = arith.constant 136 : i32
      %parallel_loop3A_98:16 = scf.for %parallel_loop3A_276 = %parallel_loop3A_95 to %parallel_loop3A_96 step %parallel_loop3A_97 iter_args(%parallel_loop3A_277 = %broadcast_in_dim3A_10, %parallel_loop3A_278 = %broadcast_in_dim3A_10, %parallel_loop3A_279 = %broadcast_in_dim3A_10, %parallel_loop3A_280 = %broadcast_in_dim3A_10, %parallel_loop3A_281 = %broadcast_in_dim3A_10, %parallel_loop3A_282 = %broadcast_in_dim3A_10, %parallel_loop3A_283 = %broadcast_in_dim3A_10, %parallel_loop3A_284 = %broadcast_in_dim3A_10, %parallel_loop3A_285 = %broadcast_in_dim3A_10, %parallel_loop3A_286 = %broadcast_in_dim3A_10, %parallel_loop3A_287 = %broadcast_in_dim3A_10, %parallel_loop3A_288 = %broadcast_in_dim3A_10, %parallel_loop3A_289 = %broadcast_in_dim3A_10, %parallel_loop3A_290 = %broadcast_in_dim3A_10, %parallel_loop3A_291 = %broadcast_in_dim3A_10, %parallel_loop3A_292 = %broadcast_in_dim3A_10) -> (vector<16xf32>, vector<16xf32>, vector<16xf32>, vector<16xf32>, vector<16xf32>, vector<16xf32>, vector<16xf32>, vector<16xf32>, vector<16xf32>, vector<16xf32>, vector<16xf32>, vector<16xf32>, vector<16xf32>, vector<16xf32>, vector<16xf32>, vector<16xf32>)  : i32 {
        %parallel_loop3A_293 = arith.constant 0 : i32
        %parallel_loop3A_294 = arith.addi %parallel_loop3A_276, %parallel_loop3A_293 : i32
        %parallel_loop3A_295 = arith.index_cast %parallel_loop3A_294 : i32 to index
        %parallel_loop3A_296 = tpu.vector_load %arg6[%parallel_loop3A_295] {strides = array<i32>} : memref<34816xf32, #tpu.memory_space<vmem>>, vector<16xf32>,
        %parallel_loop3A_297 = arith.cmpf ogt, %parallel_loop3A_296, %div3A : vector<16xf32>
        %parallel_loop3A_298 = arith.constant 1.000000e+00 : f32
        %parallel_loop3A_299 = arith.constant 0.000000e+00 : f32
        %parallel_loop3A_300 = vector.broadcast %parallel_loop3A_298 : f32 to vector<16xf32>
        %parallel_loop3A_301 = vector.broadcast %parallel_loop3A_299 : f32 to vector<16xf32>
        %parallel_loop3A_302 = arith.select %parallel_loop3A_297, %parallel_loop3A_300, %parallel_loop3A_301 : vector<16xi1>, vector<16xf32>
        %parallel_loop3A_303 = arith.addf %parallel_loop3A_277, %parallel_loop3A_302 : vector<16xf32>
        %parallel_loop3A_304 = arith.constant 0.000000e+00 : f32
        %parallel_loop3A_305 = vector.broadcast %parallel_loop3A_304 : f32 to vector<16xf32>
        %parallel_loop3A_306 = arith.select %parallel_loop3A_297, %parallel_loop3A_296, %parallel_loop3A_305 : vector<16xi1>, vector<16xf32>
        %parallel_loop3A_307 = arith.addf %parallel_loop3A_278, %parallel_loop3A_306 : vector<16xf32>
        %parallel_loop3A_308 = arith.constant 17 : i32
        %parallel_loop3A_309 = arith.addi %parallel_loop3A_276, %parallel_loop3A_308 : i32
        %parallel_loop3A_310 = arith.index_cast %parallel_loop3A_309 : i32 to index
        %parallel_loop3A_311 = tpu.vector_load %arg6[%parallel_loop3A_310] {strides = array<i32>} : memref<34816xf32, #tpu.memory_space<vmem>>, vector<16xf32>,
        %parallel_loop3A_312 = arith.cmpf ogt, %parallel_loop3A_311, %div3A : vector<16xf32>
        %parallel_loop3A_313 = arith.constant 1.000000e+00 : f32
        %parallel_loop3A_314 = arith.constant 0.000000e+00 : f32
        %parallel_loop3A_315 = vector.broadcast %parallel_loop3A_313 : f32 to vector<16xf32>
        %parallel_loop3A_316 = vector.broadcast %parallel_loop3A_314 : f32 to vector<16xf32>
        %parallel_loop3A_317 = arith.select %parallel_loop3A_312, %parallel_loop3A_315, %parallel_loop3A_316 : vector<16xi1>, vector<16xf32>
        %parallel_loop3A_318 = arith.addf %parallel_loop3A_279, %parallel_loop3A_317 : vector<16xf32>
        %parallel_loop3A_319 = arith.constant 0.000000e+00 : f32
        %parallel_loop3A_320 = vector.broadcast %parallel_loop3A_319 : f32 to vector<16xf32>
        %parallel_loop3A_321 = arith.select %parallel_loop3A_312, %parallel_loop3A_311, %parallel_loop3A_320 : vector<16xi1>, vector<16xf32>
        %parallel_loop3A_322 = arith.addf %parallel_loop3A_280, %parallel_loop3A_321 : vector<16xf32>
        %parallel_loop3A_323 = arith.constant 34 : i32
        %parallel_loop3A_324 = arith.addi %parallel_loop3A_276, %parallel_loop3A_323 : i32
        %parallel_loop3A_325 = arith.index_cast %parallel_loop3A_324 : i32 to index
        %parallel_loop3A_326 = tpu.vector_load %arg6[%parallel_loop3A_325] {strides = array<i32>} : memref<34816xf32, #tpu.memory_space<vmem>>, vector<16xf32>,
        %parallel_loop3A_327 = arith.cmpf ogt, %parallel_loop3A_326, %div3A : vector<16xf32>
        %parallel_loop3A_328 = arith.constant 1.000000e+00 : f32
        %parallel_loop3A_329 = arith.constant 0.000000e+00 : f32
        %parallel_loop3A_330 = vector.broadcast %parallel_loop3A_328 : f32 to vector<16xf32>
        %parallel_loop3A_331 = vector.broadcast %parallel_loop3A_329 : f32 to vector<16xf32>
        %parallel_loop3A_332 = arith.select %parallel_loop3A_327, %parallel_loop3A_330, %parallel_loop3A_331 : vector<16xi1>, vector<16xf32>
        %parallel_loop3A_333 = arith.addf %parallel_loop3A_281, %parallel_loop3A_332 : vector<16xf32>
        %parallel_loop3A_334 = arith.constant 0.000000e+00 : f32
        %parallel_loop3A_335 = vector.broadcast %parallel_loop3A_334 : f32 to vector<16xf32>
        %parallel_loop3A_336 = arith.select %parallel_loop3A_327, %parallel_loop3A_326, %parallel_loop3A_335 : vector<16xi1>, vector<16xf32>
        %parallel_loop3A_337 = arith.addf %parallel_loop3A_282, %parallel_loop3A_336 : vector<16xf32>
        %parallel_loop3A_338 = arith.constant 51 : i32
        %parallel_loop3A_339 = arith.addi %parallel_loop3A_276, %parallel_loop3A_338 : i32
        %parallel_loop3A_340 = arith.index_cast %parallel_loop3A_339 : i32 to index
        %parallel_loop3A_341 = tpu.vector_load %arg6[%parallel_loop3A_340] {strides = array<i32>} : memref<34816xf32, #tpu.memory_space<vmem>>, vector<16xf32>,
        %parallel_loop3A_342 = arith.cmpf ogt, %parallel_loop3A_341, %div3A : vector<16xf32>
        %parallel_loop3A_343 = arith.constant 1.000000e+00 : f32
        %parallel_loop3A_344 = arith.constant 0.000000e+00 : f32
        %parallel_loop3A_345 = vector.broadcast %parallel_loop3A_343 : f32 to vector<16xf32>
        %parallel_loop3A_346 = vector.broadcast %parallel_loop3A_344 : f32 to vector<16xf32>
        %parallel_loop3A_347 = arith.select %parallel_loop3A_342, %parallel_loop3A_345, %parallel_loop3A_346 : vector<16xi1>, vector<16xf32>
        %parallel_loop3A_348 = arith.addf %parallel_loop3A_283, %parallel_loop3A_347 : vector<16xf32>
        %parallel_loop3A_349 = arith.constant 0.000000e+00 : f32
        %parallel_loop3A_350 = vector.broadcast %parallel_loop3A_349 : f32 to vector<16xf32>
        %parallel_loop3A_351 = arith.select %parallel_loop3A_342, %parallel_loop3A_341, %parallel_loop3A_350 : vector<16xi1>, vector<16xf32>
        %parallel_loop3A_352 = arith.addf %parallel_loop3A_284, %parallel_loop3A_351 : vector<16xf32>
        %parallel_loop3A_353 = arith.constant 68 : i32
        %parallel_loop3A_354 = arith.addi %parallel_loop3A_276, %parallel_loop3A_353 : i32
        %parallel_loop3A_355 = arith.index_cast %parallel_loop3A_354 : i32 to index
        %parallel_loop3A_356 = tpu.vector_load %arg6[%parallel_loop3A_355] {strides = array<i32>} : memref<34816xf32, #tpu.memory_space<vmem>>, vector<16xf32>,
        %parallel_loop3A_357 = arith.cmpf ogt, %parallel_loop3A_356, %div3A : vector<16xf32>
        %parallel_loop3A_358 = arith.constant 1.000000e+00 : f32
        %parallel_loop3A_359 = arith.constant 0.000000e+00 : f32
        %parallel_loop3A_360 = vector.broadcast %parallel_loop3A_358 : f32 to vector<16xf32>
        %parallel_loop3A_361 = vector.broadcast %parallel_loop3A_359 : f32 to vector<16xf32>
        %parallel_loop3A_362 = arith.select %parallel_loop3A_357, %parallel_loop3A_360, %parallel_loop3A_361 : vector<16xi1>, vector<16xf32>
        %parallel_loop3A_363 = arith.addf %parallel_loop3A_285, %parallel_loop3A_362 : vector<16xf32>
        %parallel_loop3A_364 = arith.constant 0.000000e+00 : f32
        %parallel_loop3A_365 = vector.broadcast %parallel_loop3A_364 : f32 to vector<16xf32>
        %parallel_loop3A_366 = arith.select %parallel_loop3A_357, %parallel_loop3A_356, %parallel_loop3A_365 : vector<16xi1>, vector<16xf32>
        %parallel_loop3A_367 = arith.addf %parallel_loop3A_286, %parallel_loop3A_366 : vector<16xf32>
        %parallel_loop3A_368 = arith.constant 85 : i32
        %parallel_loop3A_369 = arith.addi %parallel_loop3A_276, %parallel_loop3A_368 : i32
        %parallel_loop3A_370 = arith.index_cast %parallel_loop3A_369 : i32 to index
        %parallel_loop3A_371 = tpu.vector_load %arg6[%parallel_loop3A_370] {strides = array<i32>} : memref<34816xf32, #tpu.memory_space<vmem>>, vector<16xf32>,
        %parallel_loop3A_372 = arith.cmpf ogt, %parallel_loop3A_371, %div3A : vector<16xf32>
        %parallel_loop3A_373 = arith.constant 1.000000e+00 : f32
        %parallel_loop3A_374 = arith.constant 0.000000e+00 : f32
        %parallel_loop3A_375 = vector.broadcast %parallel_loop3A_373 : f32 to vector<16xf32>
        %parallel_loop3A_376 = vector.broadcast %parallel_loop3A_374 : f32 to vector<16xf32>
        %parallel_loop3A_377 = arith.select %parallel_loop3A_372, %parallel_loop3A_375, %parallel_loop3A_376 : vector<16xi1>, vector<16xf32>
        %parallel_loop3A_378 = arith.addf %parallel_loop3A_287, %parallel_loop3A_377 : vector<16xf32>
        %parallel_loop3A_379 = arith.constant 0.000000e+00 : f32
        %parallel_loop3A_380 = vector.broadcast %parallel_loop3A_379 : f32 to vector<16xf32>
        %parallel_loop3A_381 = arith.select %parallel_loop3A_372, %parallel_loop3A_371, %parallel_loop3A_380 : vector<16xi1>, vector<16xf32>
        %parallel_loop3A_382 = arith.addf %parallel_loop3A_288, %parallel_loop3A_381 : vector<16xf32>
        %parallel_loop3A_383 = arith.constant 102 : i32
        %parallel_loop3A_384 = arith.addi %parallel_loop3A_276, %parallel_loop3A_383 : i32
        %parallel_loop3A_385 = arith.index_cast %parallel_loop3A_384 : i32 to index
        %parallel_loop3A_386 = tpu.vector_load %arg6[%parallel_loop3A_385] {strides = array<i32>} : memref<34816xf32, #tpu.memory_space<vmem>>, vector<16xf32>,
        %parallel_loop3A_387 = arith.cmpf ogt, %parallel_loop3A_386, %div3A : vector<16xf32>
        %parallel_loop3A_388 = arith.constant 1.000000e+00 : f32
        %parallel_loop3A_389 = arith.constant 0.000000e+00 : f32
        %parallel_loop3A_390 = vector.broadcast %parallel_loop3A_388 : f32 to vector<16xf32>
        %parallel_loop3A_391 = vector.broadcast %parallel_loop3A_389 : f32 to vector<16xf32>
        %parallel_loop3A_392 = arith.select %parallel_loop3A_387, %parallel_loop3A_390, %parallel_loop3A_391 : vector<16xi1>, vector<16xf32>
        %parallel_loop3A_393 = arith.addf %parallel_loop3A_289, %parallel_loop3A_392 : vector<16xf32>
        %parallel_loop3A_394 = arith.constant 0.000000e+00 : f32
        %parallel_loop3A_395 = vector.broadcast %parallel_loop3A_394 : f32 to vector<16xf32>
        %parallel_loop3A_396 = arith.select %parallel_loop3A_387, %parallel_loop3A_386, %parallel_loop3A_395 : vector<16xi1>, vector<16xf32>
        %parallel_loop3A_397 = arith.addf %parallel_loop3A_290, %parallel_loop3A_396 : vector<16xf32>
        %parallel_loop3A_398 = arith.constant 119 : i32
        %parallel_loop3A_399 = arith.addi %parallel_loop3A_276, %parallel_loop3A_398 : i32
        %parallel_loop3A_400 = arith.index_cast %parallel_loop3A_399 : i32 to index
        %parallel_loop3A_401 = tpu.vector_load %arg6[%parallel_loop3A_400] {strides = array<i32>} : memref<34816xf32, #tpu.memory_space<vmem>>, vector<16xf32>,
        %parallel_loop3A_402 = arith.cmpf ogt, %parallel_loop3A_401, %div3A : vector<16xf32>
        %parallel_loop3A_403 = arith.constant 1.000000e+00 : f32
        %parallel_loop3A_404 = arith.constant 0.000000e+00 : f32
        %parallel_loop3A_405 = vector.broadcast %parallel_loop3A_403 : f32 to vector<16xf32>
        %parallel_loop3A_406 = vector.broadcast %parallel_loop3A_404 : f32 to vector<16xf32>
        %parallel_loop3A_407 = arith.select %parallel_loop3A_402, %parallel_loop3A_405, %parallel_loop3A_406 : vector<16xi1>, vector<16xf32>
        %parallel_loop3A_408 = arith.addf %parallel_loop3A_291, %parallel_loop3A_407 : vector<16xf32>
        %parallel_loop3A_409 = arith.constant 0.000000e+00 : f32
        %parallel_loop3A_410 = vector.broadcast %parallel_loop3A_409 : f32 to vector<16xf32>
        %parallel_loop3A_411 = arith.select %parallel_loop3A_402, %parallel_loop3A_401, %parallel_loop3A_410 : vector<16xi1>, vector<16xf32>
        %parallel_loop3A_412 = arith.addf %parallel_loop3A_292, %parallel_loop3A_411 : vector<16xf32>
        scf.yield %parallel_loop3A_303, %parallel_loop3A_307, %parallel_loop3A_318, %parallel_loop3A_322, %parallel_loop3A_333, %parallel_loop3A_337, %parallel_loop3A_348, %parallel_loop3A_352, %parallel_loop3A_363, %parallel_loop3A_367, %parallel_loop3A_378, %parallel_loop3A_382, %parallel_loop3A_393, %parallel_loop3A_397, %parallel_loop3A_408, %parallel_loop3A_412 : vector<16xf32>, vector<16xf32>, vector<16xf32>, vector<16xf32>, vector<16xf32>, vector<16xf32>, vector<16xf32>, vector<16xf32>, vector<16xf32>, vector<16xf32>, vector<16xf32>, vector<16xf32>, vector<16xf32>, vector<16xf32>, vector<16xf32>, vector<16xf32>
      } {sc.loop_unroll_factor = 1 : i64, sc.parallel_access}
      %add3A_99 = arith.addf %parallel_loop3A_98#0, %parallel_loop3A_98#2 : vector<16xf32>
      %add3A_100 = arith.addf %add3A_99, %parallel_loop3A_98#4 : vector<16xf32>
      %add3A_101 = arith.addf %add3A_100, %parallel_loop3A_98#6 : vector<16xf32>
      %add3A_102 = arith.addf %add3A_101, %parallel_loop3A_98#8 : vector<16xf32>
      %add3A_103 = arith.addf %add3A_102, %parallel_loop3A_98#10 : vector<16xf32>
      %add3A_104 = arith.addf %add3A_103, %parallel_loop3A_98#12 : vector<16xf32>
      %add3A_105 = arith.addf %add3A_104, %parallel_loop3A_98#14 : vector<16xf32>
      %add3A_106 = arith.addf %parallel_loop3A_98#1, %parallel_loop3A_98#3 : vector<16xf32>
      %add3A_107 = arith.addf %add3A_106, %parallel_loop3A_98#5 : vector<16xf32>
      %add3A_108 = arith.addf %add3A_107, %parallel_loop3A_98#7 : vector<16xf32>
      %add3A_109 = arith.addf %add3A_108, %parallel_loop3A_98#9 : vector<16xf32>
      %add3A_110 = arith.addf %add3A_109, %parallel_loop3A_98#11 : vector<16xf32>
      %add3A_111 = arith.addf %add3A_110, %parallel_loop3A_98#13 : vector<16xf32>
      %add3A_112 = arith.addf %add3A_111, %parallel_loop3A_98#15 : vector<16xf32>
      %sub3A_113 = arith.constant 1.000000e+00 : f32
      %sub3A_114 = vector.broadcast %sub3A_113 : f32 to vector<16xf32>
      %sub3A_115 = arith.subf %add3A_112, %sub3A_114 : vector<16xf32>
      %max3A_116 = arith.constant 1.000000e+00 : f32
      %max3A_117 = vector.broadcast %max3A_116 : f32 to vector<16xf32>
      %max3A_118 = arith.maximumf %add3A_105, %max3A_117 : vector<16xf32>
      %div3A_119 = arith.divf %sub3A_115, %max3A_118 : vector<16xf32>
      %parallel_loop3A_120 = arith.constant 0 : i32
      %parallel_loop3A_121 = arith.constant 34816 : i32
      %parallel_loop3A_122 = arith.constant 136 : i32
      %parallel_loop3A_123:16 = scf.for %parallel_loop3A_276 = %parallel_loop3A_120 to %parallel_loop3A_121 step %parallel_loop3A_122 iter_args(%parallel_loop3A_277 = %broadcast_in_dim3A_10, %parallel_loop3A_278 = %broadcast_in_dim3A_10, %parallel_loop3A_279 = %broadcast_in_dim3A_10, %parallel_loop3A_280 = %broadcast_in_dim3A_10, %parallel_loop3A_281 = %broadcast_in_dim3A_10, %parallel_loop3A_282 = %broadcast_in_dim3A_10, %parallel_loop3A_283 = %broadcast_in_dim3A_10, %parallel_loop3A_284 = %broadcast_in_dim3A_10, %parallel_loop3A_285 = %broadcast_in_dim3A_10, %parallel_loop3A_286 = %broadcast_in_dim3A_10, %parallel_loop3A_287 = %broadcast_in_dim3A_10, %parallel_loop3A_288 = %broadcast_in_dim3A_10, %parallel_loop3A_289 = %broadcast_in_dim3A_10, %parallel_loop3A_290 = %broadcast_in_dim3A_10, %parallel_loop3A_291 = %broadcast_in_dim3A_10, %parallel_loop3A_292 = %broadcast_in_dim3A_10) -> (vector<16xf32>, vector<16xf32>, vector<16xf32>, vector<16xf32>, vector<16xf32>, vector<16xf32>, vector<16xf32>, vector<16xf32>, vector<16xf32>, vector<16xf32>, vector<16xf32>, vector<16xf32>, vector<16xf32>, vector<16xf32>, vector<16xf32>, vector<16xf32>)  : i32 {
        %parallel_loop3A_293 = arith.constant 0 : i32
        %parallel_loop3A_294 = arith.addi %parallel_loop3A_276, %parallel_loop3A_293 : i32
        %parallel_loop3A_295 = arith.index_cast %parallel_loop3A_294 : i32 to index
        %parallel_loop3A_296 = tpu.vector_load %arg6[%parallel_loop3A_295] {strides = array<i32>} : memref<34816xf32, #tpu.memory_space<vmem>>, vector<16xf32>,
        %parallel_loop3A_297 = arith.cmpf ogt, %parallel_loop3A_296, %div3A_119 : vector<16xf32>
        %parallel_loop3A_298 = arith.constant 1.000000e+00 : f32
        %parallel_loop3A_299 = arith.constant 0.000000e+00 : f32
        %parallel_loop3A_300 = vector.broadcast %parallel_loop3A_298 : f32 to vector<16xf32>
        %parallel_loop3A_301 = vector.broadcast %parallel_loop3A_299 : f32 to vector<16xf32>
        %parallel_loop3A_302 = arith.select %parallel_loop3A_297, %parallel_loop3A_300, %parallel_loop3A_301 : vector<16xi1>, vector<16xf32>
        %parallel_loop3A_303 = arith.addf %parallel_loop3A_277, %parallel_loop3A_302 : vector<16xf32>
        %parallel_loop3A_304 = arith.constant 0.000000e+00 : f32
        %parallel_loop3A_305 = vector.broadcast %parallel_loop3A_304 : f32 to vector<16xf32>
        %parallel_loop3A_306 = arith.select %parallel_loop3A_297, %parallel_loop3A_296, %parallel_loop3A_305 : vector<16xi1>, vector<16xf32>
        %parallel_loop3A_307 = arith.addf %parallel_loop3A_278, %parallel_loop3A_306 : vector<16xf32>
        %parallel_loop3A_308 = arith.constant 17 : i32
        %parallel_loop3A_309 = arith.addi %parallel_loop3A_276, %parallel_loop3A_308 : i32
        %parallel_loop3A_310 = arith.index_cast %parallel_loop3A_309 : i32 to index
        %parallel_loop3A_311 = tpu.vector_load %arg6[%parallel_loop3A_310] {strides = array<i32>} : memref<34816xf32, #tpu.memory_space<vmem>>, vector<16xf32>,
        %parallel_loop3A_312 = arith.cmpf ogt, %parallel_loop3A_311, %div3A_119 : vector<16xf32>
        %parallel_loop3A_313 = arith.constant 1.000000e+00 : f32
        %parallel_loop3A_314 = arith.constant 0.000000e+00 : f32
        %parallel_loop3A_315 = vector.broadcast %parallel_loop3A_313 : f32 to vector<16xf32>
        %parallel_loop3A_316 = vector.broadcast %parallel_loop3A_314 : f32 to vector<16xf32>
        %parallel_loop3A_317 = arith.select %parallel_loop3A_312, %parallel_loop3A_315, %parallel_loop3A_316 : vector<16xi1>, vector<16xf32>
        %parallel_loop3A_318 = arith.addf %parallel_loop3A_279, %parallel_loop3A_317 : vector<16xf32>
        %parallel_loop3A_319 = arith.constant 0.000000e+00 : f32
        %parallel_loop3A_320 = vector.broadcast %parallel_loop3A_319 : f32 to vector<16xf32>
        %parallel_loop3A_321 = arith.select %parallel_loop3A_312, %parallel_loop3A_311, %parallel_loop3A_320 : vector<16xi1>, vector<16xf32>
        %parallel_loop3A_322 = arith.addf %parallel_loop3A_280, %parallel_loop3A_321 : vector<16xf32>
        %parallel_loop3A_323 = arith.constant 34 : i32
        %parallel_loop3A_324 = arith.addi %parallel_loop3A_276, %parallel_loop3A_323 : i32
        %parallel_loop3A_325 = arith.index_cast %parallel_loop3A_324 : i32 to index
        %parallel_loop3A_326 = tpu.vector_load %arg6[%parallel_loop3A_325] {strides = array<i32>} : memref<34816xf32, #tpu.memory_space<vmem>>, vector<16xf32>,
        %parallel_loop3A_327 = arith.cmpf ogt, %parallel_loop3A_326, %div3A_119 : vector<16xf32>
        %parallel_loop3A_328 = arith.constant 1.000000e+00 : f32
        %parallel_loop3A_329 = arith.constant 0.000000e+00 : f32
        %parallel_loop3A_330 = vector.broadcast %parallel_loop3A_328 : f32 to vector<16xf32>
        %parallel_loop3A_331 = vector.broadcast %parallel_loop3A_329 : f32 to vector<16xf32>
        %parallel_loop3A_332 = arith.select %parallel_loop3A_327, %parallel_loop3A_330, %parallel_loop3A_331 : vector<16xi1>, vector<16xf32>
        %parallel_loop3A_333 = arith.addf %parallel_loop3A_281, %parallel_loop3A_332 : vector<16xf32>
        %parallel_loop3A_334 = arith.constant 0.000000e+00 : f32
        %parallel_loop3A_335 = vector.broadcast %parallel_loop3A_334 : f32 to vector<16xf32>
        %parallel_loop3A_336 = arith.select %parallel_loop3A_327, %parallel_loop3A_326, %parallel_loop3A_335 : vector<16xi1>, vector<16xf32>
        %parallel_loop3A_337 = arith.addf %parallel_loop3A_282, %parallel_loop3A_336 : vector<16xf32>
        %parallel_loop3A_338 = arith.constant 51 : i32
        %parallel_loop3A_339 = arith.addi %parallel_loop3A_276, %parallel_loop3A_338 : i32
        %parallel_loop3A_340 = arith.index_cast %parallel_loop3A_339 : i32 to index
        %parallel_loop3A_341 = tpu.vector_load %arg6[%parallel_loop3A_340] {strides = array<i32>} : memref<34816xf32, #tpu.memory_space<vmem>>, vector<16xf32>,
        %parallel_loop3A_342 = arith.cmpf ogt, %parallel_loop3A_341, %div3A_119 : vector<16xf32>
        %parallel_loop3A_343 = arith.constant 1.000000e+00 : f32
        %parallel_loop3A_344 = arith.constant 0.000000e+00 : f32
        %parallel_loop3A_345 = vector.broadcast %parallel_loop3A_343 : f32 to vector<16xf32>
        %parallel_loop3A_346 = vector.broadcast %parallel_loop3A_344 : f32 to vector<16xf32>
        %parallel_loop3A_347 = arith.select %parallel_loop3A_342, %parallel_loop3A_345, %parallel_loop3A_346 : vector<16xi1>, vector<16xf32>
        %parallel_loop3A_348 = arith.addf %parallel_loop3A_283, %parallel_loop3A_347 : vector<16xf32>
        %parallel_loop3A_349 = arith.constant 0.000000e+00 : f32
        %parallel_loop3A_350 = vector.broadcast %parallel_loop3A_349 : f32 to vector<16xf32>
        %parallel_loop3A_351 = arith.select %parallel_loop3A_342, %parallel_loop3A_341, %parallel_loop3A_350 : vector<16xi1>, vector<16xf32>
        %parallel_loop3A_352 = arith.addf %parallel_loop3A_284, %parallel_loop3A_351 : vector<16xf32>
        %parallel_loop3A_353 = arith.constant 68 : i32
        %parallel_loop3A_354 = arith.addi %parallel_loop3A_276, %parallel_loop3A_353 : i32
        %parallel_loop3A_355 = arith.index_cast %parallel_loop3A_354 : i32 to index
        %parallel_loop3A_356 = tpu.vector_load %arg6[%parallel_loop3A_355] {strides = array<i32>} : memref<34816xf32, #tpu.memory_space<vmem>>, vector<16xf32>,
        %parallel_loop3A_357 = arith.cmpf ogt, %parallel_loop3A_356, %div3A_119 : vector<16xf32>
        %parallel_loop3A_358 = arith.constant 1.000000e+00 : f32
        %parallel_loop3A_359 = arith.constant 0.000000e+00 : f32
        %parallel_loop3A_360 = vector.broadcast %parallel_loop3A_358 : f32 to vector<16xf32>
        %parallel_loop3A_361 = vector.broadcast %parallel_loop3A_359 : f32 to vector<16xf32>
        %parallel_loop3A_362 = arith.select %parallel_loop3A_357, %parallel_loop3A_360, %parallel_loop3A_361 : vector<16xi1>, vector<16xf32>
        %parallel_loop3A_363 = arith.addf %parallel_loop3A_285, %parallel_loop3A_362 : vector<16xf32>
        %parallel_loop3A_364 = arith.constant 0.000000e+00 : f32
        %parallel_loop3A_365 = vector.broadcast %parallel_loop3A_364 : f32 to vector<16xf32>
        %parallel_loop3A_366 = arith.select %parallel_loop3A_357, %parallel_loop3A_356, %parallel_loop3A_365 : vector<16xi1>, vector<16xf32>
        %parallel_loop3A_367 = arith.addf %parallel_loop3A_286, %parallel_loop3A_366 : vector<16xf32>
        %parallel_loop3A_368 = arith.constant 85 : i32
        %parallel_loop3A_369 = arith.addi %parallel_loop3A_276, %parallel_loop3A_368 : i32
        %parallel_loop3A_370 = arith.index_cast %parallel_loop3A_369 : i32 to index
        %parallel_loop3A_371 = tpu.vector_load %arg6[%parallel_loop3A_370] {strides = array<i32>} : memref<34816xf32, #tpu.memory_space<vmem>>, vector<16xf32>,
        %parallel_loop3A_372 = arith.cmpf ogt, %parallel_loop3A_371, %div3A_119 : vector<16xf32>
        %parallel_loop3A_373 = arith.constant 1.000000e+00 : f32
        %parallel_loop3A_374 = arith.constant 0.000000e+00 : f32
        %parallel_loop3A_375 = vector.broadcast %parallel_loop3A_373 : f32 to vector<16xf32>
        %parallel_loop3A_376 = vector.broadcast %parallel_loop3A_374 : f32 to vector<16xf32>
        %parallel_loop3A_377 = arith.select %parallel_loop3A_372, %parallel_loop3A_375, %parallel_loop3A_376 : vector<16xi1>, vector<16xf32>
        %parallel_loop3A_378 = arith.addf %parallel_loop3A_287, %parallel_loop3A_377 : vector<16xf32>
        %parallel_loop3A_379 = arith.constant 0.000000e+00 : f32
        %parallel_loop3A_380 = vector.broadcast %parallel_loop3A_379 : f32 to vector<16xf32>
        %parallel_loop3A_381 = arith.select %parallel_loop3A_372, %parallel_loop3A_371, %parallel_loop3A_380 : vector<16xi1>, vector<16xf32>
        %parallel_loop3A_382 = arith.addf %parallel_loop3A_288, %parallel_loop3A_381 : vector<16xf32>
        %parallel_loop3A_383 = arith.constant 102 : i32
        %parallel_loop3A_384 = arith.addi %parallel_loop3A_276, %parallel_loop3A_383 : i32
        %parallel_loop3A_385 = arith.index_cast %parallel_loop3A_384 : i32 to index
        %parallel_loop3A_386 = tpu.vector_load %arg6[%parallel_loop3A_385] {strides = array<i32>} : memref<34816xf32, #tpu.memory_space<vmem>>, vector<16xf32>,
        %parallel_loop3A_387 = arith.cmpf ogt, %parallel_loop3A_386, %div3A_119 : vector<16xf32>
        %parallel_loop3A_388 = arith.constant 1.000000e+00 : f32
        %parallel_loop3A_389 = arith.constant 0.000000e+00 : f32
        %parallel_loop3A_390 = vector.broadcast %parallel_loop3A_388 : f32 to vector<16xf32>
        %parallel_loop3A_391 = vector.broadcast %parallel_loop3A_389 : f32 to vector<16xf32>
        %parallel_loop3A_392 = arith.select %parallel_loop3A_387, %parallel_loop3A_390, %parallel_loop3A_391 : vector<16xi1>, vector<16xf32>
        %parallel_loop3A_393 = arith.addf %parallel_loop3A_289, %parallel_loop3A_392 : vector<16xf32>
        %parallel_loop3A_394 = arith.constant 0.000000e+00 : f32
        %parallel_loop3A_395 = vector.broadcast %parallel_loop3A_394 : f32 to vector<16xf32>
        %parallel_loop3A_396 = arith.select %parallel_loop3A_387, %parallel_loop3A_386, %parallel_loop3A_395 : vector<16xi1>, vector<16xf32>
        %parallel_loop3A_397 = arith.addf %parallel_loop3A_290, %parallel_loop3A_396 : vector<16xf32>
        %parallel_loop3A_398 = arith.constant 119 : i32
        %parallel_loop3A_399 = arith.addi %parallel_loop3A_276, %parallel_loop3A_398 : i32
        %parallel_loop3A_400 = arith.index_cast %parallel_loop3A_399 : i32 to index
        %parallel_loop3A_401 = tpu.vector_load %arg6[%parallel_loop3A_400] {strides = array<i32>} : memref<34816xf32, #tpu.memory_space<vmem>>, vector<16xf32>,
        %parallel_loop3A_402 = arith.cmpf ogt, %parallel_loop3A_401, %div3A_119 : vector<16xf32>
        %parallel_loop3A_403 = arith.constant 1.000000e+00 : f32
        %parallel_loop3A_404 = arith.constant 0.000000e+00 : f32
        %parallel_loop3A_405 = vector.broadcast %parallel_loop3A_403 : f32 to vector<16xf32>
        %parallel_loop3A_406 = vector.broadcast %parallel_loop3A_404 : f32 to vector<16xf32>
        %parallel_loop3A_407 = arith.select %parallel_loop3A_402, %parallel_loop3A_405, %parallel_loop3A_406 : vector<16xi1>, vector<16xf32>
        %parallel_loop3A_408 = arith.addf %parallel_loop3A_291, %parallel_loop3A_407 : vector<16xf32>
        %parallel_loop3A_409 = arith.constant 0.000000e+00 : f32
        %parallel_loop3A_410 = vector.broadcast %parallel_loop3A_409 : f32 to vector<16xf32>
        %parallel_loop3A_411 = arith.select %parallel_loop3A_402, %parallel_loop3A_401, %parallel_loop3A_410 : vector<16xi1>, vector<16xf32>
        %parallel_loop3A_412 = arith.addf %parallel_loop3A_292, %parallel_loop3A_411 : vector<16xf32>
        scf.yield %parallel_loop3A_303, %parallel_loop3A_307, %parallel_loop3A_318, %parallel_loop3A_322, %parallel_loop3A_333, %parallel_loop3A_337, %parallel_loop3A_348, %parallel_loop3A_352, %parallel_loop3A_363, %parallel_loop3A_367, %parallel_loop3A_378, %parallel_loop3A_382, %parallel_loop3A_393, %parallel_loop3A_397, %parallel_loop3A_408, %parallel_loop3A_412 : vector<16xf32>, vector<16xf32>, vector<16xf32>, vector<16xf32>, vector<16xf32>, vector<16xf32>, vector<16xf32>, vector<16xf32>, vector<16xf32>, vector<16xf32>, vector<16xf32>, vector<16xf32>, vector<16xf32>, vector<16xf32>, vector<16xf32>, vector<16xf32>
      } {sc.loop_unroll_factor = 1 : i64, sc.parallel_access}
      %add3A_124 = arith.addf %parallel_loop3A_123#0, %parallel_loop3A_123#2 : vector<16xf32>
      %add3A_125 = arith.addf %add3A_124, %parallel_loop3A_123#4 : vector<16xf32>
      %add3A_126 = arith.addf %add3A_125, %parallel_loop3A_123#6 : vector<16xf32>
      %add3A_127 = arith.addf %add3A_126, %parallel_loop3A_123#8 : vector<16xf32>
      %add3A_128 = arith.addf %add3A_127, %parallel_loop3A_123#10 : vector<16xf32>
      %add3A_129 = arith.addf %add3A_128, %parallel_loop3A_123#12 : vector<16xf32>
      %add3A_130 = arith.addf %add3A_129, %parallel_loop3A_123#14 : vector<16xf32>
      %add3A_131 = arith.addf %parallel_loop3A_123#1, %parallel_loop3A_123#3 : vector<16xf32>
      %add3A_132 = arith.addf %add3A_131, %parallel_loop3A_123#5 : vector<16xf32>
      %add3A_133 = arith.addf %add3A_132, %parallel_loop3A_123#7 : vector<16xf32>
      %add3A_134 = arith.addf %add3A_133, %parallel_loop3A_123#9 : vector<16xf32>
      %add3A_135 = arith.addf %add3A_134, %parallel_loop3A_123#11 : vector<16xf32>
      %add3A_136 = arith.addf %add3A_135, %parallel_loop3A_123#13 : vector<16xf32>
      %add3A_137 = arith.addf %add3A_136, %parallel_loop3A_123#15 : vector<16xf32>
      %sub3A_138 = arith.constant 1.000000e+00 : f32
      %sub3A_139 = vector.broadcast %sub3A_138 : f32 to vector<16xf32>
      %sub3A_140 = arith.subf %add3A_137, %sub3A_139 : vector<16xf32>
      %max3A_141 = arith.constant 1.000000e+00 : f32
      %max3A_142 = vector.broadcast %max3A_141 : f32 to vector<16xf32>
      %max3A_143 = arith.maximumf %add3A_130, %max3A_142 : vector<16xf32>
      %div3A_144 = arith.divf %sub3A_140, %max3A_143 : vector<16xf32>
      %parallel_loop3A_145 = arith.constant 0 : i32
      %parallel_loop3A_146 = arith.constant 34816 : i32
      %parallel_loop3A_147 = arith.constant 136 : i32
      scf.for %parallel_loop3A_276 = %parallel_loop3A_145 to %parallel_loop3A_146 step %parallel_loop3A_147  : i32 {
        %parallel_loop3A_277 = arith.constant 0 : i32
        %parallel_loop3A_278 = arith.addi %parallel_loop3A_276, %parallel_loop3A_277 : i32
        %parallel_loop3A_279 = arith.index_cast %parallel_loop3A_278 : i32 to index
        %parallel_loop3A_280 = tpu.vector_load %arg6[%parallel_loop3A_279] {strides = array<i32>} : memref<34816xf32, #tpu.memory_space<vmem>>, vector<16xf32>,
        %parallel_loop3A_281 = arith.subf %parallel_loop3A_280, %div3A_144 : vector<16xf32>
        %parallel_loop3A_282 = arith.constant 0.000000e+00 : f32
        %parallel_loop3A_283 = vector.broadcast %parallel_loop3A_282 : f32 to vector<16xf32>
        %parallel_loop3A_284 = arith.maximumf %parallel_loop3A_281, %parallel_loop3A_283 : vector<16xf32>
        %parallel_loop3A_285 = arith.index_cast %parallel_loop3A_278 : i32 to index
        %parallel_loop3A_286 = tpu.vector_load %arg6[%parallel_loop3A_285] {strides = array<i32>} : memref<34816xf32, #tpu.memory_space<vmem>>, vector<16xf32>,
        tpu.vector_store %arg6[%parallel_loop3A_285], %parallel_loop3A_284 {strides = array<i32>} : memref<34816xf32, #tpu.memory_space<vmem>>, vector<16xf32>,
        %parallel_loop3A_287 = arith.constant 17 : i32
        %parallel_loop3A_288 = arith.addi %parallel_loop3A_276, %parallel_loop3A_287 : i32
        %parallel_loop3A_289 = arith.index_cast %parallel_loop3A_288 : i32 to index
        %parallel_loop3A_290 = tpu.vector_load %arg6[%parallel_loop3A_289] {strides = array<i32>} : memref<34816xf32, #tpu.memory_space<vmem>>, vector<16xf32>,
        %parallel_loop3A_291 = arith.subf %parallel_loop3A_290, %div3A_144 : vector<16xf32>
        %parallel_loop3A_292 = arith.constant 0.000000e+00 : f32
        %parallel_loop3A_293 = vector.broadcast %parallel_loop3A_292 : f32 to vector<16xf32>
        %parallel_loop3A_294 = arith.maximumf %parallel_loop3A_291, %parallel_loop3A_293 : vector<16xf32>
        %parallel_loop3A_295 = arith.index_cast %parallel_loop3A_288 : i32 to index
        %parallel_loop3A_296 = tpu.vector_load %arg6[%parallel_loop3A_295] {strides = array<i32>} : memref<34816xf32, #tpu.memory_space<vmem>>, vector<16xf32>,
        tpu.vector_store %arg6[%parallel_loop3A_295], %parallel_loop3A_294 {strides = array<i32>} : memref<34816xf32, #tpu.memory_space<vmem>>, vector<16xf32>,
        %parallel_loop3A_297 = arith.constant 34 : i32
        %parallel_loop3A_298 = arith.addi %parallel_loop3A_276, %parallel_loop3A_297 : i32
        %parallel_loop3A_299 = arith.index_cast %parallel_loop3A_298 : i32 to index
        %parallel_loop3A_300 = tpu.vector_load %arg6[%parallel_loop3A_299] {strides = array<i32>} : memref<34816xf32, #tpu.memory_space<vmem>>, vector<16xf32>,
        %parallel_loop3A_301 = arith.subf %parallel_loop3A_300, %div3A_144 : vector<16xf32>
        %parallel_loop3A_302 = arith.constant 0.000000e+00 : f32
        %parallel_loop3A_303 = vector.broadcast %parallel_loop3A_302 : f32 to vector<16xf32>
        %parallel_loop3A_304 = arith.maximumf %parallel_loop3A_301, %parallel_loop3A_303 : vector<16xf32>
        %parallel_loop3A_305 = arith.index_cast %parallel_loop3A_298 : i32 to index
        %parallel_loop3A_306 = tpu.vector_load %arg6[%parallel_loop3A_305] {strides = array<i32>} : memref<34816xf32, #tpu.memory_space<vmem>>, vector<16xf32>,
        tpu.vector_store %arg6[%parallel_loop3A_305], %parallel_loop3A_304 {strides = array<i32>} : memref<34816xf32, #tpu.memory_space<vmem>>, vector<16xf32>,
        %parallel_loop3A_307 = arith.constant 51 : i32
        %parallel_loop3A_308 = arith.addi %parallel_loop3A_276, %parallel_loop3A_307 : i32
        %parallel_loop3A_309 = arith.index_cast %parallel_loop3A_308 : i32 to index
        %parallel_loop3A_310 = tpu.vector_load %arg6[%parallel_loop3A_309] {strides = array<i32>} : memref<34816xf32, #tpu.memory_space<vmem>>, vector<16xf32>,
        %parallel_loop3A_311 = arith.subf %parallel_loop3A_310, %div3A_144 : vector<16xf32>
        %parallel_loop3A_312 = arith.constant 0.000000e+00 : f32
        %parallel_loop3A_313 = vector.broadcast %parallel_loop3A_312 : f32 to vector<16xf32>
        %parallel_loop3A_314 = arith.maximumf %parallel_loop3A_311, %parallel_loop3A_313 : vector<16xf32>
        %parallel_loop3A_315 = arith.index_cast %parallel_loop3A_308 : i32 to index
        %parallel_loop3A_316 = tpu.vector_load %arg6[%parallel_loop3A_315] {strides = array<i32>} : memref<34816xf32, #tpu.memory_space<vmem>>, vector<16xf32>,
        tpu.vector_store %arg6[%parallel_loop3A_315], %parallel_loop3A_314 {strides = array<i32>} : memref<34816xf32, #tpu.memory_space<vmem>>, vector<16xf32>,
        %parallel_loop3A_317 = arith.constant 68 : i32
        %parallel_loop3A_318 = arith.addi %parallel_loop3A_276, %parallel_loop3A_317 : i32
        %parallel_loop3A_319 = arith.index_cast %parallel_loop3A_318 : i32 to index
        %parallel_loop3A_320 = tpu.vector_load %arg6[%parallel_loop3A_319] {strides = array<i32>} : memref<34816xf32, #tpu.memory_space<vmem>>, vector<16xf32>,
        %parallel_loop3A_321 = arith.subf %parallel_loop3A_320, %div3A_144 : vector<16xf32>
        %parallel_loop3A_322 = arith.constant 0.000000e+00 : f32
        %parallel_loop3A_323 = vector.broadcast %parallel_loop3A_322 : f32 to vector<16xf32>
        %parallel_loop3A_324 = arith.maximumf %parallel_loop3A_321, %parallel_loop3A_323 : vector<16xf32>
        %parallel_loop3A_325 = arith.index_cast %parallel_loop3A_318 : i32 to index
        %parallel_loop3A_326 = tpu.vector_load %arg6[%parallel_loop3A_325] {strides = array<i32>} : memref<34816xf32, #tpu.memory_space<vmem>>, vector<16xf32>,
        tpu.vector_store %arg6[%parallel_loop3A_325], %parallel_loop3A_324 {strides = array<i32>} : memref<34816xf32, #tpu.memory_space<vmem>>, vector<16xf32>,
        %parallel_loop3A_327 = arith.constant 85 : i32
        %parallel_loop3A_328 = arith.addi %parallel_loop3A_276, %parallel_loop3A_327 : i32
        %parallel_loop3A_329 = arith.index_cast %parallel_loop3A_328 : i32 to index
        %parallel_loop3A_330 = tpu.vector_load %arg6[%parallel_loop3A_329] {strides = array<i32>} : memref<34816xf32, #tpu.memory_space<vmem>>, vector<16xf32>,
        %parallel_loop3A_331 = arith.subf %parallel_loop3A_330, %div3A_144 : vector<16xf32>
        %parallel_loop3A_332 = arith.constant 0.000000e+00 : f32
        %parallel_loop3A_333 = vector.broadcast %parallel_loop3A_332 : f32 to vector<16xf32>
        %parallel_loop3A_334 = arith.maximumf %parallel_loop3A_331, %parallel_loop3A_333 : vector<16xf32>
        %parallel_loop3A_335 = arith.index_cast %parallel_loop3A_328 : i32 to index
        %parallel_loop3A_336 = tpu.vector_load %arg6[%parallel_loop3A_335] {strides = array<i32>} : memref<34816xf32, #tpu.memory_space<vmem>>, vector<16xf32>,
        tpu.vector_store %arg6[%parallel_loop3A_335], %parallel_loop3A_334 {strides = array<i32>} : memref<34816xf32, #tpu.memory_space<vmem>>, vector<16xf32>,
        %parallel_loop3A_337 = arith.constant 102 : i32
        %parallel_loop3A_338 = arith.addi %parallel_loop3A_276, %parallel_loop3A_337 : i32
        %parallel_loop3A_339 = arith.index_cast %parallel_loop3A_338 : i32 to index
        %parallel_loop3A_340 = tpu.vector_load %arg6[%parallel_loop3A_339] {strides = array<i32>} : memref<34816xf32, #tpu.memory_space<vmem>>, vector<16xf32>,
        %parallel_loop3A_341 = arith.subf %parallel_loop3A_340, %div3A_144 : vector<16xf32>
        %parallel_loop3A_342 = arith.constant 0.000000e+00 : f32
        %parallel_loop3A_343 = vector.broadcast %parallel_loop3A_342 : f32 to vector<16xf32>
        %parallel_loop3A_344 = arith.maximumf %parallel_loop3A_341, %parallel_loop3A_343 : vector<16xf32>
        %parallel_loop3A_345 = arith.index_cast %parallel_loop3A_338 : i32 to index
        %parallel_loop3A_346 = tpu.vector_load %arg6[%parallel_loop3A_345] {strides = array<i32>} : memref<34816xf32, #tpu.memory_space<vmem>>, vector<16xf32>,
        tpu.vector_store %arg6[%parallel_loop3A_345], %parallel_loop3A_344 {strides = array<i32>} : memref<34816xf32, #tpu.memory_space<vmem>>, vector<16xf32>,
        %parallel_loop3A_347 = arith.constant 119 : i32
        %parallel_loop3A_348 = arith.addi %parallel_loop3A_276, %parallel_loop3A_347 : i32
        %parallel_loop3A_349 = arith.index_cast %parallel_loop3A_348 : i32 to index
        %parallel_loop3A_350 = tpu.vector_load %arg6[%parallel_loop3A_349] {strides = array<i32>} : memref<34816xf32, #tpu.memory_space<vmem>>, vector<16xf32>,
        %parallel_loop3A_351 = arith.subf %parallel_loop3A_350, %div3A_144 : vector<16xf32>
        %parallel_loop3A_352 = arith.constant 0.000000e+00 : f32
        %parallel_loop3A_353 = vector.broadcast %parallel_loop3A_352 : f32 to vector<16xf32>
        %parallel_loop3A_354 = arith.maximumf %parallel_loop3A_351, %parallel_loop3A_353 : vector<16xf32>
        %parallel_loop3A_355 = arith.index_cast %parallel_loop3A_348 : i32 to index
        %parallel_loop3A_356 = tpu.vector_load %arg6[%parallel_loop3A_355] {strides = array<i32>} : memref<34816xf32, #tpu.memory_space<vmem>>, vector<16xf32>,
        tpu.vector_store %arg6[%parallel_loop3A_355], %parallel_loop3A_354 {strides = array<i32>} : memref<34816xf32, #tpu.memory_space<vmem>>, vector<16xf32>,
      } {sc.loop_unroll_factor = 1 : i64, sc.parallel_access}
      %parallel_loop3A_148 = arith.constant 0 : i32
      %parallel_loop3A_149 = arith.constant 2048 : i32
      %parallel_loop3A_150 = arith.constant 16 : i32
      %parallel_loop3A_151 = scf.for %parallel_loop3A_276 = %parallel_loop3A_148 to %parallel_loop3A_149 step %parallel_loop3A_150 iter_args(%parallel_loop3A_277 = %mul3A_3) -> (vector<16xi32>)  : i32 {
        %parallel_loop3A_278 = arith.constant 0 : i32
        %parallel_loop3A_279 = vector.broadcast %parallel_loop3A_278 : i32 to vector<16xi32>
        %parallel_loop3A_280 = arith.addi %parallel_loop3A_277, %parallel_loop3A_279 : vector<16xi32>
        %parallel_loop3A_281 = tpu.vector_load_idx %arg6[%parallel_loop3A_280] : memref<34816xf32, #tpu.memory_space<vmem>>[vector<16xi32>], vector<16xf32>,
        %parallel_loop3A_282 = arith.constant 0 : i32
        %parallel_loop3A_283 = arith.addi %parallel_loop3A_282, %parallel_loop3A_276 : i32
        %parallel_loop3A_284 = arith.index_cast %parallel_loop3A_283 : i32 to index
        %parallel_loop3A_285 = tpu.vector_load %arg4[%parallel_loop3A_284] {strides = array<i32>} : memref<32768xf32, #tpu.memory_space<vmem>>, vector<16xf32>,
        tpu.vector_store %arg4[%parallel_loop3A_284], %parallel_loop3A_281 {strides = array<i32>} : memref<32768xf32, #tpu.memory_space<vmem>>, vector<16xf32>,
        %parallel_loop3A_286 = arith.constant 1 : i32
        %parallel_loop3A_287 = vector.broadcast %parallel_loop3A_286 : i32 to vector<16xi32>
        %parallel_loop3A_288 = arith.addi %parallel_loop3A_277, %parallel_loop3A_287 : vector<16xi32>
        %parallel_loop3A_289 = tpu.vector_load_idx %arg6[%parallel_loop3A_288] : memref<34816xf32, #tpu.memory_space<vmem>>[vector<16xi32>], vector<16xf32>,
        %parallel_loop3A_290 = arith.constant 2048 : i32
        %parallel_loop3A_291 = arith.addi %parallel_loop3A_290, %parallel_loop3A_276 : i32
        %parallel_loop3A_292 = arith.index_cast %parallel_loop3A_291 : i32 to index
        %parallel_loop3A_293 = tpu.vector_load %arg4[%parallel_loop3A_292] {strides = array<i32>} : memref<32768xf32, #tpu.memory_space<vmem>>, vector<16xf32>,
        tpu.vector_store %arg4[%parallel_loop3A_292], %parallel_loop3A_289 {strides = array<i32>} : memref<32768xf32, #tpu.memory_space<vmem>>, vector<16xf32>,
        %parallel_loop3A_294 = arith.constant 2 : i32
        %parallel_loop3A_295 = vector.broadcast %parallel_loop3A_294 : i32 to vector<16xi32>
        %parallel_loop3A_296 = arith.addi %parallel_loop3A_277, %parallel_loop3A_295 : vector<16xi32>
        %parallel_loop3A_297 = tpu.vector_load_idx %arg6[%parallel_loop3A_296] : memref<34816xf32, #tpu.memory_space<vmem>>[vector<16xi32>], vector<16xf32>,
        %parallel_loop3A_298 = arith.constant 4096 : i32
        %parallel_loop3A_299 = arith.addi %parallel_loop3A_298, %parallel_loop3A_276 : i32
        %parallel_loop3A_300 = arith.index_cast %parallel_loop3A_299 : i32 to index
        %parallel_loop3A_301 = tpu.vector_load %arg4[%parallel_loop3A_300] {strides = array<i32>} : memref<32768xf32, #tpu.memory_space<vmem>>, vector<16xf32>,
        tpu.vector_store %arg4[%parallel_loop3A_300], %parallel_loop3A_297 {strides = array<i32>} : memref<32768xf32, #tpu.memory_space<vmem>>, vector<16xf32>,
        %parallel_loop3A_302 = arith.constant 3 : i32
        %parallel_loop3A_303 = vector.broadcast %parallel_loop3A_302 : i32 to vector<16xi32>
        %parallel_loop3A_304 = arith.addi %parallel_loop3A_277, %parallel_loop3A_303 : vector<16xi32>
        %parallel_loop3A_305 = tpu.vector_load_idx %arg6[%parallel_loop3A_304] : memref<34816xf32, #tpu.memory_space<vmem>>[vector<16xi32>], vector<16xf32>,
        %parallel_loop3A_306 = arith.constant 6144 : i32
        %parallel_loop3A_307 = arith.addi %parallel_loop3A_306, %parallel_loop3A_276 : i32
        %parallel_loop3A_308 = arith.index_cast %parallel_loop3A_307 : i32 to index
        %parallel_loop3A_309 = tpu.vector_load %arg4[%parallel_loop3A_308] {strides = array<i32>} : memref<32768xf32, #tpu.memory_space<vmem>>, vector<16xf32>,
        tpu.vector_store %arg4[%parallel_loop3A_308], %parallel_loop3A_305 {strides = array<i32>} : memref<32768xf32, #tpu.memory_space<vmem>>, vector<16xf32>,
        %parallel_loop3A_310 = arith.constant 4 : i32
        %parallel_loop3A_311 = vector.broadcast %parallel_loop3A_310 : i32 to vector<16xi32>
        %parallel_loop3A_312 = arith.addi %parallel_loop3A_277, %parallel_loop3A_311 : vector<16xi32>
        %parallel_loop3A_313 = tpu.vector_load_idx %arg6[%parallel_loop3A_312] : memref<34816xf32, #tpu.memory_space<vmem>>[vector<16xi32>], vector<16xf32>,
        %parallel_loop3A_314 = arith.constant 8192 : i32
        %parallel_loop3A_315 = arith.addi %parallel_loop3A_314, %parallel_loop3A_276 : i32
        %parallel_loop3A_316 = arith.index_cast %parallel_loop3A_315 : i32 to index
        %parallel_loop3A_317 = tpu.vector_load %arg4[%parallel_loop3A_316] {strides = array<i32>} : memref<32768xf32, #tpu.memory_space<vmem>>, vector<16xf32>,
        tpu.vector_store %arg4[%parallel_loop3A_316], %parallel_loop3A_313 {strides = array<i32>} : memref<32768xf32, #tpu.memory_space<vmem>>, vector<16xf32>,
        %parallel_loop3A_318 = arith.constant 5 : i32
        %parallel_loop3A_319 = vector.broadcast %parallel_loop3A_318 : i32 to vector<16xi32>
        %parallel_loop3A_320 = arith.addi %parallel_loop3A_277, %parallel_loop3A_319 : vector<16xi32>
        %parallel_loop3A_321 = tpu.vector_load_idx %arg6[%parallel_loop3A_320] : memref<34816xf32, #tpu.memory_space<vmem>>[vector<16xi32>], vector<16xf32>,
        %parallel_loop3A_322 = arith.constant 10240 : i32
        %parallel_loop3A_323 = arith.addi %parallel_loop3A_322, %parallel_loop3A_276 : i32
        %parallel_loop3A_324 = arith.index_cast %parallel_loop3A_323 : i32 to index
        %parallel_loop3A_325 = tpu.vector_load %arg4[%parallel_loop3A_324] {strides = array<i32>} : memref<32768xf32, #tpu.memory_space<vmem>>, vector<16xf32>,
        tpu.vector_store %arg4[%parallel_loop3A_324], %parallel_loop3A_321 {strides = array<i32>} : memref<32768xf32, #tpu.memory_space<vmem>>, vector<16xf32>,
        %parallel_loop3A_326 = arith.constant 6 : i32
        %parallel_loop3A_327 = vector.broadcast %parallel_loop3A_326 : i32 to vector<16xi32>
        %parallel_loop3A_328 = arith.addi %parallel_loop3A_277, %parallel_loop3A_327 : vector<16xi32>
        %parallel_loop3A_329 = tpu.vector_load_idx %arg6[%parallel_loop3A_328] : memref<34816xf32, #tpu.memory_space<vmem>>[vector<16xi32>], vector<16xf32>,
        %parallel_loop3A_330 = arith.constant 12288 : i32
        %parallel_loop3A_331 = arith.addi %parallel_loop3A_330, %parallel_loop3A_276 : i32
        %parallel_loop3A_332 = arith.index_cast %parallel_loop3A_331 : i32 to index
        %parallel_loop3A_333 = tpu.vector_load %arg4[%parallel_loop3A_332] {strides = array<i32>} : memref<32768xf32, #tpu.memory_space<vmem>>, vector<16xf32>,
        tpu.vector_store %arg4[%parallel_loop3A_332], %parallel_loop3A_329 {strides = array<i32>} : memref<32768xf32, #tpu.memory_space<vmem>>, vector<16xf32>,
        %parallel_loop3A_334 = arith.constant 7 : i32
        %parallel_loop3A_335 = vector.broadcast %parallel_loop3A_334 : i32 to vector<16xi32>
        %parallel_loop3A_336 = arith.addi %parallel_loop3A_277, %parallel_loop3A_335 : vector<16xi32>
        %parallel_loop3A_337 = tpu.vector_load_idx %arg6[%parallel_loop3A_336] : memref<34816xf32, #tpu.memory_space<vmem>>[vector<16xi32>], vector<16xf32>,
        %parallel_loop3A_338 = arith.constant 14336 : i32
        %parallel_loop3A_339 = arith.addi %parallel_loop3A_338, %parallel_loop3A_276 : i32
        %parallel_loop3A_340 = arith.index_cast %parallel_loop3A_339 : i32 to index
        %parallel_loop3A_341 = tpu.vector_load %arg4[%parallel_loop3A_340] {strides = array<i32>} : memref<32768xf32, #tpu.memory_space<vmem>>, vector<16xf32>,
        tpu.vector_store %arg4[%parallel_loop3A_340], %parallel_loop3A_337 {strides = array<i32>} : memref<32768xf32, #tpu.memory_space<vmem>>, vector<16xf32>,
        %parallel_loop3A_342 = arith.constant 8 : i32
        %parallel_loop3A_343 = vector.broadcast %parallel_loop3A_342 : i32 to vector<16xi32>
        %parallel_loop3A_344 = arith.addi %parallel_loop3A_277, %parallel_loop3A_343 : vector<16xi32>
        %parallel_loop3A_345 = tpu.vector_load_idx %arg6[%parallel_loop3A_344] : memref<34816xf32, #tpu.memory_space<vmem>>[vector<16xi32>], vector<16xf32>,
        %parallel_loop3A_346 = arith.constant 16384 : i32
        %parallel_loop3A_347 = arith.addi %parallel_loop3A_346, %parallel_loop3A_276 : i32
        %parallel_loop3A_348 = arith.index_cast %parallel_loop3A_347 : i32 to index
        %parallel_loop3A_349 = tpu.vector_load %arg4[%parallel_loop3A_348] {strides = array<i32>} : memref<32768xf32, #tpu.memory_space<vmem>>, vector<16xf32>,
        tpu.vector_store %arg4[%parallel_loop3A_348], %parallel_loop3A_345 {strides = array<i32>} : memref<32768xf32, #tpu.memory_space<vmem>>, vector<16xf32>,
        %parallel_loop3A_350 = arith.constant 9 : i32
        %parallel_loop3A_351 = vector.broadcast %parallel_loop3A_350 : i32 to vector<16xi32>
        %parallel_loop3A_352 = arith.addi %parallel_loop3A_277, %parallel_loop3A_351 : vector<16xi32>
        %parallel_loop3A_353 = tpu.vector_load_idx %arg6[%parallel_loop3A_352] : memref<34816xf32, #tpu.memory_space<vmem>>[vector<16xi32>], vector<16xf32>,
        %parallel_loop3A_354 = arith.constant 18432 : i32
        %parallel_loop3A_355 = arith.addi %parallel_loop3A_354, %parallel_loop3A_276 : i32
        %parallel_loop3A_356 = arith.index_cast %parallel_loop3A_355 : i32 to index
        %parallel_loop3A_357 = tpu.vector_load %arg4[%parallel_loop3A_356] {strides = array<i32>} : memref<32768xf32, #tpu.memory_space<vmem>>, vector<16xf32>,
        tpu.vector_store %arg4[%parallel_loop3A_356], %parallel_loop3A_353 {strides = array<i32>} : memref<32768xf32, #tpu.memory_space<vmem>>, vector<16xf32>,
        %parallel_loop3A_358 = arith.constant 10 : i32
        %parallel_loop3A_359 = vector.broadcast %parallel_loop3A_358 : i32 to vector<16xi32>
        %parallel_loop3A_360 = arith.addi %parallel_loop3A_277, %parallel_loop3A_359 : vector<16xi32>
        %parallel_loop3A_361 = tpu.vector_load_idx %arg6[%parallel_loop3A_360] : memref<34816xf32, #tpu.memory_space<vmem>>[vector<16xi32>], vector<16xf32>,
        %parallel_loop3A_362 = arith.constant 20480 : i32
        %parallel_loop3A_363 = arith.addi %parallel_loop3A_362, %parallel_loop3A_276 : i32
        %parallel_loop3A_364 = arith.index_cast %parallel_loop3A_363 : i32 to index
        %parallel_loop3A_365 = tpu.vector_load %arg4[%parallel_loop3A_364] {strides = array<i32>} : memref<32768xf32, #tpu.memory_space<vmem>>, vector<16xf32>,
        tpu.vector_store %arg4[%parallel_loop3A_364], %parallel_loop3A_361 {strides = array<i32>} : memref<32768xf32, #tpu.memory_space<vmem>>, vector<16xf32>,
        %parallel_loop3A_366 = arith.constant 11 : i32
        %parallel_loop3A_367 = vector.broadcast %parallel_loop3A_366 : i32 to vector<16xi32>
        %parallel_loop3A_368 = arith.addi %parallel_loop3A_277, %parallel_loop3A_367 : vector<16xi32>
        %parallel_loop3A_369 = tpu.vector_load_idx %arg6[%parallel_loop3A_368] : memref<34816xf32, #tpu.memory_space<vmem>>[vector<16xi32>], vector<16xf32>,
        %parallel_loop3A_370 = arith.constant 22528 : i32
        %parallel_loop3A_371 = arith.addi %parallel_loop3A_370, %parallel_loop3A_276 : i32
        %parallel_loop3A_372 = arith.index_cast %parallel_loop3A_371 : i32 to index
        %parallel_loop3A_373 = tpu.vector_load %arg4[%parallel_loop3A_372] {strides = array<i32>} : memref<32768xf32, #tpu.memory_space<vmem>>, vector<16xf32>,
        tpu.vector_store %arg4[%parallel_loop3A_372], %parallel_loop3A_369 {strides = array<i32>} : memref<32768xf32, #tpu.memory_space<vmem>>, vector<16xf32>,
        %parallel_loop3A_374 = arith.constant 12 : i32
        %parallel_loop3A_375 = vector.broadcast %parallel_loop3A_374 : i32 to vector<16xi32>
        %parallel_loop3A_376 = arith.addi %parallel_loop3A_277, %parallel_loop3A_375 : vector<16xi32>
        %parallel_loop3A_377 = tpu.vector_load_idx %arg6[%parallel_loop3A_376] : memref<34816xf32, #tpu.memory_space<vmem>>[vector<16xi32>], vector<16xf32>,
        %parallel_loop3A_378 = arith.constant 24576 : i32
        %parallel_loop3A_379 = arith.addi %parallel_loop3A_378, %parallel_loop3A_276 : i32
        %parallel_loop3A_380 = arith.index_cast %parallel_loop3A_379 : i32 to index
        %parallel_loop3A_381 = tpu.vector_load %arg4[%parallel_loop3A_380] {strides = array<i32>} : memref<32768xf32, #tpu.memory_space<vmem>>, vector<16xf32>,
        tpu.vector_store %arg4[%parallel_loop3A_380], %parallel_loop3A_377 {strides = array<i32>} : memref<32768xf32, #tpu.memory_space<vmem>>, vector<16xf32>,
        %parallel_loop3A_382 = arith.constant 13 : i32
        %parallel_loop3A_383 = vector.broadcast %parallel_loop3A_382 : i32 to vector<16xi32>
        %parallel_loop3A_384 = arith.addi %parallel_loop3A_277, %parallel_loop3A_383 : vector<16xi32>
        %parallel_loop3A_385 = tpu.vector_load_idx %arg6[%parallel_loop3A_384] : memref<34816xf32, #tpu.memory_space<vmem>>[vector<16xi32>], vector<16xf32>,
        %parallel_loop3A_386 = arith.constant 26624 : i32
        %parallel_loop3A_387 = arith.addi %parallel_loop3A_386, %parallel_loop3A_276 : i32
        %parallel_loop3A_388 = arith.index_cast %parallel_loop3A_387 : i32 to index
        %parallel_loop3A_389 = tpu.vector_load %arg4[%parallel_loop3A_388] {strides = array<i32>} : memref<32768xf32, #tpu.memory_space<vmem>>, vector<16xf32>,
        tpu.vector_store %arg4[%parallel_loop3A_388], %parallel_loop3A_385 {strides = array<i32>} : memref<32768xf32, #tpu.memory_space<vmem>>, vector<16xf32>,
        %parallel_loop3A_390 = arith.constant 14 : i32
        %parallel_loop3A_391 = vector.broadcast %parallel_loop3A_390 : i32 to vector<16xi32>
        %parallel_loop3A_392 = arith.addi %parallel_loop3A_277, %parallel_loop3A_391 : vector<16xi32>
        %parallel_loop3A_393 = tpu.vector_load_idx %arg6[%parallel_loop3A_392] : memref<34816xf32, #tpu.memory_space<vmem>>[vector<16xi32>], vector<16xf32>,
        %parallel_loop3A_394 = arith.constant 28672 : i32
        %parallel_loop3A_395 = arith.addi %parallel_loop3A_394, %parallel_loop3A_276 : i32
        %parallel_loop3A_396 = arith.index_cast %parallel_loop3A_395 : i32 to index
        %parallel_loop3A_397 = tpu.vector_load %arg4[%parallel_loop3A_396] {strides = array<i32>} : memref<32768xf32, #tpu.memory_space<vmem>>, vector<16xf32>,
        tpu.vector_store %arg4[%parallel_loop3A_396], %parallel_loop3A_393 {strides = array<i32>} : memref<32768xf32, #tpu.memory_space<vmem>>, vector<16xf32>,
        %parallel_loop3A_398 = arith.constant 15 : i32
        %parallel_loop3A_399 = vector.broadcast %parallel_loop3A_398 : i32 to vector<16xi32>
        %parallel_loop3A_400 = arith.addi %parallel_loop3A_277, %parallel_loop3A_399 : vector<16xi32>
        %parallel_loop3A_401 = tpu.vector_load_idx %arg6[%parallel_loop3A_400] : memref<34816xf32, #tpu.memory_space<vmem>>[vector<16xi32>], vector<16xf32>,
        %parallel_loop3A_402 = arith.constant 30720 : i32
        %parallel_loop3A_403 = arith.addi %parallel_loop3A_402, %parallel_loop3A_276 : i32
        %parallel_loop3A_404 = arith.index_cast %parallel_loop3A_403 : i32 to index
        %parallel_loop3A_405 = tpu.vector_load %arg4[%parallel_loop3A_404] {strides = array<i32>} : memref<32768xf32, #tpu.memory_space<vmem>>, vector<16xf32>,
        tpu.vector_store %arg4[%parallel_loop3A_404], %parallel_loop3A_401 {strides = array<i32>} : memref<32768xf32, #tpu.memory_space<vmem>>, vector<16xf32>,
        %parallel_loop3A_406 = arith.constant 272 : i32
        %parallel_loop3A_407 = vector.broadcast %parallel_loop3A_406 : i32 to vector<16xi32>
        %parallel_loop3A_408 = arith.addi %parallel_loop3A_277, %parallel_loop3A_407 : vector<16xi32>
        scf.yield %parallel_loop3A_408 : vector<16xi32>
      } {sc.loop_unroll_factor = 1 : i64, sc.parallel_access}
      "tpu.region"() ({
        %run_scoped3A = tpu.sem_alloc : memref<!tpu.dma_semaphore, #tpu.memory_space<semaphore_mem>>
        %dma_start3A_276 = tpu.memref_slice %arg3[%mul3A_60] : memref<16777216xf32, #tpu.memory_space<hbm>> -> memref<32768xf32, #tpu.memory_space<hbm>>
        %dma_start3A_277 = tpu.memref_slice %arg3[%mul3A_60] : memref<16777216xf32, #tpu.memory_space<hbm>> -> memref<32768xf32, #tpu.memory_space<hbm>>
        tpu.enqueue_dma source(%arg4 : memref<32768xf32, #tpu.memory_space<vmem>>) target(%dma_start3A_277 : memref<32768xf32, #tpu.memory_space<hbm>>) target_semaphore(%run_scoped3A : memref<!tpu.dma_semaphore, #tpu.memory_space<semaphore_mem>>)
        %dma_wait3A_278 = tpu.memref_slice %arg3[%mul3A_60] : memref<16777216xf32, #tpu.memory_space<hbm>> -> memref<32768xf32, #tpu.memory_space<hbm>>
        %dma_wait3A_279 = tpu.memref_slice %arg3[%mul3A_60] : memref<16777216xf32, #tpu.memory_space<hbm>> -> memref<32768xf32, #tpu.memory_space<hbm>>
        tpu.wait_dma2 semaphore(%run_scoped3A : memref<!tpu.dma_semaphore, #tpu.memory_space<semaphore_mem>>) src(%arg4 : memref<32768xf32, #tpu.memory_space<vmem>>) dst(%dma_wait3A_279 : memref<32768xf32, #tpu.memory_space<hbm>>)
        tpu.yield
      }) : () -> ()
      %add3A_152 = arith.constant 1 : i32
      %add3A_153 = arith.addi %mul3A_35, %add3A_152 : i32
      %mul3A_154 = arith.constant 16 : i32
      %mul3A_155 = arith.muli %add3A, %mul3A_154 : i32
      %rem3A_156 = arith.constant 16 : i32
      %rem3A_157 = arith.remsi %add3A_153, %rem3A_156 : i32
      %add3A_158 = arith.addi %mul3A_155, %rem3A_157 : i32
      %mul3A_159 = arith.constant 32768 : i32
      %mul3A_160 = arith.muli %add3A_158, %mul3A_159 : i32
      %dma_wait3A_161 = tpu.memref_slice %arg2[%mul3A_160] : memref<16777216xf32, #tpu.memory_space<hbm>> -> memref<32768xf32, #tpu.memory_space<hbm>>
      %dma_wait3A_162 = tpu.memref_slice %arg2[%mul3A_160] : memref<16777216xf32, #tpu.memory_space<hbm>> -> memref<32768xf32, #tpu.memory_space<hbm>>
      tpu.wait_dma2 semaphore(%arg9 : memref<!tpu.dma_semaphore, #tpu.memory_space<semaphore_mem>>) src(%dma_wait3A_162 : memref<32768xf32, #tpu.memory_space<hbm>>) dst(%arg5 : memref<32768xf32, #tpu.memory_space<vmem>>)
      %add3A_163 = arith.constant 2 : i32
      %add3A_164 = arith.addi %mul3A_35, %add3A_163 : i32
      %mul3A_165 = arith.constant 16 : i32
      %mul3A_166 = arith.muli %add3A, %mul3A_165 : i32
      %rem3A_167 = arith.constant 16 : i32
      %rem3A_168 = arith.remsi %add3A_164, %rem3A_167 : i32
      %add3A_169 = arith.addi %mul3A_166, %rem3A_168 : i32
      %mul3A_170 = arith.constant 32768 : i32
      %mul3A_171 = arith.muli %add3A_169, %mul3A_170 : i32
      %dma_start3A_172 = tpu.memref_slice %arg2[%mul3A_171] : memref<16777216xf32, #tpu.memory_space<hbm>> -> memref<32768xf32, #tpu.memory_space<hbm>>
      %dma_start3A_173 = tpu.memref_slice %arg2[%mul3A_171] : memref<16777216xf32, #tpu.memory_space<hbm>> -> memref<32768xf32, #tpu.memory_space<hbm>>
      tpu.enqueue_dma source(%dma_start3A_173 : memref<32768xf32, #tpu.memory_space<hbm>>) target(%arg4 : memref<32768xf32, #tpu.memory_space<vmem>>) target_semaphore(%arg9 : memref<!tpu.dma_semaphore, #tpu.memory_space<semaphore_mem>>)
      %add3A_174 = arith.constant 1 : i32
      %add3A_175 = arith.addi %mul3A_35, %add3A_174 : i32
      %mul3A_176 = arith.constant 16 : i32
      %mul3A_177 = arith.muli %add3A, %mul3A_176 : i32
      %add3A_178 = arith.addi %mul3A_177, %add3A_175 : i32
      %mul3A_179 = arith.constant 32768 : i32
      %mul3A_180 = arith.muli %add3A_178, %mul3A_179 : i32
      %parallel_loop3A_181 = arith.constant 0 : i32
      %parallel_loop3A_182 = arith.constant 2048 : i32
      %parallel_loop3A_183 = arith.constant 16 : i32
      %parallel_loop3A_184 = scf.for %parallel_loop3A_276 = %parallel_loop3A_181 to %parallel_loop3A_182 step %parallel_loop3A_183 iter_args(%parallel_loop3A_277 = %mul3A_3) -> (vector<16xi32>)  : i32 {
        %parallel_loop3A_278 = arith.constant 0 : i32
        %parallel_loop3A_279 = arith.addi %parallel_loop3A_278, %parallel_loop3A_276 : i32
        %parallel_loop3A_280 = arith.index_cast %parallel_loop3A_279 : i32 to index
        %parallel_loop3A_281 = tpu.vector_load %arg5[%parallel_loop3A_280] {strides = array<i32>} : memref<32768xf32, #tpu.memory_space<vmem>>, vector<16xf32>,
        %parallel_loop3A_282 = arith.constant 0 : i32
        %parallel_loop3A_283 = vector.broadcast %parallel_loop3A_282 : i32 to vector<16xi32>
        %parallel_loop3A_284 = arith.addi %parallel_loop3A_277, %parallel_loop3A_283 : vector<16xi32>
        tpu.vector_store_idx %arg6[%parallel_loop3A_284], %parallel_loop3A_281 : memref<34816xf32, #tpu.memory_space<vmem>>[vector<16xi32>], vector<16xf32>,
        %parallel_loop3A_285 = arith.constant 2048 : i32
        %parallel_loop3A_286 = arith.addi %parallel_loop3A_285, %parallel_loop3A_276 : i32
        %parallel_loop3A_287 = arith.index_cast %parallel_loop3A_286 : i32 to index
        %parallel_loop3A_288 = tpu.vector_load %arg5[%parallel_loop3A_287] {strides = array<i32>} : memref<32768xf32, #tpu.memory_space<vmem>>, vector<16xf32>,
        %parallel_loop3A_289 = arith.constant 1 : i32
        %parallel_loop3A_290 = vector.broadcast %parallel_loop3A_289 : i32 to vector<16xi32>
        %parallel_loop3A_291 = arith.addi %parallel_loop3A_277, %parallel_loop3A_290 : vector<16xi32>
        tpu.vector_store_idx %arg6[%parallel_loop3A_291], %parallel_loop3A_288 : memref<34816xf32, #tpu.memory_space<vmem>>[vector<16xi32>], vector<16xf32>,
        %parallel_loop3A_292 = arith.constant 4096 : i32
        %parallel_loop3A_293 = arith.addi %parallel_loop3A_292, %parallel_loop3A_276 : i32
        %parallel_loop3A_294 = arith.index_cast %parallel_loop3A_293 : i32 to index
        %parallel_loop3A_295 = tpu.vector_load %arg5[%parallel_loop3A_294] {strides = array<i32>} : memref<32768xf32, #tpu.memory_space<vmem>>, vector<16xf32>,
        %parallel_loop3A_296 = arith.constant 2 : i32
        %parallel_loop3A_297 = vector.broadcast %parallel_loop3A_296 : i32 to vector<16xi32>
        %parallel_loop3A_298 = arith.addi %parallel_loop3A_277, %parallel_loop3A_297 : vector<16xi32>
        tpu.vector_store_idx %arg6[%parallel_loop3A_298], %parallel_loop3A_295 : memref<34816xf32, #tpu.memory_space<vmem>>[vector<16xi32>], vector<16xf32>,
        %parallel_loop3A_299 = arith.constant 6144 : i32
        %parallel_loop3A_300 = arith.addi %parallel_loop3A_299, %parallel_loop3A_276 : i32
        %parallel_loop3A_301 = arith.index_cast %parallel_loop3A_300 : i32 to index
        %parallel_loop3A_302 = tpu.vector_load %arg5[%parallel_loop3A_301] {strides = array<i32>} : memref<32768xf32, #tpu.memory_space<vmem>>, vector<16xf32>,
        %parallel_loop3A_303 = arith.constant 3 : i32
        %parallel_loop3A_304 = vector.broadcast %parallel_loop3A_303 : i32 to vector<16xi32>
        %parallel_loop3A_305 = arith.addi %parallel_loop3A_277, %parallel_loop3A_304 : vector<16xi32>
        tpu.vector_store_idx %arg6[%parallel_loop3A_305], %parallel_loop3A_302 : memref<34816xf32, #tpu.memory_space<vmem>>[vector<16xi32>], vector<16xf32>,
        %parallel_loop3A_306 = arith.constant 8192 : i32
        %parallel_loop3A_307 = arith.addi %parallel_loop3A_306, %parallel_loop3A_276 : i32
        %parallel_loop3A_308 = arith.index_cast %parallel_loop3A_307 : i32 to index
        %parallel_loop3A_309 = tpu.vector_load %arg5[%parallel_loop3A_308] {strides = array<i32>} : memref<32768xf32, #tpu.memory_space<vmem>>, vector<16xf32>,
        %parallel_loop3A_310 = arith.constant 4 : i32
        %parallel_loop3A_311 = vector.broadcast %parallel_loop3A_310 : i32 to vector<16xi32>
        %parallel_loop3A_312 = arith.addi %parallel_loop3A_277, %parallel_loop3A_311 : vector<16xi32>
        tpu.vector_store_idx %arg6[%parallel_loop3A_312], %parallel_loop3A_309 : memref<34816xf32, #tpu.memory_space<vmem>>[vector<16xi32>], vector<16xf32>,
        %parallel_loop3A_313 = arith.constant 10240 : i32
        %parallel_loop3A_314 = arith.addi %parallel_loop3A_313, %parallel_loop3A_276 : i32
        %parallel_loop3A_315 = arith.index_cast %parallel_loop3A_314 : i32 to index
        %parallel_loop3A_316 = tpu.vector_load %arg5[%parallel_loop3A_315] {strides = array<i32>} : memref<32768xf32, #tpu.memory_space<vmem>>, vector<16xf32>,
        %parallel_loop3A_317 = arith.constant 5 : i32
        %parallel_loop3A_318 = vector.broadcast %parallel_loop3A_317 : i32 to vector<16xi32>
        %parallel_loop3A_319 = arith.addi %parallel_loop3A_277, %parallel_loop3A_318 : vector<16xi32>
        tpu.vector_store_idx %arg6[%parallel_loop3A_319], %parallel_loop3A_316 : memref<34816xf32, #tpu.memory_space<vmem>>[vector<16xi32>], vector<16xf32>,
        %parallel_loop3A_320 = arith.constant 12288 : i32
        %parallel_loop3A_321 = arith.addi %parallel_loop3A_320, %parallel_loop3A_276 : i32
        %parallel_loop3A_322 = arith.index_cast %parallel_loop3A_321 : i32 to index
        %parallel_loop3A_323 = tpu.vector_load %arg5[%parallel_loop3A_322] {strides = array<i32>} : memref<32768xf32, #tpu.memory_space<vmem>>, vector<16xf32>,
        %parallel_loop3A_324 = arith.constant 6 : i32
        %parallel_loop3A_325 = vector.broadcast %parallel_loop3A_324 : i32 to vector<16xi32>
        %parallel_loop3A_326 = arith.addi %parallel_loop3A_277, %parallel_loop3A_325 : vector<16xi32>
        tpu.vector_store_idx %arg6[%parallel_loop3A_326], %parallel_loop3A_323 : memref<34816xf32, #tpu.memory_space<vmem>>[vector<16xi32>], vector<16xf32>,
        %parallel_loop3A_327 = arith.constant 14336 : i32
        %parallel_loop3A_328 = arith.addi %parallel_loop3A_327, %parallel_loop3A_276 : i32
        %parallel_loop3A_329 = arith.index_cast %parallel_loop3A_328 : i32 to index
        %parallel_loop3A_330 = tpu.vector_load %arg5[%parallel_loop3A_329] {strides = array<i32>} : memref<32768xf32, #tpu.memory_space<vmem>>, vector<16xf32>,
        %parallel_loop3A_331 = arith.constant 7 : i32
        %parallel_loop3A_332 = vector.broadcast %parallel_loop3A_331 : i32 to vector<16xi32>
        %parallel_loop3A_333 = arith.addi %parallel_loop3A_277, %parallel_loop3A_332 : vector<16xi32>
        tpu.vector_store_idx %arg6[%parallel_loop3A_333], %parallel_loop3A_330 : memref<34816xf32, #tpu.memory_space<vmem>>[vector<16xi32>], vector<16xf32>,
        %parallel_loop3A_334 = arith.constant 16384 : i32
        %parallel_loop3A_335 = arith.addi %parallel_loop3A_334, %parallel_loop3A_276 : i32
        %parallel_loop3A_336 = arith.index_cast %parallel_loop3A_335 : i32 to index
        %parallel_loop3A_337 = tpu.vector_load %arg5[%parallel_loop3A_336] {strides = array<i32>} : memref<32768xf32, #tpu.memory_space<vmem>>, vector<16xf32>,
        %parallel_loop3A_338 = arith.constant 8 : i32
        %parallel_loop3A_339 = vector.broadcast %parallel_loop3A_338 : i32 to vector<16xi32>
        %parallel_loop3A_340 = arith.addi %parallel_loop3A_277, %parallel_loop3A_339 : vector<16xi32>
        tpu.vector_store_idx %arg6[%parallel_loop3A_340], %parallel_loop3A_337 : memref<34816xf32, #tpu.memory_space<vmem>>[vector<16xi32>], vector<16xf32>,
        %parallel_loop3A_341 = arith.constant 18432 : i32
        %parallel_loop3A_342 = arith.addi %parallel_loop3A_341, %parallel_loop3A_276 : i32
        %parallel_loop3A_343 = arith.index_cast %parallel_loop3A_342 : i32 to index
        %parallel_loop3A_344 = tpu.vector_load %arg5[%parallel_loop3A_343] {strides = array<i32>} : memref<32768xf32, #tpu.memory_space<vmem>>, vector<16xf32>,
        %parallel_loop3A_345 = arith.constant 9 : i32
        %parallel_loop3A_346 = vector.broadcast %parallel_loop3A_345 : i32 to vector<16xi32>
        %parallel_loop3A_347 = arith.addi %parallel_loop3A_277, %parallel_loop3A_346 : vector<16xi32>
        tpu.vector_store_idx %arg6[%parallel_loop3A_347], %parallel_loop3A_344 : memref<34816xf32, #tpu.memory_space<vmem>>[vector<16xi32>], vector<16xf32>,
        %parallel_loop3A_348 = arith.constant 20480 : i32
        %parallel_loop3A_349 = arith.addi %parallel_loop3A_348, %parallel_loop3A_276 : i32
        %parallel_loop3A_350 = arith.index_cast %parallel_loop3A_349 : i32 to index
        %parallel_loop3A_351 = tpu.vector_load %arg5[%parallel_loop3A_350] {strides = array<i32>} : memref<32768xf32, #tpu.memory_space<vmem>>, vector<16xf32>,
        %parallel_loop3A_352 = arith.constant 10 : i32
        %parallel_loop3A_353 = vector.broadcast %parallel_loop3A_352 : i32 to vector<16xi32>
        %parallel_loop3A_354 = arith.addi %parallel_loop3A_277, %parallel_loop3A_353 : vector<16xi32>
        tpu.vector_store_idx %arg6[%parallel_loop3A_354], %parallel_loop3A_351 : memref<34816xf32, #tpu.memory_space<vmem>>[vector<16xi32>], vector<16xf32>,
        %parallel_loop3A_355 = arith.constant 22528 : i32
        %parallel_loop3A_356 = arith.addi %parallel_loop3A_355, %parallel_loop3A_276 : i32
        %parallel_loop3A_357 = arith.index_cast %parallel_loop3A_356 : i32 to index
        %parallel_loop3A_358 = tpu.vector_load %arg5[%parallel_loop3A_357] {strides = array<i32>} : memref<32768xf32, #tpu.memory_space<vmem>>, vector<16xf32>,
        %parallel_loop3A_359 = arith.constant 11 : i32
        %parallel_loop3A_360 = vector.broadcast %parallel_loop3A_359 : i32 to vector<16xi32>
        %parallel_loop3A_361 = arith.addi %parallel_loop3A_277, %parallel_loop3A_360 : vector<16xi32>
        tpu.vector_store_idx %arg6[%parallel_loop3A_361], %parallel_loop3A_358 : memref<34816xf32, #tpu.memory_space<vmem>>[vector<16xi32>], vector<16xf32>,
        %parallel_loop3A_362 = arith.constant 24576 : i32
        %parallel_loop3A_363 = arith.addi %parallel_loop3A_362, %parallel_loop3A_276 : i32
        %parallel_loop3A_364 = arith.index_cast %parallel_loop3A_363 : i32 to index
        %parallel_loop3A_365 = tpu.vector_load %arg5[%parallel_loop3A_364] {strides = array<i32>} : memref<32768xf32, #tpu.memory_space<vmem>>, vector<16xf32>,
        %parallel_loop3A_366 = arith.constant 12 : i32
        %parallel_loop3A_367 = vector.broadcast %parallel_loop3A_366 : i32 to vector<16xi32>
        %parallel_loop3A_368 = arith.addi %parallel_loop3A_277, %parallel_loop3A_367 : vector<16xi32>
        tpu.vector_store_idx %arg6[%parallel_loop3A_368], %parallel_loop3A_365 : memref<34816xf32, #tpu.memory_space<vmem>>[vector<16xi32>], vector<16xf32>,
        %parallel_loop3A_369 = arith.constant 26624 : i32
        %parallel_loop3A_370 = arith.addi %parallel_loop3A_369, %parallel_loop3A_276 : i32
        %parallel_loop3A_371 = arith.index_cast %parallel_loop3A_370 : i32 to index
        %parallel_loop3A_372 = tpu.vector_load %arg5[%parallel_loop3A_371] {strides = array<i32>} : memref<32768xf32, #tpu.memory_space<vmem>>, vector<16xf32>,
        %parallel_loop3A_373 = arith.constant 13 : i32
        %parallel_loop3A_374 = vector.broadcast %parallel_loop3A_373 : i32 to vector<16xi32>
        %parallel_loop3A_375 = arith.addi %parallel_loop3A_277, %parallel_loop3A_374 : vector<16xi32>
        tpu.vector_store_idx %arg6[%parallel_loop3A_375], %parallel_loop3A_372 : memref<34816xf32, #tpu.memory_space<vmem>>[vector<16xi32>], vector<16xf32>,
        %parallel_loop3A_376 = arith.constant 28672 : i32
        %parallel_loop3A_377 = arith.addi %parallel_loop3A_376, %parallel_loop3A_276 : i32
        %parallel_loop3A_378 = arith.index_cast %parallel_loop3A_377 : i32 to index
        %parallel_loop3A_379 = tpu.vector_load %arg5[%parallel_loop3A_378] {strides = array<i32>} : memref<32768xf32, #tpu.memory_space<vmem>>, vector<16xf32>,
        %parallel_loop3A_380 = arith.constant 14 : i32
        %parallel_loop3A_381 = vector.broadcast %parallel_loop3A_380 : i32 to vector<16xi32>
        %parallel_loop3A_382 = arith.addi %parallel_loop3A_277, %parallel_loop3A_381 : vector<16xi32>
        tpu.vector_store_idx %arg6[%parallel_loop3A_382], %parallel_loop3A_379 : memref<34816xf32, #tpu.memory_space<vmem>>[vector<16xi32>], vector<16xf32>,
        %parallel_loop3A_383 = arith.constant 30720 : i32
        %parallel_loop3A_384 = arith.addi %parallel_loop3A_383, %parallel_loop3A_276 : i32
        %parallel_loop3A_385 = arith.index_cast %parallel_loop3A_384 : i32 to index
        %parallel_loop3A_386 = tpu.vector_load %arg5[%parallel_loop3A_385] {strides = array<i32>} : memref<32768xf32, #tpu.memory_space<vmem>>, vector<16xf32>,
        %parallel_loop3A_387 = arith.constant 15 : i32
        %parallel_loop3A_388 = vector.broadcast %parallel_loop3A_387 : i32 to vector<16xi32>
        %parallel_loop3A_389 = arith.addi %parallel_loop3A_277, %parallel_loop3A_388 : vector<16xi32>
        tpu.vector_store_idx %arg6[%parallel_loop3A_389], %parallel_loop3A_386 : memref<34816xf32, #tpu.memory_space<vmem>>[vector<16xi32>], vector<16xf32>,
        %parallel_loop3A_390 = arith.constant 272 : i32
        %parallel_loop3A_391 = vector.broadcast %parallel_loop3A_390 : i32 to vector<16xi32>
        %parallel_loop3A_392 = arith.addi %parallel_loop3A_277, %parallel_loop3A_391 : vector<16xi32>
        scf.yield %parallel_loop3A_392 : vector<16xi32>
      } {sc.loop_unroll_factor = 1 : i64, sc.parallel_access}
      %broadcast_in_dim3A_185 = arith.constant -1.000000e+30 : f32
      %broadcast_in_dim3A_186 = vector.broadcast %broadcast_in_dim3A_185 : f32 to vector<16xf32>
      %parallel_loop3A_187 = arith.constant 0 : i32
      %parallel_loop3A_188 = arith.constant 34816 : i32
      %parallel_loop3A_189 = arith.constant 136 : i32
      %parallel_loop3A_190:8 = scf.for %parallel_loop3A_276 = %parallel_loop3A_187 to %parallel_loop3A_188 step %parallel_loop3A_189 iter_args(%parallel_loop3A_277 = %broadcast_in_dim3A_186, %parallel_loop3A_278 = %broadcast_in_dim3A_186, %parallel_loop3A_279 = %broadcast_in_dim3A_186, %parallel_loop3A_280 = %broadcast_in_dim3A_186, %parallel_loop3A_281 = %broadcast_in_dim3A_186, %parallel_loop3A_282 = %broadcast_in_dim3A_186, %parallel_loop3A_283 = %broadcast_in_dim3A_186, %parallel_loop3A_284 = %broadcast_in_dim3A_186) -> (vector<16xf32>, vector<16xf32>, vector<16xf32>, vector<16xf32>, vector<16xf32>, vector<16xf32>, vector<16xf32>, vector<16xf32>)  : i32 {
        %parallel_loop3A_285 = arith.constant 0 : i32
        %parallel_loop3A_286 = arith.addi %parallel_loop3A_276, %parallel_loop3A_285 : i32
        %parallel_loop3A_287 = arith.index_cast %parallel_loop3A_286 : i32 to index
        %parallel_loop3A_288 = tpu.vector_load %arg6[%parallel_loop3A_287] {strides = array<i32>} : memref<34816xf32, #tpu.memory_space<vmem>>, vector<16xf32>,
        %parallel_loop3A_289 = arith.maximumf %parallel_loop3A_277, %parallel_loop3A_288 : vector<16xf32>
        %parallel_loop3A_290 = arith.constant 17 : i32
        %parallel_loop3A_291 = arith.addi %parallel_loop3A_276, %parallel_loop3A_290 : i32
        %parallel_loop3A_292 = arith.index_cast %parallel_loop3A_291 : i32 to index
        %parallel_loop3A_293 = tpu.vector_load %arg6[%parallel_loop3A_292] {strides = array<i32>} : memref<34816xf32, #tpu.memory_space<vmem>>, vector<16xf32>,
        %parallel_loop3A_294 = arith.maximumf %parallel_loop3A_278, %parallel_loop3A_293 : vector<16xf32>
        %parallel_loop3A_295 = arith.constant 34 : i32
        %parallel_loop3A_296 = arith.addi %parallel_loop3A_276, %parallel_loop3A_295 : i32
        %parallel_loop3A_297 = arith.index_cast %parallel_loop3A_296 : i32 to index
        %parallel_loop3A_298 = tpu.vector_load %arg6[%parallel_loop3A_297] {strides = array<i32>} : memref<34816xf32, #tpu.memory_space<vmem>>, vector<16xf32>,
        %parallel_loop3A_299 = arith.maximumf %parallel_loop3A_279, %parallel_loop3A_298 : vector<16xf32>
        %parallel_loop3A_300 = arith.constant 51 : i32
        %parallel_loop3A_301 = arith.addi %parallel_loop3A_276, %parallel_loop3A_300 : i32
        %parallel_loop3A_302 = arith.index_cast %parallel_loop3A_301 : i32 to index
        %parallel_loop3A_303 = tpu.vector_load %arg6[%parallel_loop3A_302] {strides = array<i32>} : memref<34816xf32, #tpu.memory_space<vmem>>, vector<16xf32>,
        %parallel_loop3A_304 = arith.maximumf %parallel_loop3A_280, %parallel_loop3A_303 : vector<16xf32>
        %parallel_loop3A_305 = arith.constant 68 : i32
        %parallel_loop3A_306 = arith.addi %parallel_loop3A_276, %parallel_loop3A_305 : i32
        %parallel_loop3A_307 = arith.index_cast %parallel_loop3A_306 : i32 to index
        %parallel_loop3A_308 = tpu.vector_load %arg6[%parallel_loop3A_307] {strides = array<i32>} : memref<34816xf32, #tpu.memory_space<vmem>>, vector<16xf32>,
        %parallel_loop3A_309 = arith.maximumf %parallel_loop3A_281, %parallel_loop3A_308 : vector<16xf32>
        %parallel_loop3A_310 = arith.constant 85 : i32
        %parallel_loop3A_311 = arith.addi %parallel_loop3A_276, %parallel_loop3A_310 : i32
        %parallel_loop3A_312 = arith.index_cast %parallel_loop3A_311 : i32 to index
        %parallel_loop3A_313 = tpu.vector_load %arg6[%parallel_loop3A_312] {strides = array<i32>} : memref<34816xf32, #tpu.memory_space<vmem>>, vector<16xf32>,
        %parallel_loop3A_314 = arith.maximumf %parallel_loop3A_282, %parallel_loop3A_313 : vector<16xf32>
        %parallel_loop3A_315 = arith.constant 102 : i32
        %parallel_loop3A_316 = arith.addi %parallel_loop3A_276, %parallel_loop3A_315 : i32
        %parallel_loop3A_317 = arith.index_cast %parallel_loop3A_316 : i32 to index
        %parallel_loop3A_318 = tpu.vector_load %arg6[%parallel_loop3A_317] {strides = array<i32>} : memref<34816xf32, #tpu.memory_space<vmem>>, vector<16xf32>,
        %parallel_loop3A_319 = arith.maximumf %parallel_loop3A_283, %parallel_loop3A_318 : vector<16xf32>
        %parallel_loop3A_320 = arith.constant 119 : i32
        %parallel_loop3A_321 = arith.addi %parallel_loop3A_276, %parallel_loop3A_320 : i32
        %parallel_loop3A_322 = arith.index_cast %parallel_loop3A_321 : i32 to index
        %parallel_loop3A_323 = tpu.vector_load %arg6[%parallel_loop3A_322] {strides = array<i32>} : memref<34816xf32, #tpu.memory_space<vmem>>, vector<16xf32>,
        %parallel_loop3A_324 = arith.maximumf %parallel_loop3A_284, %parallel_loop3A_323 : vector<16xf32>
        scf.yield %parallel_loop3A_289, %parallel_loop3A_294, %parallel_loop3A_299, %parallel_loop3A_304, %parallel_loop3A_309, %parallel_loop3A_314, %parallel_loop3A_319, %parallel_loop3A_324 : vector<16xf32>, vector<16xf32>, vector<16xf32>, vector<16xf32>, vector<16xf32>, vector<16xf32>, vector<16xf32>, vector<16xf32>
      } {sc.loop_unroll_factor = 1 : i64, sc.parallel_access}
      %max3A_191 = arith.maximumf %parallel_loop3A_190#0, %parallel_loop3A_190#1 : vector<16xf32>
      %max3A_192 = arith.maximumf %max3A_191, %parallel_loop3A_190#2 : vector<16xf32>
      %max3A_193 = arith.maximumf %max3A_192, %parallel_loop3A_190#3 : vector<16xf32>
      %max3A_194 = arith.maximumf %max3A_193, %parallel_loop3A_190#4 : vector<16xf32>
      %max3A_195 = arith.maximumf %max3A_194, %parallel_loop3A_190#5 : vector<16xf32>
      %max3A_196 = arith.maximumf %max3A_195, %parallel_loop3A_190#6 : vector<16xf32>
      %max3A_197 = arith.maximumf %max3A_196, %parallel_loop3A_190#7 : vector<16xf32>
      %parallel_loop3A_198 = arith.constant 0 : i32
      %parallel_loop3A_199 = arith.constant 264 : i32
      %parallel_loop3A_200 = arith.constant 8 : i32
      scf.for %parallel_loop3A_276 = %parallel_loop3A_198 to %parallel_loop3A_199 step %parallel_loop3A_200  : i32 {
        %parallel_loop3A_277 = arith.constant 0 : i32
        %parallel_loop3A_278 = arith.addi %parallel_loop3A_276, %parallel_loop3A_277 : i32
        %parallel_loop3A_279 = arith.constant 16 : i32
        %parallel_loop3A_280 = arith.muli %parallel_loop3A_278, %parallel_loop3A_279 : i32
        %parallel_loop3A_281 = arith.index_cast %parallel_loop3A_280 : i32 to index
        %parallel_loop3A_282 = tpu.vector_load %arg7[%parallel_loop3A_281] {strides = array<i32>} : memref<4224xf32, #tpu.memory_space<vmem>>, vector<16xf32>,
        tpu.vector_store %arg7[%parallel_loop3A_281], %broadcast_in_dim3A_10 {strides = array<i32>} : memref<4224xf32, #tpu.memory_space<vmem>>, vector<16xf32>,
        %parallel_loop3A_283 = arith.constant 0 : i32
        %parallel_loop3A_284 = arith.addi %parallel_loop3A_276, %parallel_loop3A_283 : i32
        %parallel_loop3A_285 = arith.constant 16 : i32
        %parallel_loop3A_286 = arith.muli %parallel_loop3A_284, %parallel_loop3A_285 : i32
        %parallel_loop3A_287 = arith.index_cast %parallel_loop3A_286 : i32 to index
        %parallel_loop3A_288 = tpu.vector_load %arg8[%parallel_loop3A_287] {strides = array<i32>} : memref<4224xf32, #tpu.memory_space<vmem>>, vector<16xf32>,
        tpu.vector_store %arg8[%parallel_loop3A_287], %broadcast_in_dim3A_10 {strides = array<i32>} : memref<4224xf32, #tpu.memory_space<vmem>>, vector<16xf32>,
        %parallel_loop3A_289 = arith.constant 1 : i32
        %parallel_loop3A_290 = arith.addi %parallel_loop3A_276, %parallel_loop3A_289 : i32
        %parallel_loop3A_291 = arith.constant 16 : i32
        %parallel_loop3A_292 = arith.muli %parallel_loop3A_290, %parallel_loop3A_291 : i32
        %parallel_loop3A_293 = arith.index_cast %parallel_loop3A_292 : i32 to index
        %parallel_loop3A_294 = tpu.vector_load %arg7[%parallel_loop3A_293] {strides = array<i32>} : memref<4224xf32, #tpu.memory_space<vmem>>, vector<16xf32>,
        tpu.vector_store %arg7[%parallel_loop3A_293], %broadcast_in_dim3A_10 {strides = array<i32>} : memref<4224xf32, #tpu.memory_space<vmem>>, vector<16xf32>,
        %parallel_loop3A_295 = arith.constant 1 : i32
        %parallel_loop3A_296 = arith.addi %parallel_loop3A_276, %parallel_loop3A_295 : i32
        %parallel_loop3A_297 = arith.constant 16 : i32
        %parallel_loop3A_298 = arith.muli %parallel_loop3A_296, %parallel_loop3A_297 : i32
        %parallel_loop3A_299 = arith.index_cast %parallel_loop3A_298 : i32 to index
        %parallel_loop3A_300 = tpu.vector_load %arg8[%parallel_loop3A_299] {strides = array<i32>} : memref<4224xf32, #tpu.memory_space<vmem>>, vector<16xf32>,
        tpu.vector_store %arg8[%parallel_loop3A_299], %broadcast_in_dim3A_10 {strides = array<i32>} : memref<4224xf32, #tpu.memory_space<vmem>>, vector<16xf32>,
        %parallel_loop3A_301 = arith.constant 2 : i32
        %parallel_loop3A_302 = arith.addi %parallel_loop3A_276, %parallel_loop3A_301 : i32
        %parallel_loop3A_303 = arith.constant 16 : i32
        %parallel_loop3A_304 = arith.muli %parallel_loop3A_302, %parallel_loop3A_303 : i32
        %parallel_loop3A_305 = arith.index_cast %parallel_loop3A_304 : i32 to index
        %parallel_loop3A_306 = tpu.vector_load %arg7[%parallel_loop3A_305] {strides = array<i32>} : memref<4224xf32, #tpu.memory_space<vmem>>, vector<16xf32>,
        tpu.vector_store %arg7[%parallel_loop3A_305], %broadcast_in_dim3A_10 {strides = array<i32>} : memref<4224xf32, #tpu.memory_space<vmem>>, vector<16xf32>,
        %parallel_loop3A_307 = arith.constant 2 : i32
        %parallel_loop3A_308 = arith.addi %parallel_loop3A_276, %parallel_loop3A_307 : i32
        %parallel_loop3A_309 = arith.constant 16 : i32
        %parallel_loop3A_310 = arith.muli %parallel_loop3A_308, %parallel_loop3A_309 : i32
        %parallel_loop3A_311 = arith.index_cast %parallel_loop3A_310 : i32 to index
        %parallel_loop3A_312 = tpu.vector_load %arg8[%parallel_loop3A_311] {strides = array<i32>} : memref<4224xf32, #tpu.memory_space<vmem>>, vector<16xf32>,
        tpu.vector_store %arg8[%parallel_loop3A_311], %broadcast_in_dim3A_10 {strides = array<i32>} : memref<4224xf32, #tpu.memory_space<vmem>>, vector<16xf32>,
        %parallel_loop3A_313 = arith.constant 3 : i32
        %parallel_loop3A_314 = arith.addi %parallel_loop3A_276, %parallel_loop3A_313 : i32
        %parallel_loop3A_315 = arith.constant 16 : i32
        %parallel_loop3A_316 = arith.muli %parallel_loop3A_314, %parallel_loop3A_315 : i32
        %parallel_loop3A_317 = arith.index_cast %parallel_loop3A_316 : i32 to index
        %parallel_loop3A_318 = tpu.vector_load %arg7[%parallel_loop3A_317] {strides = array<i32>} : memref<4224xf32, #tpu.memory_space<vmem>>, vector<16xf32>,
        tpu.vector_store %arg7[%parallel_loop3A_317], %broadcast_in_dim3A_10 {strides = array<i32>} : memref<4224xf32, #tpu.memory_space<vmem>>, vector<16xf32>,
        %parallel_loop3A_319 = arith.constant 3 : i32
        %parallel_loop3A_320 = arith.addi %parallel_loop3A_276, %parallel_loop3A_319 : i32
        %parallel_loop3A_321 = arith.constant 16 : i32
        %parallel_loop3A_322 = arith.muli %parallel_loop3A_320, %parallel_loop3A_321 : i32
        %parallel_loop3A_323 = arith.index_cast %parallel_loop3A_322 : i32 to index
        %parallel_loop3A_324 = tpu.vector_load %arg8[%parallel_loop3A_323] {strides = array<i32>} : memref<4224xf32, #tpu.memory_space<vmem>>, vector<16xf32>,
        tpu.vector_store %arg8[%parallel_loop3A_323], %broadcast_in_dim3A_10 {strides = array<i32>} : memref<4224xf32, #tpu.memory_space<vmem>>, vector<16xf32>,
        %parallel_loop3A_325 = arith.constant 4 : i32
        %parallel_loop3A_326 = arith.addi %parallel_loop3A_276, %parallel_loop3A_325 : i32
        %parallel_loop3A_327 = arith.constant 16 : i32
        %parallel_loop3A_328 = arith.muli %parallel_loop3A_326, %parallel_loop3A_327 : i32
        %parallel_loop3A_329 = arith.index_cast %parallel_loop3A_328 : i32 to index
        %parallel_loop3A_330 = tpu.vector_load %arg7[%parallel_loop3A_329] {strides = array<i32>} : memref<4224xf32, #tpu.memory_space<vmem>>, vector<16xf32>,
        tpu.vector_store %arg7[%parallel_loop3A_329], %broadcast_in_dim3A_10 {strides = array<i32>} : memref<4224xf32, #tpu.memory_space<vmem>>, vector<16xf32>,
        %parallel_loop3A_331 = arith.constant 4 : i32
        %parallel_loop3A_332 = arith.addi %parallel_loop3A_276, %parallel_loop3A_331 : i32
        %parallel_loop3A_333 = arith.constant 16 : i32
        %parallel_loop3A_334 = arith.muli %parallel_loop3A_332, %parallel_loop3A_333 : i32
        %parallel_loop3A_335 = arith.index_cast %parallel_loop3A_334 : i32 to index
        %parallel_loop3A_336 = tpu.vector_load %arg8[%parallel_loop3A_335] {strides = array<i32>} : memref<4224xf32, #tpu.memory_space<vmem>>, vector<16xf32>,
        tpu.vector_store %arg8[%parallel_loop3A_335], %broadcast_in_dim3A_10 {strides = array<i32>} : memref<4224xf32, #tpu.memory_space<vmem>>, vector<16xf32>,
        %parallel_loop3A_337 = arith.constant 5 : i32
        %parallel_loop3A_338 = arith.addi %parallel_loop3A_276, %parallel_loop3A_337 : i32
        %parallel_loop3A_339 = arith.constant 16 : i32
        %parallel_loop3A_340 = arith.muli %parallel_loop3A_338, %parallel_loop3A_339 : i32
        %parallel_loop3A_341 = arith.index_cast %parallel_loop3A_340 : i32 to index
        %parallel_loop3A_342 = tpu.vector_load %arg7[%parallel_loop3A_341] {strides = array<i32>} : memref<4224xf32, #tpu.memory_space<vmem>>, vector<16xf32>,
        tpu.vector_store %arg7[%parallel_loop3A_341], %broadcast_in_dim3A_10 {strides = array<i32>} : memref<4224xf32, #tpu.memory_space<vmem>>, vector<16xf32>,
        %parallel_loop3A_343 = arith.constant 5 : i32
        %parallel_loop3A_344 = arith.addi %parallel_loop3A_276, %parallel_loop3A_343 : i32
        %parallel_loop3A_345 = arith.constant 16 : i32
        %parallel_loop3A_346 = arith.muli %parallel_loop3A_344, %parallel_loop3A_345 : i32
        %parallel_loop3A_347 = arith.index_cast %parallel_loop3A_346 : i32 to index
        %parallel_loop3A_348 = tpu.vector_load %arg8[%parallel_loop3A_347] {strides = array<i32>} : memref<4224xf32, #tpu.memory_space<vmem>>, vector<16xf32>,
        tpu.vector_store %arg8[%parallel_loop3A_347], %broadcast_in_dim3A_10 {strides = array<i32>} : memref<4224xf32, #tpu.memory_space<vmem>>, vector<16xf32>,
        %parallel_loop3A_349 = arith.constant 6 : i32
        %parallel_loop3A_350 = arith.addi %parallel_loop3A_276, %parallel_loop3A_349 : i32
        %parallel_loop3A_351 = arith.constant 16 : i32
        %parallel_loop3A_352 = arith.muli %parallel_loop3A_350, %parallel_loop3A_351 : i32
        %parallel_loop3A_353 = arith.index_cast %parallel_loop3A_352 : i32 to index
        %parallel_loop3A_354 = tpu.vector_load %arg7[%parallel_loop3A_353] {strides = array<i32>} : memref<4224xf32, #tpu.memory_space<vmem>>, vector<16xf32>,
        tpu.vector_store %arg7[%parallel_loop3A_353], %broadcast_in_dim3A_10 {strides = array<i32>} : memref<4224xf32, #tpu.memory_space<vmem>>, vector<16xf32>,
        %parallel_loop3A_355 = arith.constant 6 : i32
        %parallel_loop3A_356 = arith.addi %parallel_loop3A_276, %parallel_loop3A_355 : i32
        %parallel_loop3A_357 = arith.constant 16 : i32
        %parallel_loop3A_358 = arith.muli %parallel_loop3A_356, %parallel_loop3A_357 : i32
        %parallel_loop3A_359 = arith.index_cast %parallel_loop3A_358 : i32 to index
        %parallel_loop3A_360 = tpu.vector_load %arg8[%parallel_loop3A_359] {strides = array<i32>} : memref<4224xf32, #tpu.memory_space<vmem>>, vector<16xf32>,
        tpu.vector_store %arg8[%parallel_loop3A_359], %broadcast_in_dim3A_10 {strides = array<i32>} : memref<4224xf32, #tpu.memory_space<vmem>>, vector<16xf32>,
        %parallel_loop3A_361 = arith.constant 7 : i32
        %parallel_loop3A_362 = arith.addi %parallel_loop3A_276, %parallel_loop3A_361 : i32
        %parallel_loop3A_363 = arith.constant 16 : i32
        %parallel_loop3A_364 = arith.muli %parallel_loop3A_362, %parallel_loop3A_363 : i32
        %parallel_loop3A_365 = arith.index_cast %parallel_loop3A_364 : i32 to index
        %parallel_loop3A_366 = tpu.vector_load %arg7[%parallel_loop3A_365] {strides = array<i32>} : memref<4224xf32, #tpu.memory_space<vmem>>, vector<16xf32>,
        tpu.vector_store %arg7[%parallel_loop3A_365], %broadcast_in_dim3A_10 {strides = array<i32>} : memref<4224xf32, #tpu.memory_space<vmem>>, vector<16xf32>,
        %parallel_loop3A_367 = arith.constant 7 : i32
        %parallel_loop3A_368 = arith.addi %parallel_loop3A_276, %parallel_loop3A_367 : i32
        %parallel_loop3A_369 = arith.constant 16 : i32
        %parallel_loop3A_370 = arith.muli %parallel_loop3A_368, %parallel_loop3A_369 : i32
        %parallel_loop3A_371 = arith.index_cast %parallel_loop3A_370 : i32 to index
        %parallel_loop3A_372 = tpu.vector_load %arg8[%parallel_loop3A_371] {strides = array<i32>} : memref<4224xf32, #tpu.memory_space<vmem>>, vector<16xf32>,
        tpu.vector_store %arg8[%parallel_loop3A_371], %broadcast_in_dim3A_10 {strides = array<i32>} : memref<4224xf32, #tpu.memory_space<vmem>>, vector<16xf32>,
      } {sc.loop_unroll_factor = 1 : i64, sc.parallel_access}
      %parallel_loop3A_201 = arith.constant 0 : i32
      %parallel_loop3A_202 = arith.constant 34816 : i32
      %parallel_loop3A_203 = arith.constant 136 : i32
      scf.for %parallel_loop3A_276 = %parallel_loop3A_201 to %parallel_loop3A_202 step %parallel_loop3A_203  : i32 {
        %parallel_loop3A_277 = arith.constant 0 : i32
        %parallel_loop3A_278 = arith.addi %parallel_loop3A_276, %parallel_loop3A_277 : i32
        %parallel_loop3A_279 = arith.index_cast %parallel_loop3A_278 : i32 to index
        %parallel_loop3A_280 = tpu.vector_load %arg6[%parallel_loop3A_279] {strides = array<i32>} : memref<34816xf32, #tpu.memory_space<vmem>>, vector<16xf32>,
        %parallel_loop3A_281 = arith.subf %max3A_197, %parallel_loop3A_280 : vector<16xf32>
        %parallel_loop3A_282 = arith.constant 2.560000e+02 : f32
        %parallel_loop3A_283 = vector.broadcast %parallel_loop3A_282 : f32 to vector<16xf32>
        %parallel_loop3A_284 = arith.mulf %parallel_loop3A_281, %parallel_loop3A_283 : vector<16xf32>
        %parallel_loop3A_285 = arith.constant 2.560000e+02 : f32
        %parallel_loop3A_286 = vector.broadcast %parallel_loop3A_285 : f32 to vector<16xf32>
        %parallel_loop3A_287 = arith.cmpf olt, %parallel_loop3A_284, %parallel_loop3A_286 : vector<16xf32>
        %parallel_loop3A_288 = arith.fptosi %parallel_loop3A_284 : vector<16xf32> to vector<16xi32>
        %parallel_loop3A_289 = arith.addi %mul3A_7, %parallel_loop3A_288 : vector<16xi32>
        tpu.vector_store_idx %arg7[%parallel_loop3A_289], %broadcast_in_dim3A_8 masked %parallel_loop3A_287 {add = true} : memref<4224xf32, #tpu.memory_space<vmem>>[vector<16xi32>], vector<16xf32>, vector<16xi1>
        tpu.vector_store_idx %arg8[%parallel_loop3A_289], %parallel_loop3A_280 masked %parallel_loop3A_287 {add = true} : memref<4224xf32, #tpu.memory_space<vmem>>[vector<16xi32>], vector<16xf32>, vector<16xi1>
        %parallel_loop3A_290 = arith.constant 17 : i32
        %parallel_loop3A_291 = arith.addi %parallel_loop3A_276, %parallel_loop3A_290 : i32
        %parallel_loop3A_292 = arith.index_cast %parallel_loop3A_291 : i32 to index
        %parallel_loop3A_293 = tpu.vector_load %arg6[%parallel_loop3A_292] {strides = array<i32>} : memref<34816xf32, #tpu.memory_space<vmem>>, vector<16xf32>,
        %parallel_loop3A_294 = arith.subf %max3A_197, %parallel_loop3A_293 : vector<16xf32>
        %parallel_loop3A_295 = arith.constant 2.560000e+02 : f32
        %parallel_loop3A_296 = vector.broadcast %parallel_loop3A_295 : f32 to vector<16xf32>
        %parallel_loop3A_297 = arith.mulf %parallel_loop3A_294, %parallel_loop3A_296 : vector<16xf32>
        %parallel_loop3A_298 = arith.constant 2.560000e+02 : f32
        %parallel_loop3A_299 = vector.broadcast %parallel_loop3A_298 : f32 to vector<16xf32>
        %parallel_loop3A_300 = arith.cmpf olt, %parallel_loop3A_297, %parallel_loop3A_299 : vector<16xf32>
        %parallel_loop3A_301 = arith.fptosi %parallel_loop3A_297 : vector<16xf32> to vector<16xi32>
        %parallel_loop3A_302 = arith.addi %mul3A_7, %parallel_loop3A_301 : vector<16xi32>
        tpu.vector_store_idx %arg7[%parallel_loop3A_302], %broadcast_in_dim3A_8 masked %parallel_loop3A_300 {add = true} : memref<4224xf32, #tpu.memory_space<vmem>>[vector<16xi32>], vector<16xf32>, vector<16xi1>
        tpu.vector_store_idx %arg8[%parallel_loop3A_302], %parallel_loop3A_293 masked %parallel_loop3A_300 {add = true} : memref<4224xf32, #tpu.memory_space<vmem>>[vector<16xi32>], vector<16xf32>, vector<16xi1>
        %parallel_loop3A_303 = arith.constant 34 : i32
        %parallel_loop3A_304 = arith.addi %parallel_loop3A_276, %parallel_loop3A_303 : i32
        %parallel_loop3A_305 = arith.index_cast %parallel_loop3A_304 : i32 to index
        %parallel_loop3A_306 = tpu.vector_load %arg6[%parallel_loop3A_305] {strides = array<i32>} : memref<34816xf32, #tpu.memory_space<vmem>>, vector<16xf32>,
        %parallel_loop3A_307 = arith.subf %max3A_197, %parallel_loop3A_306 : vector<16xf32>
        %parallel_loop3A_308 = arith.constant 2.560000e+02 : f32
        %parallel_loop3A_309 = vector.broadcast %parallel_loop3A_308 : f32 to vector<16xf32>
        %parallel_loop3A_310 = arith.mulf %parallel_loop3A_307, %parallel_loop3A_309 : vector<16xf32>
        %parallel_loop3A_311 = arith.constant 2.560000e+02 : f32
        %parallel_loop3A_312 = vector.broadcast %parallel_loop3A_311 : f32 to vector<16xf32>
        %parallel_loop3A_313 = arith.cmpf olt, %parallel_loop3A_310, %parallel_loop3A_312 : vector<16xf32>
        %parallel_loop3A_314 = arith.fptosi %parallel_loop3A_310 : vector<16xf32> to vector<16xi32>
        %parallel_loop3A_315 = arith.addi %mul3A_7, %parallel_loop3A_314 : vector<16xi32>
        tpu.vector_store_idx %arg7[%parallel_loop3A_315], %broadcast_in_dim3A_8 masked %parallel_loop3A_313 {add = true} : memref<4224xf32, #tpu.memory_space<vmem>>[vector<16xi32>], vector<16xf32>, vector<16xi1>
        tpu.vector_store_idx %arg8[%parallel_loop3A_315], %parallel_loop3A_306 masked %parallel_loop3A_313 {add = true} : memref<4224xf32, #tpu.memory_space<vmem>>[vector<16xi32>], vector<16xf32>, vector<16xi1>
        %parallel_loop3A_316 = arith.constant 51 : i32
        %parallel_loop3A_317 = arith.addi %parallel_loop3A_276, %parallel_loop3A_316 : i32
        %parallel_loop3A_318 = arith.index_cast %parallel_loop3A_317 : i32 to index
        %parallel_loop3A_319 = tpu.vector_load %arg6[%parallel_loop3A_318] {strides = array<i32>} : memref<34816xf32, #tpu.memory_space<vmem>>, vector<16xf32>,
        %parallel_loop3A_320 = arith.subf %max3A_197, %parallel_loop3A_319 : vector<16xf32>
        %parallel_loop3A_321 = arith.constant 2.560000e+02 : f32
        %parallel_loop3A_322 = vector.broadcast %parallel_loop3A_321 : f32 to vector<16xf32>
        %parallel_loop3A_323 = arith.mulf %parallel_loop3A_320, %parallel_loop3A_322 : vector<16xf32>
        %parallel_loop3A_324 = arith.constant 2.560000e+02 : f32
        %parallel_loop3A_325 = vector.broadcast %parallel_loop3A_324 : f32 to vector<16xf32>
        %parallel_loop3A_326 = arith.cmpf olt, %parallel_loop3A_323, %parallel_loop3A_325 : vector<16xf32>
        %parallel_loop3A_327 = arith.fptosi %parallel_loop3A_323 : vector<16xf32> to vector<16xi32>
        %parallel_loop3A_328 = arith.addi %mul3A_7, %parallel_loop3A_327 : vector<16xi32>
        tpu.vector_store_idx %arg7[%parallel_loop3A_328], %broadcast_in_dim3A_8 masked %parallel_loop3A_326 {add = true} : memref<4224xf32, #tpu.memory_space<vmem>>[vector<16xi32>], vector<16xf32>, vector<16xi1>
        tpu.vector_store_idx %arg8[%parallel_loop3A_328], %parallel_loop3A_319 masked %parallel_loop3A_326 {add = true} : memref<4224xf32, #tpu.memory_space<vmem>>[vector<16xi32>], vector<16xf32>, vector<16xi1>
        %parallel_loop3A_329 = arith.constant 68 : i32
        %parallel_loop3A_330 = arith.addi %parallel_loop3A_276, %parallel_loop3A_329 : i32
        %parallel_loop3A_331 = arith.index_cast %parallel_loop3A_330 : i32 to index
        %parallel_loop3A_332 = tpu.vector_load %arg6[%parallel_loop3A_331] {strides = array<i32>} : memref<34816xf32, #tpu.memory_space<vmem>>, vector<16xf32>,
        %parallel_loop3A_333 = arith.subf %max3A_197, %parallel_loop3A_332 : vector<16xf32>
        %parallel_loop3A_334 = arith.constant 2.560000e+02 : f32
        %parallel_loop3A_335 = vector.broadcast %parallel_loop3A_334 : f32 to vector<16xf32>
        %parallel_loop3A_336 = arith.mulf %parallel_loop3A_333, %parallel_loop3A_335 : vector<16xf32>
        %parallel_loop3A_337 = arith.constant 2.560000e+02 : f32
        %parallel_loop3A_338 = vector.broadcast %parallel_loop3A_337 : f32 to vector<16xf32>
        %parallel_loop3A_339 = arith.cmpf olt, %parallel_loop3A_336, %parallel_loop3A_338 : vector<16xf32>
        %parallel_loop3A_340 = arith.fptosi %parallel_loop3A_336 : vector<16xf32> to vector<16xi32>
        %parallel_loop3A_341 = arith.addi %mul3A_7, %parallel_loop3A_340 : vector<16xi32>
        tpu.vector_store_idx %arg7[%parallel_loop3A_341], %broadcast_in_dim3A_8 masked %parallel_loop3A_339 {add = true} : memref<4224xf32, #tpu.memory_space<vmem>>[vector<16xi32>], vector<16xf32>, vector<16xi1>
        tpu.vector_store_idx %arg8[%parallel_loop3A_341], %parallel_loop3A_332 masked %parallel_loop3A_339 {add = true} : memref<4224xf32, #tpu.memory_space<vmem>>[vector<16xi32>], vector<16xf32>, vector<16xi1>
        %parallel_loop3A_342 = arith.constant 85 : i32
        %parallel_loop3A_343 = arith.addi %parallel_loop3A_276, %parallel_loop3A_342 : i32
        %parallel_loop3A_344 = arith.index_cast %parallel_loop3A_343 : i32 to index
        %parallel_loop3A_345 = tpu.vector_load %arg6[%parallel_loop3A_344] {strides = array<i32>} : memref<34816xf32, #tpu.memory_space<vmem>>, vector<16xf32>,
        %parallel_loop3A_346 = arith.subf %max3A_197, %parallel_loop3A_345 : vector<16xf32>
        %parallel_loop3A_347 = arith.constant 2.560000e+02 : f32
        %parallel_loop3A_348 = vector.broadcast %parallel_loop3A_347 : f32 to vector<16xf32>
        %parallel_loop3A_349 = arith.mulf %parallel_loop3A_346, %parallel_loop3A_348 : vector<16xf32>
        %parallel_loop3A_350 = arith.constant 2.560000e+02 : f32
        %parallel_loop3A_351 = vector.broadcast %parallel_loop3A_350 : f32 to vector<16xf32>
        %parallel_loop3A_352 = arith.cmpf olt, %parallel_loop3A_349, %parallel_loop3A_351 : vector<16xf32>
        %parallel_loop3A_353 = arith.fptosi %parallel_loop3A_349 : vector<16xf32> to vector<16xi32>
        %parallel_loop3A_354 = arith.addi %mul3A_7, %parallel_loop3A_353 : vector<16xi32>
        tpu.vector_store_idx %arg7[%parallel_loop3A_354], %broadcast_in_dim3A_8 masked %parallel_loop3A_352 {add = true} : memref<4224xf32, #tpu.memory_space<vmem>>[vector<16xi32>], vector<16xf32>, vector<16xi1>
        tpu.vector_store_idx %arg8[%parallel_loop3A_354], %parallel_loop3A_345 masked %parallel_loop3A_352 {add = true} : memref<4224xf32, #tpu.memory_space<vmem>>[vector<16xi32>], vector<16xf32>, vector<16xi1>
        %parallel_loop3A_355 = arith.constant 102 : i32
        %parallel_loop3A_356 = arith.addi %parallel_loop3A_276, %parallel_loop3A_355 : i32
        %parallel_loop3A_357 = arith.index_cast %parallel_loop3A_356 : i32 to index
        %parallel_loop3A_358 = tpu.vector_load %arg6[%parallel_loop3A_357] {strides = array<i32>} : memref<34816xf32, #tpu.memory_space<vmem>>, vector<16xf32>,
        %parallel_loop3A_359 = arith.subf %max3A_197, %parallel_loop3A_358 : vector<16xf32>
        %parallel_loop3A_360 = arith.constant 2.560000e+02 : f32
        %parallel_loop3A_361 = vector.broadcast %parallel_loop3A_360 : f32 to vector<16xf32>
        %parallel_loop3A_362 = arith.mulf %parallel_loop3A_359, %parallel_loop3A_361 : vector<16xf32>
        %parallel_loop3A_363 = arith.constant 2.560000e+02 : f32
        %parallel_loop3A_364 = vector.broadcast %parallel_loop3A_363 : f32 to vector<16xf32>
        %parallel_loop3A_365 = arith.cmpf olt, %parallel_loop3A_362, %parallel_loop3A_364 : vector<16xf32>
        %parallel_loop3A_366 = arith.fptosi %parallel_loop3A_362 : vector<16xf32> to vector<16xi32>
        %parallel_loop3A_367 = arith.addi %mul3A_7, %parallel_loop3A_366 : vector<16xi32>
        tpu.vector_store_idx %arg7[%parallel_loop3A_367], %broadcast_in_dim3A_8 masked %parallel_loop3A_365 {add = true} : memref<4224xf32, #tpu.memory_space<vmem>>[vector<16xi32>], vector<16xf32>, vector<16xi1>
        tpu.vector_store_idx %arg8[%parallel_loop3A_367], %parallel_loop3A_358 masked %parallel_loop3A_365 {add = true} : memref<4224xf32, #tpu.memory_space<vmem>>[vector<16xi32>], vector<16xf32>, vector<16xi1>
        %parallel_loop3A_368 = arith.constant 119 : i32
        %parallel_loop3A_369 = arith.addi %parallel_loop3A_276, %parallel_loop3A_368 : i32
        %parallel_loop3A_370 = arith.index_cast %parallel_loop3A_369 : i32 to index
        %parallel_loop3A_371 = tpu.vector_load %arg6[%parallel_loop3A_370] {strides = array<i32>} : memref<34816xf32, #tpu.memory_space<vmem>>, vector<16xf32>,
        %parallel_loop3A_372 = arith.subf %max3A_197, %parallel_loop3A_371 : vector<16xf32>
        %parallel_loop3A_373 = arith.constant 2.560000e+02 : f32
        %parallel_loop3A_374 = vector.broadcast %parallel_loop3A_373 : f32 to vector<16xf32>
        %parallel_loop3A_375 = arith.mulf %parallel_loop3A_372, %parallel_loop3A_374 : vector<16xf32>
        %parallel_loop3A_376 = arith.constant 2.560000e+02 : f32
        %parallel_loop3A_377 = vector.broadcast %parallel_loop3A_376 : f32 to vector<16xf32>
        %parallel_loop3A_378 = arith.cmpf olt, %parallel_loop3A_375, %parallel_loop3A_377 : vector<16xf32>
        %parallel_loop3A_379 = arith.fptosi %parallel_loop3A_375 : vector<16xf32> to vector<16xi32>
        %parallel_loop3A_380 = arith.addi %mul3A_7, %parallel_loop3A_379 : vector<16xi32>
        tpu.vector_store_idx %arg7[%parallel_loop3A_380], %broadcast_in_dim3A_8 masked %parallel_loop3A_378 {add = true} : memref<4224xf32, #tpu.memory_space<vmem>>[vector<16xi32>], vector<16xf32>, vector<16xi1>
        tpu.vector_store_idx %arg8[%parallel_loop3A_380], %parallel_loop3A_371 masked %parallel_loop3A_378 {add = true} : memref<4224xf32, #tpu.memory_space<vmem>>[vector<16xi32>], vector<16xf32>, vector<16xi1>
      } {sc.loop_unroll_factor = 1 : i64, sc.parallel_access}
      %sub3A_204 = arith.constant 3.906250e-03 : f32
      %sub3A_205 = vector.broadcast %sub3A_204 : f32 to vector<16xf32>
      %sub3A_206 = arith.subf %max3A_197, %sub3A_205 : vector<16xf32>
      %broadcast_in_dim3A_207 = arith.constant false
      %broadcast_in_dim3A_208 = vector.broadcast %broadcast_in_dim3A_207 : i1 to vector<16xi1>
      %scan3A_209 = arith.constant 0 : i32
      %scan3A_210 = arith.constant 64 : i32
      %scan3A_211 = arith.addi %scan3A_209, %scan3A_210 : i32
      %scan3A_212 = arith.constant 1 : i32
      %scan3A_213:7 = scf.for %scan3A_276 = %scan3A_209 to %scan3A_211 step %scan3A_212 iter_args(%scan3A_277 = %mul3A_7, %scan3A_278 = %sub3A_206, %scan3A_279 = %broadcast_in_dim3A_10, %scan3A_280 = %broadcast_in_dim3A_10, %scan3A_281 = %broadcast_in_dim3A_8, %scan3A_282 = %max3A_197, %scan3A_283 = %broadcast_in_dim3A_208) -> (vector<16xi32>, vector<16xf32>, vector<16xf32>, vector<16xf32>, vector<16xf32>, vector<16xf32>, vector<16xi1>)  : i32 {
        %gather3A = tpu.vector_load_idx %arg7[%scan3A_277] : memref<4224xf32, #tpu.memory_space<vmem>>[vector<16xi32>], vector<16xf32>,
        %add3A_284 = arith.addf %scan3A_279, %gather3A : vector<16xf32>
        %gather3A_285 = tpu.vector_load_idx %arg8[%scan3A_277] : memref<4224xf32, #tpu.memory_space<vmem>>[vector<16xi32>], vector<16xf32>,
        %add3A_286 = arith.addf %scan3A_280, %gather3A_285 : vector<16xf32>
        %mul3A_287 = arith.mulf %scan3A_278, %add3A_284 : vector<16xf32>
        %sub3A_288 = arith.subf %add3A_286, %mul3A_287 : vector<16xf32>
        %ge3A = arith.constant 1.000000e+00 : f32
        %ge3A_289 = vector.broadcast %ge3A : f32 to vector<16xf32>
        %ge3A_290 = arith.cmpf oge, %sub3A_288, %ge3A_289 : vector<16xf32>
        %not3A = arith.constant dense<true> : vector<16xi1>
        %not3A_291 = arith.xori %scan3A_283, %not3A : vector<16xi1>
        %and3A = arith.andi %ge3A_290, %not3A_291 : vector<16xi1>
        %select_n3A = arith.select %and3A, %add3A_284, %scan3A_281 : vector<16xi1>, vector<16xf32>
        %select_n3A_292 = arith.select %and3A, %add3A_286, %scan3A_282 : vector<16xi1>, vector<16xf32>
        %or3A = arith.ori %scan3A_283, %and3A : vector<16xi1>
        %add3A_293 = arith.constant 1 : i32
        %add3A_294 = vector.broadcast %add3A_293 : i32 to vector<16xi32>
        %add3A_295 = arith.addi %scan3A_277, %add3A_294 : vector<16xi32>
        %sub3A_296 = arith.constant 3.906250e-03 : f32
        %sub3A_297 = vector.broadcast %sub3A_296 : f32 to vector<16xf32>
        %sub3A_298 = arith.subf %scan3A_278, %sub3A_297 : vector<16xf32>
        %gather3A_299 = tpu.vector_load_idx %arg7[%add3A_295] : memref<4224xf32, #tpu.memory_space<vmem>>[vector<16xi32>], vector<16xf32>,
        %add3A_300 = arith.addf %add3A_284, %gather3A_299 : vector<16xf32>
        %gather3A_301 = tpu.vector_load_idx %arg8[%add3A_295] : memref<4224xf32, #tpu.memory_space<vmem>>[vector<16xi32>], vector<16xf32>,
        %add3A_302 = arith.addf %add3A_286, %gather3A_301 : vector<16xf32>
        %mul3A_303 = arith.mulf %sub3A_298, %add3A_300 : vector<16xf32>
        %sub3A_304 = arith.subf %add3A_302, %mul3A_303 : vector<16xf32>
        %ge3A_305 = arith.constant 1.000000e+00 : f32
        %ge3A_306 = vector.broadcast %ge3A_305 : f32 to vector<16xf32>
        %ge3A_307 = arith.cmpf oge, %sub3A_304, %ge3A_306 : vector<16xf32>
        %not3A_308 = arith.constant dense<true> : vector<16xi1>
        %not3A_309 = arith.xori %or3A, %not3A_308 : vector<16xi1>
        %and3A_310 = arith.andi %ge3A_307, %not3A_309 : vector<16xi1>
        %select_n3A_311 = arith.select %and3A_310, %add3A_300, %select_n3A : vector<16xi1>, vector<16xf32>
        %select_n3A_312 = arith.select %and3A_310, %add3A_302, %select_n3A_292 : vector<16xi1>, vector<16xf32>
        %or3A_313 = arith.ori %or3A, %and3A_310 : vector<16xi1>
        %add3A_314 = arith.constant 1 : i32
        %add3A_315 = vector.broadcast %add3A_314 : i32 to vector<16xi32>
        %add3A_316 = arith.addi %add3A_295, %add3A_315 : vector<16xi32>
        %sub3A_317 = arith.constant 3.906250e-03 : f32
        %sub3A_318 = vector.broadcast %sub3A_317 : f32 to vector<16xf32>
        %sub3A_319 = arith.subf %sub3A_298, %sub3A_318 : vector<16xf32>
        %gather3A_320 = tpu.vector_load_idx %arg7[%add3A_316] : memref<4224xf32, #tpu.memory_space<vmem>>[vector<16xi32>], vector<16xf32>,
        %add3A_321 = arith.addf %add3A_300, %gather3A_320 : vector<16xf32>
        %gather3A_322 = tpu.vector_load_idx %arg8[%add3A_316] : memref<4224xf32, #tpu.memory_space<vmem>>[vector<16xi32>], vector<16xf32>,
        %add3A_323 = arith.addf %add3A_302, %gather3A_322 : vector<16xf32>
        %mul3A_324 = arith.mulf %sub3A_319, %add3A_321 : vector<16xf32>
        %sub3A_325 = arith.subf %add3A_323, %mul3A_324 : vector<16xf32>
        %ge3A_326 = arith.constant 1.000000e+00 : f32
        %ge3A_327 = vector.broadcast %ge3A_326 : f32 to vector<16xf32>
        %ge3A_328 = arith.cmpf oge, %sub3A_325, %ge3A_327 : vector<16xf32>
        %not3A_329 = arith.constant dense<true> : vector<16xi1>
        %not3A_330 = arith.xori %or3A_313, %not3A_329 : vector<16xi1>
        %and3A_331 = arith.andi %ge3A_328, %not3A_330 : vector<16xi1>
        %select_n3A_332 = arith.select %and3A_331, %add3A_321, %select_n3A_311 : vector<16xi1>, vector<16xf32>
        %select_n3A_333 = arith.select %and3A_331, %add3A_323, %select_n3A_312 : vector<16xi1>, vector<16xf32>
        %or3A_334 = arith.ori %or3A_313, %and3A_331 : vector<16xi1>
        %add3A_335 = arith.constant 1 : i32
        %add3A_336 = vector.broadcast %add3A_335 : i32 to vector<16xi32>
        %add3A_337 = arith.addi %add3A_316, %add3A_336 : vector<16xi32>
        %sub3A_338 = arith.constant 3.906250e-03 : f32
        %sub3A_339 = vector.broadcast %sub3A_338 : f32 to vector<16xf32>
        %sub3A_340 = arith.subf %sub3A_319, %sub3A_339 : vector<16xf32>
        %gather3A_341 = tpu.vector_load_idx %arg7[%add3A_337] : memref<4224xf32, #tpu.memory_space<vmem>>[vector<16xi32>], vector<16xf32>,
        %add3A_342 = arith.addf %add3A_321, %gather3A_341 : vector<16xf32>
        %gather3A_343 = tpu.vector_load_idx %arg8[%add3A_337] : memref<4224xf32, #tpu.memory_space<vmem>>[vector<16xi32>], vector<16xf32>,
        %add3A_344 = arith.addf %add3A_323, %gather3A_343 : vector<16xf32>
        %mul3A_345 = arith.mulf %sub3A_340, %add3A_342 : vector<16xf32>
        %sub3A_346 = arith.subf %add3A_344, %mul3A_345 : vector<16xf32>
        %ge3A_347 = arith.constant 1.000000e+00 : f32
        %ge3A_348 = vector.broadcast %ge3A_347 : f32 to vector<16xf32>
        %ge3A_349 = arith.cmpf oge, %sub3A_346, %ge3A_348 : vector<16xf32>
        %not3A_350 = arith.constant dense<true> : vector<16xi1>
        %not3A_351 = arith.xori %or3A_334, %not3A_350 : vector<16xi1>
        %and3A_352 = arith.andi %ge3A_349, %not3A_351 : vector<16xi1>
        %select_n3A_353 = arith.select %and3A_352, %add3A_342, %select_n3A_332 : vector<16xi1>, vector<16xf32>
        %select_n3A_354 = arith.select %and3A_352, %add3A_344, %select_n3A_333 : vector<16xi1>, vector<16xf32>
        %or3A_355 = arith.ori %or3A_334, %and3A_352 : vector<16xi1>
        %add3A_356 = arith.constant 1 : i32
        %add3A_357 = vector.broadcast %add3A_356 : i32 to vector<16xi32>
        %add3A_358 = arith.addi %add3A_337, %add3A_357 : vector<16xi32>
        %sub3A_359 = arith.constant 3.906250e-03 : f32
        %sub3A_360 = vector.broadcast %sub3A_359 : f32 to vector<16xf32>
        %sub3A_361 = arith.subf %sub3A_340, %sub3A_360 : vector<16xf32>
        scf.yield %add3A_358, %sub3A_361, %add3A_342, %add3A_344, %select_n3A_353, %select_n3A_354, %or3A_355 : vector<16xi32>, vector<16xf32>, vector<16xf32>, vector<16xf32>, vector<16xf32>, vector<16xf32>, vector<16xi1>
      }
      %scan3A_214 = arith.constant 64 : i32
      %sub3A_215 = arith.constant 1.000000e+00 : f32
      %sub3A_216 = vector.broadcast %sub3A_215 : f32 to vector<16xf32>
      %sub3A_217 = arith.subf %scan3A_213#5, %sub3A_216 : vector<16xf32>
      %div3A_218 = arith.divf %sub3A_217, %scan3A_213#4 : vector<16xf32>
      %parallel_loop3A_219 = arith.constant 0 : i32
      %parallel_loop3A_220 = arith.constant 34816 : i32
      %parallel_loop3A_221 = arith.constant 136 : i32
      %parallel_loop3A_222:16 = scf.for %parallel_loop3A_276 = %parallel_loop3A_219 to %parallel_loop3A_220 step %parallel_loop3A_221 iter_args(%parallel_loop3A_277 = %broadcast_in_dim3A_10, %parallel_loop3A_278 = %broadcast_in_dim3A_10, %parallel_loop3A_279 = %broadcast_in_dim3A_10, %parallel_loop3A_280 = %broadcast_in_dim3A_10, %parallel_loop3A_281 = %broadcast_in_dim3A_10, %parallel_loop3A_282 = %broadcast_in_dim3A_10, %parallel_loop3A_283 = %broadcast_in_dim3A_10, %parallel_loop3A_284 = %broadcast_in_dim3A_10, %parallel_loop3A_285 = %broadcast_in_dim3A_10, %parallel_loop3A_286 = %broadcast_in_dim3A_10, %parallel_loop3A_287 = %broadcast_in_dim3A_10, %parallel_loop3A_288 = %broadcast_in_dim3A_10, %parallel_loop3A_289 = %broadcast_in_dim3A_10, %parallel_loop3A_290 = %broadcast_in_dim3A_10, %parallel_loop3A_291 = %broadcast_in_dim3A_10, %parallel_loop3A_292 = %broadcast_in_dim3A_10) -> (vector<16xf32>, vector<16xf32>, vector<16xf32>, vector<16xf32>, vector<16xf32>, vector<16xf32>, vector<16xf32>, vector<16xf32>, vector<16xf32>, vector<16xf32>, vector<16xf32>, vector<16xf32>, vector<16xf32>, vector<16xf32>, vector<16xf32>, vector<16xf32>)  : i32 {
        %parallel_loop3A_293 = arith.constant 0 : i32
        %parallel_loop3A_294 = arith.addi %parallel_loop3A_276, %parallel_loop3A_293 : i32
        %parallel_loop3A_295 = arith.index_cast %parallel_loop3A_294 : i32 to index
        %parallel_loop3A_296 = tpu.vector_load %arg6[%parallel_loop3A_295] {strides = array<i32>} : memref<34816xf32, #tpu.memory_space<vmem>>, vector<16xf32>,
        %parallel_loop3A_297 = arith.cmpf ogt, %parallel_loop3A_296, %div3A_218 : vector<16xf32>
        %parallel_loop3A_298 = arith.constant 1.000000e+00 : f32
        %parallel_loop3A_299 = arith.constant 0.000000e+00 : f32
        %parallel_loop3A_300 = vector.broadcast %parallel_loop3A_298 : f32 to vector<16xf32>
        %parallel_loop3A_301 = vector.broadcast %parallel_loop3A_299 : f32 to vector<16xf32>
        %parallel_loop3A_302 = arith.select %parallel_loop3A_297, %parallel_loop3A_300, %parallel_loop3A_301 : vector<16xi1>, vector<16xf32>
        %parallel_loop3A_303 = arith.addf %parallel_loop3A_277, %parallel_loop3A_302 : vector<16xf32>
        %parallel_loop3A_304 = arith.constant 0.000000e+00 : f32
        %parallel_loop3A_305 = vector.broadcast %parallel_loop3A_304 : f32 to vector<16xf32>
        %parallel_loop3A_306 = arith.select %parallel_loop3A_297, %parallel_loop3A_296, %parallel_loop3A_305 : vector<16xi1>, vector<16xf32>
        %parallel_loop3A_307 = arith.addf %parallel_loop3A_278, %parallel_loop3A_306 : vector<16xf32>
        %parallel_loop3A_308 = arith.constant 17 : i32
        %parallel_loop3A_309 = arith.addi %parallel_loop3A_276, %parallel_loop3A_308 : i32
        %parallel_loop3A_310 = arith.index_cast %parallel_loop3A_309 : i32 to index
        %parallel_loop3A_311 = tpu.vector_load %arg6[%parallel_loop3A_310] {strides = array<i32>} : memref<34816xf32, #tpu.memory_space<vmem>>, vector<16xf32>,
        %parallel_loop3A_312 = arith.cmpf ogt, %parallel_loop3A_311, %div3A_218 : vector<16xf32>
        %parallel_loop3A_313 = arith.constant 1.000000e+00 : f32
        %parallel_loop3A_314 = arith.constant 0.000000e+00 : f32
        %parallel_loop3A_315 = vector.broadcast %parallel_loop3A_313 : f32 to vector<16xf32>
        %parallel_loop3A_316 = vector.broadcast %parallel_loop3A_314 : f32 to vector<16xf32>
        %parallel_loop3A_317 = arith.select %parallel_loop3A_312, %parallel_loop3A_315, %parallel_loop3A_316 : vector<16xi1>, vector<16xf32>
        %parallel_loop3A_318 = arith.addf %parallel_loop3A_279, %parallel_loop3A_317 : vector<16xf32>
        %parallel_loop3A_319 = arith.constant 0.000000e+00 : f32
        %parallel_loop3A_320 = vector.broadcast %parallel_loop3A_319 : f32 to vector<16xf32>
        %parallel_loop3A_321 = arith.select %parallel_loop3A_312, %parallel_loop3A_311, %parallel_loop3A_320 : vector<16xi1>, vector<16xf32>
        %parallel_loop3A_322 = arith.addf %parallel_loop3A_280, %parallel_loop3A_321 : vector<16xf32>
        %parallel_loop3A_323 = arith.constant 34 : i32
        %parallel_loop3A_324 = arith.addi %parallel_loop3A_276, %parallel_loop3A_323 : i32
        %parallel_loop3A_325 = arith.index_cast %parallel_loop3A_324 : i32 to index
        %parallel_loop3A_326 = tpu.vector_load %arg6[%parallel_loop3A_325] {strides = array<i32>} : memref<34816xf32, #tpu.memory_space<vmem>>, vector<16xf32>,
        %parallel_loop3A_327 = arith.cmpf ogt, %parallel_loop3A_326, %div3A_218 : vector<16xf32>
        %parallel_loop3A_328 = arith.constant 1.000000e+00 : f32
        %parallel_loop3A_329 = arith.constant 0.000000e+00 : f32
        %parallel_loop3A_330 = vector.broadcast %parallel_loop3A_328 : f32 to vector<16xf32>
        %parallel_loop3A_331 = vector.broadcast %parallel_loop3A_329 : f32 to vector<16xf32>
        %parallel_loop3A_332 = arith.select %parallel_loop3A_327, %parallel_loop3A_330, %parallel_loop3A_331 : vector<16xi1>, vector<16xf32>
        %parallel_loop3A_333 = arith.addf %parallel_loop3A_281, %parallel_loop3A_332 : vector<16xf32>
        %parallel_loop3A_334 = arith.constant 0.000000e+00 : f32
        %parallel_loop3A_335 = vector.broadcast %parallel_loop3A_334 : f32 to vector<16xf32>
        %parallel_loop3A_336 = arith.select %parallel_loop3A_327, %parallel_loop3A_326, %parallel_loop3A_335 : vector<16xi1>, vector<16xf32>
        %parallel_loop3A_337 = arith.addf %parallel_loop3A_282, %parallel_loop3A_336 : vector<16xf32>
        %parallel_loop3A_338 = arith.constant 51 : i32
        %parallel_loop3A_339 = arith.addi %parallel_loop3A_276, %parallel_loop3A_338 : i32
        %parallel_loop3A_340 = arith.index_cast %parallel_loop3A_339 : i32 to index
        %parallel_loop3A_341 = tpu.vector_load %arg6[%parallel_loop3A_340] {strides = array<i32>} : memref<34816xf32, #tpu.memory_space<vmem>>, vector<16xf32>,
        %parallel_loop3A_342 = arith.cmpf ogt, %parallel_loop3A_341, %div3A_218 : vector<16xf32>
        %parallel_loop3A_343 = arith.constant 1.000000e+00 : f32
        %parallel_loop3A_344 = arith.constant 0.000000e+00 : f32
        %parallel_loop3A_345 = vector.broadcast %parallel_loop3A_343 : f32 to vector<16xf32>
        %parallel_loop3A_346 = vector.broadcast %parallel_loop3A_344 : f32 to vector<16xf32>
        %parallel_loop3A_347 = arith.select %parallel_loop3A_342, %parallel_loop3A_345, %parallel_loop3A_346 : vector<16xi1>, vector<16xf32>
        %parallel_loop3A_348 = arith.addf %parallel_loop3A_283, %parallel_loop3A_347 : vector<16xf32>
        %parallel_loop3A_349 = arith.constant 0.000000e+00 : f32
        %parallel_loop3A_350 = vector.broadcast %parallel_loop3A_349 : f32 to vector<16xf32>
        %parallel_loop3A_351 = arith.select %parallel_loop3A_342, %parallel_loop3A_341, %parallel_loop3A_350 : vector<16xi1>, vector<16xf32>
        %parallel_loop3A_352 = arith.addf %parallel_loop3A_284, %parallel_loop3A_351 : vector<16xf32>
        %parallel_loop3A_353 = arith.constant 68 : i32
        %parallel_loop3A_354 = arith.addi %parallel_loop3A_276, %parallel_loop3A_353 : i32
        %parallel_loop3A_355 = arith.index_cast %parallel_loop3A_354 : i32 to index
        %parallel_loop3A_356 = tpu.vector_load %arg6[%parallel_loop3A_355] {strides = array<i32>} : memref<34816xf32, #tpu.memory_space<vmem>>, vector<16xf32>,
        %parallel_loop3A_357 = arith.cmpf ogt, %parallel_loop3A_356, %div3A_218 : vector<16xf32>
        %parallel_loop3A_358 = arith.constant 1.000000e+00 : f32
        %parallel_loop3A_359 = arith.constant 0.000000e+00 : f32
        %parallel_loop3A_360 = vector.broadcast %parallel_loop3A_358 : f32 to vector<16xf32>
        %parallel_loop3A_361 = vector.broadcast %parallel_loop3A_359 : f32 to vector<16xf32>
        %parallel_loop3A_362 = arith.select %parallel_loop3A_357, %parallel_loop3A_360, %parallel_loop3A_361 : vector<16xi1>, vector<16xf32>
        %parallel_loop3A_363 = arith.addf %parallel_loop3A_285, %parallel_loop3A_362 : vector<16xf32>
        %parallel_loop3A_364 = arith.constant 0.000000e+00 : f32
        %parallel_loop3A_365 = vector.broadcast %parallel_loop3A_364 : f32 to vector<16xf32>
        %parallel_loop3A_366 = arith.select %parallel_loop3A_357, %parallel_loop3A_356, %parallel_loop3A_365 : vector<16xi1>, vector<16xf32>
        %parallel_loop3A_367 = arith.addf %parallel_loop3A_286, %parallel_loop3A_366 : vector<16xf32>
        %parallel_loop3A_368 = arith.constant 85 : i32
        %parallel_loop3A_369 = arith.addi %parallel_loop3A_276, %parallel_loop3A_368 : i32
        %parallel_loop3A_370 = arith.index_cast %parallel_loop3A_369 : i32 to index
        %parallel_loop3A_371 = tpu.vector_load %arg6[%parallel_loop3A_370] {strides = array<i32>} : memref<34816xf32, #tpu.memory_space<vmem>>, vector<16xf32>,
        %parallel_loop3A_372 = arith.cmpf ogt, %parallel_loop3A_371, %div3A_218 : vector<16xf32>
        %parallel_loop3A_373 = arith.constant 1.000000e+00 : f32
        %parallel_loop3A_374 = arith.constant 0.000000e+00 : f32
        %parallel_loop3A_375 = vector.broadcast %parallel_loop3A_373 : f32 to vector<16xf32>
        %parallel_loop3A_376 = vector.broadcast %parallel_loop3A_374 : f32 to vector<16xf32>
        %parallel_loop3A_377 = arith.select %parallel_loop3A_372, %parallel_loop3A_375, %parallel_loop3A_376 : vector<16xi1>, vector<16xf32>
        %parallel_loop3A_378 = arith.addf %parallel_loop3A_287, %parallel_loop3A_377 : vector<16xf32>
        %parallel_loop3A_379 = arith.constant 0.000000e+00 : f32
        %parallel_loop3A_380 = vector.broadcast %parallel_loop3A_379 : f32 to vector<16xf32>
        %parallel_loop3A_381 = arith.select %parallel_loop3A_372, %parallel_loop3A_371, %parallel_loop3A_380 : vector<16xi1>, vector<16xf32>
        %parallel_loop3A_382 = arith.addf %parallel_loop3A_288, %parallel_loop3A_381 : vector<16xf32>
        %parallel_loop3A_383 = arith.constant 102 : i32
        %parallel_loop3A_384 = arith.addi %parallel_loop3A_276, %parallel_loop3A_383 : i32
        %parallel_loop3A_385 = arith.index_cast %parallel_loop3A_384 : i32 to index
        %parallel_loop3A_386 = tpu.vector_load %arg6[%parallel_loop3A_385] {strides = array<i32>} : memref<34816xf32, #tpu.memory_space<vmem>>, vector<16xf32>,
        %parallel_loop3A_387 = arith.cmpf ogt, %parallel_loop3A_386, %div3A_218 : vector<16xf32>
        %parallel_loop3A_388 = arith.constant 1.000000e+00 : f32
        %parallel_loop3A_389 = arith.constant 0.000000e+00 : f32
        %parallel_loop3A_390 = vector.broadcast %parallel_loop3A_388 : f32 to vector<16xf32>
        %parallel_loop3A_391 = vector.broadcast %parallel_loop3A_389 : f32 to vector<16xf32>
        %parallel_loop3A_392 = arith.select %parallel_loop3A_387, %parallel_loop3A_390, %parallel_loop3A_391 : vector<16xi1>, vector<16xf32>
        %parallel_loop3A_393 = arith.addf %parallel_loop3A_289, %parallel_loop3A_392 : vector<16xf32>
        %parallel_loop3A_394 = arith.constant 0.000000e+00 : f32
        %parallel_loop3A_395 = vector.broadcast %parallel_loop3A_394 : f32 to vector<16xf32>
        %parallel_loop3A_396 = arith.select %parallel_loop3A_387, %parallel_loop3A_386, %parallel_loop3A_395 : vector<16xi1>, vector<16xf32>
        %parallel_loop3A_397 = arith.addf %parallel_loop3A_290, %parallel_loop3A_396 : vector<16xf32>
        %parallel_loop3A_398 = arith.constant 119 : i32
        %parallel_loop3A_399 = arith.addi %parallel_loop3A_276, %parallel_loop3A_398 : i32
        %parallel_loop3A_400 = arith.index_cast %parallel_loop3A_399 : i32 to index
        %parallel_loop3A_401 = tpu.vector_load %arg6[%parallel_loop3A_400] {strides = array<i32>} : memref<34816xf32, #tpu.memory_space<vmem>>, vector<16xf32>,
        %parallel_loop3A_402 = arith.cmpf ogt, %parallel_loop3A_401, %div3A_218 : vector<16xf32>
        %parallel_loop3A_403 = arith.constant 1.000000e+00 : f32
        %parallel_loop3A_404 = arith.constant 0.000000e+00 : f32
        %parallel_loop3A_405 = vector.broadcast %parallel_loop3A_403 : f32 to vector<16xf32>
        %parallel_loop3A_406 = vector.broadcast %parallel_loop3A_404 : f32 to vector<16xf32>
        %parallel_loop3A_407 = arith.select %parallel_loop3A_402, %parallel_loop3A_405, %parallel_loop3A_406 : vector<16xi1>, vector<16xf32>
        %parallel_loop3A_408 = arith.addf %parallel_loop3A_291, %parallel_loop3A_407 : vector<16xf32>
        %parallel_loop3A_409 = arith.constant 0.000000e+00 : f32
        %parallel_loop3A_410 = vector.broadcast %parallel_loop3A_409 : f32 to vector<16xf32>
        %parallel_loop3A_411 = arith.select %parallel_loop3A_402, %parallel_loop3A_401, %parallel_loop3A_410 : vector<16xi1>, vector<16xf32>
        %parallel_loop3A_412 = arith.addf %parallel_loop3A_292, %parallel_loop3A_411 : vector<16xf32>
        scf.yield %parallel_loop3A_303, %parallel_loop3A_307, %parallel_loop3A_318, %parallel_loop3A_322, %parallel_loop3A_333, %parallel_loop3A_337, %parallel_loop3A_348, %parallel_loop3A_352, %parallel_loop3A_363, %parallel_loop3A_367, %parallel_loop3A_378, %parallel_loop3A_382, %parallel_loop3A_393, %parallel_loop3A_397, %parallel_loop3A_408, %parallel_loop3A_412 : vector<16xf32>, vector<16xf32>, vector<16xf32>, vector<16xf32>, vector<16xf32>, vector<16xf32>, vector<16xf32>, vector<16xf32>, vector<16xf32>, vector<16xf32>, vector<16xf32>, vector<16xf32>, vector<16xf32>, vector<16xf32>, vector<16xf32>, vector<16xf32>
      } {sc.loop_unroll_factor = 1 : i64, sc.parallel_access}
      %add3A_223 = arith.addf %parallel_loop3A_222#0, %parallel_loop3A_222#2 : vector<16xf32>
      %add3A_224 = arith.addf %add3A_223, %parallel_loop3A_222#4 : vector<16xf32>
      %add3A_225 = arith.addf %add3A_224, %parallel_loop3A_222#6 : vector<16xf32>
      %add3A_226 = arith.addf %add3A_225, %parallel_loop3A_222#8 : vector<16xf32>
      %add3A_227 = arith.addf %add3A_226, %parallel_loop3A_222#10 : vector<16xf32>
      %add3A_228 = arith.addf %add3A_227, %parallel_loop3A_222#12 : vector<16xf32>
      %add3A_229 = arith.addf %add3A_228, %parallel_loop3A_222#14 : vector<16xf32>
      %add3A_230 = arith.addf %parallel_loop3A_222#1, %parallel_loop3A_222#3 : vector<16xf32>
      %add3A_231 = arith.addf %add3A_230, %parallel_loop3A_222#5 : vector<16xf32>
      %add3A_232 = arith.addf %add3A_231, %parallel_loop3A_222#7 : vector<16xf32>
      %add3A_233 = arith.addf %add3A_232, %parallel_loop3A_222#9 : vector<16xf32>
      %add3A_234 = arith.addf %add3A_233, %parallel_loop3A_222#11 : vector<16xf32>
      %add3A_235 = arith.addf %add3A_234, %parallel_loop3A_222#13 : vector<16xf32>
      %add3A_236 = arith.addf %add3A_235, %parallel_loop3A_222#15 : vector<16xf32>
      %sub3A_237 = arith.constant 1.000000e+00 : f32
      %sub3A_238 = vector.broadcast %sub3A_237 : f32 to vector<16xf32>
      %sub3A_239 = arith.subf %add3A_236, %sub3A_238 : vector<16xf32>
      %max3A_240 = arith.constant 1.000000e+00 : f32
      %max3A_241 = vector.broadcast %max3A_240 : f32 to vector<16xf32>
      %max3A_242 = arith.maximumf %add3A_229, %max3A_241 : vector<16xf32>
      %div3A_243 = arith.divf %sub3A_239, %max3A_242 : vector<16xf32>
      %parallel_loop3A_244 = arith.constant 0 : i32
      %parallel_loop3A_245 = arith.constant 34816 : i32
      %parallel_loop3A_246 = arith.constant 136 : i32
      %parallel_loop3A_247:16 = scf.for %parallel_loop3A_276 = %parallel_loop3A_244 to %parallel_loop3A_245 step %parallel_loop3A_246 iter_args(%parallel_loop3A_277 = %broadcast_in_dim3A_10, %parallel_loop3A_278 = %broadcast_in_dim3A_10, %parallel_loop3A_279 = %broadcast_in_dim3A_10, %parallel_loop3A_280 = %broadcast_in_dim3A_10, %parallel_loop3A_281 = %broadcast_in_dim3A_10, %parallel_loop3A_282 = %broadcast_in_dim3A_10, %parallel_loop3A_283 = %broadcast_in_dim3A_10, %parallel_loop3A_284 = %broadcast_in_dim3A_10, %parallel_loop3A_285 = %broadcast_in_dim3A_10, %parallel_loop3A_286 = %broadcast_in_dim3A_10, %parallel_loop3A_287 = %broadcast_in_dim3A_10, %parallel_loop3A_288 = %broadcast_in_dim3A_10, %parallel_loop3A_289 = %broadcast_in_dim3A_10, %parallel_loop3A_290 = %broadcast_in_dim3A_10, %parallel_loop3A_291 = %broadcast_in_dim3A_10, %parallel_loop3A_292 = %broadcast_in_dim3A_10) -> (vector<16xf32>, vector<16xf32>, vector<16xf32>, vector<16xf32>, vector<16xf32>, vector<16xf32>, vector<16xf32>, vector<16xf32>, vector<16xf32>, vector<16xf32>, vector<16xf32>, vector<16xf32>, vector<16xf32>, vector<16xf32>, vector<16xf32>, vector<16xf32>)  : i32 {
        %parallel_loop3A_293 = arith.constant 0 : i32
        %parallel_loop3A_294 = arith.addi %parallel_loop3A_276, %parallel_loop3A_293 : i32
        %parallel_loop3A_295 = arith.index_cast %parallel_loop3A_294 : i32 to index
        %parallel_loop3A_296 = tpu.vector_load %arg6[%parallel_loop3A_295] {strides = array<i32>} : memref<34816xf32, #tpu.memory_space<vmem>>, vector<16xf32>,
        %parallel_loop3A_297 = arith.cmpf ogt, %parallel_loop3A_296, %div3A_243 : vector<16xf32>
        %parallel_loop3A_298 = arith.constant 1.000000e+00 : f32
        %parallel_loop3A_299 = arith.constant 0.000000e+00 : f32
        %parallel_loop3A_300 = vector.broadcast %parallel_loop3A_298 : f32 to vector<16xf32>
        %parallel_loop3A_301 = vector.broadcast %parallel_loop3A_299 : f32 to vector<16xf32>
        %parallel_loop3A_302 = arith.select %parallel_loop3A_297, %parallel_loop3A_300, %parallel_loop3A_301 : vector<16xi1>, vector<16xf32>
        %parallel_loop3A_303 = arith.addf %parallel_loop3A_277, %parallel_loop3A_302 : vector<16xf32>
        %parallel_loop3A_304 = arith.constant 0.000000e+00 : f32
        %parallel_loop3A_305 = vector.broadcast %parallel_loop3A_304 : f32 to vector<16xf32>
        %parallel_loop3A_306 = arith.select %parallel_loop3A_297, %parallel_loop3A_296, %parallel_loop3A_305 : vector<16xi1>, vector<16xf32>
        %parallel_loop3A_307 = arith.addf %parallel_loop3A_278, %parallel_loop3A_306 : vector<16xf32>
        %parallel_loop3A_308 = arith.constant 17 : i32
        %parallel_loop3A_309 = arith.addi %parallel_loop3A_276, %parallel_loop3A_308 : i32
        %parallel_loop3A_310 = arith.index_cast %parallel_loop3A_309 : i32 to index
        %parallel_loop3A_311 = tpu.vector_load %arg6[%parallel_loop3A_310] {strides = array<i32>} : memref<34816xf32, #tpu.memory_space<vmem>>, vector<16xf32>,
        %parallel_loop3A_312 = arith.cmpf ogt, %parallel_loop3A_311, %div3A_243 : vector<16xf32>
        %parallel_loop3A_313 = arith.constant 1.000000e+00 : f32
        %parallel_loop3A_314 = arith.constant 0.000000e+00 : f32
        %parallel_loop3A_315 = vector.broadcast %parallel_loop3A_313 : f32 to vector<16xf32>
        %parallel_loop3A_316 = vector.broadcast %parallel_loop3A_314 : f32 to vector<16xf32>
        %parallel_loop3A_317 = arith.select %parallel_loop3A_312, %parallel_loop3A_315, %parallel_loop3A_316 : vector<16xi1>, vector<16xf32>
        %parallel_loop3A_318 = arith.addf %parallel_loop3A_279, %parallel_loop3A_317 : vector<16xf32>
        %parallel_loop3A_319 = arith.constant 0.000000e+00 : f32
        %parallel_loop3A_320 = vector.broadcast %parallel_loop3A_319 : f32 to vector<16xf32>
        %parallel_loop3A_321 = arith.select %parallel_loop3A_312, %parallel_loop3A_311, %parallel_loop3A_320 : vector<16xi1>, vector<16xf32>
        %parallel_loop3A_322 = arith.addf %parallel_loop3A_280, %parallel_loop3A_321 : vector<16xf32>
        %parallel_loop3A_323 = arith.constant 34 : i32
        %parallel_loop3A_324 = arith.addi %parallel_loop3A_276, %parallel_loop3A_323 : i32
        %parallel_loop3A_325 = arith.index_cast %parallel_loop3A_324 : i32 to index
        %parallel_loop3A_326 = tpu.vector_load %arg6[%parallel_loop3A_325] {strides = array<i32>} : memref<34816xf32, #tpu.memory_space<vmem>>, vector<16xf32>,
        %parallel_loop3A_327 = arith.cmpf ogt, %parallel_loop3A_326, %div3A_243 : vector<16xf32>
        %parallel_loop3A_328 = arith.constant 1.000000e+00 : f32
        %parallel_loop3A_329 = arith.constant 0.000000e+00 : f32
        %parallel_loop3A_330 = vector.broadcast %parallel_loop3A_328 : f32 to vector<16xf32>
        %parallel_loop3A_331 = vector.broadcast %parallel_loop3A_329 : f32 to vector<16xf32>
        %parallel_loop3A_332 = arith.select %parallel_loop3A_327, %parallel_loop3A_330, %parallel_loop3A_331 : vector<16xi1>, vector<16xf32>
        %parallel_loop3A_333 = arith.addf %parallel_loop3A_281, %parallel_loop3A_332 : vector<16xf32>
        %parallel_loop3A_334 = arith.constant 0.000000e+00 : f32
        %parallel_loop3A_335 = vector.broadcast %parallel_loop3A_334 : f32 to vector<16xf32>
        %parallel_loop3A_336 = arith.select %parallel_loop3A_327, %parallel_loop3A_326, %parallel_loop3A_335 : vector<16xi1>, vector<16xf32>
        %parallel_loop3A_337 = arith.addf %parallel_loop3A_282, %parallel_loop3A_336 : vector<16xf32>
        %parallel_loop3A_338 = arith.constant 51 : i32
        %parallel_loop3A_339 = arith.addi %parallel_loop3A_276, %parallel_loop3A_338 : i32
        %parallel_loop3A_340 = arith.index_cast %parallel_loop3A_339 : i32 to index
        %parallel_loop3A_341 = tpu.vector_load %arg6[%parallel_loop3A_340] {strides = array<i32>} : memref<34816xf32, #tpu.memory_space<vmem>>, vector<16xf32>,
        %parallel_loop3A_342 = arith.cmpf ogt, %parallel_loop3A_341, %div3A_243 : vector<16xf32>
        %parallel_loop3A_343 = arith.constant 1.000000e+00 : f32
        %parallel_loop3A_344 = arith.constant 0.000000e+00 : f32
        %parallel_loop3A_345 = vector.broadcast %parallel_loop3A_343 : f32 to vector<16xf32>
        %parallel_loop3A_346 = vector.broadcast %parallel_loop3A_344 : f32 to vector<16xf32>
        %parallel_loop3A_347 = arith.select %parallel_loop3A_342, %parallel_loop3A_345, %parallel_loop3A_346 : vector<16xi1>, vector<16xf32>
        %parallel_loop3A_348 = arith.addf %parallel_loop3A_283, %parallel_loop3A_347 : vector<16xf32>
        %parallel_loop3A_349 = arith.constant 0.000000e+00 : f32
        %parallel_loop3A_350 = vector.broadcast %parallel_loop3A_349 : f32 to vector<16xf32>
        %parallel_loop3A_351 = arith.select %parallel_loop3A_342, %parallel_loop3A_341, %parallel_loop3A_350 : vector<16xi1>, vector<16xf32>
        %parallel_loop3A_352 = arith.addf %parallel_loop3A_284, %parallel_loop3A_351 : vector<16xf32>
        %parallel_loop3A_353 = arith.constant 68 : i32
        %parallel_loop3A_354 = arith.addi %parallel_loop3A_276, %parallel_loop3A_353 : i32
        %parallel_loop3A_355 = arith.index_cast %parallel_loop3A_354 : i32 to index
        %parallel_loop3A_356 = tpu.vector_load %arg6[%parallel_loop3A_355] {strides = array<i32>} : memref<34816xf32, #tpu.memory_space<vmem>>, vector<16xf32>,
        %parallel_loop3A_357 = arith.cmpf ogt, %parallel_loop3A_356, %div3A_243 : vector<16xf32>
        %parallel_loop3A_358 = arith.constant 1.000000e+00 : f32
        %parallel_loop3A_359 = arith.constant 0.000000e+00 : f32
        %parallel_loop3A_360 = vector.broadcast %parallel_loop3A_358 : f32 to vector<16xf32>
        %parallel_loop3A_361 = vector.broadcast %parallel_loop3A_359 : f32 to vector<16xf32>
        %parallel_loop3A_362 = arith.select %parallel_loop3A_357, %parallel_loop3A_360, %parallel_loop3A_361 : vector<16xi1>, vector<16xf32>
        %parallel_loop3A_363 = arith.addf %parallel_loop3A_285, %parallel_loop3A_362 : vector<16xf32>
        %parallel_loop3A_364 = arith.constant 0.000000e+00 : f32
        %parallel_loop3A_365 = vector.broadcast %parallel_loop3A_364 : f32 to vector<16xf32>
        %parallel_loop3A_366 = arith.select %parallel_loop3A_357, %parallel_loop3A_356, %parallel_loop3A_365 : vector<16xi1>, vector<16xf32>
        %parallel_loop3A_367 = arith.addf %parallel_loop3A_286, %parallel_loop3A_366 : vector<16xf32>
        %parallel_loop3A_368 = arith.constant 85 : i32
        %parallel_loop3A_369 = arith.addi %parallel_loop3A_276, %parallel_loop3A_368 : i32
        %parallel_loop3A_370 = arith.index_cast %parallel_loop3A_369 : i32 to index
        %parallel_loop3A_371 = tpu.vector_load %arg6[%parallel_loop3A_370] {strides = array<i32>} : memref<34816xf32, #tpu.memory_space<vmem>>, vector<16xf32>,
        %parallel_loop3A_372 = arith.cmpf ogt, %parallel_loop3A_371, %div3A_243 : vector<16xf32>
        %parallel_loop3A_373 = arith.constant 1.000000e+00 : f32
        %parallel_loop3A_374 = arith.constant 0.000000e+00 : f32
        %parallel_loop3A_375 = vector.broadcast %parallel_loop3A_373 : f32 to vector<16xf32>
        %parallel_loop3A_376 = vector.broadcast %parallel_loop3A_374 : f32 to vector<16xf32>
        %parallel_loop3A_377 = arith.select %parallel_loop3A_372, %parallel_loop3A_375, %parallel_loop3A_376 : vector<16xi1>, vector<16xf32>
        %parallel_loop3A_378 = arith.addf %parallel_loop3A_287, %parallel_loop3A_377 : vector<16xf32>
        %parallel_loop3A_379 = arith.constant 0.000000e+00 : f32
        %parallel_loop3A_380 = vector.broadcast %parallel_loop3A_379 : f32 to vector<16xf32>
        %parallel_loop3A_381 = arith.select %parallel_loop3A_372, %parallel_loop3A_371, %parallel_loop3A_380 : vector<16xi1>, vector<16xf32>
        %parallel_loop3A_382 = arith.addf %parallel_loop3A_288, %parallel_loop3A_381 : vector<16xf32>
        %parallel_loop3A_383 = arith.constant 102 : i32
        %parallel_loop3A_384 = arith.addi %parallel_loop3A_276, %parallel_loop3A_383 : i32
        %parallel_loop3A_385 = arith.index_cast %parallel_loop3A_384 : i32 to index
        %parallel_loop3A_386 = tpu.vector_load %arg6[%parallel_loop3A_385] {strides = array<i32>} : memref<34816xf32, #tpu.memory_space<vmem>>, vector<16xf32>,
        %parallel_loop3A_387 = arith.cmpf ogt, %parallel_loop3A_386, %div3A_243 : vector<16xf32>
        %parallel_loop3A_388 = arith.constant 1.000000e+00 : f32
        %parallel_loop3A_389 = arith.constant 0.000000e+00 : f32
        %parallel_loop3A_390 = vector.broadcast %parallel_loop3A_388 : f32 to vector<16xf32>
        %parallel_loop3A_391 = vector.broadcast %parallel_loop3A_389 : f32 to vector<16xf32>
        %parallel_loop3A_392 = arith.select %parallel_loop3A_387, %parallel_loop3A_390, %parallel_loop3A_391 : vector<16xi1>, vector<16xf32>
        %parallel_loop3A_393 = arith.addf %parallel_loop3A_289, %parallel_loop3A_392 : vector<16xf32>
        %parallel_loop3A_394 = arith.constant 0.000000e+00 : f32
        %parallel_loop3A_395 = vector.broadcast %parallel_loop3A_394 : f32 to vector<16xf32>
        %parallel_loop3A_396 = arith.select %parallel_loop3A_387, %parallel_loop3A_386, %parallel_loop3A_395 : vector<16xi1>, vector<16xf32>
        %parallel_loop3A_397 = arith.addf %parallel_loop3A_290, %parallel_loop3A_396 : vector<16xf32>
        %parallel_loop3A_398 = arith.constant 119 : i32
        %parallel_loop3A_399 = arith.addi %parallel_loop3A_276, %parallel_loop3A_398 : i32
        %parallel_loop3A_400 = arith.index_cast %parallel_loop3A_399 : i32 to index
        %parallel_loop3A_401 = tpu.vector_load %arg6[%parallel_loop3A_400] {strides = array<i32>} : memref<34816xf32, #tpu.memory_space<vmem>>, vector<16xf32>,
        %parallel_loop3A_402 = arith.cmpf ogt, %parallel_loop3A_401, %div3A_243 : vector<16xf32>
        %parallel_loop3A_403 = arith.constant 1.000000e+00 : f32
        %parallel_loop3A_404 = arith.constant 0.000000e+00 : f32
        %parallel_loop3A_405 = vector.broadcast %parallel_loop3A_403 : f32 to vector<16xf32>
        %parallel_loop3A_406 = vector.broadcast %parallel_loop3A_404 : f32 to vector<16xf32>
        %parallel_loop3A_407 = arith.select %parallel_loop3A_402, %parallel_loop3A_405, %parallel_loop3A_406 : vector<16xi1>, vector<16xf32>
        %parallel_loop3A_408 = arith.addf %parallel_loop3A_291, %parallel_loop3A_407 : vector<16xf32>
        %parallel_loop3A_409 = arith.constant 0.000000e+00 : f32
        %parallel_loop3A_410 = vector.broadcast %parallel_loop3A_409 : f32 to vector<16xf32>
        %parallel_loop3A_411 = arith.select %parallel_loop3A_402, %parallel_loop3A_401, %parallel_loop3A_410 : vector<16xi1>, vector<16xf32>
        %parallel_loop3A_412 = arith.addf %parallel_loop3A_292, %parallel_loop3A_411 : vector<16xf32>
        scf.yield %parallel_loop3A_303, %parallel_loop3A_307, %parallel_loop3A_318, %parallel_loop3A_322, %parallel_loop3A_333, %parallel_loop3A_337, %parallel_loop3A_348, %parallel_loop3A_352, %parallel_loop3A_363, %parallel_loop3A_367, %parallel_loop3A_378, %parallel_loop3A_382, %parallel_loop3A_393, %parallel_loop3A_397, %parallel_loop3A_408, %parallel_loop3A_412 : vector<16xf32>, vector<16xf32>, vector<16xf32>, vector<16xf32>, vector<16xf32>, vector<16xf32>, vector<16xf32>, vector<16xf32>, vector<16xf32>, vector<16xf32>, vector<16xf32>, vector<16xf32>, vector<16xf32>, vector<16xf32>, vector<16xf32>, vector<16xf32>
      } {sc.loop_unroll_factor = 1 : i64, sc.parallel_access}
      %add3A_248 = arith.addf %parallel_loop3A_247#0, %parallel_loop3A_247#2 : vector<16xf32>
      %add3A_249 = arith.addf %add3A_248, %parallel_loop3A_247#4 : vector<16xf32>
      %add3A_250 = arith.addf %add3A_249, %parallel_loop3A_247#6 : vector<16xf32>
      %add3A_251 = arith.addf %add3A_250, %parallel_loop3A_247#8 : vector<16xf32>
      %add3A_252 = arith.addf %add3A_251, %parallel_loop3A_247#10 : vector<16xf32>
      %add3A_253 = arith.addf %add3A_252, %parallel_loop3A_247#12 : vector<16xf32>
      %add3A_254 = arith.addf %add3A_253, %parallel_loop3A_247#14 : vector<16xf32>
      %add3A_255 = arith.addf %parallel_loop3A_247#1, %parallel_loop3A_247#3 : vector<16xf32>
      %add3A_256 = arith.addf %add3A_255, %parallel_loop3A_247#5 : vector<16xf32>
      %add3A_257 = arith.addf %add3A_256, %parallel_loop3A_247#7 : vector<16xf32>
      %add3A_258 = arith.addf %add3A_257, %parallel_loop3A_247#9 : vector<16xf32>
      %add3A_259 = arith.addf %add3A_258, %parallel_loop3A_247#11 : vector<16xf32>
      %add3A_260 = arith.addf %add3A_259, %parallel_loop3A_247#13 : vector<16xf32>
      %add3A_261 = arith.addf %add3A_260, %parallel_loop3A_247#15 : vector<16xf32>
      %sub3A_262 = arith.constant 1.000000e+00 : f32
      %sub3A_263 = vector.broadcast %sub3A_262 : f32 to vector<16xf32>
      %sub3A_264 = arith.subf %add3A_261, %sub3A_263 : vector<16xf32>
      %max3A_265 = arith.constant 1.000000e+00 : f32
      %max3A_266 = vector.broadcast %max3A_265 : f32 to vector<16xf32>
      %max3A_267 = arith.maximumf %add3A_254, %max3A_266 : vector<16xf32>
      %div3A_268 = arith.divf %sub3A_264, %max3A_267 : vector<16xf32>
      %parallel_loop3A_269 = arith.constant 0 : i32
      %parallel_loop3A_270 = arith.constant 34816 : i32
      %parallel_loop3A_271 = arith.constant 136 : i32
      scf.for %parallel_loop3A_276 = %parallel_loop3A_269 to %parallel_loop3A_270 step %parallel_loop3A_271  : i32 {
        %parallel_loop3A_277 = arith.constant 0 : i32
        %parallel_loop3A_278 = arith.addi %parallel_loop3A_276, %parallel_loop3A_277 : i32
        %parallel_loop3A_279 = arith.index_cast %parallel_loop3A_278 : i32 to index
        %parallel_loop3A_280 = tpu.vector_load %arg6[%parallel_loop3A_279] {strides = array<i32>} : memref<34816xf32, #tpu.memory_space<vmem>>, vector<16xf32>,
        %parallel_loop3A_281 = arith.subf %parallel_loop3A_280, %div3A_268 : vector<16xf32>
        %parallel_loop3A_282 = arith.constant 0.000000e+00 : f32
        %parallel_loop3A_283 = vector.broadcast %parallel_loop3A_282 : f32 to vector<16xf32>
        %parallel_loop3A_284 = arith.maximumf %parallel_loop3A_281, %parallel_loop3A_283 : vector<16xf32>
        %parallel_loop3A_285 = arith.index_cast %parallel_loop3A_278 : i32 to index
        %parallel_loop3A_286 = tpu.vector_load %arg6[%parallel_loop3A_285] {strides = array<i32>} : memref<34816xf32, #tpu.memory_space<vmem>>, vector<16xf32>,
        tpu.vector_store %arg6[%parallel_loop3A_285], %parallel_loop3A_284 {strides = array<i32>} : memref<34816xf32, #tpu.memory_space<vmem>>, vector<16xf32>,
        %parallel_loop3A_287 = arith.constant 17 : i32
        %parallel_loop3A_288 = arith.addi %parallel_loop3A_276, %parallel_loop3A_287 : i32
        %parallel_loop3A_289 = arith.index_cast %parallel_loop3A_288 : i32 to index
        %parallel_loop3A_290 = tpu.vector_load %arg6[%parallel_loop3A_289] {strides = array<i32>} : memref<34816xf32, #tpu.memory_space<vmem>>, vector<16xf32>,
        %parallel_loop3A_291 = arith.subf %parallel_loop3A_290, %div3A_268 : vector<16xf32>
        %parallel_loop3A_292 = arith.constant 0.000000e+00 : f32
        %parallel_loop3A_293 = vector.broadcast %parallel_loop3A_292 : f32 to vector<16xf32>
        %parallel_loop3A_294 = arith.maximumf %parallel_loop3A_291, %parallel_loop3A_293 : vector<16xf32>
        %parallel_loop3A_295 = arith.index_cast %parallel_loop3A_288 : i32 to index
        %parallel_loop3A_296 = tpu.vector_load %arg6[%parallel_loop3A_295] {strides = array<i32>} : memref<34816xf32, #tpu.memory_space<vmem>>, vector<16xf32>,
        tpu.vector_store %arg6[%parallel_loop3A_295], %parallel_loop3A_294 {strides = array<i32>} : memref<34816xf32, #tpu.memory_space<vmem>>, vector<16xf32>,
        %parallel_loop3A_297 = arith.constant 34 : i32
        %parallel_loop3A_298 = arith.addi %parallel_loop3A_276, %parallel_loop3A_297 : i32
        %parallel_loop3A_299 = arith.index_cast %parallel_loop3A_298 : i32 to index
        %parallel_loop3A_300 = tpu.vector_load %arg6[%parallel_loop3A_299] {strides = array<i32>} : memref<34816xf32, #tpu.memory_space<vmem>>, vector<16xf32>,
        %parallel_loop3A_301 = arith.subf %parallel_loop3A_300, %div3A_268 : vector<16xf32>
        %parallel_loop3A_302 = arith.constant 0.000000e+00 : f32
        %parallel_loop3A_303 = vector.broadcast %parallel_loop3A_302 : f32 to vector<16xf32>
        %parallel_loop3A_304 = arith.maximumf %parallel_loop3A_301, %parallel_loop3A_303 : vector<16xf32>
        %parallel_loop3A_305 = arith.index_cast %parallel_loop3A_298 : i32 to index
        %parallel_loop3A_306 = tpu.vector_load %arg6[%parallel_loop3A_305] {strides = array<i32>} : memref<34816xf32, #tpu.memory_space<vmem>>, vector<16xf32>,
        tpu.vector_store %arg6[%parallel_loop3A_305], %parallel_loop3A_304 {strides = array<i32>} : memref<34816xf32, #tpu.memory_space<vmem>>, vector<16xf32>,
        %parallel_loop3A_307 = arith.constant 51 : i32
        %parallel_loop3A_308 = arith.addi %parallel_loop3A_276, %parallel_loop3A_307 : i32
        %parallel_loop3A_309 = arith.index_cast %parallel_loop3A_308 : i32 to index
        %parallel_loop3A_310 = tpu.vector_load %arg6[%parallel_loop3A_309] {strides = array<i32>} : memref<34816xf32, #tpu.memory_space<vmem>>, vector<16xf32>,
        %parallel_loop3A_311 = arith.subf %parallel_loop3A_310, %div3A_268 : vector<16xf32>
        %parallel_loop3A_312 = arith.constant 0.000000e+00 : f32
        %parallel_loop3A_313 = vector.broadcast %parallel_loop3A_312 : f32 to vector<16xf32>
        %parallel_loop3A_314 = arith.maximumf %parallel_loop3A_311, %parallel_loop3A_313 : vector<16xf32>
        %parallel_loop3A_315 = arith.index_cast %parallel_loop3A_308 : i32 to index
        %parallel_loop3A_316 = tpu.vector_load %arg6[%parallel_loop3A_315] {strides = array<i32>} : memref<34816xf32, #tpu.memory_space<vmem>>, vector<16xf32>,
        tpu.vector_store %arg6[%parallel_loop3A_315], %parallel_loop3A_314 {strides = array<i32>} : memref<34816xf32, #tpu.memory_space<vmem>>, vector<16xf32>,
        %parallel_loop3A_317 = arith.constant 68 : i32
        %parallel_loop3A_318 = arith.addi %parallel_loop3A_276, %parallel_loop3A_317 : i32
        %parallel_loop3A_319 = arith.index_cast %parallel_loop3A_318 : i32 to index
        %parallel_loop3A_320 = tpu.vector_load %arg6[%parallel_loop3A_319] {strides = array<i32>} : memref<34816xf32, #tpu.memory_space<vmem>>, vector<16xf32>,
        %parallel_loop3A_321 = arith.subf %parallel_loop3A_320, %div3A_268 : vector<16xf32>
        %parallel_loop3A_322 = arith.constant 0.000000e+00 : f32
        %parallel_loop3A_323 = vector.broadcast %parallel_loop3A_322 : f32 to vector<16xf32>
        %parallel_loop3A_324 = arith.maximumf %parallel_loop3A_321, %parallel_loop3A_323 : vector<16xf32>
        %parallel_loop3A_325 = arith.index_cast %parallel_loop3A_318 : i32 to index
        %parallel_loop3A_326 = tpu.vector_load %arg6[%parallel_loop3A_325] {strides = array<i32>} : memref<34816xf32, #tpu.memory_space<vmem>>, vector<16xf32>,
        tpu.vector_store %arg6[%parallel_loop3A_325], %parallel_loop3A_324 {strides = array<i32>} : memref<34816xf32, #tpu.memory_space<vmem>>, vector<16xf32>,
        %parallel_loop3A_327 = arith.constant 85 : i32
        %parallel_loop3A_328 = arith.addi %parallel_loop3A_276, %parallel_loop3A_327 : i32
        %parallel_loop3A_329 = arith.index_cast %parallel_loop3A_328 : i32 to index
        %parallel_loop3A_330 = tpu.vector_load %arg6[%parallel_loop3A_329] {strides = array<i32>} : memref<34816xf32, #tpu.memory_space<vmem>>, vector<16xf32>,
        %parallel_loop3A_331 = arith.subf %parallel_loop3A_330, %div3A_268 : vector<16xf32>
        %parallel_loop3A_332 = arith.constant 0.000000e+00 : f32
        %parallel_loop3A_333 = vector.broadcast %parallel_loop3A_332 : f32 to vector<16xf32>
        %parallel_loop3A_334 = arith.maximumf %parallel_loop3A_331, %parallel_loop3A_333 : vector<16xf32>
        %parallel_loop3A_335 = arith.index_cast %parallel_loop3A_328 : i32 to index
        %parallel_loop3A_336 = tpu.vector_load %arg6[%parallel_loop3A_335] {strides = array<i32>} : memref<34816xf32, #tpu.memory_space<vmem>>, vector<16xf32>,
        tpu.vector_store %arg6[%parallel_loop3A_335], %parallel_loop3A_334 {strides = array<i32>} : memref<34816xf32, #tpu.memory_space<vmem>>, vector<16xf32>,
        %parallel_loop3A_337 = arith.constant 102 : i32
        %parallel_loop3A_338 = arith.addi %parallel_loop3A_276, %parallel_loop3A_337 : i32
        %parallel_loop3A_339 = arith.index_cast %parallel_loop3A_338 : i32 to index
        %parallel_loop3A_340 = tpu.vector_load %arg6[%parallel_loop3A_339] {strides = array<i32>} : memref<34816xf32, #tpu.memory_space<vmem>>, vector<16xf32>,
        %parallel_loop3A_341 = arith.subf %parallel_loop3A_340, %div3A_268 : vector<16xf32>
        %parallel_loop3A_342 = arith.constant 0.000000e+00 : f32
        %parallel_loop3A_343 = vector.broadcast %parallel_loop3A_342 : f32 to vector<16xf32>
        %parallel_loop3A_344 = arith.maximumf %parallel_loop3A_341, %parallel_loop3A_343 : vector<16xf32>
        %parallel_loop3A_345 = arith.index_cast %parallel_loop3A_338 : i32 to index
        %parallel_loop3A_346 = tpu.vector_load %arg6[%parallel_loop3A_345] {strides = array<i32>} : memref<34816xf32, #tpu.memory_space<vmem>>, vector<16xf32>,
        tpu.vector_store %arg6[%parallel_loop3A_345], %parallel_loop3A_344 {strides = array<i32>} : memref<34816xf32, #tpu.memory_space<vmem>>, vector<16xf32>,
        %parallel_loop3A_347 = arith.constant 119 : i32
        %parallel_loop3A_348 = arith.addi %parallel_loop3A_276, %parallel_loop3A_347 : i32
        %parallel_loop3A_349 = arith.index_cast %parallel_loop3A_348 : i32 to index
        %parallel_loop3A_350 = tpu.vector_load %arg6[%parallel_loop3A_349] {strides = array<i32>} : memref<34816xf32, #tpu.memory_space<vmem>>, vector<16xf32>,
        %parallel_loop3A_351 = arith.subf %parallel_loop3A_350, %div3A_268 : vector<16xf32>
        %parallel_loop3A_352 = arith.constant 0.000000e+00 : f32
        %parallel_loop3A_353 = vector.broadcast %parallel_loop3A_352 : f32 to vector<16xf32>
        %parallel_loop3A_354 = arith.maximumf %parallel_loop3A_351, %parallel_loop3A_353 : vector<16xf32>
        %parallel_loop3A_355 = arith.index_cast %parallel_loop3A_348 : i32 to index
        %parallel_loop3A_356 = tpu.vector_load %arg6[%parallel_loop3A_355] {strides = array<i32>} : memref<34816xf32, #tpu.memory_space<vmem>>, vector<16xf32>,
        tpu.vector_store %arg6[%parallel_loop3A_355], %parallel_loop3A_354 {strides = array<i32>} : memref<34816xf32, #tpu.memory_space<vmem>>, vector<16xf32>,
      } {sc.loop_unroll_factor = 1 : i64, sc.parallel_access}
      %parallel_loop3A_272 = arith.constant 0 : i32
      %parallel_loop3A_273 = arith.constant 2048 : i32
      %parallel_loop3A_274 = arith.constant 16 : i32
      %parallel_loop3A_275 = scf.for %parallel_loop3A_276 = %parallel_loop3A_272 to %parallel_loop3A_273 step %parallel_loop3A_274 iter_args(%parallel_loop3A_277 = %mul3A_3) -> (vector<16xi32>)  : i32 {
        %parallel_loop3A_278 = arith.constant 0 : i32
        %parallel_loop3A_279 = vector.broadcast %parallel_loop3A_278 : i32 to vector<16xi32>
        %parallel_loop3A_280 = arith.addi %parallel_loop3A_277, %parallel_loop3A_279 : vector<16xi32>
        %parallel_loop3A_281 = tpu.vector_load_idx %arg6[%parallel_loop3A_280] : memref<34816xf32, #tpu.memory_space<vmem>>[vector<16xi32>], vector<16xf32>,
        %parallel_loop3A_282 = arith.constant 0 : i32
        %parallel_loop3A_283 = arith.addi %parallel_loop3A_282, %parallel_loop3A_276 : i32
        %parallel_loop3A_284 = arith.index_cast %parallel_loop3A_283 : i32 to index
        %parallel_loop3A_285 = tpu.vector_load %arg5[%parallel_loop3A_284] {strides = array<i32>} : memref<32768xf32, #tpu.memory_space<vmem>>, vector<16xf32>,
        tpu.vector_store %arg5[%parallel_loop3A_284], %parallel_loop3A_281 {strides = array<i32>} : memref<32768xf32, #tpu.memory_space<vmem>>, vector<16xf32>,
        %parallel_loop3A_286 = arith.constant 1 : i32
        %parallel_loop3A_287 = vector.broadcast %parallel_loop3A_286 : i32 to vector<16xi32>
        %parallel_loop3A_288 = arith.addi %parallel_loop3A_277, %parallel_loop3A_287 : vector<16xi32>
        %parallel_loop3A_289 = tpu.vector_load_idx %arg6[%parallel_loop3A_288] : memref<34816xf32, #tpu.memory_space<vmem>>[vector<16xi32>], vector<16xf32>,
        %parallel_loop3A_290 = arith.constant 2048 : i32
        %parallel_loop3A_291 = arith.addi %parallel_loop3A_290, %parallel_loop3A_276 : i32
        %parallel_loop3A_292 = arith.index_cast %parallel_loop3A_291 : i32 to index
        %parallel_loop3A_293 = tpu.vector_load %arg5[%parallel_loop3A_292] {strides = array<i32>} : memref<32768xf32, #tpu.memory_space<vmem>>, vector<16xf32>,
        tpu.vector_store %arg5[%parallel_loop3A_292], %parallel_loop3A_289 {strides = array<i32>} : memref<32768xf32, #tpu.memory_space<vmem>>, vector<16xf32>,
        %parallel_loop3A_294 = arith.constant 2 : i32
        %parallel_loop3A_295 = vector.broadcast %parallel_loop3A_294 : i32 to vector<16xi32>
        %parallel_loop3A_296 = arith.addi %parallel_loop3A_277, %parallel_loop3A_295 : vector<16xi32>
        %parallel_loop3A_297 = tpu.vector_load_idx %arg6[%parallel_loop3A_296] : memref<34816xf32, #tpu.memory_space<vmem>>[vector<16xi32>], vector<16xf32>,
        %parallel_loop3A_298 = arith.constant 4096 : i32
        %parallel_loop3A_299 = arith.addi %parallel_loop3A_298, %parallel_loop3A_276 : i32
        %parallel_loop3A_300 = arith.index_cast %parallel_loop3A_299 : i32 to index
        %parallel_loop3A_301 = tpu.vector_load %arg5[%parallel_loop3A_300] {strides = array<i32>} : memref<32768xf32, #tpu.memory_space<vmem>>, vector<16xf32>,
        tpu.vector_store %arg5[%parallel_loop3A_300], %parallel_loop3A_297 {strides = array<i32>} : memref<32768xf32, #tpu.memory_space<vmem>>, vector<16xf32>,
        %parallel_loop3A_302 = arith.constant 3 : i32
        %parallel_loop3A_303 = vector.broadcast %parallel_loop3A_302 : i32 to vector<16xi32>
        %parallel_loop3A_304 = arith.addi %parallel_loop3A_277, %parallel_loop3A_303 : vector<16xi32>
        %parallel_loop3A_305 = tpu.vector_load_idx %arg6[%parallel_loop3A_304] : memref<34816xf32, #tpu.memory_space<vmem>>[vector<16xi32>], vector<16xf32>,
        %parallel_loop3A_306 = arith.constant 6144 : i32
        %parallel_loop3A_307 = arith.addi %parallel_loop3A_306, %parallel_loop3A_276 : i32
        %parallel_loop3A_308 = arith.index_cast %parallel_loop3A_307 : i32 to index
        %parallel_loop3A_309 = tpu.vector_load %arg5[%parallel_loop3A_308] {strides = array<i32>} : memref<32768xf32, #tpu.memory_space<vmem>>, vector<16xf32>,
        tpu.vector_store %arg5[%parallel_loop3A_308], %parallel_loop3A_305 {strides = array<i32>} : memref<32768xf32, #tpu.memory_space<vmem>>, vector<16xf32>,
        %parallel_loop3A_310 = arith.constant 4 : i32
        %parallel_loop3A_311 = vector.broadcast %parallel_loop3A_310 : i32 to vector<16xi32>
        %parallel_loop3A_312 = arith.addi %parallel_loop3A_277, %parallel_loop3A_311 : vector<16xi32>
        %parallel_loop3A_313 = tpu.vector_load_idx %arg6[%parallel_loop3A_312] : memref<34816xf32, #tpu.memory_space<vmem>>[vector<16xi32>], vector<16xf32>,
        %parallel_loop3A_314 = arith.constant 8192 : i32
        %parallel_loop3A_315 = arith.addi %parallel_loop3A_314, %parallel_loop3A_276 : i32
        %parallel_loop3A_316 = arith.index_cast %parallel_loop3A_315 : i32 to index
        %parallel_loop3A_317 = tpu.vector_load %arg5[%parallel_loop3A_316] {strides = array<i32>} : memref<32768xf32, #tpu.memory_space<vmem>>, vector<16xf32>,
        tpu.vector_store %arg5[%parallel_loop3A_316], %parallel_loop3A_313 {strides = array<i32>} : memref<32768xf32, #tpu.memory_space<vmem>>, vector<16xf32>,
        %parallel_loop3A_318 = arith.constant 5 : i32
        %parallel_loop3A_319 = vector.broadcast %parallel_loop3A_318 : i32 to vector<16xi32>
        %parallel_loop3A_320 = arith.addi %parallel_loop3A_277, %parallel_loop3A_319 : vector<16xi32>
        %parallel_loop3A_321 = tpu.vector_load_idx %arg6[%parallel_loop3A_320] : memref<34816xf32, #tpu.memory_space<vmem>>[vector<16xi32>], vector<16xf32>,
        %parallel_loop3A_322 = arith.constant 10240 : i32
        %parallel_loop3A_323 = arith.addi %parallel_loop3A_322, %parallel_loop3A_276 : i32
        %parallel_loop3A_324 = arith.index_cast %parallel_loop3A_323 : i32 to index
        %parallel_loop3A_325 = tpu.vector_load %arg5[%parallel_loop3A_324] {strides = array<i32>} : memref<32768xf32, #tpu.memory_space<vmem>>, vector<16xf32>,
        tpu.vector_store %arg5[%parallel_loop3A_324], %parallel_loop3A_321 {strides = array<i32>} : memref<32768xf32, #tpu.memory_space<vmem>>, vector<16xf32>,
        %parallel_loop3A_326 = arith.constant 6 : i32
        %parallel_loop3A_327 = vector.broadcast %parallel_loop3A_326 : i32 to vector<16xi32>
        %parallel_loop3A_328 = arith.addi %parallel_loop3A_277, %parallel_loop3A_327 : vector<16xi32>
        %parallel_loop3A_329 = tpu.vector_load_idx %arg6[%parallel_loop3A_328] : memref<34816xf32, #tpu.memory_space<vmem>>[vector<16xi32>], vector<16xf32>,
        %parallel_loop3A_330 = arith.constant 12288 : i32
        %parallel_loop3A_331 = arith.addi %parallel_loop3A_330, %parallel_loop3A_276 : i32
        %parallel_loop3A_332 = arith.index_cast %parallel_loop3A_331 : i32 to index
        %parallel_loop3A_333 = tpu.vector_load %arg5[%parallel_loop3A_332] {strides = array<i32>} : memref<32768xf32, #tpu.memory_space<vmem>>, vector<16xf32>,
        tpu.vector_store %arg5[%parallel_loop3A_332], %parallel_loop3A_329 {strides = array<i32>} : memref<32768xf32, #tpu.memory_space<vmem>>, vector<16xf32>,
        %parallel_loop3A_334 = arith.constant 7 : i32
        %parallel_loop3A_335 = vector.broadcast %parallel_loop3A_334 : i32 to vector<16xi32>
        %parallel_loop3A_336 = arith.addi %parallel_loop3A_277, %parallel_loop3A_335 : vector<16xi32>
        %parallel_loop3A_337 = tpu.vector_load_idx %arg6[%parallel_loop3A_336] : memref<34816xf32, #tpu.memory_space<vmem>>[vector<16xi32>], vector<16xf32>,
        %parallel_loop3A_338 = arith.constant 14336 : i32
        %parallel_loop3A_339 = arith.addi %parallel_loop3A_338, %parallel_loop3A_276 : i32
        %parallel_loop3A_340 = arith.index_cast %parallel_loop3A_339 : i32 to index
        %parallel_loop3A_341 = tpu.vector_load %arg5[%parallel_loop3A_340] {strides = array<i32>} : memref<32768xf32, #tpu.memory_space<vmem>>, vector<16xf32>,
        tpu.vector_store %arg5[%parallel_loop3A_340], %parallel_loop3A_337 {strides = array<i32>} : memref<32768xf32, #tpu.memory_space<vmem>>, vector<16xf32>,
        %parallel_loop3A_342 = arith.constant 8 : i32
        %parallel_loop3A_343 = vector.broadcast %parallel_loop3A_342 : i32 to vector<16xi32>
        %parallel_loop3A_344 = arith.addi %parallel_loop3A_277, %parallel_loop3A_343 : vector<16xi32>
        %parallel_loop3A_345 = tpu.vector_load_idx %arg6[%parallel_loop3A_344] : memref<34816xf32, #tpu.memory_space<vmem>>[vector<16xi32>], vector<16xf32>,
        %parallel_loop3A_346 = arith.constant 16384 : i32
        %parallel_loop3A_347 = arith.addi %parallel_loop3A_346, %parallel_loop3A_276 : i32
        %parallel_loop3A_348 = arith.index_cast %parallel_loop3A_347 : i32 to index
        %parallel_loop3A_349 = tpu.vector_load %arg5[%parallel_loop3A_348] {strides = array<i32>} : memref<32768xf32, #tpu.memory_space<vmem>>, vector<16xf32>,
        tpu.vector_store %arg5[%parallel_loop3A_348], %parallel_loop3A_345 {strides = array<i32>} : memref<32768xf32, #tpu.memory_space<vmem>>, vector<16xf32>,
        %parallel_loop3A_350 = arith.constant 9 : i32
        %parallel_loop3A_351 = vector.broadcast %parallel_loop3A_350 : i32 to vector<16xi32>
        %parallel_loop3A_352 = arith.addi %parallel_loop3A_277, %parallel_loop3A_351 : vector<16xi32>
        %parallel_loop3A_353 = tpu.vector_load_idx %arg6[%parallel_loop3A_352] : memref<34816xf32, #tpu.memory_space<vmem>>[vector<16xi32>], vector<16xf32>,
        %parallel_loop3A_354 = arith.constant 18432 : i32
        %parallel_loop3A_355 = arith.addi %parallel_loop3A_354, %parallel_loop3A_276 : i32
        %parallel_loop3A_356 = arith.index_cast %parallel_loop3A_355 : i32 to index
        %parallel_loop3A_357 = tpu.vector_load %arg5[%parallel_loop3A_356] {strides = array<i32>} : memref<32768xf32, #tpu.memory_space<vmem>>, vector<16xf32>,
        tpu.vector_store %arg5[%parallel_loop3A_356], %parallel_loop3A_353 {strides = array<i32>} : memref<32768xf32, #tpu.memory_space<vmem>>, vector<16xf32>,
        %parallel_loop3A_358 = arith.constant 10 : i32
        %parallel_loop3A_359 = vector.broadcast %parallel_loop3A_358 : i32 to vector<16xi32>
        %parallel_loop3A_360 = arith.addi %parallel_loop3A_277, %parallel_loop3A_359 : vector<16xi32>
        %parallel_loop3A_361 = tpu.vector_load_idx %arg6[%parallel_loop3A_360] : memref<34816xf32, #tpu.memory_space<vmem>>[vector<16xi32>], vector<16xf32>,
        %parallel_loop3A_362 = arith.constant 20480 : i32
        %parallel_loop3A_363 = arith.addi %parallel_loop3A_362, %parallel_loop3A_276 : i32
        %parallel_loop3A_364 = arith.index_cast %parallel_loop3A_363 : i32 to index
        %parallel_loop3A_365 = tpu.vector_load %arg5[%parallel_loop3A_364] {strides = array<i32>} : memref<32768xf32, #tpu.memory_space<vmem>>, vector<16xf32>,
        tpu.vector_store %arg5[%parallel_loop3A_364], %parallel_loop3A_361 {strides = array<i32>} : memref<32768xf32, #tpu.memory_space<vmem>>, vector<16xf32>,
        %parallel_loop3A_366 = arith.constant 11 : i32
        %parallel_loop3A_367 = vector.broadcast %parallel_loop3A_366 : i32 to vector<16xi32>
        %parallel_loop3A_368 = arith.addi %parallel_loop3A_277, %parallel_loop3A_367 : vector<16xi32>
        %parallel_loop3A_369 = tpu.vector_load_idx %arg6[%parallel_loop3A_368] : memref<34816xf32, #tpu.memory_space<vmem>>[vector<16xi32>], vector<16xf32>,
        %parallel_loop3A_370 = arith.constant 22528 : i32
        %parallel_loop3A_371 = arith.addi %parallel_loop3A_370, %parallel_loop3A_276 : i32
        %parallel_loop3A_372 = arith.index_cast %parallel_loop3A_371 : i32 to index
        %parallel_loop3A_373 = tpu.vector_load %arg5[%parallel_loop3A_372] {strides = array<i32>} : memref<32768xf32, #tpu.memory_space<vmem>>, vector<16xf32>,
        tpu.vector_store %arg5[%parallel_loop3A_372], %parallel_loop3A_369 {strides = array<i32>} : memref<32768xf32, #tpu.memory_space<vmem>>, vector<16xf32>,
        %parallel_loop3A_374 = arith.constant 12 : i32
        %parallel_loop3A_375 = vector.broadcast %parallel_loop3A_374 : i32 to vector<16xi32>
        %parallel_loop3A_376 = arith.addi %parallel_loop3A_277, %parallel_loop3A_375 : vector<16xi32>
        %parallel_loop3A_377 = tpu.vector_load_idx %arg6[%parallel_loop3A_376] : memref<34816xf32, #tpu.memory_space<vmem>>[vector<16xi32>], vector<16xf32>,
        %parallel_loop3A_378 = arith.constant 24576 : i32
        %parallel_loop3A_379 = arith.addi %parallel_loop3A_378, %parallel_loop3A_276 : i32
        %parallel_loop3A_380 = arith.index_cast %parallel_loop3A_379 : i32 to index
        %parallel_loop3A_381 = tpu.vector_load %arg5[%parallel_loop3A_380] {strides = array<i32>} : memref<32768xf32, #tpu.memory_space<vmem>>, vector<16xf32>,
        tpu.vector_store %arg5[%parallel_loop3A_380], %parallel_loop3A_377 {strides = array<i32>} : memref<32768xf32, #tpu.memory_space<vmem>>, vector<16xf32>,
        %parallel_loop3A_382 = arith.constant 13 : i32
        %parallel_loop3A_383 = vector.broadcast %parallel_loop3A_382 : i32 to vector<16xi32>
        %parallel_loop3A_384 = arith.addi %parallel_loop3A_277, %parallel_loop3A_383 : vector<16xi32>
        %parallel_loop3A_385 = tpu.vector_load_idx %arg6[%parallel_loop3A_384] : memref<34816xf32, #tpu.memory_space<vmem>>[vector<16xi32>], vector<16xf32>,
        %parallel_loop3A_386 = arith.constant 26624 : i32
        %parallel_loop3A_387 = arith.addi %parallel_loop3A_386, %parallel_loop3A_276 : i32
        %parallel_loop3A_388 = arith.index_cast %parallel_loop3A_387 : i32 to index
        %parallel_loop3A_389 = tpu.vector_load %arg5[%parallel_loop3A_388] {strides = array<i32>} : memref<32768xf32, #tpu.memory_space<vmem>>, vector<16xf32>,
        tpu.vector_store %arg5[%parallel_loop3A_388], %parallel_loop3A_385 {strides = array<i32>} : memref<32768xf32, #tpu.memory_space<vmem>>, vector<16xf32>,
        %parallel_loop3A_390 = arith.constant 14 : i32
        %parallel_loop3A_391 = vector.broadcast %parallel_loop3A_390 : i32 to vector<16xi32>
        %parallel_loop3A_392 = arith.addi %parallel_loop3A_277, %parallel_loop3A_391 : vector<16xi32>
        %parallel_loop3A_393 = tpu.vector_load_idx %arg6[%parallel_loop3A_392] : memref<34816xf32, #tpu.memory_space<vmem>>[vector<16xi32>], vector<16xf32>,
        %parallel_loop3A_394 = arith.constant 28672 : i32
        %parallel_loop3A_395 = arith.addi %parallel_loop3A_394, %parallel_loop3A_276 : i32
        %parallel_loop3A_396 = arith.index_cast %parallel_loop3A_395 : i32 to index
        %parallel_loop3A_397 = tpu.vector_load %arg5[%parallel_loop3A_396] {strides = array<i32>} : memref<32768xf32, #tpu.memory_space<vmem>>, vector<16xf32>,
        tpu.vector_store %arg5[%parallel_loop3A_396], %parallel_loop3A_393 {strides = array<i32>} : memref<32768xf32, #tpu.memory_space<vmem>>, vector<16xf32>,
        %parallel_loop3A_398 = arith.constant 15 : i32
        %parallel_loop3A_399 = vector.broadcast %parallel_loop3A_398 : i32 to vector<16xi32>
        %parallel_loop3A_400 = arith.addi %parallel_loop3A_277, %parallel_loop3A_399 : vector<16xi32>
        %parallel_loop3A_401 = tpu.vector_load_idx %arg6[%parallel_loop3A_400] : memref<34816xf32, #tpu.memory_space<vmem>>[vector<16xi32>], vector<16xf32>,
        %parallel_loop3A_402 = arith.constant 30720 : i32
        %parallel_loop3A_403 = arith.addi %parallel_loop3A_402, %parallel_loop3A_276 : i32
        %parallel_loop3A_404 = arith.index_cast %parallel_loop3A_403 : i32 to index
        %parallel_loop3A_405 = tpu.vector_load %arg5[%parallel_loop3A_404] {strides = array<i32>} : memref<32768xf32, #tpu.memory_space<vmem>>, vector<16xf32>,
        tpu.vector_store %arg5[%parallel_loop3A_404], %parallel_loop3A_401 {strides = array<i32>} : memref<32768xf32, #tpu.memory_space<vmem>>, vector<16xf32>,
        %parallel_loop3A_406 = arith.constant 272 : i32
        %parallel_loop3A_407 = vector.broadcast %parallel_loop3A_406 : i32 to vector<16xi32>
        %parallel_loop3A_408 = arith.addi %parallel_loop3A_277, %parallel_loop3A_407 : vector<16xi32>
        scf.yield %parallel_loop3A_408 : vector<16xi32>
      } {sc.loop_unroll_factor = 1 : i64, sc.parallel_access}
      "tpu.region"() ({
        %run_scoped3A = tpu.sem_alloc : memref<!tpu.dma_semaphore, #tpu.memory_space<semaphore_mem>>
        %dma_start3A_276 = tpu.memref_slice %arg3[%mul3A_180] : memref<16777216xf32, #tpu.memory_space<hbm>> -> memref<32768xf32, #tpu.memory_space<hbm>>
        %dma_start3A_277 = tpu.memref_slice %arg3[%mul3A_180] : memref<16777216xf32, #tpu.memory_space<hbm>> -> memref<32768xf32, #tpu.memory_space<hbm>>
        tpu.enqueue_dma source(%arg5 : memref<32768xf32, #tpu.memory_space<vmem>>) target(%dma_start3A_277 : memref<32768xf32, #tpu.memory_space<hbm>>) target_semaphore(%run_scoped3A : memref<!tpu.dma_semaphore, #tpu.memory_space<semaphore_mem>>)
        %dma_wait3A_278 = tpu.memref_slice %arg3[%mul3A_180] : memref<16777216xf32, #tpu.memory_space<hbm>> -> memref<32768xf32, #tpu.memory_space<hbm>>
        %dma_wait3A_279 = tpu.memref_slice %arg3[%mul3A_180] : memref<16777216xf32, #tpu.memory_space<hbm>> -> memref<32768xf32, #tpu.memory_space<hbm>>
        tpu.wait_dma2 semaphore(%run_scoped3A : memref<!tpu.dma_semaphore, #tpu.memory_space<semaphore_mem>>) src(%arg5 : memref<32768xf32, #tpu.memory_space<vmem>>) dst(%dma_wait3A_279 : memref<32768xf32, #tpu.memory_space<hbm>>)
        tpu.yield
      }) : () -> ()
    }
    %scan3A_23 = arith.constant 8 : i32
    %mul3A_24 = arith.constant 16 : i32
    %mul3A_25 = arith.muli %add3A, %mul3A_24 : i32
    %rem3A_26 = arith.constant 0 : i32
    %rem3A_27 = arith.constant 16 : i32
    %rem3A_28 = arith.remsi %rem3A_26, %rem3A_27 : i32
    %add3A_29 = arith.addi %mul3A_25, %rem3A_28 : i32
    %mul3A_30 = arith.constant 32768 : i32
    %mul3A_31 = arith.muli %add3A_29, %mul3A_30 : i32
    %dma_wait3A = tpu.memref_slice %arg2[%mul3A_31] : memref<16777216xf32, #tpu.memory_space<hbm>> -> memref<32768xf32, #tpu.memory_space<hbm>>
    %dma_wait3A_32 = tpu.memref_slice %arg2[%mul3A_31] : memref<16777216xf32, #tpu.memory_space<hbm>> -> memref<32768xf32, #tpu.memory_space<hbm>>
    tpu.wait_dma2 semaphore(%arg9 : memref<!tpu.dma_semaphore, #tpu.memory_space<semaphore_mem>>) src(%dma_wait3A_32 : memref<32768xf32, #tpu.memory_space<hbm>>) dst(%arg4 : memref<32768xf32, #tpu.memory_space<vmem>>)
    return
  }
}

</mosaic_0001>

<sc_bundles>
// kernel: kernel.3.cloned.1.call-start
scs
__scs_entry_jumppad:
0x0: {  	(pc) =	sbr.rel $0x88, $3  }
0x1: {  	(tag) =	ssettag $0x0;
	lr =	simm.s32 $0x1  }
0x2: {  	[smem:$0x3FA0] =	sst lr;
	_ =	strace $0xD0000000  }
0x3: {  	_ = 	snop  }
0x4: {  	_ = 	snop  }
0x5: {  	_ = 	snop  }
0x6: {  	_ = 	snop  }
0x7: {  	_ = 	snop  }
__scs_overlays_trampoline_lowered:
0x8: {  	[smem:$0x3FAF] =	sst s0  }
0x9: {  	[smem:$0x3FB0] =	sst s1  }
0xa: {  	[smem:$0x3FB1] =	sst s2  }
0xb: {  	[smem:$0x3FB2] =	sst s3  }
0xc: {  	[smem:$0x3FB3] =	sst s4  }
0xd: {  	[smem:$0x3FB4] =	sst s5  }
0xe: {  	[smem:$0x3FB5] =	sst s6  }
0xf: {  	[smem:$0x3FB6] =	sst s7  }
0x10: {  	[smem:$0x3FB7] =	sst s8  }
0x11: {  	[smem:$0x3FB8] =	sst s9;
	s0 =	simm.s32 @!p0 $0x0  }
0x12: {  	s1 =	sld [smem:$0x3F9E];
	s0 =	simm.s32 @p0 $0x1  }
0x13: {  	[smem:$0x3FB9] =	sst s0;
	s0 =	simm.s32 @!p1 $0x0  }
0x14: {  	s2 =	sld [smem:$0x3F9D];
	s0 =	simm.s32 @p1 $0x1  }
0x15: {  	[smem:$0x3FBA] =	sst s0;
	s0 =	simm.s32 @!p2 $0x0  }
0x16: {  	s3 =	sld [smem:$0x3FDB];
	s0 =	simm.s32 @p2 $0x1  }
0x17: {  	s4 =	simm.s32 $0x1BF5;
	[smem:$0x3FBC] =	sst s0  }
0x18: {  	s0 =	sld [smem:$0x3F9F];
	_ =	swait.ge [sflag:s4], $0x0  }
0x19: {  	s7 =	sld [smem:$0x3FA0]  }
0x1a: {  	s8 =	sadd.s32 $0xFFFFE003, lr  }
0x1b: {  	s9 =	sadd.s32 $0xFFFFFEF7, lr;
	s5 =	simm.s32 $0xFFFFFFFF;
	p2 =	slt.u32 s8, $0xFFFFF086  }
0x1c: {  	p1 =	slt.u32 s9, $0xF7A;
	s5 =	simm.s32 @!p2 $0x0  }
0x1d: {  	s5 =	simm.s32 @p1 $0x1;
	p0 =	seq.s32 s7, s2  }
0x1e: {  	s7 =	smul.u32 @!p0 $0xF7A, s2;
	p2 =	seq.s32 @!p0 s5, $0x0  }
0x1f: {  	s9 =	smul.u32 $0xF7A, s1;
	s8 =	simm.s32 @!p0 $0x1BF5;
	p2 =	por !p2, p0  }
0x20: {  	[sflag:s8] =	ssyncset.s32 @!p0 $0xFFFFF086;
	s6 =	sadd.s32 @!p0 s3, s7;
	s7 =	simm.s32 @!p0 $0x108  }
0x21: {  	s3 =	sadd.s32 s3, s9;
	s6 =	sadd.s32 @!p0 $0x88, s6;
	s7 =	simm.s32 @p2 $0x1082  }
0x22: {  	[simem:s7], [sflag:s8] =	dma.local @!p0 [hbm:s6], $0xF7A  }
0x23: {  	s9 =	sor.u32 $0xD0000000, s2;
	s6 =	simm.s32 $0x108;
	_ =	swait.ge @!p0 [sflag:s8], $0x0  }
0x24: {  	s3 =	sadd.s32 $0x88, s3;
	s6 =	simm.s32 @!p1 $0x1082;
	[sflag:s4] =	ssyncset.s32 $0xFFFFF086  }
0x25: {  	[simem:s6], [sflag:s4] =	dma.local [hbm:s3], $0xF7A  }
0x26: {  	[smem:$0x3FA0] =	sst s1;
	(tag) =	ssettag s2;
	_ =	strace s9  }
0x27: {  	s1 =	sld [smem:$0x3FB0]  }
0x28: {  	s2 =	sld [smem:$0x3FB1]  }
0x29: {  	s4 =	sld [smem:$0x3FB3]  }
0x2a: {  	p0 =	seq.s32 s5, $0x0;
	s5 =	sld [smem:$0x3FB4]  }
0x2b: {  	s6 =	sld [smem:$0x3FB5]  }
0x2c: {  	s7 =	sld [smem:$0x3FB6]  }
0x2d: {  	s3 =	simm.s32 $0x108;
	s8 =	sld [smem:$0x3FB7]  }
0x2e: {  	s3 =	simm.s32 @!p0 $0x1082;
	s9 =	sld [smem:$0x3FB8]  }
0x2f: {  	lr =	sadd.s32 s0, s3;
	s0 =	sld [smem:$0x3FAF]  }
0x30: {  	s3 =	sld [smem:$0x3FB2]  }
0x31: {  	[smem:$0x3FBB] =	sst s10  }
0x32: {  	s10 =	sld [smem:$0x3FB9];
	_ =	sdelay $0x3  }
0x33: {  	p0 =	seq.s32 s10, $0x1;
	s10 =	sld [smem:$0x3FBB];
	_ =	sdelay $0x3  }
0x34: {  	[smem:$0x3FBB] =	sst s10  }
0x35: {  	s10 =	sld [smem:$0x3FBA];
	_ =	sdelay $0x3  }
0x36: {  	p1 =	seq.s32 s10, $0x1;
	s10 =	sld [smem:$0x3FBB];
	_ =	sdelay $0x3  }
0x37: {  	[smem:$0x3FBB] =	sst s10  }
0x38: {  	s10 =	sld [smem:$0x3FBC]  }
0x39: {  	_ = 	snop;
	(pc) =	sbr.ind lr, $3  }
0x3a: {  	_ = 	snop  }
0x3b: {  	_ = 	snop  }
0x3c: {  	p2 =	seq.s32 s10, $0x1;
	s10 =	sld [smem:$0x3FBB]  }
0x3d: {  	_ =	shalt  }
0x3e: {  	_ =	shalt  }
0x3f: {  	_ =	shalt  }
0x40: {  	_ =	shalt  }
0x41: {  	_ =	shalt  }
0x42: {  	_ =	shalt  }
0x43: {  	_ =	shalt  }
0x44: {  	_ =	shalt  }
0x45: {  	_ =	shalt  }
0x46: {  	_ =	shalt  }
0x47: {  	_ =	shalt  }
0x48: {  	_ =	shalt  }
0x49: {  	_ =	shalt  }
0x4a: {  	_ =	shalt  }
0x4b: {  	_ =	shalt  }
0x4c: {  	_ =	shalt  }
0x4d: {  	_ =	shalt  }
0x4e: {  	_ =	shalt  }
0x4f: {  	_ =	shalt  }
0x50: {  	_ =	shalt  }
0x51: {  	_ =	shalt  }
0x52: {  	_ =	shalt  }
0x53: {  	_ =	shalt  }
0x54: {  	_ =	shalt  }
0x55: {  	_ =	shalt  }
0x56: {  	_ =	shalt  }
0x57: {  	_ =	shalt  }
0x58: {  	_ =	shalt  }
0x59: {  	_ =	shalt  }
0x5a: {  	_ =	shalt  }
0x5b: {  	_ =	shalt  }
0x5c: {  	_ =	shalt  }
0x5d: {  	_ =	shalt  }
0x5e: {  	_ =	shalt  }
0x5f: {  	_ =	shalt  }
0x60: {  	_ =	shalt  }
0x61: {  	_ =	shalt  }
0x62: {  	_ =	shalt  }
0x63: {  	_ =	shalt  }
0x64: {  	_ =	shalt  }
0x65: {  	_ =	shalt  }
0x66: {  	_ =	shalt  }
0x67: {  	_ =	shalt  }
0x68: {  	_ =	shalt  }
0x69: {  	_ =	shalt  }
0x6a: {  	_ =	shalt  }
0x6b: {  	_ =	shalt  }
0x6c: {  	_ =	shalt  }
0x6d: {  	_ =	shalt  }
0x6e: {  	_ =	shalt  }
0x6f: {  	_ =	shalt  }
0x70: {  	_ =	shalt  }
0x71: {  	_ =	shalt  }
0x72: {  	_ =	shalt  }
0x73: {  	_ =	shalt  }
0x74: {  	_ =	shalt  }
0x75: {  	_ =	shalt  }
0x76: {  	_ =	shalt  }
0x77: {  	_ =	shalt  }
0x78: {  	_ =	shalt  }
0x79: {  	_ =	shalt  }
0x7a: {  	_ =	shalt  }
0x7b: {  	_ =	shalt  }
0x7c: {  	_ =	shalt  }
0x7d: {  	_ =	shalt  }
0x7e: {  	_ =	shalt  }
0x7f: {  	_ =	shalt  }
0x80: {  	_ =	shalt  }
0x81: {  	_ =	shalt  }
0x82: {  	_ =	shalt  }
0x83: {  	_ =	shalt  }
0x84: {  	_ =	shalt  }
0x85: {  	_ =	shalt  }
0x86: {  	_ =	shalt  }
0x87: {  	_ =	shalt  }
.Lfunc_end0:
.L_simem_size_0:
called_computation.1_lowered:
.L_overlay_start_0:
0x88: {  	s2 =	sld [smem:$0x3FD9]  }
0x89: {  	s3 =	sld [smem:$0x3FFE];
	_ =	sdelay $0x1  }
0x8a: {  	s1 =	srdreg.scid  }
0x8b: {  	s0 =	sand.u32 $0x1, s1  }
0x8c: {  	s17 =	sshll.u32 s0, $0xA;
	s2 =	sadd.s32 s3, s2  }
0x8d: {  	s2 =	sadd.s32 s2, s17  }
0x8e: {  	[smem:$0x3FC7] =	sst s2  }
0x8f: {  	_ = 	snop  }
0x90: {  	s2 =	sld [smem:$0x3FD0];
	(tm) =	ssettm $0x1  }
0x91: {  	s18 =	sld [smem:$0x3FFB];
	_ =	sdelay $0x3  }
0x92: {  	_ =	strace s18  }
0x93: {  	s3 =	sld [smem:$0x3FFC];
	_ =	sdelay $0x3  }
0x94: {  	_ =	strace s3  }
0x95: {  	s3 =	sld [smem:$0x3FFD];
	_ =	sdelay $0x3  }
0x96: {  	_ =	strace s3  }
0x97: {  	_ =	strace $0x8FFFFFFF  }
0x98: {  	s19 =	sld [smem:$0x3FDB];
	_ =	sdelay $0x1  }
0x99: {  	s4 =	simm.s32 $_scs_section_size  }
0x9a: {  	s5 =	simm.s32 $_size__tile_overlayer_lowered;
	s6 =	simm.s32 $_tile_overlayer_lowered  }
0x9b: {  	s22 =	simm.s32 $0x1BFF;
	s21 =	sshll.u32 s6, $0x1;
	s3 =	sadd.s32 s4, s19  }
0x9c: {  	s7 =	simm.s32 $0x0;
	s20 =	sshll.u32 s5, $0x1;
	s5 =	sadd.s32 s21, s3  }
0x9d: {  	[timem:s7], [sflag:s22] =	dma.local [hbm:s5], s20  }
0x9e: {  	_ =	swait.ge [sflag:s22], s20  }
0x9f: {  	s4 =	ssub.s32 $0x0, s20;
	[sflag:s22] =	ssyncset.done $0x0  }
0xa0: {  	[sflag:s22] =	ssyncadd.s32 s4;
	_ =	sdelay $0x1  }
0xa1: {  	s23 =	simm.s32 $0x1B8B  }
0xa2: {  	_ =	swait.ge [sflag:s23], $0x1  }
0xa3: {  	[sflag:s23] =	ssyncset.done $0x0  }
0xa4: {  	s25 =	simm.s32 $0x1B8E;
	s24 =	sld [smem:$0x3FFE];
	[sflag:s23] =	ssyncadd.s32 $0xFFFFFFFF  }
0xa5: {  	s26 =	simm.s32 $execute0_lowered;
	[smem:$0x3FD2] =	sst s25  }
0xa6: {  	s5 =	sshll.u32 s26, $0x1;
	_ =	strace $0x80000049;
	[dreg:$0x1] =	wrdreg $0xFFFFFFFF  }
0xa7: {  	s28 =	simm.s32 $_size_execute0_lowered;
	s3 =	sadd.s32 s3, s5;
	[dreg:$0x0] =	wrdreg $0x0  }
0xa8: {  	s5 =	sshll.u32 s28, $0x1;
	[dreg:$0x2] =	wrdreg s3  }
0xa9: {  	[dreg:$0x3] =	wrdreg s5  }
0xaa: {  	[dreg:$0x4] =	wrdreg $0xC0  }
0xab: {  	_ =	task [dreg:s7], $0x5FFFF  }
0xac: {  	[dreg:$0x1] =	wrdreg $0xFFFFFFFF  }
0xad: {  	[dreg:$0x0] =	wrdreg $0x60  }
0xae: {  	[dreg:$0x2] =	wrdreg s2  }
0xaf: {  	[dreg:$0x3] =	wrdreg s24  }
0xb0: {  	[dreg:$0x4] =	wrdreg $0x9  }
0xb1: {  	_ =	task.clear_ibuf [dreg:s7], $0x5FFFF;
	_ =	strace $0x90000049  }
0xb2: {  	s29 =	simm.s32 $0x9;
	_ =	strace $0x8000004B  }
0xb3: {  	_ =	swait.ge [sflag:s29], $0x1  }
0xb4: {  	[sflag:s29] =	ssyncadd.s32 $0xFFFFFFFF  }
0xb5: {  	_ =	strace $0x9000004B  }
0xb6: {  	_ =	sfence  }
0xb7: {  	s30 =	sld [smem:$0x0];
	_ =	sdelay $0x2  }
0xb8: {  	s31 =	sshll.u32 s1, $0xD;
	s1 =	sshrl.u32 s1, $0x2  }
0xb9: {  	s3 =	sand.u32 $0x4000, s31;
	s1 =	sadd.s32 s1, s30  }
0xba: {  	s0 =	sor.u32 s3, s0;
	s1 =	sshll.u32 s1, $0x11  }
0xbb: {  	s0 =	sor.u32 s1, s0  }
0xbc: {  	s0 =	sadd.s32 $0x8F2B, s0  }
0xbd: {  	[sflag:s0] =	ssyncadd.remote.s32 $0x1  }
0xbe: {  	_ =	sfence.sel $0xFFFF  }
0xbf: {  	[dreg:$0x0] =	wrdreg $0xFFFFFFFF;
	(pc) =	sbr.abs _section_cstart, $3  }
0xc0: {  	[dreg:$0x1] =	wrdreg $0xFFFFFFFF  }
0xc1: {  	_ =	task.clear_ibuf [dreg:s7], $0x2FFFF;
	_ =	strace $0x9FFFFFFF  }
0xc2: {  	(tm) =	ssettm $0x7FFFFFFF  }
0xc3: {  	_ =	shalt  }
tec
execute0_lowered:
.L_overlay_start_1:
0x0: {  	(tag) =	ssettag $0x1  }
0x1: {  	s2 =	rddreg [dreg:$0x0]  }
0x2: {  	s4 =	rddreg [dreg:$0x1]  }
0x3: {  	s0 =	rddreg [dreg:$0x2]  }
0x4: {  	s5 =	srdreg.scid;
	s1 =	stileid.u32;
	s3 =	simm.s32 $0x0  }
0x5: {  	s9 =	simm.s32 $0x8000;
	s10 =	simm.s32 $0x10000;
	s11 =	simm.s32 $0x18800  }
0x6: {  	s12 =	simm.s32 $0x19880;
	s13 =	simm.s32 $0x2;
	s14 =	simm.s32 $0x0  }
.Ltmp0:
0x7: {  	s5 =	sand.u32 $0x1, s5;
	s6 =	sshll.u32 s1, $0x1;
	(pc) =	sbr.rel .LBB2_1-.Ltmp0, $4  }
0x8: {  	[smem:$0x7FF] =	sst s3;
	s4 =	sadd.s32 $0x800, s4;
	s7 =	ssub.s32 $0x2, s5  }
0x9: {  	s6 =	sor.u32 s5, s6;
	_ =	strace $0x8000004A;
	s31 =	sshrl.u32 s7, $0x1  }
0xa: {  	v0 =	vlaneseq.u32;
	v2 =	vimm.f32 $0.0e+00;
	s8 =	sshll.u32 s6, $0x10;
	s6 =	sshll.u32 s6, $0x4;
	s7 =	ssub.s32 s7, s31  }
0xb: {  	vm0 =	vmxor vm0, vm0;
	v19 =	vmul.u32 $0x11, v0;
	v3 =	vmul.u32 $0x101, v0;
	s5 =	sadd.s32 s2, s8;
	s8 =	simm.s32 $0x1;
	s7 =	smax.u32 s7, $0x1  }
.LBB2_47:
0xc: {  	s14 =	sadd.s32 $0x1, s14  }
0xd: {  	p0 =	sne.s32 s14, s7  }
.Ltmp1:
0xe: {  	_ = 	snop;
	(pc) =	sbr.rel @!p0 .LBB2_48-.Ltmp1, $4  }
0xf: {  	_ = 	snop  }
0x10: {  	_ =	swait.ge [sflag:s8], $0x8000  }
0x11: {  	[sflag:s8] =	ssyncset.done $0x0  }
0x12: {  	[sflag:s8] =	ssyncadd.s32 $0xFFFF8000  }
.LBB2_1:
0x13: {  	[tilespmem:s3], [sflag:$0x1] =	stream.linear.gather [hbm4b:s5+s3], $0x8000, $0x38;
	[tilespmem:$0x1A900] =	vst v63  }
0x14: {  	s15 =	simm.s32 $0x0  }
.LBB2_2:
0x15: {  	s17 =	sshll.u32 s15, $0x1  }
0x16: {  	s16 =	sadd.s32 s17, s6  }
0x17: {  	s16 =	sshll.u32 s16, $0xC  }
0x18: {  	_ =	swait.ge [sflag:s8], $0x8000;
	s16 =	sadd.s32 $0x1000, s16  }
0x19: {  	[sflag:s8] =	ssyncset.done $0x0;
	s16 =	sand.u32 $0x1FFFF000, s16  }
0x1a: {  	s23 =	simm.s32 $0x7800;
	[sflag:s8] =	ssyncadd.s32 $0xFFFF8000;
	s18 =	sadd.s32 s2, s16  }
0x1b: {  	[tilespmem:s9], [sflag:$0x1] =	stream.linear.gather [hbm4b:s18+s3], $0x8000, $0x38;
	[tilespmem:$0x1A900] =	vst v63  }
0x1c: {  	v0 =	vld [tilespmem:s23+$0xFFFF8800];
	_ =	sdelay $0x4  }
0x1d: {  	[tilespmem:v19+s10+$0x0] =	vst.idx.msk $0xffff, v0  }
0x1e: {  	v1 =	vadd.s32 $0x1, v19;
	v0 =	vld [tilespmem:s23+$0xFFFF9000];
	_ =	sdelay $0x3  }
0x1f: {  	[tilespmem:$0x1FE30] =	vst v1  }
0x20: {  	[tilespmem:v1+s10+$0x0] =	vst.idx.msk $0xffff, v0  }
0x21: {  	v4 =	vadd.s32 $0x2, v19;
	v0 =	vld [tilespmem:s23+$0xFFFF9800];
	_ =	sdelay $0x2  }
0x22: {  	s18 =	simm.s32 $0x7810  }
0x23: {  	v18 =	vadd.s32 $0x110, v19;
	v1 =	vld [tilespmem:s18+$0xFFFF8800];
	[tilespmem:$0x1FE40] =	vst v4  }
0x24: {  	[tilespmem:v4+s10+$0x0] =	vst.idx.msk $0xffff, v0  }
0x25: {  	v4 =	vadd.s32 $0x3, v19;
	v0 =	vld [tilespmem:s23+$0xFFFFA000];
	_ =	sdelay $0x2  }
0x26: {  	[tilespmem:v18+s10+$0x0] =	vst.idx.msk $0xffff, v1  }
0x27: {  	v5 =	vadd.s32 $0x1, v18;
	v1 =	vld [tilespmem:s18+$0xFFFF9000];
	[tilespmem:$0x1FE50] =	vst v4  }
0x28: {  	[tilespmem:v4+s10+$0x0] =	vst.idx.msk $0xffff, v0  }
0x29: {  	v4 =	vadd.s32 $0x4, v19;
	v0 =	vld [tilespmem:s23+$0xFFFFA800];
	_ =	sdelay $0x1  }
0x2a: {  	[tilespmem:$0x1FE60] =	vst v5  }
0x2b: {  	[tilespmem:v5+s10+$0x0] =	vst.idx.msk $0xffff, v1  }
0x2c: {  	v5 =	vadd.s32 $0x2, v18;
	v1 =	vld [tilespmem:s18+$0xFFFF9800];
	[tilespmem:$0x1FE70] =	vst v4  }
0x2d: {  	[tilespmem:v4+s10+$0x0] =	vst.idx.msk $0xffff, v0  }
0x2e: {  	v6 =	vadd.s32 $0x5, v19;
	v0 =	vld [tilespmem:s23+$0xFFFFB000]  }
0x2f: {  	s19 =	simm.s32 $0x7820  }
0x30: {  	v16 =	vadd.s32 $0x110, v18;
	v4 =	vld [tilespmem:s19+$0xFFFF8800];
	[tilespmem:$0x1FE80] =	vst v5  }
0x31: {  	[tilespmem:v5+s10+$0x0] =	vst.idx.msk $0xffff, v1  }
0x32: {  	v5 =	vadd.s32 $0x3, v18;
	v1 =	vld [tilespmem:s18+$0xFFFFA000];
	[tilespmem:$0x1FE90] =	vst v6  }
0x33: {  	[tilespmem:v6+s10+$0x0] =	vst.idx.msk $0xffff, v0  }
0x34: {  	v7 =	vadd.s32 $0x6, v19;
	v0 =	vld [tilespmem:s23+$0xFFFFB800]  }
0x35: {  	[tilespmem:v16+s10+$0x0] =	vst.idx.msk $0xffff, v4  }
0x36: {  	v4 =	vld [tilespmem:s19+$0xFFFF9000];
	v6 =	vadd.s32 $0x1, v16;
	[tilespmem:$0x1FEA0] =	vst v5  }
0x37: {  	[tilespmem:v5+s10+$0x0] =	vst.idx.msk $0xffff, v1  }
0x38: {  	v5 =	vadd.s32 $0x4, v18;
	v1 =	vld [tilespmem:s18+$0xFFFFA800];
	[tilespmem:$0x1FEB0] =	vst v7  }
0x39: {  	[tilespmem:v7+s10+$0x0] =	vst.idx.msk $0xffff, v0  }
0x3a: {  	v9 =	vadd.s32 $0x7, v19;
	v0 =	vld [tilespmem:s23+$0xFFFFC000];
	[tilespmem:$0x1FEC0] =	vst v6  }
0x3b: {  	[tilespmem:v6+s10+$0x0] =	vst.idx.msk $0xffff, v4  }
0x3c: {  	v8 =	vadd.s32 $0x2, v16;
	v4 =	vld [tilespmem:s19+$0xFFFF9800];
	[tilespmem:$0x1FED0] =	vst v5  }
0x3d: {  	[tilespmem:v5+s10+$0x0] =	vst.idx.msk $0xffff, v1  }
0x3e: {  	s20 =	simm.s32 $0x7830;
	v7 =	vadd.s32 $0x5, v18;
	v1 =	vld [tilespmem:s18+$0xFFFFB000];
	[tilespmem:$0x1FEE0] =	vst v9  }
0x3f: {  	v15 =	vadd.s32 $0x110, v16;
	[tilespmem:v9+s10+$0x0] =	vst.idx.msk $0xffff, v0;
	v0 =	vld [tilespmem:s20+$0xFFFF8800]  }
0x40: {  	v5 =	vld [tilespmem:s23+$0xFFFFC800];
	[tilespmem:$0x1FEF0] =	vst v8  }
0x41: {  	v6 =	vadd.s32 $0x8, v19;
	[tilespmem:v8+s10+$0x0] =	vst.idx.msk $0xffff, v4  }
0x42: {  	v4 =	vld [tilespmem:s19+$0xFFFFA000];
	[tilespmem:$0x1FF00] =	vst v7  }
0x43: {  	v8 =	vadd.s32 $0x3, v16;
	[tilespmem:v7+s10+$0x0] =	vst.idx.msk $0xffff, v1  }
0x44: {  	v1 =	vld [tilespmem:s18+$0xFFFFB800];
	[tilespmem:v15+s10+$0x0] =	vst.idx.msk $0xffff, v0  }
0x45: {  	v9 =	vadd.s32 $0x6, v18;
	v0 =	vld [tilespmem:s20+$0xFFFF9000];
	[tilespmem:$0x1FF10] =	vst v6  }
0x46: {  	[tilespmem:v6+s10+$0x0] =	vst.idx.msk $0xffff, v5  }
0x47: {  	v7 =	vadd.s32 $0x1, v15;
	v5 =	vld [tilespmem:s23+$0xFFFFD000];
	[tilespmem:$0x1FF20] =	vst v8  }
0x48: {  	[tilespmem:v8+s10+$0x0] =	vst.idx.msk $0xffff, v4  }
0x49: {  	v37 =	vadd.s32 $0x9, v19;
	v4 =	vld [tilespmem:s19+$0xFFFFA800];
	[tilespmem:$0x1FF30] =	vst v9  }
0x4a: {  	v38 =	vadd.s32 $0x4, v16;
	[tilespmem:v9+s10+$0x0] =	vst.idx.msk $0xffff, v1  }
0x4b: {  	v39 =	vadd.s32 $0x7, v18;
	v1 =	vld [tilespmem:s18+$0xFFFFC000];
	[tilespmem:$0x1FF40] =	vst v7  }
0x4c: {  	[tilespmem:v7+s10+$0x0] =	vst.idx.msk $0xffff, v0  }
0x4d: {  	v6 =	vadd.s32 $0x2, v15;
	v0 =	vld [tilespmem:s20+$0xFFFF9800]  }
0x4e: {  	[tilespmem:v37+s10+$0x0] =	vst.idx.msk $0xffff, v5  }
0x4f: {  	v7 =	vadd.s32 $0xA, v19;
	v5 =	vld [tilespmem:s23+$0xFFFFD800];
	[tilespmem:v38+s10+$0x0] =	vst.idx.msk $0xffff, v4  }
0x50: {  	s21 =	simm.s32 $0x7840;
	v4 =	vld [tilespmem:s19+$0xFFFFB000];
	[tilespmem:v39+s10+$0x0] =	vst.idx.msk $0xffff, v1  }
0x51: {  	v9 =	vadd.s32 $0x5, v16;
	v1 =	vld [tilespmem:s21+$0xFFFF8800];
	[tilespmem:$0x1FF50] =	vst v6  }
0x52: {  	v17 =	vadd.s32 $0x110, v15;
	[tilespmem:v6+s10+$0x0] =	vst.idx.msk $0xffff, v0;
	v0 =	vld [tilespmem:s18+$0xFFFFC800]  }
0x53: {  	v6 =	vld [tilespmem:s20+$0xFFFFA000];
	[tilespmem:$0x1FF60] =	vst v7  }
0x54: {  	v8 =	vadd.s32 $0x8, v18;
	[tilespmem:v7+s10+$0x0] =	vst.idx.msk $0xffff, v5  }
0x55: {  	v5 =	vld [tilespmem:s23+$0xFFFFE000];
	[tilespmem:$0x1FF70] =	vst v9  }
0x56: {  	v10 =	vadd.s32 $0x3, v15;
	[tilespmem:v9+s10+$0x0] =	vst.idx.msk $0xffff, v4  }
0x57: {  	v40 =	vadd.s32 $0xB, v19;
	[tilespmem:v17+s10+$0x0] =	vst.idx.msk $0xffff, v1;
	v4 =	vld [tilespmem:s19+$0xFFFFB800]  }
0x58: {  	v41 =	vadd.s32 $0x6, v16;
	v1 =	vld [tilespmem:s21+$0xFFFF9000];
	[tilespmem:$0x1FF80] =	vst v8  }
0x59: {  	[tilespmem:v8+s10+$0x0] =	vst.idx.msk $0xffff, v0  }
0x5a: {  	v7 =	vadd.s32 $0x1, v17;
	[tilespmem:$0x1FF90] =	vst v10  }
0x5b: {  	v42 =	vadd.s32 $0x9, v18;
	[tilespmem:v10+s10+$0x0] =	vst.idx.msk $0xffff, v6;
	v0 =	vld [tilespmem:s18+$0xFFFFD000]  }
0x5c: {  	v43 =	vadd.s32 $0x4, v15;
	[tilespmem:v40+s10+$0x0] =	vst.idx.msk $0xffff, v5;
	v6 =	vld [tilespmem:s20+$0xFFFFA800]  }
0x5d: {  	v45 =	vadd.s32 $0xC, v19;
	v5 =	vld [tilespmem:s23+$0xFFFFE800];
	[tilespmem:v41+s10+$0x0] =	vst.idx.msk $0xffff, v4  }
0x5e: {  	v44 =	vadd.s32 $0x7, v16;
	v4 =	vld [tilespmem:s19+$0xFFFFC000];
	[tilespmem:$0x1FFA0] =	vst v7  }
0x5f: {  	[tilespmem:v7+s10+$0x0] =	vst.idx.msk $0xffff, v1  }
0x60: {  	v7 =	vadd.s32 $0x2, v17;
	v1 =	vld [tilespmem:s21+$0xFFFF9800];
	[tilespmem:v42+s10+$0x0] =	vst.idx.msk $0xffff, v0  }
0x61: {  	[tilespmem:v43+s10+$0x0] =	vst.idx.msk $0xffff, v6;
	v0 =	vld [tilespmem:s18+$0xFFFFD800]  }
0x62: {  	v8 =	vadd.s32 $0xA, v18;
	[tilespmem:v45+s10+$0x0] =	vst.idx.msk $0xffff, v5;
	v6 =	vld [tilespmem:s20+$0xFFFFB000]  }
0x63: {  	s22 =	simm.s32 $0x7850;
	v5 =	vld [tilespmem:s23+$0xFFFFF000];
	[tilespmem:v44+s10+$0x0] =	vst.idx.msk $0xffff, v4  }
0x64: {  	v11 =	vadd.s32 $0x5, v15;
	v4 =	vld [tilespmem:s22+$0xFFFF8800];
	[tilespmem:$0x1FFB0] =	vst v7  }
0x65: {  	v46 =	vadd.s32 $0xD, v19;
	[tilespmem:v7+s10+$0x0] =	vst.idx.msk $0xffff, v1;
	v1 =	vld [tilespmem:s19+$0xFFFFC800]  }
0x66: {  	v10 =	vadd.s32 $0x110, v17;
	v7 =	vld [tilespmem:s21+$0xFFFFA000];
	[tilespmem:$0x1FFC0] =	vst v8  }
0x67: {  	[tilespmem:v8+s10+$0x0] =	vst.idx.msk $0xffff, v0  }
0x68: {  	v9 =	vadd.s32 $0x8, v16;
	[tilespmem:$0x1FFD0] =	vst v11  }
0x69: {  	[tilespmem:v11+s10+$0x0] =	vst.idx.msk $0xffff, v6;
	v0 =	vld [tilespmem:s18+$0xFFFFE000]  }
0x6a: {  	v12 =	vadd.s32 $0x3, v17;
	[tilespmem:v46+s10+$0x0] =	vst.idx.msk $0xffff, v5;
	v6 =	vld [tilespmem:s20+$0xFFFFB800]  }
0x6b: {  	v47 =	vadd.s32 $0xB, v18;
	[tilespmem:v10+s10+$0x0] =	vst.idx.msk $0xffff, v4;
	v4 =	vld [tilespmem:s23+$0xFFFFF800]  }
0x6c: {  	v48 =	vadd.s32 $0x6, v15;
	v5 =	vld [tilespmem:s22+$0xFFFF9000];
	[tilespmem:$0x1FFE0] =	vst v9  }
0x6d: {  	v49 =	vadd.s32 $0xE, v19;
	[tilespmem:v9+s10+$0x0] =	vst.idx.msk $0xffff, v1  }
0x6e: {  	v8 =	vadd.s32 $0x1, v10;
	[tilespmem:$0x1FFF0] =	vst v12  }
0x6f: {  	v51 =	vadd.s32 $0x9, v16;
	[tilespmem:v12+s10+$0x0] =	vst.idx.msk $0xffff, v7;
	v1 =	vld [tilespmem:s19+$0xFFFFD000]  }
0x70: {  	v52 =	vadd.s32 $0x4, v17;
	v7 =	vld [tilespmem:s21+$0xFFFFA800];
	[tilespmem:v47+s10+$0x0] =	vst.idx.msk $0xffff, v0  }
0x71: {  	v53 =	vadd.s32 $0xC, v18;
	[tilespmem:v48+s10+$0x0] =	vst.idx.msk $0xffff, v6;
	v0 =	vld [tilespmem:s18+$0xFFFFE800]  }
0x72: {  	v50 =	vadd.s32 $0x7, v15;
	[tilespmem:v49+s10+$0x0] =	vst.idx.msk $0xffff, v4;
	v6 =	vld [tilespmem:s20+$0xFFFFC000]  }
0x73: {  	v9 =	vadd.s32 $0xF, v19;
	[tilespmem:v8+s10+$0x0] =	vst.idx.msk $0xffff, v5;
	v8 =	vld [tilespmem:s23+$0x0]  }
0x74: {  	v23 =	vadd.s32 $0x2, v10;
	v20 =	vld [tilespmem:s22+$0xFFFF9800];
	[tilespmem:v51+s10+$0x0] =	vst.idx.msk $0xffff, v1  }
0x75: {  	v14 =	vadd.s32 $0xA, v16;
	[tilespmem:v52+s10+$0x0] =	vst.idx.msk $0xffff, v7;
	v13 =	vld [tilespmem:s19+$0xFFFFD800]  }
0x76: {  	v22 =	vadd.s32 $0x5, v17;
	v12 =	vadd.s32 $0xD, v18;
	v21 =	vld [tilespmem:s21+$0xFFFFB000];
	[tilespmem:v53+s10+$0x0] =	vst.idx.msk $0xffff, v0  }
0x77: {  	s24 =	simm.s32 $0x50;
	s25 =	simm.s32 $0x7860;
	v5 =	vmovc v15;
	v4 =	vmovc v18;
	v1 =	vmov v16;
	v7 =	vmov v17;
	[tilespmem:v50+s10+$0x0] =	vst.idx.msk $0xffff, v6;
	v11 =	vld [tilespmem:s18+$0xFFFFF000];
	v6 =	vmov v10  }
.LBB2_3:
0x78: {  	v24 =	vld [tilespmem:s25+$0xFFFF8800];
	v10 =	vadd.s32 $0x110, v10;
	[tilespmem:v9+s10+$0x0] =	vst.idx.msk $0xffff, v8;
	v0 =	vimm.f32 $-1.000000020e+30;
	s23 =	simm.s32 $0x10044  }
0x79: {  	s24 =	sadd.s32 $0x10, s24;
	v9 =	vadd.s32 $0x8, v5;
	[tilespmem:v23+s10+$0x0] =	vst.idx.msk $0xffff, v20;
	v8 =	vld [tilespmem:s20+$0xFFFFC800]  }
0x7a: {  	p0 =	slt.u32 s24, $0x7F0;
	v23 =	vadd.s32 $0x3, v6;
	v20 =	vld [tilespmem:s22+$0xFFFFA000];
	[tilespmem:v14+s10+$0x0] =	vst.idx.msk $0xffff, v13  }
0x7b: {  	v14 =	vadd.s32 $0xB, v1;
	[tilespmem:v22+s10+$0x0] =	vst.idx.msk $0xffff, v21;
	v13 =	vld [tilespmem:s19+$0xFFFFE000]  }
0x7c: {  	v22 =	vadd.s32 $0x6, v7;
	v21 =	vld [tilespmem:s21+$0xFFFFB800];
	[tilespmem:v12+s10+$0x0] =	vst.idx.msk $0xffff, v11  }
0x7d: {  	v12 =	vadd.s32 $0xE, v4;
	[tilespmem:v10+s10+$0x0] =	vst.idx.msk $0xffff, v24;
	v11 =	vld [tilespmem:s18+$0xFFFFF800]  }
0x7e: {  	v25 =	vadd.s32 $0x1, v10;
	v24 =	vld [tilespmem:s25+$0xFFFF9000];
	[tilespmem:v9+s10+$0x0] =	vst.idx.msk $0xffff, v8  }
0x7f: {  	v27 =	vadd.s32 $0x9, v5;
	[tilespmem:v23+s10+$0x0] =	vst.idx.msk $0xffff, v20;
	v26 =	vld [tilespmem:s20+$0xFFFFD000]  }
0x80: {  	v29 =	vadd.s32 $0x4, v6;
	v28 =	vld [tilespmem:s22+$0xFFFFA800];
	[tilespmem:v14+s10+$0x0] =	vst.idx.msk $0xffff, v13  }
0x81: {  	v54 =	vadd.s32 $0xC, v1;
	[tilespmem:v22+s10+$0x0] =	vst.idx.msk $0xffff, v21;
	v30 =	vld [tilespmem:s19+$0xFFFFE800]  }
0x82: {  	v56 =	vadd.s32 $0x7, v7;
	v55 =	vld [tilespmem:s21+$0xFFFFC000];
	[tilespmem:v12+s10+$0x0] =	vst.idx.msk $0xffff, v11  }
.Ltmp2:
0x83: {  	v9 =	vadd.s32 $0xF, v4;
	v4 =	vmovc v1;
	v1 =	vmovc v5;
	v5 =	vmov v7;
	v7 =	vmov v6;
	[tilespmem:v25+s10+$0x0] =	vst.idx.msk $0xffff, v24;
	v8 =	vld [tilespmem:s18+$0x0];
	s18 =	smov.u32 s19;
	s19 =	smov.u32 s20;
	(pc) =	sbr.rel @p0 .LBB2_3-.Ltmp2, $4  }
0x84: {  	v6 =	vmov v10;
	v23 =	vadd.s32 $0x2, v10;
	s20 =	smov.u32 s21;
	s21 =	smov.u32 s22;
	s22 =	smov.u32 s25;
	v20 =	vld [tilespmem:s25+$0xFFFF9800];
	[tilespmem:v27+s10+$0x0] =	vst.idx.msk $0xffff, v26  }
0x85: {  	v14 =	vadd.s32 $0xA, v1;
	[tilespmem:v29+s10+$0x0] =	vst.idx.msk $0xffff, v28;
	v13 =	vld [tilespmem:s19+$0xFFFFD800]  }
0x86: {  	v22 =	vadd.s32 $0x5, v7;
	v21 =	vld [tilespmem:s21+$0xFFFFB000];
	[tilespmem:v54+s10+$0x0] =	vst.idx.msk $0xffff, v30  }
0x87: {  	v12 =	vadd.s32 $0xD, v4;
	s25 =	sadd.s32 $0x10, s25;
	[tilespmem:v56+s10+$0x0] =	vst.idx.msk $0xffff, v55;
	v11 =	vld [tilespmem:s18+$0xFFFFF000]  }
0x88: {  	_ =	sdelay $0x3  }
0x89: {  	[tilespmem:v23+s10+$0x0] =	vst.idx.msk $0xffff, v20  }
0x8a: {  	v20 =	vadd.s32 $0x3, v6;
	v10 =	vld [tilespmem:s22+$0xFFFFA000];
	_ =	sdelay $0x4  }
0x8b: {  	[tilespmem:v20+s10+$0x0] =	vst.idx.msk $0xffff, v10  }
0x8c: {  	v20 =	vadd.s32 $0x4, v6;
	v10 =	vld [tilespmem:s22+$0xFFFFA800];
	_ =	sdelay $0x4  }
0x8d: {  	[tilespmem:v20+s10+$0x0] =	vst.idx.msk $0xffff, v10  }
0x8e: {  	v20 =	vadd.s32 $0x5, v6;
	v10 =	vld [tilespmem:s22+$0xFFFFB000];
	_ =	sdelay $0x3  }
0x8f: {  	[tilespmem:v22+s10+$0x0] =	vst.idx.msk $0xffff, v21  }
0x90: {  	v31 =	vadd.s32 $0x6, v7;
	v21 =	vld [tilespmem:s21+$0xFFFFB800];
	[tilespmem:v20+s10+$0x0] =	vst.idx.msk $0xffff, v10  }
0x91: {  	v20 =	vadd.s32 $0x6, v6;
	v10 =	vld [tilespmem:s22+$0xFFFFB800];
	_ =	sdelay $0x3  }
0x92: {  	[tilespmem:v31+s10+$0x0] =	vst.idx.msk $0xffff, v21  }
0x93: {  	v32 =	vadd.s32 $0x7, v7;
	v21 =	vld [tilespmem:s21+$0xFFFFC000];
	[tilespmem:v20+s10+$0x0] =	vst.idx.msk $0xffff, v10  }
0x94: {  	v20 =	vadd.s32 $0x7, v6;
	v10 =	vld [tilespmem:s22+$0xFFFFC000];
	_ =	sdelay $0x3  }
0x95: {  	v33 =	vld [tilespmem:s20+$0xFFFFC800];
	v24 =	vadd.s32 $0x8, v5;
	[tilespmem:v32+s10+$0x0] =	vst.idx.msk $0xffff, v21  }
0x96: {  	v34 =	vadd.s32 $0x8, v7;
	v21 =	vld [tilespmem:s21+$0xFFFFC800];
	[tilespmem:v20+s10+$0x0] =	vst.idx.msk $0xffff, v10  }
0x97: {  	v20 =	vadd.s32 $0x8, v6;
	v10 =	vld [tilespmem:s22+$0xFFFFC800];
	_ =	sdelay $0x2  }
0x98: {  	[tilespmem:v24+s10+$0x0] =	vst.idx.msk $0xffff, v33  }
0x99: {  	v35 =	vadd.s32 $0x9, v5;
	v23 =	vld [tilespmem:s20+$0xFFFFD000];
	[tilespmem:v34+s10+$0x0] =	vst.idx.msk $0xffff, v21  }
0x9a: {  	v36 =	vadd.s32 $0x9, v7;
	v21 =	vld [tilespmem:s21+$0xFFFFD000];
	[tilespmem:v20+s10+$0x0] =	vst.idx.msk $0xffff, v10  }
0x9b: {  	v20 =	vadd.s32 $0x9, v6;
	v10 =	vld [tilespmem:s22+$0xFFFFD000];
	_ =	sdelay $0x2  }
0x9c: {  	[tilespmem:v35+s10+$0x0] =	vst.idx.msk $0xffff, v23  }
0x9d: {  	v54 =	vadd.s32 $0xA, v5;
	v23 =	vld [tilespmem:s20+$0xFFFFD800];
	[tilespmem:v36+s10+$0x0] =	vst.idx.msk $0xffff, v21  }
0x9e: {  	v55 =	vadd.s32 $0xA, v7;
	v21 =	vld [tilespmem:s21+$0xFFFFD800];
	[tilespmem:v20+s10+$0x0] =	vst.idx.msk $0xffff, v10  }
0x9f: {  	v20 =	vadd.s32 $0xA, v6;
	v10 =	vld [tilespmem:s22+$0xFFFFD800];
	_ =	sdelay $0x1  }
0xa0: {  	[tilespmem:v14+s10+$0x0] =	vst.idx.msk $0xffff, v13  }
0xa1: {  	v14 =	vadd.s32 $0xB, v1;
	v13 =	vld [tilespmem:s19+$0xFFFFE000];
	[tilespmem:v54+s10+$0x0] =	vst.idx.msk $0xffff, v23  }
0xa2: {  	v56 =	vadd.s32 $0xB, v5;
	v23 =	vld [tilespmem:s20+$0xFFFFE000];
	[tilespmem:v55+s10+$0x0] =	vst.idx.msk $0xffff, v21  }
0xa3: {  	v57 =	vadd.s32 $0xB, v7;
	v21 =	vld [tilespmem:s21+$0xFFFFE000];
	[tilespmem:v20+s10+$0x0] =	vst.idx.msk $0xffff, v10  }
0xa4: {  	v20 =	vadd.s32 $0xB, v6;
	v10 =	vld [tilespmem:s22+$0xFFFFE000];
	_ =	sdelay $0x1  }
0xa5: {  	[tilespmem:v14+s10+$0x0] =	vst.idx.msk $0xffff, v13  }
0xa6: {  	v14 =	vadd.s32 $0xC, v1;
	v13 =	vld [tilespmem:s19+$0xFFFFE800];
	[tilespmem:v56+s10+$0x0] =	vst.idx.msk $0xffff, v23  }
0xa7: {  	v58 =	vadd.s32 $0xC, v5;
	v23 =	vld [tilespmem:s20+$0xFFFFE800];
	[tilespmem:v57+s10+$0x0] =	vst.idx.msk $0xffff, v21  }
0xa8: {  	v59 =	vadd.s32 $0xC, v7;
	v21 =	vld [tilespmem:s21+$0xFFFFE800];
	[tilespmem:v20+s10+$0x0] =	vst.idx.msk $0xffff, v10  }
0xa9: {  	v20 =	vadd.s32 $0xC, v6;
	v10 =	vld [tilespmem:s22+$0xFFFFE800];
	_ =	sdelay $0x1  }
0xaa: {  	[tilespmem:v14+s10+$0x0] =	vst.idx.msk $0xffff, v13  }
0xab: {  	v14 =	vadd.s32 $0xD, v1;
	v13 =	vld [tilespmem:s19+$0xFFFFF000];
	[tilespmem:v58+s10+$0x0] =	vst.idx.msk $0xffff, v23  }
0xac: {  	v60 =	vadd.s32 $0xD, v5;
	v23 =	vld [tilespmem:s20+$0xFFFFF000];
	[tilespmem:v59+s10+$0x0] =	vst.idx.msk $0xffff, v21  }
0xad: {  	v61 =	vadd.s32 $0xD, v7;
	v21 =	vld [tilespmem:s21+$0xFFFFF000];
	[tilespmem:v20+s10+$0x0] =	vst.idx.msk $0xffff, v10  }
0xae: {  	v20 =	vadd.s32 $0xD, v6;
	v10 =	vld [tilespmem:s22+$0xFFFFF000]  }
0xaf: {  	[tilespmem:v12+s10+$0x0] =	vst.idx.msk $0xffff, v11  }
0xb0: {  	v12 =	vadd.s32 $0xE, v4;
	v11 =	vld [tilespmem:s18+$0xFFFFF800];
	[tilespmem:v14+s10+$0x0] =	vst.idx.msk $0xffff, v13  }
0xb1: {  	v14 =	vadd.s32 $0xE, v1;
	v13 =	vld [tilespmem:s19+$0xFFFFF800];
	[tilespmem:v60+s10+$0x0] =	vst.idx.msk $0xffff, v23  }
0xb2: {  	v62 =	vadd.s32 $0xE, v5;
	v23 =	vld [tilespmem:s20+$0xFFFFF800];
	[tilespmem:v61+s10+$0x0] =	vst.idx.msk $0xffff, v21  }
0xb3: {  	v63 =	vadd.s32 $0xE, v7;
	v21 =	vld [tilespmem:s21+$0xFFFFF800];
	[tilespmem:v20+s10+$0x0] =	vst.idx.msk $0xffff, v10  }
0xb4: {  	v20 =	vadd.s32 $0xE, v6;
	v10 =	vld [tilespmem:s22+$0xFFFFF800]  }
0xb5: {  	[tilespmem:v12+s10+$0x0] =	vst.idx.msk $0xffff, v11  }
0xb6: {  	v4 =	vadd.s32 $0xF, v4;
	v11 =	vld [tilespmem:s18+$0x0];
	[tilespmem:v14+s10+$0x0] =	vst.idx.msk $0xffff, v13  }
0xb7: {  	v1 =	vadd.s32 $0xF, v1;
	v12 =	vld [tilespmem:s19+$0x0];
	[tilespmem:v62+s10+$0x0] =	vst.idx.msk $0xffff, v23  }
0xb8: {  	v5 =	vadd.s32 $0xF, v5;
	v13 =	vld [tilespmem:s20+$0x0];
	[tilespmem:v63+s10+$0x0] =	vst.idx.msk $0xffff, v21  }
0xb9: {  	v7 =	vadd.s32 $0xF, v7;
	v14 =	vld [tilespmem:s21+$0x0];
	[tilespmem:v20+s10+$0x0] =	vst.idx.msk $0xffff, v10  }
0xba: {  	[tilespmem:v9+s10+$0x0] =	vst.idx.msk $0xffff, v8;
	v6 =	vadd.s32 $0xF, v6;
	v8 =	vld [tilespmem:s22+$0x0]  }
0xbb: {  	[tilespmem:v4+s10+$0x0] =	vst.idx.msk $0xffff, v11  }
0xbc: {  	[tilespmem:v1+s10+$0x0] =	vst.idx.msk $0xffff, v12  }
0xbd: {  	[tilespmem:v5+s10+$0x0] =	vst.idx.msk $0xffff, v13  }
0xbe: {  	[tilespmem:v7+s10+$0x0] =	vst.idx.msk $0xffff, v14  }
0xbf: {  	[tilespmem:v6+s10+$0x0] =	vst.idx.msk $0xffff, v8  }
0xc0: {  	v1 =	vld [tilespmem:s23+$0x33]  }
0xc1: {  	v4 =	vld [tilespmem:s23+$0xFFFFFFCD]  }
0xc2: {  	v5 =	vld [tilespmem:s23+$0xFFFFFFDE]  }
0xc3: {  	v8 =	vld [tilespmem:s23+$0xFFFFFFEF]  }
0xc4: {  	v9 =	vld [tilespmem:s23+$0x0]  }
0xc5: {  	v11 =	vimm.f32 $-1.000000020e+30;
	v7 =	vld [tilespmem:s23+$0x11]  }
0xc6: {  	s18 =	simm.s32 $0x198C0;
	v12 =	vimm.f32 $-1.000000020e+30;
	v10 =	vimm.f32 $-1.000000020e+30;
	v6 =	vimm.f32 $-1.000000020e+30;
	v13 =	vld [tilespmem:s23+$0x22]  }
0xc7: {  	s19 =	simm.s32 $0x18840;
	s20 =	simm.s32 $0x0;
	s21 =	simm.s32 $0x100CC;
	v14 =	vld [tilespmem:s23+$0xFFFFFFBC];
	v1 =	vmax.f32 v0, v1;
	v4 =	vmax.f32 v0, v4;
	v5 =	vmax.f32 v0, v5  }
.LBB2_5:
0xc8: {  	v20 =	vld [tilespmem:s21+$0x33];
	s20 =	sadd.s32 $0x88, s20;
	v0 =	vmax.f32 v0, v8  }
0xc9: {  	v21 =	vld [tilespmem:s21+$0xFFFFFFCD];
	p0 =	slt.u32 s20, $0x8778;
	v6 =	vmax.f32 v6, v9  }
0xca: {  	v22 =	vld [tilespmem:s21+$0xFFFFFFDE];
	v10 =	vmax.f32 v10, v7  }
.Ltmp3:
0xcb: {  	v8 =	vld [tilespmem:s21+$0xFFFFFFEF];
	v11 =	vmax.f32 v11, v13;
	(pc) =	sbr.rel @p0 .LBB2_5-.Ltmp3, $4  }
0xcc: {  	v9 =	vld [tilespmem:s21+$0x0];
	v12 =	vmax.f32 v12, v14  }
0xcd: {  	v7 =	vld [tilespmem:s21+$0x11];
	v1 =	vmax.f32 v1, v20  }
0xce: {  	v4 =	vmax.f32 v4, v21;
	v13 =	vld [tilespmem:s21+$0x22]  }
0xcf: {  	v14 =	vld [tilespmem:s21+$0xFFFFFFBC];
	v5 =	vmax.f32 v5, v22;
	s21 =	sadd.s32 $0x88, s21  }
0xd0: {  	[tilespmem:s19+$0xFFFFFFC0] =	vst v2  }
0xd1: {  	[tilespmem:s18+$0xFFFFFFC0] =	vst v2  }
0xd2: {  	[tilespmem:s19+$0xFFFFFFD0] =	vst v2  }
0xd3: {  	[tilespmem:s18+$0xFFFFFFD0] =	vst v2  }
0xd4: {  	[tilespmem:s19+$0xFFFFFFE0] =	vst v2  }
0xd5: {  	[tilespmem:s18+$0xFFFFFFE0] =	vst v2  }
0xd6: {  	[tilespmem:s19+$0xFFFFFFF0] =	vst v2  }
0xd7: {  	[tilespmem:s18+$0xFFFFFFF0] =	vst v2  }
0xd8: {  	[tilespmem:s19+$0x0] =	vst v2  }
0xd9: {  	[tilespmem:s18+$0x0] =	vst v2  }
0xda: {  	[tilespmem:s19+$0x10] =	vst v2  }
0xdb: {  	[tilespmem:s18+$0x10] =	vst v2  }
0xdc: {  	[tilespmem:s19+$0x20] =	vst v2  }
0xdd: {  	v8 =	vmax.f32 v0, v8;
	v0 =	vmax.f32 v6, v9;
	[tilespmem:s18+$0x20] =	vst v2  }
0xde: {  	s20 =	simm.s32 $0x0;
	v6 =	vmax.f32 v10, v7;
	v7 =	vmax.f32 v11, v13;
	v9 =	vmax.f32 v12, v14;
	[tilespmem:s19+$0x30] =	vst v2  }
.LBB2_7:
0xdf: {  	s20 =	sadd.s32 $0x8, s20;
	[tilespmem:s18+$0x30] =	vst v2;
	s19 =	sadd.s32 $0x80, s19;
	s18 =	sadd.s32 $0x80, s18  }
0xe0: {  	[tilespmem:s19+$0xFFFFFFC0] =	vst v2;
	p0 =	slt.u32 s20, $0x100  }
0xe1: {  	[tilespmem:s18+$0xFFFFFFC0] =	vst v2  }
0xe2: {  	[tilespmem:s19+$0xFFFFFFD0] =	vst v2  }
0xe3: {  	[tilespmem:s18+$0xFFFFFFD0] =	vst v2  }
0xe4: {  	[tilespmem:s19+$0xFFFFFFE0] =	vst v2  }
0xe5: {  	[tilespmem:s18+$0xFFFFFFE0] =	vst v2  }
0xe6: {  	[tilespmem:s19+$0xFFFFFFF0] =	vst v2  }
0xe7: {  	[tilespmem:s18+$0xFFFFFFF0] =	vst v2  }
0xe8: {  	[tilespmem:s19+$0x0] =	vst v2  }
0xe9: {  	[tilespmem:s18+$0x0] =	vst v2  }
.Ltmp4:
0xea: {  	[tilespmem:s19+$0x10] =	vst v2;
	(pc) =	sbr.rel @p0 .LBB2_7-.Ltmp4, $4  }
0xeb: {  	[tilespmem:s18+$0x10] =	vst v2  }
0xec: {  	[tilespmem:s19+$0x20] =	vst v2  }
0xed: {  	[tilespmem:s18+$0x20] =	vst v2  }
0xee: {  	[tilespmem:s19+$0x30] =	vst v2  }
0xef: {  	v4 =	vmax.f32 v9, v4  }
0xf0: {  	[tilespmem:s18+$0x30] =	vst v2;
	s23 =	simm.s32 $0x10044;
	v4 =	vmax.f32 v4, v5  }
0xf1: {  	v5 =	vld [tilespmem:s23+$0xFFFFFFBC];
	v4 =	vmax.f32 v4, v8  }
0xf2: {  	v0 =	vmax.f32 v4, v0  }
0xf3: {  	v0 =	vmax.f32 v0, v6  }
0xf4: {  	v0 =	vmax.f32 v0, v7  }
0xf5: {  	v0 =	vmax.f32 v0, v1  }
0xf6: {  	v1 =	vsub.f32 v0, v5;
	_ =	sdelay $0x1  }
0xf7: {  	v1 =	vmul.f32 $2.560000000e+02, v1;
	_ =	sdelay $0x1  }
0xf8: {  	v4 =	vtrunc.f32 v1  }
0xf9: {  	v4 =	vcvt.f32.s32 v4  }
0xfa: {  	vm1 =	vlt.f32 v1, $2.560000000e+02  }
0xfb: {  	v1 =	vadd.s32 v3, v4;
	_ =	sdelay $0x3  }
0xfc: {  	v8 =	vimm.f32 $1.000000000e+00  }
0xfd: {  	[tilespmem:v1+s11+$0x0] =	vst.idx.add.f32.msk vm1, v8  }
0xfe: {  	[tilespmem:v1+s12+$0x0] =	vst.idx.add.f32.msk vm1, v5  }
0xff: {  	v1 =	vld [tilespmem:s23+$0xFFFFFFCD];
	_ =	sdelay $0x1  }
0x100: {  	s18 =	simm.s32 $0x100CC  }
0x101: {  	v4 =	vld [tilespmem:s18+$0xFFFFFFBC];
	_ =	sdelay $0x1  }
0x102: {  	v5 =	vsub.f32 v0, v1;
	_ =	sdelay $0x1  }
0x103: {  	v5 =	vmul.f32 $2.560000000e+02, v5  }
0x104: {  	v6 =	vsub.f32 v0, v4  }
0x105: {  	v7 =	vtrunc.f32 v5  }
0x106: {  	v6 =	vmul.f32 $2.560000000e+02, v6;
	v7 =	vcvt.f32.s32 v7  }
0x107: {  	vm1 =	vlt.f32 v5, $2.560000000e+02  }
0x108: {  	v5 =	vtrunc.f32 v6;
	v7 =	vadd.s32 v3, v7  }
0x109: {  	v5 =	vcvt.f32.s32 v5  }
0x10a: {  	vm2 =	vlt.f32 v6, $2.560000000e+02  }
0x10b: {  	v5 =	vadd.s32 v3, v5;
	_ =	sdelay $0x1  }
0x10c: {  	[tilespmem:v7+s11+$0x0] =	vst.idx.add.f32.msk vm1, v8  }
0x10d: {  	[tilespmem:v7+s12+$0x0] =	vst.idx.add.f32.msk vm1, v1  }
0x10e: {  	v1 =	vld [tilespmem:s23+$0xFFFFFFDE]  }
0x10f: {  	[tilespmem:v5+s11+$0x0] =	vst.idx.add.f32.msk vm2, v8  }
0x110: {  	[tilespmem:v5+s12+$0x0] =	vst.idx.add.f32.msk vm2, v4  }
0x111: {  	v4 =	vld [tilespmem:s18+$0xFFFFFFCD];
	_ =	sdelay $0x1  }
0x112: {  	v5 =	vsub.f32 v0, v1  }
0x113: {  	s20 =	simm.s32 $0x10154  }
0x114: {  	v6 =	vld [tilespmem:s20+$0xFFFFFFBC];
	v5 =	vmul.f32 $2.560000000e+02, v5  }
0x115: {  	v7 =	vsub.f32 v0, v4  }
0x116: {  	v9 =	vtrunc.f32 v5  }
0x117: {  	v7 =	vmul.f32 $2.560000000e+02, v7;
	v9 =	vcvt.f32.s32 v9  }
0x118: {  	vm1 =	vlt.f32 v5, $2.560000000e+02  }
0x119: {  	v5 =	vsub.f32 v0, v6;
	v10 =	vtrunc.f32 v7;
	v9 =	vadd.s32 v3, v9  }
0x11a: {  	s19 =	simm.s32 $0x101DC;
	v10 =	vcvt.f32.s32 v10  }
0x11b: {  	v11 =	vld [tilespmem:s19+$0xFFFFFFBC];
	vm2 =	vlt.f32 v7, $2.560000000e+02;
	v5 =	vmul.f32 $2.560000000e+02, v5  }
0x11c: {  	v7 =	vadd.s32 v3, v10  }
0x11d: {  	v10 =	vtrunc.f32 v5  }
0x11e: {  	v10 =	vcvt.f32.s32 v10;
	[tilespmem:v9+s11+$0x0] =	vst.idx.add.f32.msk vm1, v8  }
0x11f: {  	vm3 =	vlt.f32 v5, $2.560000000e+02;
	[tilespmem:v9+s12+$0x0] =	vst.idx.add.f32.msk vm1, v1  }
0x120: {  	v5 =	vadd.s32 v3, v10;
	v1 =	vsub.f32 v0, v11;
	v9 =	vld [tilespmem:s23+$0xFFFFFFEF]  }
0x121: {  	[tilespmem:v7+s11+$0x0] =	vst.idx.add.f32.msk vm2, v8  }
0x122: {  	[tilespmem:v7+s12+$0x0] =	vst.idx.add.f32.msk vm2, v4;
	v1 =	vmul.f32 $2.560000000e+02, v1  }
0x123: {  	v4 =	vld [tilespmem:s18+$0xFFFFFFDE]  }
0x124: {  	v7 =	vtrunc.f32 v1  }
0x125: {  	[tilespmem:v5+s11+$0x0] =	vst.idx.add.f32.msk vm3, v8;
	vm1 =	vlt.f32 v1, $2.560000000e+02;
	v7 =	vcvt.f32.s32 v7;
	v1 =	vsub.f32 v0, v9  }
0x126: {  	[tilespmem:v5+s12+$0x0] =	vst.idx.add.f32.msk vm3, v6  }
0x127: {  	v6 =	vld [tilespmem:s20+$0xFFFFFFCD];
	v5 =	vadd.s32 v3, v7;
	v1 =	vmul.f32 $2.560000000e+02, v1  }
0x128: {  	v7 =	vsub.f32 v0, v4  }
0x129: {  	v10 =	vtrunc.f32 v1  }
0x12a: {  	s21 =	simm.s32 $0x10264;
	v7 =	vmul.f32 $2.560000000e+02, v7;
	v10 =	vcvt.f32.s32 v10  }
0x12b: {  	v13 =	vld [tilespmem:s21+$0xFFFFFFBC];
	vm2 =	vlt.f32 v1, $2.560000000e+02  }
0x12c: {  	v1 =	vsub.f32 v0, v6;
	v12 =	vtrunc.f32 v7;
	[tilespmem:v5+s11+$0x0] =	vst.idx.add.f32.msk vm1, v8;
	v10 =	vadd.s32 v3, v10  }
0x12d: {  	v12 =	vcvt.f32.s32 v12;
	[tilespmem:v5+s12+$0x0] =	vst.idx.add.f32.msk vm1, v11  }
0x12e: {  	v1 =	vmul.f32 $2.560000000e+02, v1;
	vm1 =	vlt.f32 v7, $2.560000000e+02;
	v5 =	vld [tilespmem:s19+$0xFFFFFFCD]  }
0x12f: {  	v7 =	vadd.s32 v3, v12  }
0x130: {  	v11 =	vtrunc.f32 v1  }
0x131: {  	v11 =	vcvt.f32.s32 v11;
	[tilespmem:v10+s11+$0x0] =	vst.idx.add.f32.msk vm2, v8  }
0x132: {  	v12 =	vsub.f32 v0, v13;
	vm3 =	vlt.f32 v1, $2.560000000e+02;
	[tilespmem:v10+s12+$0x0] =	vst.idx.add.f32.msk vm2, v9  }
0x133: {  	v1 =	vadd.s32 v3, v11;
	v10 =	vsub.f32 v0, v5;
	v11 =	vld [tilespmem:s23+$0x0]  }
0x134: {  	v9 =	vmul.f32 $2.560000000e+02, v12;
	[tilespmem:v7+s11+$0x0] =	vst.idx.add.f32.msk vm1, v8  }
0x135: {  	[tilespmem:v7+s12+$0x0] =	vst.idx.add.f32.msk vm1, v4;
	v7 =	vmul.f32 $2.560000000e+02, v10  }
0x136: {  	v4 =	vtrunc.f32 v9;
	v10 =	vld [tilespmem:s18+$0xFFFFFFEF]  }
0x137: {  	vm1 =	vlt.f32 v9, $2.560000000e+02;
	v4 =	vcvt.f32.s32 v4;
	v9 =	vtrunc.f32 v7  }
0x138: {  	[tilespmem:v1+s11+$0x0] =	vst.idx.add.f32.msk vm3, v8;
	v9 =	vcvt.f32.s32 v9;
	v12 =	vsub.f32 v0, v11  }
0x139: {  	[tilespmem:v1+s12+$0x0] =	vst.idx.add.f32.msk vm3, v6;
	vm2 =	vlt.f32 v7, $2.560000000e+02;
	v4 =	vadd.s32 v3, v4  }
0x13a: {  	v1 =	vld [tilespmem:s20+$0xFFFFFFDE];
	v6 =	vadd.s32 v3, v9;
	v7 =	vmul.f32 $2.560000000e+02, v12  }
0x13b: {  	v9 =	vsub.f32 v0, v10  }
0x13c: {  	s22 =	simm.s32 $0x102EC;
	v12 =	vtrunc.f32 v7  }
0x13d: {  	v14 =	vld [tilespmem:s22+$0xFFFFFFBC];
	v9 =	vmul.f32 $2.560000000e+02, v9;
	v12 =	vcvt.f32.s32 v12  }
0x13e: {  	[tilespmem:v4+s11+$0x0] =	vst.idx.add.f32.msk vm1, v8;
	vm3 =	vlt.f32 v7, $2.560000000e+02  }
0x13f: {  	v7 =	vsub.f32 v0, v1;
	v20 =	vtrunc.f32 v9;
	[tilespmem:v6+s11+$0x0] =	vst.idx.add.f32.msk vm2, v8;
	v12 =	vadd.s32 v3, v12  }
0x140: {  	[tilespmem:v6+s12+$0x0] =	vst.idx.add.f32.msk vm2, v5;
	v5 =	vcvt.f32.s32 v20  }
0x141: {  	[tilespmem:v4+s12+$0x0] =	vst.idx.add.f32.msk vm1, v13;
	v6 =	vmul.f32 $2.560000000e+02, v7;
	vm2 =	vlt.f32 v9, $2.560000000e+02  }
0x142: {  	v7 =	vld [tilespmem:s19+$0xFFFFFFDE];
	v4 =	vadd.s32 v3, v5  }
0x143: {  	v13 =	vsub.f32 v0, v14;
	v9 =	vld [tilespmem:s21+$0xFFFFFFCD];
	v5 =	vtrunc.f32 v6  }
0x144: {  	v5 =	vcvt.f32.s32 v5;
	[tilespmem:v12+s11+$0x0] =	vst.idx.add.f32.msk vm3, v8  }
0x145: {  	vm1 =	vlt.f32 v6, $2.560000000e+02;
	v6 =	vmul.f32 $2.560000000e+02, v13;
	[tilespmem:v12+s12+$0x0] =	vst.idx.add.f32.msk vm3, v11  }
0x146: {  	v5 =	vadd.s32 v3, v5;
	v12 =	vld [tilespmem:s23+$0x11]  }
0x147: {  	v13 =	vtrunc.f32 v6;
	v11 =	vsub.f32 v0, v7;
	[tilespmem:v4+s11+$0x0] =	vst.idx.add.f32.msk vm2, v8  }
0x148: {  	v20 =	vsub.f32 v0, v9;
	v13 =	vcvt.f32.s32 v13;
	[tilespmem:v4+s12+$0x0] =	vst.idx.add.f32.msk vm2, v10  }
0x149: {  	v11 =	vmul.f32 $2.560000000e+02, v11;
	vm2 =	vlt.f32 v6, $2.560000000e+02;
	v4 =	vld [tilespmem:s18+$0x0]  }
0x14a: {  	v13 =	vadd.s32 v3, v13;
	v10 =	vmul.f32 $2.560000000e+02, v20  }
0x14b: {  	v6 =	vtrunc.f32 v11;
	[tilespmem:v5+s11+$0x0] =	vst.idx.add.f32.msk vm1, v8  }
0x14c: {  	v6 =	vcvt.f32.s32 v6;
	[tilespmem:v5+s12+$0x0] =	vst.idx.add.f32.msk vm1, v1;
	v1 =	vtrunc.f32 v10;
	v5 =	vsub.f32 v0, v12  }
0x14d: {  	vm3 =	vlt.f32 v10, $2.560000000e+02;
	vm1 =	vlt.f32 v11, $2.560000000e+02;
	v11 =	vld [tilespmem:s20+$0xFFFFFFEF];
	v1 =	vcvt.f32.s32 v1  }
0x14e: {  	v6 =	vadd.s32 v3, v6;
	v5 =	vmul.f32 $2.560000000e+02, v5;
	v10 =	vsub.f32 v0, v4  }
0x14f: {  	v1 =	vadd.s32 v3, v1;
	[tilespmem:v13+s11+$0x0] =	vst.idx.add.f32.msk vm2, v8  }
0x150: {  	s24 =	simm.s32 $0x10374;
	[tilespmem:v13+s12+$0x0] =	vst.idx.add.f32.msk vm2, v14;
	v13 =	vtrunc.f32 v5;
	v10 =	vmul.f32 $2.560000000e+02, v10  }
0x151: {  	v21 =	vld [tilespmem:s24+$0xFFFFFFBC];
	v13 =	vcvt.f32.s32 v13  }
0x152: {  	v14 =	vld [tilespmem:s22+$0xFFFFFFCD];
	vm2 =	vlt.f32 v5, $2.560000000e+02;
	v20 =	vsub.f32 v0, v11;
	v5 =	vtrunc.f32 v10  }
0x153: {  	[tilespmem:v6+s11+$0x0] =	vst.idx.add.f32.msk vm1, v8;
	v13 =	vadd.s32 v3, v13;
	v5 =	vcvt.f32.s32 v5  }
0x154: {  	vm4 =	vlt.f32 v10, $2.560000000e+02;
	v20 =	vmul.f32 $2.560000000e+02, v20;
	[tilespmem:v1+s11+$0x0] =	vst.idx.add.f32.msk vm3, v8  }
0x155: {  	[tilespmem:v6+s12+$0x0] =	vst.idx.add.f32.msk vm1, v7;
	v5 =	vadd.s32 v3, v5  }
0x156: {  	[tilespmem:v1+s12+$0x0] =	vst.idx.add.f32.msk vm3, v9;
	v6 =	vtrunc.f32 v20  }
0x157: {  	v9 =	vld [tilespmem:s21+$0xFFFFFFDE];
	v1 =	vcvt.f32.s32 v6  }
0x158: {  	vm3 =	vlt.f32 v20, $2.560000000e+02;
	v6 =	vsub.f32 v0, v21;
	[tilespmem:v13+s11+$0x0] =	vst.idx.add.f32.msk vm2, v8  }
0x159: {  	v1 =	vadd.s32 v3, v1;
	[tilespmem:v13+s12+$0x0] =	vst.idx.add.f32.msk vm2, v12  }
0x15a: {  	v7 =	vsub.f32 v0, v14;
	v6 =	vmul.f32 $2.560000000e+02, v6;
	[tilespmem:v5+s11+$0x0] =	vst.idx.add.f32.msk vm4, v8  }
0x15b: {  	[tilespmem:v5+s12+$0x0] =	vst.idx.add.f32.msk vm4, v4  }
0x15c: {  	v4 =	vmul.f32 $2.560000000e+02, v7;
	v5 =	vtrunc.f32 v6;
	v10 =	vld [tilespmem:s18+$0x11]  }
0x15d: {  	v13 =	vld [tilespmem:s23+$0x22];
	v5 =	vcvt.f32.s32 v5  }
0x15e: {  	vm1 =	vlt.f32 v6, $2.560000000e+02;
	v7 =	vtrunc.f32 v4;
	[tilespmem:v1+s11+$0x0] =	vst.idx.add.f32.msk vm3, v8  }
0x15f: {  	v6 =	vcvt.f32.s32 v7;
	v7 =	vsub.f32 v0, v9;
	v5 =	vadd.s32 v3, v5;
	[tilespmem:v1+s12+$0x0] =	vst.idx.add.f32.msk vm3, v11  }
0x160: {  	vm2 =	vlt.f32 v4, $2.560000000e+02;
	v58 =	vld [tilespmem:s20+$0x0]  }
0x161: {  	v1 =	vadd.s32 v3, v6;
	v4 =	vmul.f32 $2.560000000e+02, v7;
	v6 =	vsub.f32 v0, v10  }
0x162: {  	v11 =	vsub.f32 v0, v13  }
0x163: {  	v57 =	vld [tilespmem:s19+$0xFFFFFFEF];
	v7 =	vtrunc.f32 v4;
	v6 =	vmul.f32 $2.560000000e+02, v6  }
0x164: {  	vm3 =	vlt.f32 v4, $2.560000000e+02;
	v4 =	vmul.f32 $2.560000000e+02, v11;
	v7 =	vcvt.f32.s32 v7;
	[tilespmem:v5+s11+$0x0] =	vst.idx.add.f32.msk vm1, v8  }
0x165: {  	v12 =	vsub.f32 v0, v58;
	[tilespmem:v5+s12+$0x0] =	vst.idx.add.f32.msk vm1, v21;
	v11 =	vtrunc.f32 v6  }
0x166: {  	v23 =	vtrunc.f32 v4;
	[tilespmem:v1+s11+$0x0] =	vst.idx.add.f32.msk vm2, v8;
	v20 =	vadd.s32 v3, v7;
	v11 =	vcvt.f32.s32 v11  }
0x167: {  	s26 =	simm.s32 $0x103FC;
	vm15 =	vlt.f32 v6, $2.560000000e+02;
	[tilespmem:v1+s12+$0x0] =	vst.idx.add.f32.msk vm2, v14;
	v14 =	vcvt.f32.s32 v23  }
0x168: {  	vm1 =	vlt.f32 v4, $2.560000000e+02;
	v7 =	vld [tilespmem:s26+$0xFFFFFFBC];
	v12 =	vmul.f32 $2.560000000e+02, v12;
	v11 =	vadd.s32 v3, v11  }
0x169: {  	v22 =	vsub.f32 v0, v57;
	v5 =	vld [tilespmem:s24+$0xFFFFFFCD];
	v4 =	vadd.s32 v3, v14  }
0x16a: {  	v1 =	vld [tilespmem:s22+$0xFFFFFFDE];
	v21 =	vtrunc.f32 v12  }
0x16b: {  	v54 =	vimm.f32 $1.000000000e+00;
	v6 =	vmul.f32 $2.560000000e+02, v22;
	v21 =	vcvt.f32.s32 v21;
	[tilespmem:v20+s11+$0x0] =	vst.idx.add.f32.msk vm3, v8  }
0x16c: {  	v56 =	vimm.f32 $1.000000000e+00;
	v55 =	vimm.f32 $1.000000000e+00;
	vm2 =	vlt.f32 v12, $2.560000000e+02;
	[tilespmem:v20+s12+$0x0] =	vst.idx.add.f32.msk vm3, v9  }
0x16d: {  	v14 =	vtrunc.f32 v6;
	v12 =	vimm.f32 $1.000000000e+00;
	v20 =	vadd.s32 v3, v21;
	[tilespmem:v11+s11+$0x0] =	vst.idx.add.f32.msk vm15, v8  }
0x16e: {  	v14 =	vcvt.f32.s32 v14;
	v22 =	vsub.f32 v0, v7;
	v9 =	vimm.f32 $1.000000000e+00;
	[tilespmem:v4+s11+$0x0] =	vst.idx.add.f32.msk vm1, v8  }
0x16f: {  	s28 =	simm.s32 $0x3B8;
	s25 =	simm.s32 $0x103FC;
	v21 =	vsub.f32 v0, v1;
	[tilespmem:v11+s12+$0x0] =	vst.idx.add.f32.msk vm15, v10;
	v11 =	vimm.f32 $1.000000000e+00;
	v10 =	vimm.f32 $1.000000000e+00  }
.LBB2_9:
0x170: {  	s28 =	sadd.s32 $0x88, s28;
	v22 =	vmul.f32 $2.560000000e+02, v22;
	s26 =	sadd.s32 $0x88, s26;
	v23 =	vsub.f32 v0, v5;
	[tilespmem:v4+s12+$0x0] =	vst.idx.add.f32.msk vm1, v13  }
0x171: {  	vm1 =	vlt.f32 v6, $2.560000000e+02;
	p0 =	slt.u32 s28, $0x8778;
	v4 =	vmul.f32 $2.560000000e+02, v21;
	v21 =	vld [tilespmem:s23+$0x33];
	s23 =	smov.u32 s18;
	s18 =	smov.u32 s20  }
0x172: {  	v14 =	vadd.s32 v3, v14;
	s20 =	smov.u32 s19;
	s19 =	smov.u32 s21;
	s21 =	smov.u32 s22;
	v6 =	vtrunc.f32 v22;
	[tilespmem:v20+s11+$0x0] =	vst.idx.add.f32.msk vm2, v54  }
0x173: {  	s22 =	smov.u32 s24;
	s24 =	smov.u32 s25;
	s25 =	smov.u32 s26;
	v6 =	vcvt.f32.s32 v6;
	v13 =	vtrunc.f32 v4;
	[tilespmem:v20+s12+$0x0] =	vst.idx.add.f32.msk vm2, v58  }
0x174: {  	vm5 =	vlt.f32 v22, $2.560000000e+02;
	v20 =	vmul.f32 $2.560000000e+02, v23;
	v22 =	vcvt.f32.s32 v13;
	v23 =	vld [tilespmem:s18+$0x11]  }
0x175: {  	v6 =	vadd.s32 v3, v6;
	v13 =	vld [tilespmem:s23+$0x22]  }
0x176: {  	v24 =	vtrunc.f32 v20;
	v25 =	vld [tilespmem:s19+$0xFFFFFFEF];
	v26 =	vsub.f32 v0, v21  }
0x177: {  	vm4 =	vlt.f32 v4, $2.560000000e+02;
	v24 =	vcvt.f32.s32 v24;
	[tilespmem:v14+s11+$0x0] =	vst.idx.add.f32.msk vm1, v11  }
0x178: {  	vm2 =	vlt.f32 v20, $2.560000000e+02;
	v4 =	vadd.s32 v3, v22;
	[tilespmem:v14+s12+$0x0] =	vst.idx.add.f32.msk vm1, v57;
	v14 =	vmul.f32 $2.560000000e+02, v26  }
0x179: {  	v20 =	vadd.s32 v3, v24;
	v58 =	vld [tilespmem:s20+$0x0];
	v22 =	vsub.f32 v0, v23  }
0x17a: {  	[tilespmem:v6+s11+$0x0] =	vst.idx.add.f32.msk vm5, v8;
	v24 =	vsub.f32 v0, v13;
	vm3 =	vlt.f32 v14, $2.560000000e+02;
	v14 =	vtrunc.f32 v14  }
0x17b: {  	[tilespmem:v6+s12+$0x0] =	vst.idx.add.f32.msk vm5, v7;
	v6 =	vsub.f32 v0, v25;
	v7 =	vmul.f32 $2.560000000e+02, v22;
	v14 =	vcvt.f32.s32 v14;
	v57 =	vmovc v25  }
0x17c: {  	v22 =	vld [tilespmem:s24+$0xFFFFFFCD];
	v24 =	vmul.f32 $2.560000000e+02, v24  }
0x17d: {  	[tilespmem:v4+s11+$0x0] =	vst.idx.add.f32.msk vm4, v10;
	v6 =	vmul.f32 $2.560000000e+02, v6;
	v25 =	vtrunc.f32 v7;
	v26 =	vadd.s32 v3, v14  }
0x17e: {  	[tilespmem:v20+s11+$0x0] =	vst.idx.add.f32.msk vm2, v9;
	v14 =	vsub.f32 v0, v58;
	v25 =	vcvt.f32.s32 v25;
	v27 =	vtrunc.f32 v24  }
0x17f: {  	[tilespmem:v4+s12+$0x0] =	vst.idx.add.f32.msk vm4, v1;
	v1 =	vtrunc.f32 v6;
	vm4 =	vlt.f32 v7, $2.560000000e+02;
	v4 =	vcvt.f32.s32 v27  }
0x180: {  	vm1 =	vlt.f32 v24, $2.560000000e+02;
	v7 =	vld [tilespmem:s26+$0xFFFFFFBC];
	v27 =	vmul.f32 $2.560000000e+02, v14;
	v25 =	vadd.s32 v3, v25  }
0x181: {  	v14 =	vcvt.f32.s32 v1;
	[tilespmem:v20+s12+$0x0] =	vst.idx.add.f32.msk vm2, v5;
	v4 =	vadd.s32 v3, v4;
	v5 =	vmov v22  }
0x182: {  	v1 =	vld [tilespmem:s22+$0xFFFFFFDE];
	v20 =	vtrunc.f32 v27  }
.Ltmp5:
0x183: {  	v20 =	vcvt.f32.s32 v20;
	[tilespmem:v26+s11+$0x0] =	vst.idx.add.f32.msk vm3, v56;
	v56 =	vmovc v12;
	v12 =	vmovc v54;
	v54 =	vmov v11;
	v11 =	vmov v55;
	(pc) =	sbr.rel @p0 .LBB2_9-.Ltmp5, $4  }
0x184: {  	vm2 =	vlt.f32 v27, $2.560000000e+02;
	v55 =	vmovc v10;
	v10 =	vmov v9;
	v9 =	vmov v8;
	[tilespmem:v26+s12+$0x0] =	vst.idx.add.f32.msk vm3, v21  }
0x185: {  	v20 =	vadd.s32 v3, v20;
	[tilespmem:v25+s11+$0x0] =	vst.idx.add.f32.msk vm4, v12  }
0x186: {  	v22 =	vsub.f32 v0, v7;
	[tilespmem:v25+s12+$0x0] =	vst.idx.add.f32.msk vm4, v23  }
0x187: {  	v21 =	vsub.f32 v0, v1;
	[tilespmem:v4+s11+$0x0] =	vst.idx.add.f32.msk vm1, v56  }
0x188: {  	v8 =	vmul.f32 $2.560000000e+02, v22;
	_ =	sdelay $0x1  }
0x189: {  	v22 =	vtrunc.f32 v8  }
0x18a: {  	v22 =	vcvt.f32.s32 v22  }
0x18b: {  	vm3 =	vlt.f32 v8, $2.560000000e+02  }
0x18c: {  	v22 =	vadd.s32 v3, v22;
	_ =	sdelay $0x3  }
0x18d: {  	v8 =	vimm.f32 $1.000000000e+00  }
0x18e: {  	[tilespmem:v22+s11+$0x0] =	vst.idx.add.f32.msk vm3, v8  }
0x18f: {  	[tilespmem:v22+s12+$0x0] =	vst.idx.add.f32.msk vm3, v7  }
0x190: {  	v7 =	vld [tilespmem:s25+$0xFFFFFFCD];
	_ =	sdelay $0x1  }
0x191: {  	v22 =	vsub.f32 v0, v5;
	_ =	sdelay $0x1  }
0x192: {  	v22 =	vmul.f32 $2.560000000e+02, v22  }
0x193: {  	v23 =	vsub.f32 v0, v7  }
0x194: {  	v24 =	vtrunc.f32 v22  }
0x195: {  	v24 =	vcvt.f32.s32 v24;
	v23 =	vmul.f32 $2.560000000e+02, v23  }
0x196: {  	vm3 =	vlt.f32 v22, $2.560000000e+02  }
0x197: {  	v22 =	vadd.s32 v3, v24;
	v24 =	vtrunc.f32 v23  }
0x198: {  	v24 =	vcvt.f32.s32 v24  }
0x199: {  	vm4 =	vlt.f32 v23, $2.560000000e+02  }
0x19a: {  	v23 =	vadd.s32 v3, v24;
	_ =	sdelay $0x1  }
0x19b: {  	[tilespmem:v22+s11+$0x0] =	vst.idx.add.f32.msk vm3, v9  }
0x19c: {  	[tilespmem:v22+s12+$0x0] =	vst.idx.add.f32.msk vm3, v5  }
0x19d: {  	v5 =	vld [tilespmem:s24+$0xFFFFFFDE]  }
0x19e: {  	[tilespmem:v23+s11+$0x0] =	vst.idx.add.f32.msk vm4, v8  }
0x19f: {  	[tilespmem:v23+s12+$0x0] =	vst.idx.add.f32.msk vm4, v7  }
0x1a0: {  	v7 =	vld [tilespmem:s25+$0xFFFFFFDE]  }
0x1a1: {  	v21 =	vmul.f32 $2.560000000e+02, v21  }
0x1a2: {  	v22 =	vsub.f32 v0, v5  }
0x1a3: {  	v23 =	vtrunc.f32 v21  }
0x1a4: {  	v23 =	vcvt.f32.s32 v23;
	v22 =	vmul.f32 $2.560000000e+02, v22  }
0x1a5: {  	vm3 =	vlt.f32 v21, $2.560000000e+02;
	v21 =	vsub.f32 v0, v7  }
0x1a6: {  	v23 =	vadd.s32 v3, v23;
	v24 =	vtrunc.f32 v22  }
0x1a7: {  	v24 =	vcvt.f32.s32 v24;
	v21 =	vmul.f32 $2.560000000e+02, v21  }
0x1a8: {  	vm9 =	vlt.f32 v22, $2.560000000e+02  }
0x1a9: {  	v22 =	vadd.s32 v3, v24;
	v24 =	vtrunc.f32 v21  }
0x1aa: {  	v25 =	vld [tilespmem:s21+$0xFFFFFFEF];
	v24 =	vcvt.f32.s32 v24  }
0x1ab: {  	[tilespmem:v23+s11+$0x0] =	vst.idx.add.f32.msk vm3, v10;
	vm5 =	vlt.f32 v21, $2.560000000e+02  }
0x1ac: {  	[tilespmem:v23+s12+$0x0] =	vst.idx.add.f32.msk vm3, v1;
	v1 =	vadd.s32 v3, v24  }
0x1ad: {  	v21 =	vld [tilespmem:s22+$0xFFFFFFEF]  }
0x1ae: {  	[tilespmem:v22+s11+$0x0] =	vst.idx.add.f32.msk vm9, v9  }
0x1af: {  	v23 =	vsub.f32 v0, v25;
	[tilespmem:v22+s12+$0x0] =	vst.idx.add.f32.msk vm9, v5  }
0x1b0: {  	v5 =	vld [tilespmem:s24+$0xFFFFFFEF]  }
0x1b1: {  	v22 =	vmul.f32 $2.560000000e+02, v23;
	[tilespmem:v1+s11+$0x0] =	vst.idx.add.f32.msk vm5, v8  }
0x1b2: {  	vm3 =	vlt.f32 v6, $2.560000000e+02;
	v6 =	vsub.f32 v0, v21;
	[tilespmem:v1+s12+$0x0] =	vst.idx.add.f32.msk vm5, v7  }
0x1b3: {  	v1 =	vadd.s32 v3, v14;
	v7 =	vtrunc.f32 v22;
	v14 =	vld [tilespmem:s25+$0xFFFFFFEF]  }
0x1b4: {  	v6 =	vmul.f32 $2.560000000e+02, v6;
	v7 =	vcvt.f32.s32 v7  }
0x1b5: {  	[tilespmem:v20+s11+$0x0] =	vst.idx.add.f32.msk vm2, v54;
	vm10 =	vlt.f32 v22, $2.560000000e+02;
	v22 =	vsub.f32 v0, v5  }
0x1b6: {  	[tilespmem:v20+s12+$0x0] =	vst.idx.add.f32.msk vm2, v58;
	v20 =	vtrunc.f32 v6;
	v7 =	vadd.s32 v3, v7  }
0x1b7: {  	v23 =	vld [tilespmem:s20+$0x11];
	v20 =	vcvt.f32.s32 v20;
	v22 =	vmul.f32 $2.560000000e+02, v22  }
0x1b8: {  	vm2 =	vlt.f32 v6, $2.560000000e+02;
	[tilespmem:v1+s11+$0x0] =	vst.idx.add.f32.msk vm3, v11;
	v6 =	vsub.f32 v0, v14  }
0x1b9: {  	[tilespmem:v1+s12+$0x0] =	vst.idx.add.f32.msk vm3, v57;
	v1 =	vadd.s32 v3, v20;
	v20 =	vtrunc.f32 v22  }
0x1ba: {  	v24 =	vld [tilespmem:s19+$0x0];
	v20 =	vcvt.f32.s32 v20;
	v6 =	vmul.f32 $2.560000000e+02, v6  }
0x1bb: {  	vm3 =	vlt.f32 v22, $2.560000000e+02;
	[tilespmem:v7+s11+$0x0] =	vst.idx.add.f32.msk vm10, v55  }
0x1bc: {  	[tilespmem:v7+s12+$0x0] =	vst.idx.add.f32.msk vm10, v25;
	v7 =	vadd.s32 v3, v20;
	v20 =	vtrunc.f32 v6  }
0x1bd: {  	v22 =	vld [tilespmem:s21+$0x0];
	v20 =	vcvt.f32.s32 v20  }
0x1be: {  	v25 =	vsub.f32 v0, v23;
	vm11 =	vlt.f32 v6, $2.560000000e+02;
	[tilespmem:v1+s11+$0x0] =	vst.idx.add.f32.msk vm2, v10  }
0x1bf: {  	v6 =	vsub.f32 v0, v24;
	[tilespmem:v1+s12+$0x0] =	vst.idx.add.f32.msk vm2, v21;
	v1 =	vadd.s32 v3, v20  }
0x1c0: {  	v20 =	vmul.f32 $2.560000000e+02, v25;
	v21 =	vld [tilespmem:s22+$0x0]  }
0x1c1: {  	v6 =	vmul.f32 $2.560000000e+02, v6;
	[tilespmem:v7+s11+$0x0] =	vst.idx.add.f32.msk vm3, v9  }
0x1c2: {  	v25 =	vtrunc.f32 v20;
	v26 =	vsub.f32 v0, v22;
	[tilespmem:v7+s12+$0x0] =	vst.idx.add.f32.msk vm3, v5  }
0x1c3: {  	v5 =	vcvt.f32.s32 v25;
	v7 =	vtrunc.f32 v6;
	v25 =	vld [tilespmem:s24+$0x0]  }
0x1c4: {  	vm2 =	vlt.f32 v20, $2.560000000e+02;
	v7 =	vcvt.f32.s32 v7;
	v20 =	vmul.f32 $2.560000000e+02, v26;
	[tilespmem:v1+s11+$0x0] =	vst.idx.add.f32.msk vm11, v8  }
0x1c5: {  	vm3 =	vlt.f32 v6, $2.560000000e+02;
	v5 =	vadd.s32 v3, v5;
	v6 =	vsub.f32 v0, v21;
	[tilespmem:v1+s12+$0x0] =	vst.idx.add.f32.msk vm11, v14  }
0x1c6: {  	v7 =	vadd.s32 v3, v7;
	v1 =	vtrunc.f32 v20;
	v14 =	vld [tilespmem:s25+$0x0]  }
0x1c7: {  	[tilespmem:v4+s12+$0x0] =	vst.idx.add.f32.msk vm1, v13;
	v4 =	vcvt.f32.s32 v1;
	v6 =	vmul.f32 $2.560000000e+02, v6  }
0x1c8: {  	vm1 =	vlt.f32 v20, $2.560000000e+02;
	v20 =	vld [tilespmem:s18+$0x22];
	v13 =	vsub.f32 v0, v25  }
0x1c9: {  	v1 =	vld [tilespmem:s23+$0x33];
	v4 =	vadd.s32 v3, v4;
	v26 =	vtrunc.f32 v6  }
0x1ca: {  	[tilespmem:v5+s11+$0x0] =	vst.idx.add.f32.msk vm2, v54;
	v26 =	vcvt.f32.s32 v26;
	v13 =	vmul.f32 $2.560000000e+02, v13  }
0x1cb: {  	vm12 =	vlt.f32 v6, $2.560000000e+02;
	[tilespmem:v7+s11+$0x0] =	vst.idx.add.f32.msk vm3, v11;
	v6 =	vsub.f32 v0, v14  }
0x1cc: {  	[tilespmem:v7+s12+$0x0] =	vst.idx.add.f32.msk vm3, v24;
	v7 =	vadd.s32 v3, v26;
	v24 =	vtrunc.f32 v13  }
0x1cd: {  	v26 =	vld [tilespmem:s19+$0x11];
	v24 =	vcvt.f32.s32 v24;
	v6 =	vmul.f32 $2.560000000e+02, v6  }
0x1ce: {  	vm3 =	vlt.f32 v13, $2.560000000e+02;
	[tilespmem:v4+s11+$0x0] =	vst.idx.add.f32.msk vm1, v55  }
0x1cf: {  	v13 =	vsub.f32 v0, v20;
	[tilespmem:v4+s12+$0x0] =	vst.idx.add.f32.msk vm1, v22;
	v4 =	vadd.s32 v3, v24;
	v22 =	vtrunc.f32 v6  }
0x1d0: {  	v24 =	vld [tilespmem:s21+$0x11];
	v22 =	vcvt.f32.s32 v22  }
0x1d1: {  	v13 =	vmul.f32 $2.560000000e+02, v13;
	vm1 =	vlt.f32 v6, $2.560000000e+02;
	[tilespmem:v7+s11+$0x0] =	vst.idx.add.f32.msk vm12, v10  }
0x1d2: {  	v6 =	vsub.f32 v0, v26;
	[tilespmem:v7+s12+$0x0] =	vst.idx.add.f32.msk vm12, v21;
	v7 =	vadd.s32 v3, v22  }
0x1d3: {  	v21 =	vtrunc.f32 v13;
	v22 =	vld [tilespmem:s22+$0x11]  }
0x1d4: {  	v21 =	vcvt.f32.s32 v21;
	v6 =	vmul.f32 $2.560000000e+02, v6;
	[tilespmem:v4+s11+$0x0] =	vst.idx.add.f32.msk vm3, v9  }
0x1d5: {  	vm13 =	vlt.f32 v13, $2.560000000e+02;
	v13 =	vsub.f32 v0, v24;
	[tilespmem:v4+s12+$0x0] =	vst.idx.add.f32.msk vm3, v25  }
0x1d6: {  	v4 =	vadd.s32 v3, v21;
	v21 =	vtrunc.f32 v6;
	v25 =	vld [tilespmem:s24+$0x11]  }
0x1d7: {  	v21 =	vcvt.f32.s32 v21;
	v13 =	vmul.f32 $2.560000000e+02, v13;
	[tilespmem:v7+s11+$0x0] =	vst.idx.add.f32.msk vm1, v8  }
0x1d8: {  	vm3 =	vlt.f32 v6, $2.560000000e+02;
	v6 =	vsub.f32 v0, v22;
	[tilespmem:v7+s12+$0x0] =	vst.idx.add.f32.msk vm1, v14  }
0x1d9: {  	v7 =	vadd.s32 v3, v21;
	v14 =	vtrunc.f32 v13;
	v21 =	vld [tilespmem:s25+$0x11]  }
0x1da: {  	[tilespmem:v5+s12+$0x0] =	vst.idx.add.f32.msk vm2, v23;
	v5 =	vcvt.f32.s32 v14;
	v6 =	vmul.f32 $2.560000000e+02, v6  }
0x1db: {  	vm1 =	vlt.f32 v13, $2.560000000e+02;
	[tilespmem:v4+s11+$0x0] =	vst.idx.add.f32.msk vm13, v12;
	v13 =	vsub.f32 v0, v25  }
0x1dc: {  	[tilespmem:v4+s12+$0x0] =	vst.idx.add.f32.msk vm13, v20;
	v4 =	vadd.s32 v3, v5;
	v5 =	vtrunc.f32 v6  }
0x1dd: {  	v14 =	vld [tilespmem:s20+$0x22];
	v5 =	vcvt.f32.s32 v5;
	v13 =	vmul.f32 $2.560000000e+02, v13  }
0x1de: {  	vm2 =	vlt.f32 v6, $2.560000000e+02;
	[tilespmem:v7+s11+$0x0] =	vst.idx.add.f32.msk vm3, v11;
	v6 =	vsub.f32 v0, v21  }
0x1df: {  	[tilespmem:v7+s12+$0x0] =	vst.idx.add.f32.msk vm3, v26;
	v5 =	vadd.s32 v3, v5;
	v7 =	vtrunc.f32 v13  }
0x1e0: {  	v20 =	vld [tilespmem:s19+$0x22];
	v7 =	vcvt.f32.s32 v7;
	v6 =	vmul.f32 $2.560000000e+02, v6  }
0x1e1: {  	vm3 =	vlt.f32 v13, $2.560000000e+02;
	[tilespmem:v4+s11+$0x0] =	vst.idx.add.f32.msk vm1, v55  }
0x1e2: {  	v13 =	vsub.f32 v0, v14;
	[tilespmem:v4+s12+$0x0] =	vst.idx.add.f32.msk vm1, v24;
	v4 =	vadd.s32 v3, v7;
	v7 =	vtrunc.f32 v6  }
0x1e3: {  	v23 =	vld [tilespmem:s21+$0x22];
	v7 =	vcvt.f32.s32 v7  }
0x1e4: {  	v13 =	vmul.f32 $2.560000000e+02, v13;
	vm1 =	vlt.f32 v6, $2.560000000e+02;
	[tilespmem:v5+s11+$0x0] =	vst.idx.add.f32.msk vm2, v10  }
0x1e5: {  	v6 =	vsub.f32 v0, v20;
	[tilespmem:v5+s12+$0x0] =	vst.idx.add.f32.msk vm2, v22;
	v5 =	vadd.s32 v3, v7  }
0x1e6: {  	v7 =	vtrunc.f32 v13;
	v22 =	vld [tilespmem:s22+$0x22]  }
0x1e7: {  	v7 =	vcvt.f32.s32 v7;
	v6 =	vmul.f32 $2.560000000e+02, v6;
	[tilespmem:v4+s11+$0x0] =	vst.idx.add.f32.msk vm3, v9  }
0x1e8: {  	vm2 =	vlt.f32 v13, $2.560000000e+02;
	v13 =	vsub.f32 v0, v23;
	[tilespmem:v4+s12+$0x0] =	vst.idx.add.f32.msk vm3, v25  }
0x1e9: {  	v4 =	vadd.s32 v3, v7;
	v7 =	vtrunc.f32 v6;
	v24 =	vld [tilespmem:s24+$0x22]  }
0x1ea: {  	v7 =	vcvt.f32.s32 v7;
	v13 =	vmul.f32 $2.560000000e+02, v13;
	[tilespmem:v5+s11+$0x0] =	vst.idx.add.f32.msk vm1, v8  }
0x1eb: {  	vm3 =	vlt.f32 v6, $2.560000000e+02;
	v6 =	vsub.f32 v0, v22;
	[tilespmem:v5+s12+$0x0] =	vst.idx.add.f32.msk vm1, v21  }
0x1ec: {  	v5 =	vadd.s32 v3, v7;
	v7 =	vtrunc.f32 v13;
	v21 =	vld [tilespmem:s25+$0x22]  }
0x1ed: {  	v25 =	vld [tilespmem:s18+$0x33];
	v7 =	vcvt.f32.s32 v7;
	v6 =	vmul.f32 $2.560000000e+02, v6  }
0x1ee: {  	vm1 =	vlt.f32 v13, $2.560000000e+02;
	[tilespmem:v4+s11+$0x0] =	vst.idx.add.f32.msk vm2, v54;
	v13 =	vsub.f32 v0, v24  }
0x1ef: {  	[tilespmem:v4+s12+$0x0] =	vst.idx.add.f32.msk vm2, v14;
	v4 =	vadd.s32 v3, v7;
	v7 =	vtrunc.f32 v6  }
0x1f0: {  	v14 =	vld [tilespmem:s20+$0x33];
	v7 =	vcvt.f32.s32 v7;
	v13 =	vmul.f32 $2.560000000e+02, v13  }
0x1f1: {  	vm2 =	vlt.f32 v6, $2.560000000e+02;
	[tilespmem:v5+s11+$0x0] =	vst.idx.add.f32.msk vm3, v11;
	v6 =	vsub.f32 v0, v21  }
0x1f2: {  	[tilespmem:v5+s12+$0x0] =	vst.idx.add.f32.msk vm3, v20;
	v5 =	vadd.s32 v3, v7;
	v7 =	vtrunc.f32 v13  }
0x1f3: {  	v20 =	vld [tilespmem:s19+$0x33];
	v7 =	vcvt.f32.s32 v7;
	v6 =	vmul.f32 $2.560000000e+02, v6  }
0x1f4: {  	vm3 =	vlt.f32 v13, $2.560000000e+02;
	[tilespmem:v4+s11+$0x0] =	vst.idx.add.f32.msk vm1, v55  }
0x1f5: {  	[tilespmem:v4+s12+$0x0] =	vst.idx.add.f32.msk vm1, v23;
	v4 =	vadd.s32 v3, v7;
	v7 =	vtrunc.f32 v6  }
0x1f6: {  	v13 =	vsub.f32 v0, v1;
	v23 =	vld [tilespmem:s21+$0x33];
	v7 =	vcvt.f32.s32 v7  }
0x1f7: {  	vm1 =	vlt.f32 v6, $2.560000000e+02;
	[tilespmem:v5+s11+$0x0] =	vst.idx.add.f32.msk vm2, v10  }
0x1f8: {  	v6 =	vmul.f32 $2.560000000e+02, v13;
	v13 =	vsub.f32 v0, v25;
	[tilespmem:v5+s12+$0x0] =	vst.idx.add.f32.msk vm2, v22;
	v5 =	vadd.s32 v3, v7  }
0x1f9: {  	v7 =	vld [tilespmem:s22+$0x33]  }
0x1fa: {  	v26 =	vsub.f32 v0, v14;
	v22 =	vtrunc.f32 v6;
	v13 =	vmul.f32 $2.560000000e+02, v13;
	[tilespmem:v4+s11+$0x0] =	vst.idx.add.f32.msk vm3, v9  }
0x1fb: {  	vm2 =	vlt.f32 v6, $2.560000000e+02;
	v6 =	vcvt.f32.s32 v22;
	[tilespmem:v4+s12+$0x0] =	vst.idx.add.f32.msk vm3, v24  }
0x1fc: {  	v22 =	vmul.f32 $2.560000000e+02, v26;
	v4 =	vtrunc.f32 v13;
	v24 =	vsub.f32 v0, v20;
	v26 =	vld [tilespmem:s24+$0x33]  }
0x1fd: {  	v6 =	vadd.s32 v3, v6;
	vm3 =	vlt.f32 v13, $2.560000000e+02;
	v4 =	vcvt.f32.s32 v4;
	[tilespmem:v5+s11+$0x0] =	vst.idx.add.f32.msk vm1, v8  }
0x1fe: {  	v13 =	vtrunc.f32 v22;
	v27 =	vsub.f32 v0, v23;
	v24 =	vmul.f32 $2.560000000e+02, v24;
	[tilespmem:v5+s12+$0x0] =	vst.idx.add.f32.msk vm1, v21  }
0x1ff: {  	v4 =	vadd.s32 v3, v4;
	vm1 =	vlt.f32 v22, $2.560000000e+02;
	v5 =	vcvt.f32.s32 v13;
	v13 =	vld [tilespmem:s25+$0x33]  }
0x200: {  	v21 =	vtrunc.f32 v24;
	v22 =	vmul.f32 $2.560000000e+02, v27;
	v27 =	vsub.f32 v0, v7  }
0x201: {  	vm14 =	vlt.f32 v24, $2.560000000e+02;
	v21 =	vcvt.f32.s32 v21;
	v5 =	vadd.s32 v3, v5  }
0x202: {  	[tilespmem:v6+s11+$0x0] =	vst.idx.add.f32.msk vm2, v56;
	v24 =	vtrunc.f32 v22;
	v27 =	vmul.f32 $2.560000000e+02, v27;
	v28 =	vsub.f32 v0, v26  }
0x203: {  	[tilespmem:v6+s12+$0x0] =	vst.idx.add.f32.msk vm2, v1;
	vm2 =	vlt.f32 v22, $2.560000000e+02;
	v1 =	vadd.s32 v3, v21;
	v6 =	vcvt.f32.s32 v24  }
0x204: {  	[tilespmem:v4+s11+$0x0] =	vst.idx.add.f32.msk vm3, v12;
	v12 =	vtrunc.f32 v27;
	v21 =	vmul.f32 $2.560000000e+02, v28;
	v22 =	vsub.f32 v0, v13  }
0x205: {  	[tilespmem:v4+s12+$0x0] =	vst.idx.add.f32.msk vm3, v25;
	v4 =	vadd.s32 v3, v6;
	v6 =	vcvt.f32.s32 v12  }
0x206: {  	vm3 =	vlt.f32 v27, $2.560000000e+02;
	v12 =	vtrunc.f32 v21;
	[tilespmem:v5+s11+$0x0] =	vst.idx.add.f32.msk vm1, v54;
	v22 =	vmul.f32 $2.560000000e+02, v22  }
0x207: {  	[tilespmem:v5+s12+$0x0] =	vst.idx.add.f32.msk vm1, v14;
	v5 =	vadd.s32 v3, v6;
	v6 =	vcvt.f32.s32 v12  }
0x208: {  	[tilespmem:v1+s11+$0x0] =	vst.idx.add.f32.msk vm14, v11;
	vm1 =	vlt.f32 v21, $2.560000000e+02;
	v11 =	vtrunc.f32 v22  }
0x209: {  	[tilespmem:v1+s12+$0x0] =	vst.idx.add.f32.msk vm14, v20;
	v1 =	vadd.s32 v3, v6;
	v6 =	vcvt.f32.s32 v11  }
0x20a: {  	[tilespmem:v4+s11+$0x0] =	vst.idx.add.f32.msk vm2, v55;
	vm15 =	vlt.f32 v22, $2.560000000e+02  }
0x20b: {  	[tilespmem:v4+s12+$0x0] =	vst.idx.add.f32.msk vm2, v23;
	v4 =	vadd.s32 v3, v6  }
0x20c: {  	[tilespmem:v5+s11+$0x0] =	vst.idx.add.f32.msk vm3, v10  }
0x20d: {  	[tilespmem:v5+s12+$0x0] =	vst.idx.add.f32.msk vm3, v7  }
0x20e: {  	v7 =	vadd.s32 $0x2, v3;
	[tilespmem:v1+s11+$0x0] =	vst.idx.add.f32.msk vm1, v9  }
0x20f: {  	[tilespmem:v1+s12+$0x0] =	vst.idx.add.f32.msk vm1, v26  }
0x210: {  	v28 =	vadd.f32 $-3.906250000e-03, v0;
	v6 =	vadd.s32 $0x1, v3;
	[tilespmem:v4+s11+$0x0] =	vst.idx.add.f32.msk vm15, v8  }
0x211: {  	p1 =	por $0x1, $0x1;
	[tilespmem:v4+s12+$0x0] =	vst.idx.add.f32.msk vm15, v13  }
.Ltmp6:
0x212: {  	v5 =	vadd.f32 $-3.906250000e-03, v28;
	v23 =	vld.idx.msk [tilespmem:v3+s11+$0x0], $0xffff;
	(pc) =	sbr.rel @!p1 .LBB2_11-.Ltmp6, $4  }
0x213: {  	v10 =	vld.idx.msk [tilespmem:v7+s11+$0x0], $0xffff  }
0x214: {  	v4 =	vadd.f32 $-3.906250000e-03, v5;
	v24 =	vld.idx.msk [tilespmem:v3+s12+$0x0], $0xffff  }
0x215: {  	v55 =	vld.idx.msk [tilespmem:v6+s11+$0x0], $0xffff  }
0x216: {  	p0 =	por $0x0, $0x0;
	v27 =	vadd.s32 $0x3, v3;
	v9 =	vimm.f32 $0.0e+00;
	v25 =	vld.idx.msk [tilespmem:v6+s12+$0x0], $0xffff;
	v1 =	vadd.f32 $-3.906250000e-03, v4  }
0x217: {  	_ =	sdelay $0x1  }
0x218: {  	v26 =	vadd.f32 v23, v9;
	_ =	sdelay $0x1  }
0x219: {  	v11 =	vld.idx.msk [tilespmem:v27+s11+$0x0], $0xffff;
	v14 =	vadd.s32 $0x4, v3;
	v30 =	vadd.f32 v24, v9;
	v12 =	vadd.f32 v55, v26  }
0x21a: {  	v21 =	vld.idx.msk [tilespmem:v7+s12+$0x0], $0xffff;
	v13 =	vadd.f32 $-3.906250000e-03, v1;
	v7 =	vadd.s32 $0x2, v14;
	v23 =	vmul.f32 v26, v28  }
0x21b: {  	v6 =	vadd.f32 v25, v30;
	v24 =	vmul.f32 v12, v5;
	v20 =	vadd.f32 v10, v12  }
0x21c: {  	vm3 =	vmneg vm0;
	v25 =	vld.idx.msk [tilespmem:v27+s12+$0x0], $0xffff;
	v5 =	vadd.f32 $-3.906250000e-03, v13;
	v10 =	vsub.f32 v30, v23  }
0x21d: {  	v27 =	vadd.s32 $0x1, v14;
	v23 =	vsub.f32 v6, v24;
	v24 =	vmul.f32 v20, v4  }
0x21e: {  	v54 =	vadd.f32 v11, v20;
	v4 =	vadd.f32 $-3.906250000e-03, v5;
	vm1 =	vge.f32 v10, $1.000000000e+00  }
0x21f: {  	p1 =	por $0x1, $0x1;
	v22 =	vadd.s32 $0x3, v14;
	v11 =	vadd.f32 v21, v6;
	vm5 =	vmor vm0, vm1  }
.Ltmp7:
0x220: {  	v10 =	vld.idx.msk [tilespmem:v7+s11+$0x0], $0xffff;
	vm1 =	vmand vm1, vm3;
	v28 =	vmul.f32 v54, v1;
	v1 =	vadd.f32 $-3.906250000e-03, v4;
	(pc) =	sbr.rel @!p1 .LBB2_13-.Ltmp7, $4  }
0x221: {  	vm2 =	vge.f32 v23, $1.000000000e+00;
	v23 =	vld.idx.msk [tilespmem:v14+s11+$0x0], $0xffff;
	v29 =	vsub.f32 v11, v24;
	v21 =	vadd.f32 v25, v11  }
0x222: {  	v24 =	vld.idx.msk [tilespmem:v14+s12+$0x0], $0xffff;
	v26 =	vsel vm1, v26, v8;
	vm4 =	vmneg vm5;
	vm3 =	vmor vm5, vm2  }
0x223: {  	v55 =	vld.idx.msk [tilespmem:v27+s11+$0x0], $0xffff;
	vm5 =	vge.f32 v29, $1.000000000e+00;
	vm6 =	vmneg vm3;
	v29 =	vsub.f32 v21, v28  }
0x224: {  	s18 =	simm.s32 $0x3E;
	p0 =	por $0x1, $0x1;
	v25 =	vld.idx.msk [tilespmem:v27+s12+$0x0], $0xffff;
	v56 =	vsel vm1, v30, v0;
	vm1 =	vmand vm5, vm6;
	vm3 =	vmor vm3, vm5  }
.LBB2_14:
0x225: {  	p1 =	sne.s32 s18, $0x1;
	s18 =	sadd.s32 $0xFFFFFFFF, s18;
	vm2 =	vmand vm2, vm4;
	vm4 =	vge.f32 v29, $1.000000000e+00;
	vm5 =	vmneg vm3  }
0x226: {  	v12 =	vsel vm2, v12, v26;
	v6 =	vsel vm2, v6, v56;
	vm2 =	vmand vm4, vm5  }
0x227: {  	v26 =	vadd.f32 v23, v54;
	v23 =	vld.idx.msk [tilespmem:v22+s11+$0x0], $0xffff;
	v12 =	vsel vm1, v20, v12;
	v6 =	vsel vm1, v11, v6  }
0x228: {  	vm1 =	vmor vm3, vm4;
	v27 =	vsel vm2, v54, v12;
	v28 =	vsel vm2, v21, v6  }
0x229: {  	v14 =	vadd.s32 $0x4, v14;
	v30 =	vadd.f32 v24, v21;
	v12 =	vadd.f32 v55, v26;
	v11 =	vld.idx.msk [tilespmem:v7+s12+$0x0], $0xffff  }
0x22a: {  	v21 =	vadd.s32 $0x3, v14;
	v24 =	vmul.f32 v26, v13;
	v13 =	vadd.f32 $-3.906250000e-03, v1  }
0x22b: {  	v6 =	vadd.f32 v25, v30;
	v25 =	vmul.f32 v12, v5;
	v20 =	vadd.f32 v10, v12;
	v29 =	vld.idx.msk [tilespmem:v22+s12+$0x0], $0xffff  }
0x22c: {  	v7 =	vadd.s32 $0x2, v14;
	v5 =	vadd.f32 $-3.906250000e-03, v13;
	v10 =	vsub.f32 v30, v24;
	v22 =	vmovc v21  }
0x22d: {  	v21 =	vsub.f32 v6, v25;
	v24 =	vmul.f32 v20, v4;
	v54 =	vadd.f32 v23, v20  }
0x22e: {  	v25 =	vadd.s32 $0x1, v14;
	v4 =	vadd.f32 $-3.906250000e-03, v5;
	vm3 =	vge.f32 v10, $1.000000000e+00  }
0x22f: {  	vm2 =	vge.f32 v21, $1.000000000e+00;
	v11 =	vadd.f32 v11, v6;
	v56 =	vmul.f32 v54, v1  }
.Ltmp8:
0x230: {  	vm4 =	vmneg vm1;
	vm1 =	vmor vm1, vm3;
	v1 =	vadd.f32 $-3.906250000e-03, v4;
	v23 =	vld.idx.msk [tilespmem:v14+s11+$0x0], $0xffff;
	(pc) =	sbr.rel @p1 .LBB2_14-.Ltmp8, $4  }
0x231: {  	vm3 =	vmand vm3, vm4;
	v57 =	vsub.f32 v11, v24;
	v21 =	vadd.f32 v29, v11;
	v10 =	vld.idx.msk [tilespmem:v7+s11+$0x0], $0xffff  }
0x232: {  	v26 =	vsel vm3, v26, v27;
	vm4 =	vmneg vm1;
	vm5 =	vmor vm1, vm2;
	v24 =	vld.idx.msk [tilespmem:v14+s12+$0x0], $0xffff  }
0x233: {  	vm1 =	vmneg vm5;
	vm6 =	vge.f32 v57, $1.000000000e+00;
	v29 =	vsub.f32 v21, v56;
	v55 =	vld.idx.msk [tilespmem:v25+s11+$0x0], $0xffff  }
0x234: {  	v56 =	vsel vm3, v30, v28;
	vm1 =	vmand vm6, vm1;
	vm3 =	vmor vm5, vm6;
	v25 =	vld.idx.msk [tilespmem:v25+s12+$0x0], $0xffff  }
0x235: {  	v27 =	vmov v22;
	v28 =	vmov v13  }
.LBB2_16:
0x236: {  	_ =	sdelay $0x1  }
0x237: {  	vm2 =	vmand @p0 vm2, vm4  }
0x238: {  	v13 =	vadd.f32 v23, v54;
	vm5 =	vge.f32 @p0 v29, $1.000000000e+00;
	vm4 =	vmneg @p0 vm3  }
0x239: {  	v7 =	vld.idx.msk [tilespmem:v7+s12+$0x0], $0xffff;
	vm6 =	vmmov vm0;
	v12 =	vsel @p0 vm2, v12, v26;
	v22 =	vadd.f32 v24, v21  }
0x23a: {  	v14 =	vld.idx.msk [tilespmem:v27+s11+$0x0], $0xffff;
	vm4 =	vmand @p0 vm5, vm4;
	vm3 =	vmor @p0 vm3, vm5;
	v23 =	vadd.f32 v55, v13  }
0x23b: {  	v12 =	vsel @p0 vm1, v20, v12;
	v20 =	vmul.f32 v13, v28;
	vm6 =	vmmov @p0 vm3  }
0x23c: {  	v24 =	vadd.f32 v25, v22;
	v12 =	vsel @p0 vm4, v54, v12;
	v25 =	vld.idx.msk [tilespmem:v27+s12+$0x0], $0xffff;
	v10 =	vadd.f32 v10, v23  }
0x23d: {  	vm3 =	vmneg vm6;
	v5 =	vmul.f32 v23, v5;
	v20 =	vsub.f32 v22, v20  }
0x23e: {  	v8 =	vpsel p0, v12, v8;
	v7 =	vadd.f32 v7, v24;
	v4 =	vmul.f32 v10, v4  }
0x23f: {  	v5 =	vsub.f32 v24, v5;
	v14 =	vadd.f32 v14, v10;
	vm5 =	vge.f32 v20, $1.000000000e+00  }
0x240: {  	vm6 =	vmor vm6, vm5;
	vm3 =	vmand vm5, vm3;
	v4 =	vsub.f32 v7, v4  }
0x241: {  	vm7 =	vge.f32 v5, $1.000000000e+00;
	v1 =	vmul.f32 v14, v1;
	v5 =	vadd.f32 v25, v7  }
0x242: {  	vm5 =	vmor vm6, vm7;
	vm6 =	vmneg vm6;
	vm8 =	vge.f32 v4, $1.000000000e+00  }
0x243: {  	vm9 =	vmneg vm5;
	v1 =	vsub.f32 v5, v1;
	v4 =	vsel vm3, v13, v8  }
0x244: {  	vm6 =	vmand vm7, vm6;
	vm9 =	vmand vm8, vm9;
	vm5 =	vmor vm5, vm8  }
0x245: {  	vm7 =	vge.f32 v1, $1.000000000e+00;
	vm5 =	vmneg vm5;
	v1 =	vsel vm6, v23, v4  }
0x246: {  	vm5 =	vmand vm7, vm5;
	v1 =	vsel vm9, v10, v1  }
0x247: {  	v1 =	vsel vm5, v14, v1  }
0x248: {  	v4 =	vsel @p0 vm2, v6, v56;
	(erf) = vrcp.f32 v1  }
0x249: {  	v1 =	vsel @p0 vm1, v11, v4  }
0x24a: {  	v1 =	vsel @p0 vm4, v21, v1  }
0x24b: {  	v0 =	vpsel p0, v1, v0  }
0x24c: {  	s19 =	simm.s32 $0x10044;
	v0 =	vsel vm3, v22, v0  }
0x24d: {  	v8 =	vld [tilespmem:s19+$0xFFFFFFCD];
	v0 =	vsel vm6, v24, v0  }
0x24e: {  	v4 =	vld [tilespmem:s19+$0xFFFFFFDE];
	v0 =	vsel vm9, v7, v0  }
0x24f: {  	v1 =	vld [tilespmem:s19+$0xFFFFFFBC];
	v0 =	vsel vm5, v5, v0  }
0x250: {  	v7 =	vld [tilespmem:s19+$0x33];
	v0 =	vadd.f32 $-1.000000000e+00, v0  }
0x251: {  	v26 =	vimm.f32 $0.0e+00;
	v5 =	vpop (erf)  }
0x252: {  	v20 =	vimm.f32 $0.0e+00;
	v23 =	vimm.f32 $0.0e+00;
	v10 =	vld [tilespmem:s19+$0x0];
	v6 =	vmul.f32 v0, v5  }
0x253: {  	v13 =	vld [tilespmem:s19+$0x11];
	v14 =	vimm.f32 $0.0e+00;
	v21 =	vimm.f32 $0.0e+00;
	v22 =	vimm.f32 $0.0e+00  }
0x254: {  	v24 =	vimm.f32 $0.0e+00;
	v0 =	vld [tilespmem:s19+$0x22];
	vm1 =	vgt.f32 v1, v6;
	vm3 =	vgt.f32 v4, v6  }
0x255: {  	vm2 =	vgt.f32 v7, v6;
	vm4 =	vgt.f32 v8, v6;
	v5 =	vsel vm1, $0x3F800000, v2  }
0x256: {  	v1 =	vnsel vm1, $0x0, v1;
	v11 =	vnsel vm3, $0x0, v4;
	v4 =	vsel vm2, $0x3F800000, v2  }
0x257: {  	v7 =	vnsel vm2, $0x0, v7;
	vm2 =	vgt.f32 v10, v6;
	v27 =	vsel vm3, $0x3F800000, v2  }
0x258: {  	v25 =	vld [tilespmem:s19+$0xFFFFFFEF];
	vm3 =	vgt.f32 v13, v6;
	v12 =	vadd.f32 v5, v9;
	v5 =	vadd.f32 v1, v9  }
0x259: {  	v4 =	vadd.f32 v4, v9;
	v1 =	vadd.f32 v7, v9;
	vm1 =	vgt.f32 v0, v6  }
0x25a: {  	v7 =	vnsel vm2, $0x0, v10;
	v11 =	vadd.f32 v11, v9;
	v0 =	vnsel vm1, $0x0, v0  }
0x25b: {  	s18 =	simm.s32 $0x0;
	s19 =	simm.s32 $0x100CC;
	v10 =	vimm.f32 $0.0e+00;
	v7 =	vadd.f32 v7, v9;
	v0 =	vadd.f32 v0, v9  }
.LBB2_17:
0x25c: {  	v28 =	vld [tilespmem:s19+$0xFFFFFFBC];
	s18 =	sadd.s32 $0x88, s18;
	v9 =	vadd.f32 v27, v9;
	v27 =	vsel vm3, $0x3F800000, v2;
	v13 =	vnsel vm3, $0x0, v13  }
0x25d: {  	v30 =	vsel vm4, $0x3F800000, v2;
	v54 =	vnsel vm4, $0x0, v8;
	vm3 =	vgt.f32 v25, v6;
	v29 =	vld [tilespmem:s19+$0x33];
	p0 =	slt.u32 s18, $0x8778  }
0x25e: {  	v56 =	vsel vm3, $0x3F800000, v2;
	v14 =	vadd.f32 v27, v14;
	v10 =	vadd.f32 v13, v10;
	v55 =	vld [tilespmem:s19+$0xFFFFFFDE]  }
0x25f: {  	v20 =	vadd.f32 v54, v20;
	v13 =	vnsel vm3, $0x0, v25;
	v25 =	vsel vm2, $0x3F800000, v2;
	v8 =	vld [tilespmem:s19+$0xFFFFFFCD]  }
0x260: {  	v54 =	vsel vm1, $0x3F800000, v2;
	v24 =	vadd.f32 v56, v24;
	v23 =	vadd.f32 v25, v23;
	v27 =	vld [tilespmem:s19+$0x22]  }
0x261: {  	v26 =	vadd.f32 v30, v26;
	v21 =	vadd.f32 v13, v21;
	vm1 =	vgt.f32 v28, v6;
	v56 =	vld [tilespmem:s19+$0x0]  }
0x262: {  	v22 =	vadd.f32 v54, v22;
	v25 =	vld [tilespmem:s19+$0xFFFFFFEF]  }
0x263: {  	v30 =	vsel vm1, $0x3F800000, v2;
	vm2 =	vgt.f32 v29, v6;
	vm3 =	vgt.f32 v55, v6;
	v13 =	vld [tilespmem:s19+$0x11]  }
0x264: {  	v28 =	vnsel vm1, $0x0, v28;
	v12 =	vadd.f32 v30, v12;
	v30 =	vnsel vm3, $0x0, v55  }
.Ltmp9:
0x265: {  	v54 =	vsel vm2, $0x3F800000, v2;
	v29 =	vnsel vm2, $0x0, v29;
	vm1 =	vgt.f32 v27, v6;
	(pc) =	sbr.rel @p0 .LBB2_17-.Ltmp9, $4  }
0x266: {  	v5 =	vadd.f32 v28, v5;
	v4 =	vadd.f32 v54, v4;
	v27 =	vnsel vm1, $0x0, v27  }
0x267: {  	v1 =	vadd.f32 v29, v1;
	vm2 =	vgt.f32 v56, v6;
	v0 =	vadd.f32 v27, v0  }
0x268: {  	v27 =	vsel vm3, $0x3F800000, v2;
	v28 =	vnsel vm2, $0x0, v56;
	vm3 =	vgt.f32 v13, v6  }
0x269: {  	s19 =	sadd.s32 $0x88, s19;
	vm4 =	vgt.f32 v8, v6;
	v11 =	vadd.f32 v30, v11;
	v7 =	vadd.f32 v28, v7  }
0x26a: {  	v28 =	vsel vm4, $0x3F800000, v2  }
0x26b: {  	v26 =	vadd.f32 v28, v26;
	_ =	sdelay $0x1  }
0x26c: {  	v9 =	vadd.f32 v27, v9;
	vm5 =	vgt.f32 v25, v6;
	v6 =	vadd.f32 v26, v12  }
0x26d: {  	v12 =	vsel vm5, $0x3F800000, v2  }
0x26e: {  	v12 =	vadd.f32 v12, v24;
	v6 =	vadd.f32 v9, v6  }
0x26f: {  	v9 =	vsel vm2, $0x3F800000, v2  }
0x270: {  	v9 =	vadd.f32 v9, v23;
	v6 =	vadd.f32 v12, v6  }
0x271: {  	v12 =	vsel vm3, $0x3F800000, v2  }
0x272: {  	v8 =	vnsel vm4, $0x0, v8;
	v12 =	vadd.f32 v12, v14;
	v6 =	vadd.f32 v9, v6  }
0x273: {  	v8 =	vadd.f32 v8, v20;
	v9 =	vsel vm1, $0x3F800000, v2  }
0x274: {  	v9 =	vadd.f32 v9, v22;
	v6 =	vadd.f32 v12, v6  }
0x275: {  	v5 =	vadd.f32 v8, v5  }
0x276: {  	v8 =	vnsel vm5, $0x0, v25;
	v6 =	vadd.f32 v9, v6  }
0x277: {  	v8 =	vadd.f32 v8, v21;
	v5 =	vadd.f32 v11, v5  }
0x278: {  	v4 =	vadd.f32 v4, v6  }
0x279: {  	v5 =	vadd.f32 v8, v5  }
0x27a: {  	v6 =	vnsel vm3, $0x0, v13;
	v4 =	vmax.f32 v4, $1.000000000e+00  }
0x27b: {  	v5 =	vadd.f32 v7, v5;
	v6 =	vadd.f32 v6, v10;
	(erf) = vrcp.f32 v4;
	_ =	sdelay $0x1  }
0x27c: {  	v4 =	vadd.f32 v6, v5;
	_ =	sdelay $0x1  }
0x27d: {  	s19 =	simm.s32 $0x10044;
	v0 =	vadd.f32 v0, v4  }
0x27e: {  	v8 =	vld [tilespmem:s19+$0xFFFFFFCD]  }
0x27f: {  	v4 =	vld [tilespmem:s19+$0xFFFFFFDE];
	v0 =	vadd.f32 v1, v0  }
0x280: {  	v1 =	vld [tilespmem:s19+$0xFFFFFFBC]  }
0x281: {  	v6 =	vld [tilespmem:s19+$0x33];
	v0 =	vadd.f32 $-1.000000000e+00, v0  }
0x282: {  	v20 =	vimm.f32 $0.0e+00;
	v26 =	vimm.f32 $0.0e+00;
	v5 =	vpop (erf)  }
0x283: {  	v24 =	vimm.f32 $0.0e+00;
	v21 =	vimm.f32 $0.0e+00;
	v7 =	vld [tilespmem:s19+$0x0];
	v5 =	vmul.f32 v5, v0  }
0x284: {  	v23 =	vimm.f32 $0.0e+00;
	v14 =	vimm.f32 $0.0e+00;
	v22 =	vimm.f32 $0.0e+00;
	v13 =	vld [tilespmem:s19+$0x11]  }
0x285: {  	v10 =	vimm.f32 $0.0e+00;
	v0 =	vld [tilespmem:s19+$0x22];
	vm1 =	vgt.f32 v1, v5;
	vm3 =	vgt.f32 v4, v5  }
0x286: {  	vm2 =	vgt.f32 v6, v5;
	vm4 =	vgt.f32 v8, v5;
	v9 =	vsel vm1, $0x3F800000, v2  }
0x287: {  	v1 =	vnsel vm1, $0x0, v1;
	v11 =	vnsel vm2, $0x0, v6;
	v27 =	vsel vm3, $0x3F800000, v2  }
0x288: {  	v12 =	vadd.f32 v9, v10;
	v9 =	vnsel vm3, $0x0, v4;
	v4 =	vsel vm2, $0x3F800000, v2  }
0x289: {  	v25 =	vld [tilespmem:s19+$0xFFFFFFEF];
	v6 =	vadd.f32 v1, v10;
	vm2 =	vgt.f32 v7, v5;
	v1 =	vadd.f32 v11, v10  }
0x28a: {  	vm3 =	vgt.f32 v13, v5;
	vm1 =	vgt.f32 v0, v5;
	v4 =	vadd.f32 v4, v10  }
0x28b: {  	v7 =	vnsel vm2, $0x0, v7;
	v11 =	vadd.f32 v9, v10;
	v0 =	vnsel vm1, $0x0, v0  }
0x28c: {  	s18 =	simm.s32 $0x0;
	s19 =	simm.s32 $0x100CC;
	v9 =	vimm.f32 $0.0e+00;
	v7 =	vadd.f32 v7, v10;
	v0 =	vadd.f32 v0, v10  }
.LBB2_19:
0x28d: {  	v28 =	vld [tilespmem:s19+$0xFFFFFFBC];
	s18 =	sadd.s32 $0x88, s18;
	v10 =	vadd.f32 v27, v10;
	v27 =	vsel vm3, $0x3F800000, v2;
	v13 =	vnsel vm3, $0x0, v13  }
0x28e: {  	v30 =	vsel vm4, $0x3F800000, v2;
	v54 =	vnsel vm4, $0x0, v8;
	vm3 =	vgt.f32 v25, v5;
	v29 =	vld [tilespmem:s19+$0x33];
	p0 =	slt.u32 s18, $0x8778  }
0x28f: {  	v56 =	vsel vm3, $0x3F800000, v2;
	v14 =	vadd.f32 v27, v14;
	v9 =	vadd.f32 v13, v9;
	v55 =	vld [tilespmem:s19+$0xFFFFFFDE]  }
0x290: {  	v20 =	vadd.f32 v54, v20;
	v13 =	vnsel vm3, $0x0, v25;
	v25 =	vsel vm2, $0x3F800000, v2;
	v8 =	vld [tilespmem:s19+$0xFFFFFFCD]  }
0x291: {  	v54 =	vsel vm1, $0x3F800000, v2;
	v24 =	vadd.f32 v56, v24;
	v23 =	vadd.f32 v25, v23;
	v27 =	vld [tilespmem:s19+$0x22]  }
0x292: {  	v26 =	vadd.f32 v30, v26;
	v21 =	vadd.f32 v13, v21;
	vm1 =	vgt.f32 v28, v5;
	v56 =	vld [tilespmem:s19+$0x0]  }
0x293: {  	v22 =	vadd.f32 v54, v22;
	v25 =	vld [tilespmem:s19+$0xFFFFFFEF]  }
0x294: {  	v30 =	vsel vm1, $0x3F800000, v2;
	vm2 =	vgt.f32 v29, v5;
	vm3 =	vgt.f32 v55, v5;
	v13 =	vld [tilespmem:s19+$0x11]  }
0x295: {  	v28 =	vnsel vm1, $0x0, v28;
	v12 =	vadd.f32 v30, v12;
	v30 =	vnsel vm3, $0x0, v55  }
.Ltmp10:
0x296: {  	v54 =	vsel vm2, $0x3F800000, v2;
	v29 =	vnsel vm2, $0x0, v29;
	vm1 =	vgt.f32 v27, v5;
	(pc) =	sbr.rel @p0 .LBB2_19-.Ltmp10, $4  }
0x297: {  	v6 =	vadd.f32 v28, v6;
	v4 =	vadd.f32 v54, v4;
	v27 =	vnsel vm1, $0x0, v27  }
0x298: {  	v1 =	vadd.f32 v29, v1;
	vm2 =	vgt.f32 v56, v5;
	v0 =	vadd.f32 v27, v0  }
0x299: {  	v27 =	vsel vm3, $0x3F800000, v2;
	v28 =	vnsel vm2, $0x0, v56;
	vm3 =	vgt.f32 v13, v5  }
0x29a: {  	s19 =	sadd.s32 $0x88, s19;
	vm4 =	vgt.f32 v8, v5;
	v11 =	vadd.f32 v30, v11;
	v7 =	vadd.f32 v28, v7  }
0x29b: {  	v28 =	vsel vm4, $0x3F800000, v2  }
0x29c: {  	v26 =	vadd.f32 v28, v26;
	_ =	sdelay $0x1  }
0x29d: {  	v10 =	vadd.f32 v27, v10;
	vm5 =	vgt.f32 v25, v5;
	v5 =	vadd.f32 v26, v12  }
0x29e: {  	v12 =	vsel vm5, $0x3F800000, v2  }
0x29f: {  	v12 =	vadd.f32 v12, v24;
	v5 =	vadd.f32 v10, v5  }
0x2a0: {  	v10 =	vsel vm2, $0x3F800000, v2  }
0x2a1: {  	v10 =	vadd.f32 v10, v23;
	v5 =	vadd.f32 v12, v5  }
0x2a2: {  	v12 =	vsel vm3, $0x3F800000, v2  }
0x2a3: {  	v8 =	vnsel vm4, $0x0, v8;
	v12 =	vadd.f32 v12, v14;
	v5 =	vadd.f32 v10, v5  }
0x2a4: {  	v8 =	vadd.f32 v8, v20;
	v10 =	vsel vm1, $0x3F800000, v2  }
0x2a5: {  	v10 =	vadd.f32 v10, v22;
	v5 =	vadd.f32 v12, v5  }
0x2a6: {  	v6 =	vadd.f32 v8, v6  }
0x2a7: {  	v8 =	vnsel vm5, $0x0, v25;
	v5 =	vadd.f32 v10, v5  }
0x2a8: {  	v8 =	vadd.f32 v8, v21;
	v6 =	vadd.f32 v11, v6  }
0x2a9: {  	v4 =	vadd.f32 v4, v5  }
0x2aa: {  	v5 =	vadd.f32 v8, v6  }
0x2ab: {  	v6 =	vnsel vm3, $0x0, v13;
	v4 =	vmax.f32 v4, $1.000000000e+00  }
0x2ac: {  	v6 =	vadd.f32 v6, v9;
	v5 =	vadd.f32 v7, v5;
	(erf) = vrcp.f32 v4;
	_ =	sdelay $0x1  }
0x2ad: {  	v4 =	vadd.f32 v6, v5;
	_ =	sdelay $0x1  }
0x2ae: {  	v0 =	vadd.f32 v0, v4;
	_ =	sdelay $0x1  }
0x2af: {  	s18 =	simm.s32 $0x10044;
	v0 =	vadd.f32 v1, v0  }
0x2b0: {  	v4 =	vld [tilespmem:s18+$0x33]  }
0x2b1: {  	v6 =	vld [tilespmem:s18+$0xFFFFFFCD];
	v0 =	vadd.f32 $-1.000000000e+00, v0  }
0x2b2: {  	v8 =	vld [tilespmem:s18+$0xFFFFFFDE];
	v1 =	vpop (erf)  }
0x2b3: {  	v7 =	vld [tilespmem:s18+$0xFFFFFFEF];
	v0 =	vmul.f32 v1, v0  }
0x2b4: {  	v5 =	vld [tilespmem:s18+$0x0]  }
0x2b5: {  	v1 =	vld [tilespmem:s18+$0x11];
	v10 =	vsub.f32 v4, v0  }
0x2b6: {  	v4 =	vld [tilespmem:s18+$0x22];
	v9 =	vsub.f32 v6, v0  }
0x2b7: {  	s19 =	simm.s32 $0x0;
	s20 =	simm.s32 $0x100CC;
	v6 =	vld [tilespmem:s18+$0xFFFFFFBC];
	v8 =	vsub.f32 v8, v0;
	v10 =	vmax.f32 v10, $0.0e+00  }
.LBB2_21:
0x2b8: {  	v11 =	vld [tilespmem:s20+$0x33];
	s19 =	sadd.s32 $0x88, s19;
	v9 =	vmax.f32 v9, $0.0e+00;
	v7 =	vsub.f32 v7, v0;
	[tilespmem:s18+$0x33] =	vst v10  }
0x2b9: {  	v10 =	vld [tilespmem:s20+$0xFFFFFFCD];
	p0 =	slt.u32 s19, $0x8778;
	[tilespmem:s18+$0xFFFFFFCD] =	vst v9;
	v8 =	vmax.f32 v8, $0.0e+00;
	v5 =	vsub.f32 v5, v0  }
0x2ba: {  	v12 =	vld [tilespmem:s20+$0xFFFFFFDE];
	[tilespmem:s18+$0xFFFFFFDE] =	vst v8;
	v8 =	vmax.f32 v7, $0.0e+00;
	v1 =	vsub.f32 v1, v0  }
.Ltmp11:
0x2bb: {  	v7 =	vld [tilespmem:s20+$0xFFFFFFEF];
	[tilespmem:s18+$0xFFFFFFEF] =	vst v8;
	v8 =	vmax.f32 v5, $0.0e+00;
	v4 =	vsub.f32 v4, v0;
	(pc) =	sbr.rel @p0 .LBB2_21-.Ltmp11, $4  }
0x2bc: {  	v5 =	vld [tilespmem:s20+$0x0];
	v6 =	vsub.f32 v6, v0;
	[tilespmem:s18+$0x0] =	vst v8;
	v8 =	vmax.f32 v1, $0.0e+00  }
0x2bd: {  	v1 =	vld [tilespmem:s20+$0x11];
	v11 =	vsub.f32 v11, v0;
	[tilespmem:s18+$0x11] =	vst v8;
	v8 =	vmax.f32 v4, $0.0e+00  }
0x2be: {  	v9 =	vsub.f32 v10, v0;
	v4 =	vld [tilespmem:s20+$0x22];
	v13 =	vmax.f32 v6, $0.0e+00;
	[tilespmem:s18+$0x22] =	vst v8  }
0x2bf: {  	v6 =	vld [tilespmem:s20+$0xFFFFFFBC];
	v8 =	vsub.f32 v12, v0;
	v10 =	vmax.f32 v11, $0.0e+00;
	[tilespmem:s18+$0xFFFFFFBC] =	vst v13;
	s18 =	smov.u32 s20;
	s20 =	sadd.s32 $0x88, s20  }
0x2c0: {  	v9 =	vmax.f32 v9, $0.0e+00;
	v7 =	vsub.f32 v7, v0;
	[tilespmem:s18+$0x33] =	vst v10  }
0x2c1: {  	[tilespmem:s18+$0xFFFFFFCD] =	vst v9;
	v8 =	vmax.f32 v8, $0.0e+00;
	v5 =	vsub.f32 v5, v0  }
0x2c2: {  	[tilespmem:s18+$0xFFFFFFDE] =	vst v8;
	v7 =	vmax.f32 v7, $0.0e+00;
	v1 =	vsub.f32 v1, v0  }
0x2c3: {  	[tilespmem:s18+$0xFFFFFFEF] =	vst v7;
	v5 =	vmax.f32 v5, $0.0e+00;
	v4 =	vsub.f32 v4, v0  }
0x2c4: {  	v0 =	vsub.f32 v6, v0;
	[tilespmem:s18+$0x0] =	vst v5;
	v1 =	vmax.f32 v1, $0.0e+00  }
0x2c5: {  	[tilespmem:s18+$0x11] =	vst v1;
	v1 =	vmax.f32 v4, $0.0e+00  }
0x2c6: {  	v0 =	vmax.f32 v0, $0.0e+00;
	[tilespmem:s18+$0x22] =	vst v1  }
0x2c7: {  	[tilespmem:s18+$0xFFFFFFBC] =	vst v0  }
0x2c8: {  	v0 =	vld.idx.msk [tilespmem:v19+s10+$0x0], $0xffff;
	_ =	sdelay $0x3  }
0x2c9: {  	s18 =	simm.s32 $0x7800  }
0x2ca: {  	[tilespmem:s18+$0xFFFF8800] =	vst v0  }
0x2cb: {  	v0 =	vld [tilespmem:$0x1FE30];
	_ =	sdelay $0x7  }
0x2cc: {  	v0 =	vld.idx.msk [tilespmem:v0+s10+$0x0], $0xffff;
	_ =	sdelay $0x4  }
0x2cd: {  	[tilespmem:s18+$0xFFFF9000] =	vst v0  }
0x2ce: {  	v0 =	vld [tilespmem:$0x1FE40];
	_ =	sdelay $0x7  }
0x2cf: {  	v0 =	vld.idx.msk [tilespmem:v0+s10+$0x0], $0xffff  }
0x2d0: {  	v1 =	vld.idx.msk [tilespmem:v18+s10+$0x0], $0xffff;
	_ =	sdelay $0x3  }
0x2d1: {  	s19 =	simm.s32 $0x7810;
	[tilespmem:s18+$0xFFFF9800] =	vst v0  }
0x2d2: {  	v0 =	vld [tilespmem:$0x1FE50];
	[tilespmem:s19+$0xFFFF8800] =	vst v1  }
0x2d3: {  	v1 =	vld [tilespmem:$0x1FE60];
	_ =	sdelay $0x6  }
0x2d4: {  	v0 =	vld.idx.msk [tilespmem:v0+s10+$0x0], $0xffff  }
0x2d5: {  	v1 =	vld.idx.msk [tilespmem:v1+s10+$0x0], $0xffff;
	_ =	sdelay $0x3  }
0x2d6: {  	[tilespmem:s18+$0xFFFFA000] =	vst v0  }
0x2d7: {  	[tilespmem:s19+$0xFFFF9000] =	vst v1  }
0x2d8: {  	v1 =	vld [tilespmem:$0x1FE80];
	_ =	sdelay $0x1  }
0x2d9: {  	v55 =	vadd.s32 $0x4, v19;
	_ =	sdelay $0x4  }
0x2da: {  	v0 =	vld.idx.msk [tilespmem:v55+s10+$0x0], $0xffff  }
0x2db: {  	v1 =	vld.idx.msk [tilespmem:v1+s10+$0x0], $0xffff  }
0x2dc: {  	v4 =	vld.idx.msk [tilespmem:v16+s10+$0x0], $0xffff;
	_ =	sdelay $0x2  }
0x2dd: {  	[tilespmem:s18+$0xFFFFA800] =	vst v0  }
0x2de: {  	s20 =	simm.s32 $0x7820;
	v0 =	vld [tilespmem:$0x1FE90];
	[tilespmem:s19+$0xFFFF9800] =	vst v1  }
0x2df: {  	v1 =	vld [tilespmem:$0x1FEA0];
	[tilespmem:s20+$0xFFFF8800] =	vst v4  }
0x2e0: {  	v4 =	vld [tilespmem:$0x1FEC0];
	_ =	sdelay $0x5  }
0x2e1: {  	v0 =	vld.idx.msk [tilespmem:v0+s10+$0x0], $0xffff  }
0x2e2: {  	v1 =	vld.idx.msk [tilespmem:v1+s10+$0x0], $0xffff  }
0x2e3: {  	v4 =	vld.idx.msk [tilespmem:v4+s10+$0x0], $0xffff;
	_ =	sdelay $0x2  }
0x2e4: {  	[tilespmem:s18+$0xFFFFB000] =	vst v0  }
0x2e5: {  	[tilespmem:s19+$0xFFFFA000] =	vst v1  }
0x2e6: {  	[tilespmem:s20+$0xFFFF9000] =	vst v4  }
0x2e7: {  	v4 =	vld [tilespmem:$0x1FEF0]  }
0x2e8: {  	v54 =	vadd.s32 $0x6, v19  }
0x2e9: {  	v56 =	vadd.s32 $0x4, v18;
	_ =	sdelay $0x3  }
0x2ea: {  	v0 =	vld.idx.msk [tilespmem:v54+s10+$0x0], $0xffff  }
0x2eb: {  	v1 =	vld.idx.msk [tilespmem:v56+s10+$0x0], $0xffff  }
0x2ec: {  	v4 =	vld.idx.msk [tilespmem:v4+s10+$0x0], $0xffff  }
0x2ed: {  	v5 =	vld.idx.msk [tilespmem:v15+s10+$0x0], $0xffff;
	_ =	sdelay $0x1  }
0x2ee: {  	[tilespmem:s18+$0xFFFFB800] =	vst v0  }
0x2ef: {  	[tilespmem:s19+$0xFFFFA800] =	vst v1  }
0x2f0: {  	v57 =	vadd.s32 $0x7, v19;
	s21 =	simm.s32 $0x7830;
	v1 =	vld [tilespmem:$0x1FF00];
	[tilespmem:s20+$0xFFFF9800] =	vst v4  }
0x2f1: {  	v4 =	vld [tilespmem:$0x1FF20];
	[tilespmem:s21+$0xFFFF8800] =	vst v5  }
0x2f2: {  	v5 =	vld [tilespmem:$0x1FF40];
	_ =	sdelay $0x2  }
0x2f3: {  	v0 =	vld.idx.msk [tilespmem:v57+s10+$0x0], $0xffff;
	_ =	sdelay $0x2  }
0x2f4: {  	v1 =	vld.idx.msk [tilespmem:v1+s10+$0x0], $0xffff  }
0x2f5: {  	v4 =	vld.idx.msk [tilespmem:v4+s10+$0x0], $0xffff  }
0x2f6: {  	[tilespmem:s18+$0xFFFFC000] =	vst v0;
	v5 =	vld.idx.msk [tilespmem:v5+s10+$0x0], $0xffff  }
0x2f7: {  	v0 =	vld [tilespmem:$0x1FF10];
	_ =	sdelay $0x1  }
0x2f8: {  	[tilespmem:s19+$0xFFFFB000] =	vst v1  }
0x2f9: {  	[tilespmem:s20+$0xFFFFA000] =	vst v4  }
0x2fa: {  	[tilespmem:s21+$0xFFFF9000] =	vst v5  }
0x2fb: {  	v5 =	vld [tilespmem:$0x1FF50]  }
0x2fc: {  	v58 =	vadd.s32 $0x6, v18  }
0x2fd: {  	v59 =	vadd.s32 $0x4, v16  }
0x2fe: {  	v0 =	vld.idx.msk [tilespmem:v0+s10+$0x0], $0xffff  }
0x2ff: {  	v60 =	vadd.s32 $0x9, v19;
	_ =	sdelay $0x1  }
0x300: {  	v1 =	vld.idx.msk [tilespmem:v58+s10+$0x0], $0xffff  }
0x301: {  	v4 =	vld.idx.msk [tilespmem:v59+s10+$0x0], $0xffff  }
0x302: {  	[tilespmem:s18+$0xFFFFC800] =	vst v0;
	v5 =	vld.idx.msk [tilespmem:v5+s10+$0x0], $0xffff  }
0x303: {  	v0 =	vld.idx.msk [tilespmem:v60+s10+$0x0], $0xffff  }
0x304: {  	v6 =	vld.idx.msk [tilespmem:v17+s10+$0x0], $0xffff  }
0x305: {  	[tilespmem:s19+$0xFFFFB800] =	vst v1  }
0x306: {  	[tilespmem:s20+$0xFFFFA800] =	vst v4  }
0x307: {  	v4 =	vld [tilespmem:$0x1FF70];
	[tilespmem:s21+$0xFFFF9800] =	vst v5  }
0x308: {  	s22 =	simm.s32 $0x7840;
	v5 =	vld [tilespmem:$0x1FF90];
	[tilespmem:s18+$0xFFFFD000] =	vst v0  }
0x309: {  	[tilespmem:s22+$0xFFFF8800] =	vst v6  }
0x30a: {  	v0 =	vld [tilespmem:$0x1FF60];
	_ =	sdelay $0x7  }
0x30b: {  	v61 =	vadd.s32 $0x7, v18;
	v6 =	vld.idx.msk [tilespmem:v0+s10+$0x0], $0xffff  }
0x30c: {  	v0 =	vld [tilespmem:$0x1FFA0];
	_ =	sdelay $0x3  }
0x30d: {  	v1 =	vld.idx.msk [tilespmem:v61+s10+$0x0], $0xffff  }
0x30e: {  	v4 =	vld.idx.msk [tilespmem:v4+s10+$0x0], $0xffff  }
0x30f: {  	v5 =	vld.idx.msk [tilespmem:v5+s10+$0x0], $0xffff;
	_ =	sdelay $0x1  }
0x310: {  	v7 =	vld.idx.msk [tilespmem:v0+s10+$0x0], $0xffff  }
0x311: {  	[tilespmem:s19+$0xFFFFC000] =	vst v1  }
0x312: {  	v1 =	vld [tilespmem:$0x1FF80];
	[tilespmem:s20+$0xFFFFB000] =	vst v4  }
0x313: {  	[tilespmem:s21+$0xFFFFA000] =	vst v5  }
0x314: {  	[tilespmem:s18+$0xFFFFD800] =	vst v6  }
0x315: {  	[tilespmem:s22+$0xFFFF9000] =	vst v7  }
0x316: {  	v62 =	vadd.s32 $0x6, v16;
	v7 =	vld [tilespmem:$0x1FFB0]  }
0x317: {  	v63 =	vadd.s32 $0x4, v15  }
0x318: {  	v0 =	vadd.s32 $0xB, v19;
	_ =	sdelay $0x1  }
0x319: {  	v1 =	vld.idx.msk [tilespmem:v1+s10+$0x0], $0xffff  }
0x31a: {  	v4 =	vld.idx.msk [tilespmem:v62+s10+$0x0], $0xffff  }
0x31b: {  	v5 =	vld.idx.msk [tilespmem:v63+s10+$0x0], $0xffff  }
0x31c: {  	v6 =	vld.idx.msk [tilespmem:v0+s10+$0x0], $0xffff  }
0x31d: {  	v8 =	vadd.s32 $0x9, v18;
	v7 =	vld.idx.msk [tilespmem:v7+s10+$0x0], $0xffff  }
0x31e: {  	[tilespmem:s19+$0xFFFFC800] =	vst v1  }
0x31f: {  	v14 =	vadd.s32 $0x110, v17;
	[tilespmem:s20+$0xFFFFB800] =	vst v4  }
0x320: {  	[tilespmem:s21+$0xFFFFA800] =	vst v5  }
0x321: {  	v9 =	vadd.s32 $0x7, v16;
	v5 =	vld [tilespmem:$0x1FFD0];
	[tilespmem:s18+$0xFFFFE000] =	vst v6  }
0x322: {  	v1 =	vld.idx.msk [tilespmem:v8+s10+$0x0], $0xffff;
	[tilespmem:s22+$0xFFFF9800] =	vst v7  }
0x323: {  	v12 =	vld [tilespmem:$0x1FFF0]  }
0x324: {  	v11 =	vld.idx.msk [tilespmem:v14+s10+$0x0], $0xffff;
	_ =	sdelay $0x1  }
0x325: {  	v4 =	vld.idx.msk [tilespmem:v9+s10+$0x0], $0xffff;
	_ =	sdelay $0x1  }
0x326: {  	s23 =	simm.s32 $0x7850;
	[tilespmem:s19+$0xFFFFD000] =	vst v1  }
0x327: {  	[tilespmem:s23+$0xFFFF8800] =	vst v11  }
0x328: {  	v11 =	vld [tilespmem:$0x1FFC0]  }
0x329: {  	v10 =	vadd.s32 $0xC, v19;
	[tilespmem:s20+$0xFFFFC000] =	vst v4;
	v20 =	vld.idx.msk [tilespmem:v12+s10+$0x0], $0xffff  }
0x32a: {  	v12 =	vld [tilespmem:$0x1FFE0];
	_ =	sdelay $0x1  }
0x32b: {  	v13 =	vadd.s32 $0x1, v14  }
0x32c: {  	v5 =	vld.idx.msk [tilespmem:v5+s10+$0x0], $0xffff  }
0x32d: {  	v6 =	vld.idx.msk [tilespmem:v10+s10+$0x0], $0xffff;
	v7 =	vadd.s32 $0x6, v15  }
0x32e: {  	v1 =	vadd.s32 $0xD, v19  }
0x32f: {  	v21 =	vadd.s32 $0x4, v17;
	v11 =	vld.idx.msk [tilespmem:v11+s10+$0x0], $0xffff  }
0x330: {  	v22 =	vld.idx.msk [tilespmem:v13+s10+$0x0], $0xffff;
	v4 =	vadd.s32 $0xB, v18  }
0x331: {  	[tilespmem:s21+$0xFFFFB000] =	vst v5;
	v23 =	vld.idx.msk [tilespmem:v12+s10+$0x0], $0xffff;
	v12 =	vadd.s32 $0x2, v14  }
0x332: {  	v5 =	vadd.s32 $0x9, v16;
	[tilespmem:s18+$0xFFFFE800] =	vst v6;
	v26 =	vld.idx.msk [tilespmem:v7+s10+$0x0], $0xffff  }
0x333: {  	v25 =	vadd.s32 $0x110, v14;
	[tilespmem:s22+$0xFFFFA000] =	vst v20;
	v20 =	vld.idx.msk [tilespmem:v1+s10+$0x0], $0xffff  }
0x334: {  	v27 =	vadd.s32 $0x7, v15;
	v28 =	vld.idx.msk [tilespmem:v21+s10+$0x0], $0xffff;
	[tilespmem:s19+$0xFFFFD800] =	vst v11  }
0x335: {  	[tilespmem:s23+$0xFFFF9000] =	vst v22;
	v21 =	vadd.s32 $0xE, v19;
	v22 =	vld.idx.msk [tilespmem:v4+s10+$0x0], $0xffff  }
0x336: {  	v30 =	vadd.s32 $0x5, v17;
	v6 =	vmov v15;
	v7 =	vmov v17;
	v29 =	vld.idx.msk [tilespmem:v12+s10+$0x0], $0xffff;
	[tilespmem:s20+$0xFFFFC800] =	vst v23  }
0x337: {  	s24 =	simm.s32 $0x50;
	v1 =	vmovc v19;
	v11 =	vmovc v14;
	v4 =	vmov v18;
	v23 =	vadd.s32 $0xC, v18;
	v24 =	vld.idx.msk [tilespmem:v5+s10+$0x0], $0xffff;
	v5 =	vmov v16  }
.LBB2_23:
0x338: {  	v31 =	vld.idx.msk [tilespmem:v25+s10+$0x0], $0xffff;
	s24 =	sadd.s32 $0x10, s24;
	v32 =	vadd.s32 $0x3, v11;
	[tilespmem:s21+$0xFFFFB800] =	vst v26;
	s25 =	smov.u32 s21;
	s21 =	smov.u32 s22  }
0x339: {  	s22 =	smov.u32 s23;
	p0 =	slt.u32 s24, $0x7F0;
	v26 =	vld.idx.msk [tilespmem:v27+s10+$0x0], $0xffff;
	v27 =	vadd.s32 $0xA, v5;
	[tilespmem:s18+$0xFFFFF000] =	vst v20  }
0x33a: {  	v20 =	vadd.s32 $0x1, v25;
	[tilespmem:s21+$0xFFFFA800] =	vst v28;
	v21 =	vld.idx.msk [tilespmem:v21+s10+$0x0], $0xffff  }
0x33b: {  	v28 =	vld.idx.msk [tilespmem:v30+s10+$0x0], $0xffff;
	v30 =	vadd.s32 $0x8, v6;
	[tilespmem:s19+$0xFFFFE000] =	vst v22  }
0x33c: {  	[tilespmem:s23+$0xFFFF9800] =	vst v29;
	v22 =	vld.idx.msk [tilespmem:v23+s10+$0x0], $0xffff;
	v23 =	vadd.s32 $0xF, v1;
	v1 =	vmovc v4;
	v4 =	vmovc v5;
	v5 =	vmov v6;
	v6 =	vmov v7  }
0x33d: {  	s23 =	sadd.s32 $0x10, s23;
	v7 =	vmov v11;
	v11 =	vmov v25;
	v29 =	vld.idx.msk [tilespmem:v32+s10+$0x0], $0xffff;
	v32 =	vadd.s32 $0x6, v6;
	[tilespmem:s20+$0xFFFFD000] =	vst v24  }
0x33e: {  	[tilespmem:s23+$0xFFFF8800] =	vst v31;
	v24 =	vld.idx.msk [tilespmem:v27+s10+$0x0], $0xffff;
	v27 =	vadd.s32 $0xD, v1  }
0x33f: {  	v33 =	vadd.s32 $0x4, v7;
	v31 =	vld.idx.msk [tilespmem:v20+s10+$0x0], $0xffff;
	[tilespmem:s25+$0xFFFFC000] =	vst v26  }
0x340: {  	v34 =	vld.idx.msk [tilespmem:v30+s10+$0x0], $0xffff;
	v30 =	vadd.s32 $0xB, v4;
	[tilespmem:s18+$0xFFFFF800] =	vst v21  }
0x341: {  	v35 =	vadd.s32 $0x2, v25;
	[tilespmem:s21+$0xFFFFB000] =	vst v28;
	v36 =	vld.idx.msk [tilespmem:v23+s10+$0x0], $0xffff  }
0x342: {  	v23 =	vadd.s32 $0x9, v5;
	v26 =	vld.idx.msk [tilespmem:v32+s10+$0x0], $0xffff;
	[tilespmem:s19+$0xFFFFE800] =	vst v22  }
.Ltmp12:
0x343: {  	v25 =	vadd.s32 $0x110, v25;
	[tilespmem:s22+$0xFFFFA000] =	vst v29;
	v20 =	vld.idx.msk [tilespmem:v27+s10+$0x0], $0xffff;
	(pc) =	sbr.rel @p0 .LBB2_23-.Ltmp12, $4  }
0x344: {  	v27 =	vadd.s32 $0x7, v6;
	v28 =	vld.idx.msk [tilespmem:v33+s10+$0x0], $0xffff;
	[tilespmem:s20+$0xFFFFD800] =	vst v24  }
0x345: {  	v21 =	vadd.s32 $0xE, v1;
	[tilespmem:s23+$0xFFFF9000] =	vst v31;
	v22 =	vld.idx.msk [tilespmem:v30+s10+$0x0], $0xffff  }
0x346: {  	v30 =	vadd.s32 $0x5, v7;
	v29 =	vld.idx.msk [tilespmem:v35+s10+$0x0], $0xffff;
	[tilespmem:s25+$0xFFFFC800] =	vst v34  }
0x347: {  	v24 =	vld.idx.msk [tilespmem:v23+s10+$0x0], $0xffff;
	v23 =	vadd.s32 $0xC, v4;
	[tilespmem:s18+$0x0] =	vst v36;
	s18 =	smov.u32 s19;
	s19 =	smov.u32 s20;
	s20 =	smov.u32 s25  }
0x348: {  	v25 =	vadd.s32 $0x3, v11;
	_ =	sdelay $0x3  }
0x349: {  	[tilespmem:s23+$0xFFFF9800] =	vst v29  }
0x34a: {  	v25 =	vld.idx.msk [tilespmem:v25+s10+$0x0], $0xffff  }
0x34b: {  	v34 =	vadd.s32 $0x4, v11;
	_ =	sdelay $0x3  }
0x34c: {  	[tilespmem:s23+$0xFFFFA000] =	vst v25  }
0x34d: {  	v25 =	vld.idx.msk [tilespmem:v34+s10+$0x0], $0xffff  }
0x34e: {  	v35 =	vadd.s32 $0x5, v11;
	_ =	sdelay $0x2  }
0x34f: {  	[tilespmem:s22+$0xFFFFA800] =	vst v28  }
0x350: {  	v28 =	vld.idx.msk [tilespmem:v30+s10+$0x0], $0xffff;
	[tilespmem:s23+$0xFFFFA800] =	vst v25  }
0x351: {  	v25 =	vadd.s32 $0x6, v7;
	v29 =	vld.idx.msk [tilespmem:v35+s10+$0x0], $0xffff  }
0x352: {  	v36 =	vadd.s32 $0x6, v11;
	_ =	sdelay $0x2  }
0x353: {  	[tilespmem:s22+$0xFFFFB000] =	vst v28  }
0x354: {  	v25 =	vld.idx.msk [tilespmem:v25+s10+$0x0], $0xffff;
	[tilespmem:s23+$0xFFFFB000] =	vst v29  }
0x355: {  	v33 =	vadd.s32 $0x7, v7;
	v29 =	vld.idx.msk [tilespmem:v36+s10+$0x0], $0xffff  }
0x356: {  	v34 =	vadd.s32 $0x7, v11;
	_ =	sdelay $0x1  }
0x357: {  	[tilespmem:s21+$0xFFFFB800] =	vst v26  }
0x358: {  	v26 =	vld.idx.msk [tilespmem:v27+s10+$0x0], $0xffff;
	[tilespmem:s22+$0xFFFFB800] =	vst v25  }
0x359: {  	v25 =	vadd.s32 $0x8, v6;
	v27 =	vld.idx.msk [tilespmem:v33+s10+$0x0], $0xffff;
	[tilespmem:s23+$0xFFFFB800] =	vst v29  }
0x35a: {  	v35 =	vadd.s32 $0x8, v7;
	v29 =	vld.idx.msk [tilespmem:v34+s10+$0x0], $0xffff  }
0x35b: {  	v36 =	vadd.s32 $0x8, v11;
	_ =	sdelay $0x1  }
0x35c: {  	[tilespmem:s21+$0xFFFFC000] =	vst v26  }
0x35d: {  	v25 =	vld.idx.msk [tilespmem:v25+s10+$0x0], $0xffff;
	[tilespmem:s22+$0xFFFFC000] =	vst v27  }
0x35e: {  	v26 =	vadd.s32 $0x9, v6;
	v27 =	vld.idx.msk [tilespmem:v35+s10+$0x0], $0xffff;
	[tilespmem:s23+$0xFFFFC000] =	vst v29  }
0x35f: {  	v33 =	vadd.s32 $0x9, v7;
	v29 =	vld.idx.msk [tilespmem:v36+s10+$0x0], $0xffff  }
0x360: {  	v34 =	vadd.s32 $0x9, v11;
	_ =	sdelay $0x1  }
0x361: {  	[tilespmem:s21+$0xFFFFC800] =	vst v25  }
0x362: {  	v25 =	vadd.s32 $0xA, v5;
	v26 =	vld.idx.msk [tilespmem:v26+s10+$0x0], $0xffff;
	[tilespmem:s22+$0xFFFFC800] =	vst v27  }
0x363: {  	v27 =	vadd.s32 $0xA, v6;
	v28 =	vld.idx.msk [tilespmem:v33+s10+$0x0], $0xffff;
	[tilespmem:s23+$0xFFFFC800] =	vst v29  }
0x364: {  	v35 =	vadd.s32 $0xA, v7;
	v30 =	vld.idx.msk [tilespmem:v34+s10+$0x0], $0xffff  }
0x365: {  	v31 =	vadd.s32 $0xA, v11  }
0x366: {  	[tilespmem:s20+$0xFFFFD000] =	vst v24  }
0x367: {  	v24 =	vld.idx.msk [tilespmem:v25+s10+$0x0], $0xffff;
	[tilespmem:s21+$0xFFFFD000] =	vst v26  }
0x368: {  	v25 =	vadd.s32 $0xB, v5;
	v26 =	vld.idx.msk [tilespmem:v27+s10+$0x0], $0xffff;
	[tilespmem:s22+$0xFFFFD000] =	vst v28  }
0x369: {  	v27 =	vadd.s32 $0xB, v6;
	v28 =	vld.idx.msk [tilespmem:v35+s10+$0x0], $0xffff;
	[tilespmem:s23+$0xFFFFD000] =	vst v30  }
0x36a: {  	v36 =	vadd.s32 $0xB, v7;
	v30 =	vld.idx.msk [tilespmem:v31+s10+$0x0], $0xffff  }
0x36b: {  	v33 =	vadd.s32 $0xB, v11  }
0x36c: {  	[tilespmem:s20+$0xFFFFD800] =	vst v24  }
0x36d: {  	v24 =	vld.idx.msk [tilespmem:v25+s10+$0x0], $0xffff;
	[tilespmem:s21+$0xFFFFD800] =	vst v26  }
0x36e: {  	v25 =	vadd.s32 $0xC, v5;
	v26 =	vld.idx.msk [tilespmem:v27+s10+$0x0], $0xffff;
	[tilespmem:s22+$0xFFFFD800] =	vst v28  }
0x36f: {  	v27 =	vadd.s32 $0xC, v6;
	v28 =	vld.idx.msk [tilespmem:v36+s10+$0x0], $0xffff;
	[tilespmem:s23+$0xFFFFD800] =	vst v30  }
0x370: {  	v34 =	vadd.s32 $0xC, v7;
	v30 =	vld.idx.msk [tilespmem:v33+s10+$0x0], $0xffff  }
0x371: {  	[tilespmem:s19+$0xFFFFE000] =	vst v22;
	v22 =	vadd.s32 $0xC, v11  }
0x372: {  	v23 =	vld.idx.msk [tilespmem:v23+s10+$0x0], $0xffff;
	[tilespmem:s20+$0xFFFFE000] =	vst v24  }
0x373: {  	v24 =	vadd.s32 $0xD, v4;
	v25 =	vld.idx.msk [tilespmem:v25+s10+$0x0], $0xffff;
	[tilespmem:s21+$0xFFFFE000] =	vst v26  }
0x374: {  	v26 =	vadd.s32 $0xD, v5;
	v27 =	vld.idx.msk [tilespmem:v27+s10+$0x0], $0xffff;
	[tilespmem:s22+$0xFFFFE000] =	vst v28  }
0x375: {  	v35 =	vadd.s32 $0xD, v6;
	v29 =	vld.idx.msk [tilespmem:v34+s10+$0x0], $0xffff;
	[tilespmem:s23+$0xFFFFE000] =	vst v30  }
0x376: {  	v36 =	vadd.s32 $0xD, v7;
	v22 =	vld.idx.msk [tilespmem:v22+s10+$0x0], $0xffff  }
0x377: {  	[tilespmem:s19+$0xFFFFE800] =	vst v23;
	v23 =	vadd.s32 $0xD, v11  }
0x378: {  	v24 =	vld.idx.msk [tilespmem:v24+s10+$0x0], $0xffff;
	[tilespmem:s20+$0xFFFFE800] =	vst v25  }
0x379: {  	v25 =	vadd.s32 $0xE, v4;
	v26 =	vld.idx.msk [tilespmem:v26+s10+$0x0], $0xffff;
	[tilespmem:s21+$0xFFFFE800] =	vst v27  }
0x37a: {  	v27 =	vadd.s32 $0xE, v5;
	v28 =	vld.idx.msk [tilespmem:v35+s10+$0x0], $0xffff;
	[tilespmem:s22+$0xFFFFE800] =	vst v29  }
0x37b: {  	v29 =	vld.idx.msk [tilespmem:v36+s10+$0x0], $0xffff;
	[tilespmem:s23+$0xFFFFE800] =	vst v22;
	v22 =	vadd.s32 $0xE, v6  }
0x37c: {  	[tilespmem:s18+$0xFFFFF000] =	vst v20;
	v20 =	vadd.s32 $0xE, v7;
	v23 =	vld.idx.msk [tilespmem:v23+s10+$0x0], $0xffff  }
0x37d: {  	v21 =	vld.idx.msk [tilespmem:v21+s10+$0x0], $0xffff;
	[tilespmem:s19+$0xFFFFF000] =	vst v24;
	v24 =	vadd.s32 $0xE, v11  }
0x37e: {  	v1 =	vadd.s32 $0xF, v1;
	v25 =	vld.idx.msk [tilespmem:v25+s10+$0x0], $0xffff;
	[tilespmem:s20+$0xFFFFF000] =	vst v26  }
0x37f: {  	v4 =	vadd.s32 $0xF, v4;
	v26 =	vld.idx.msk [tilespmem:v27+s10+$0x0], $0xffff;
	[tilespmem:s21+$0xFFFFF000] =	vst v28  }
0x380: {  	v5 =	vadd.s32 $0xF, v5;
	[tilespmem:s22+$0xFFFFF000] =	vst v29;
	v22 =	vld.idx.msk [tilespmem:v22+s10+$0x0], $0xffff  }
0x381: {  	v6 =	vadd.s32 $0xF, v6;
	v20 =	vld.idx.msk [tilespmem:v20+s10+$0x0], $0xffff;
	[tilespmem:s23+$0xFFFFF000] =	vst v23  }
0x382: {  	[tilespmem:s18+$0xFFFFF800] =	vst v21;
	v7 =	vadd.s32 $0xF, v7;
	v21 =	vld.idx.msk [tilespmem:v24+s10+$0x0], $0xffff  }
0x383: {  	v1 =	vld.idx.msk [tilespmem:v1+s10+$0x0], $0xffff;
	v11 =	vadd.s32 $0xF, v11;
	[tilespmem:s19+$0xFFFFF800] =	vst v25  }
0x384: {  	v4 =	vld.idx.msk [tilespmem:v4+s10+$0x0], $0xffff;
	[tilespmem:s20+$0xFFFFF800] =	vst v26  }
0x385: {  	v5 =	vld.idx.msk [tilespmem:v5+s10+$0x0], $0xffff;
	[tilespmem:s21+$0xFFFFF800] =	vst v22  }
0x386: {  	[tilespmem:s22+$0xFFFFF800] =	vst v20;
	v6 =	vld.idx.msk [tilespmem:v6+s10+$0x0], $0xffff  }
0x387: {  	v7 =	vld.idx.msk [tilespmem:v7+s10+$0x0], $0xffff;
	[tilespmem:s23+$0xFFFFF800] =	vst v21  }
0x388: {  	[tilespmem:s18+$0x0] =	vst v1;
	v1 =	vld.idx.msk [tilespmem:v11+s10+$0x0], $0xffff  }
0x389: {  	[tilespmem:s19+$0x0] =	vst v4  }
0x38a: {  	[tilespmem:s20+$0x0] =	vst v5  }
0x38b: {  	s29 =	sadd.s32 s6, s17;
	[tilespmem:s21+$0x0] =	vst v6  }
0x38c: {  	s18 =	sshll.u32 s29, $0xC;
	[tilespmem:s22+$0x0] =	vst v7  }
0x38d: {  	s18 =	sadd.s32 s4, s18;
	[tilespmem:s23+$0x0] =	vst v1  }
0x38e: {  	[hbm4b:s18+s3] =	stream.linear.scatter [tilespmem:s3], [sflag:$0x2], $0x8000, $0x38;
	[tilespmem:$0x1A900] =	vst v63  }
0x38f: {  	s30 =	sadd.s32 $0x2, s17;
	_ =	swait.ge [sflag:s13], $0x8000  }
0x390: {  	s17 =	sand.u32 $0xE, s30;
	[sflag:s13] =	ssyncset.done $0x0  }
0x391: {  	s17 =	sor.u32 s6, s17;
	[sflag:s13] =	ssyncadd.s32 $0xFFFF8000  }
0x392: {  	s17 =	sshll.u32 s17, $0xC;
	_ =	swait.ge [sflag:s8], $0x8000  }
0x393: {  	s17 =	sand.u32 $0x1FE000, s17;
	[sflag:s8] =	ssyncset.done $0x0  }
0x394: {  	s31 =	simm.s32 $0xF800;
	s17 =	sadd.s32 s2, s17;
	[sflag:s8] =	ssyncadd.s32 $0xFFFF8000  }
0x395: {  	[tilespmem:s3], [sflag:$0x1] =	stream.linear.gather [hbm4b:s17+s3], $0x8000, $0x38;
	[tilespmem:$0x1A900] =	vst v63  }
0x396: {  	v1 =	vld [tilespmem:s31+$0xFFFF8800];
	_ =	sdelay $0x4  }
0x397: {  	[tilespmem:v19+s10+$0x0] =	vst.idx.msk $0xffff, v1  }
0x398: {  	v4 =	vld [tilespmem:$0x1FE30];
	_ =	sdelay $0x2  }
0x399: {  	v1 =	vld [tilespmem:s31+$0xFFFF9000];
	_ =	sdelay $0x4  }
0x39a: {  	[tilespmem:v4+s10+$0x0] =	vst.idx.msk $0xffff, v1  }
0x39b: {  	v5 =	vld [tilespmem:$0x1FE40]  }
0x39c: {  	s17 =	simm.s32 $0xF810  }
0x39d: {  	v4 =	vld [tilespmem:s17+$0xFFFF8800]  }
0x39e: {  	v1 =	vld [tilespmem:s31+$0xFFFF9800];
	_ =	sdelay $0x3  }
0x39f: {  	[tilespmem:v18+s10+$0x0] =	vst.idx.msk $0xffff, v4  }
0x3a0: {  	[tilespmem:v5+s10+$0x0] =	vst.idx.msk $0xffff, v1  }
0x3a1: {  	v5 =	vld [tilespmem:$0x1FE50];
	_ =	sdelay $0x2  }
0x3a2: {  	v1 =	vld [tilespmem:s31+$0xFFFFA000];
	_ =	sdelay $0x4  }
0x3a3: {  	[tilespmem:v5+s10+$0x0] =	vst.idx.msk $0xffff, v1  }
0x3a4: {  	v5 =	vld [tilespmem:$0x1FE60];
	_ =	sdelay $0x2  }
0x3a5: {  	v4 =	vld [tilespmem:s17+$0xFFFF9000];
	_ =	sdelay $0x4  }
0x3a6: {  	[tilespmem:v5+s10+$0x0] =	vst.idx.msk $0xffff, v4  }
0x3a7: {  	v5 =	vld [tilespmem:$0x1FE70];
	_ =	sdelay $0x2  }
0x3a8: {  	v1 =	vld [tilespmem:s31+$0xFFFFA800];
	_ =	sdelay $0x4  }
0x3a9: {  	[tilespmem:v5+s10+$0x0] =	vst.idx.msk $0xffff, v1  }
0x3aa: {  	v6 =	vld [tilespmem:$0x1FE80];
	_ =	sdelay $0x2  }
0x3ab: {  	v4 =	vld [tilespmem:s17+$0xFFFF9800];
	_ =	sdelay $0x4  }
0x3ac: {  	[tilespmem:v6+s10+$0x0] =	vst.idx.msk $0xffff, v4  }
0x3ad: {  	v6 =	vld [tilespmem:$0x1FE90]  }
0x3ae: {  	s18 =	simm.s32 $0xF820  }
0x3af: {  	v5 =	vld [tilespmem:s18+$0xFFFF8800]  }
0x3b0: {  	v1 =	vld [tilespmem:s31+$0xFFFFB000];
	_ =	sdelay $0x3  }
0x3b1: {  	[tilespmem:v16+s10+$0x0] =	vst.idx.msk $0xffff, v5  }
0x3b2: {  	[tilespmem:v6+s10+$0x0] =	vst.idx.msk $0xffff, v1  }
0x3b3: {  	v6 =	vld [tilespmem:$0x1FEA0];
	_ =	sdelay $0x2  }
0x3b4: {  	v4 =	vld [tilespmem:s17+$0xFFFFA000];
	_ =	sdelay $0x4  }
0x3b5: {  	[tilespmem:v6+s10+$0x0] =	vst.idx.msk $0xffff, v4  }
0x3b6: {  	v6 =	vld [tilespmem:$0x1FEB0];
	_ =	sdelay $0x2  }
0x3b7: {  	v1 =	vld [tilespmem:s31+$0xFFFFB800];
	_ =	sdelay $0x4  }
0x3b8: {  	[tilespmem:v6+s10+$0x0] =	vst.idx.msk $0xffff, v1  }
0x3b9: {  	v6 =	vld [tilespmem:$0x1FEC0];
	_ =	sdelay $0x2  }
0x3ba: {  	v5 =	vld [tilespmem:s18+$0xFFFF9000];
	_ =	sdelay $0x4  }
0x3bb: {  	[tilespmem:v6+s10+$0x0] =	vst.idx.msk $0xffff, v5  }
0x3bc: {  	v6 =	vld [tilespmem:$0x1FED0];
	_ =	sdelay $0x2  }
0x3bd: {  	v4 =	vld [tilespmem:s17+$0xFFFFA800];
	_ =	sdelay $0x4  }
0x3be: {  	[tilespmem:v6+s10+$0x0] =	vst.idx.msk $0xffff, v4  }
0x3bf: {  	v6 =	vld [tilespmem:$0x1FEE0];
	_ =	sdelay $0x2  }
0x3c0: {  	v1 =	vld [tilespmem:s31+$0xFFFFC000];
	_ =	sdelay $0x4  }
0x3c1: {  	[tilespmem:v6+s10+$0x0] =	vst.idx.msk $0xffff, v1  }
0x3c2: {  	v7 =	vld [tilespmem:$0x1FEF0];
	_ =	sdelay $0x2  }
0x3c3: {  	v5 =	vld [tilespmem:s18+$0xFFFF9800];
	_ =	sdelay $0x4  }
0x3c4: {  	[tilespmem:v7+s10+$0x0] =	vst.idx.msk $0xffff, v5  }
0x3c5: {  	v7 =	vld [tilespmem:$0x1FF00]  }
0x3c6: {  	s19 =	simm.s32 $0xF830  }
0x3c7: {  	v1 =	vld [tilespmem:s19+$0xFFFF8800]  }
0x3c8: {  	v4 =	vld [tilespmem:s17+$0xFFFFB000];
	_ =	sdelay $0x3  }
0x3c9: {  	[tilespmem:v15+s10+$0x0] =	vst.idx.msk $0xffff, v1  }
0x3ca: {  	[tilespmem:v7+s10+$0x0] =	vst.idx.msk $0xffff, v4  }
0x3cb: {  	v7 =	vld [tilespmem:$0x1FF10];
	_ =	sdelay $0x2  }
0x3cc: {  	v6 =	vld [tilespmem:s31+$0xFFFFC800];
	_ =	sdelay $0x4  }
0x3cd: {  	[tilespmem:v7+s10+$0x0] =	vst.idx.msk $0xffff, v6  }
0x3ce: {  	v7 =	vld [tilespmem:$0x1FF20];
	_ =	sdelay $0x2  }
0x3cf: {  	v5 =	vld [tilespmem:s18+$0xFFFFA000];
	_ =	sdelay $0x4  }
0x3d0: {  	[tilespmem:v7+s10+$0x0] =	vst.idx.msk $0xffff, v5  }
0x3d1: {  	v7 =	vld [tilespmem:$0x1FF30];
	_ =	sdelay $0x2  }
0x3d2: {  	v4 =	vld [tilespmem:s17+$0xFFFFB800];
	_ =	sdelay $0x4  }
0x3d3: {  	[tilespmem:v7+s10+$0x0] =	vst.idx.msk $0xffff, v4  }
0x3d4: {  	v4 =	vld [tilespmem:$0x1FF40];
	_ =	sdelay $0x2  }
0x3d5: {  	v1 =	vld [tilespmem:s19+$0xFFFF9000];
	_ =	sdelay $0x2  }
0x3d6: {  	v6 =	vld [tilespmem:s31+$0xFFFFD000]  }
0x3d7: {  	v5 =	vld [tilespmem:s18+$0xFFFFA800]  }
0x3d8: {  	[tilespmem:v4+s10+$0x0] =	vst.idx.msk $0xffff, v1;
	v1 =	vld [tilespmem:s17+$0xFFFFC000];
	_ =	sdelay $0x2  }
0x3d9: {  	[tilespmem:v37+s10+$0x0] =	vst.idx.msk $0xffff, v6  }
0x3da: {  	[tilespmem:v38+s10+$0x0] =	vst.idx.msk $0xffff, v5  }
0x3db: {  	[tilespmem:v39+s10+$0x0] =	vst.idx.msk $0xffff, v1  }
0x3dc: {  	v7 =	vld [tilespmem:$0x1FF50];
	_ =	sdelay $0x2  }
0x3dd: {  	v4 =	vld [tilespmem:s19+$0xFFFF9800];
	_ =	sdelay $0x4  }
0x3de: {  	[tilespmem:v7+s10+$0x0] =	vst.idx.msk $0xffff, v4  }
0x3df: {  	v11 =	vld [tilespmem:$0x1FF60];
	_ =	sdelay $0x2  }
0x3e0: {  	v6 =	vld [tilespmem:s31+$0xFFFFD800];
	_ =	sdelay $0x4  }
0x3e1: {  	[tilespmem:v11+s10+$0x0] =	vst.idx.msk $0xffff, v6  }
0x3e2: {  	v11 =	vld [tilespmem:$0x1FF70]  }
0x3e3: {  	s20 =	simm.s32 $0xF840  }
0x3e4: {  	v1 =	vld [tilespmem:s20+$0xFFFF8800]  }
0x3e5: {  	v5 =	vld [tilespmem:s18+$0xFFFFB000];
	_ =	sdelay $0x3  }
0x3e6: {  	[tilespmem:v17+s10+$0x0] =	vst.idx.msk $0xffff, v1  }
0x3e7: {  	[tilespmem:v11+s10+$0x0] =	vst.idx.msk $0xffff, v5  }
0x3e8: {  	v5 =	vld [tilespmem:$0x1FF80];
	_ =	sdelay $0x2  }
0x3e9: {  	v4 =	vld [tilespmem:s17+$0xFFFFC800];
	_ =	sdelay $0x4  }
0x3ea: {  	[tilespmem:v5+s10+$0x0] =	vst.idx.msk $0xffff, v4  }
0x3eb: {  	v5 =	vld [tilespmem:$0x1FF90]  }
0x3ec: {  	v6 =	vld [tilespmem:s31+$0xFFFFE000]  }
0x3ed: {  	v1 =	vld [tilespmem:s18+$0xFFFFB800]  }
0x3ee: {  	v7 =	vld [tilespmem:s19+$0xFFFFA000];
	_ =	sdelay $0x2  }
0x3ef: {  	[tilespmem:v40+s10+$0x0] =	vst.idx.msk $0xffff, v6  }
0x3f0: {  	[tilespmem:v41+s10+$0x0] =	vst.idx.msk $0xffff, v1  }
0x3f1: {  	[tilespmem:v5+s10+$0x0] =	vst.idx.msk $0xffff, v7  }
0x3f2: {  	v1 =	vld [tilespmem:$0x1FFA0];
	_ =	sdelay $0x2  }
0x3f3: {  	v4 =	vld [tilespmem:s20+$0xFFFF9000];
	_ =	sdelay $0x1  }
0x3f4: {  	v5 =	vld [tilespmem:s17+$0xFFFFD000]  }
0x3f5: {  	v7 =	vld [tilespmem:s31+$0xFFFFE800]  }
0x3f6: {  	v6 =	vld [tilespmem:s19+$0xFFFFA800]  }
0x3f7: {  	[tilespmem:v1+s10+$0x0] =	vst.idx.msk $0xffff, v4;
	v1 =	vld [tilespmem:s18+$0xFFFFC000];
	_ =	sdelay $0x1  }
0x3f8: {  	[tilespmem:v42+s10+$0x0] =	vst.idx.msk $0xffff, v5  }
0x3f9: {  	[tilespmem:v45+s10+$0x0] =	vst.idx.msk $0xffff, v7  }
0x3fa: {  	[tilespmem:v43+s10+$0x0] =	vst.idx.msk $0xffff, v6  }
0x3fb: {  	[tilespmem:v44+s10+$0x0] =	vst.idx.msk $0xffff, v1  }
0x3fc: {  	v11 =	vld [tilespmem:$0x1FFB0];
	_ =	sdelay $0x2  }
0x3fd: {  	v4 =	vld [tilespmem:s20+$0xFFFF9800];
	_ =	sdelay $0x4  }
0x3fe: {  	[tilespmem:v11+s10+$0x0] =	vst.idx.msk $0xffff, v4  }
0x3ff: {  	v11 =	vld [tilespmem:$0x1FFC0];
	_ =	sdelay $0x2  }
0x400: {  	v5 =	vld [tilespmem:s17+$0xFFFFD800];
	_ =	sdelay $0x4  }
0x401: {  	[tilespmem:v11+s10+$0x0] =	vst.idx.msk $0xffff, v5  }
0x402: {  	v11 =	vld [tilespmem:$0x1FFD0]  }
0x403: {  	s21 =	simm.s32 $0xF850;
	v7 =	vld [tilespmem:s31+$0xFFFFF000]  }
0x404: {  	v1 =	vld [tilespmem:s21+$0xFFFF8800]  }
0x405: {  	v6 =	vld [tilespmem:s19+$0xFFFFB000];
	_ =	sdelay $0x2  }
0x406: {  	[tilespmem:v46+s10+$0x0] =	vst.idx.msk $0xffff, v7  }
0x407: {  	[tilespmem:v14+s10+$0x0] =	vst.idx.msk $0xffff, v1  }
0x408: {  	[tilespmem:v11+s10+$0x0] =	vst.idx.msk $0xffff, v6  }
0x409: {  	v20 =	vld [tilespmem:$0x1FFE0];
	_ =	sdelay $0x2  }
0x40a: {  	v4 =	vld [tilespmem:s18+$0xFFFFC800];
	_ =	sdelay $0x4  }
0x40b: {  	[tilespmem:v20+s10+$0x0] =	vst.idx.msk $0xffff, v4  }
0x40c: {  	v4 =	vld [tilespmem:$0x1FFF0];
	_ =	sdelay $0x2  }
0x40d: {  	v5 =	vld [tilespmem:s20+$0xFFFFA000]  }
0x40e: {  	v6 =	vld [tilespmem:s17+$0xFFFFE000]  }
0x40f: {  	v7 =	vld [tilespmem:s19+$0xFFFFB800]  }
0x410: {  	v1 =	vld [tilespmem:s31+$0xFFFFF800]  }
0x411: {  	v11 =	vld [tilespmem:s21+$0xFFFF9000]  }
0x412: {  	[tilespmem:v4+s10+$0x0] =	vst.idx.msk $0xffff, v5;
	v4 =	vld [tilespmem:s18+$0xFFFFD000]  }
0x413: {  	[tilespmem:v47+s10+$0x0] =	vst.idx.msk $0xffff, v6;
	v5 =	vld [tilespmem:s20+$0xFFFFA800]  }
0x414: {  	[tilespmem:v48+s10+$0x0] =	vst.idx.msk $0xffff, v7;
	v6 =	vld [tilespmem:s17+$0xFFFFE800]  }
0x415: {  	[tilespmem:v49+s10+$0x0] =	vst.idx.msk $0xffff, v1;
	v7 =	vld [tilespmem:s19+$0xFFFFC000]  }
0x416: {  	[tilespmem:v13+s10+$0x0] =	vst.idx.msk $0xffff, v11;
	v13 =	vadd.s32 $0xF, v19;
	v11 =	vld [tilespmem:s31+$0x0]  }
0x417: {  	v25 =	vld [tilespmem:s21+$0xFFFF9800];
	[tilespmem:v51+s10+$0x0] =	vst.idx.msk $0xffff, v4  }
0x418: {  	v23 =	vadd.s32 $0xA, v16;
	[tilespmem:v52+s10+$0x0] =	vst.idx.msk $0xffff, v5;
	v22 =	vld [tilespmem:s18+$0xFFFFD800]  }
0x419: {  	v26 =	vadd.s32 $0x5, v17;
	v21 =	vadd.s32 $0xD, v18;
	[tilespmem:v53+s10+$0x0] =	vst.idx.msk $0xffff, v6;
	v24 =	vld [tilespmem:s20+$0xFFFFB000]  }
0x41a: {  	s22 =	simm.s32 $0x50;
	s23 =	simm.s32 $0xF860;
	v1 =	vmovc v16;
	[tilespmem:v50+s10+$0x0] =	vst.idx.msk $0xffff, v7;
	v6 =	vmovc v17;
	v7 =	vmov v18;
	v20 =	vld [tilespmem:s17+$0xFFFFF000];
	v4 =	vmov v15;
	v5 =	vmov v14  }
.LBB2_25:
0x41b: {  	v27 =	vld [tilespmem:s23+$0xFFFF8800];
	v14 =	vadd.s32 $0x110, v14;
	[tilespmem:v13+s10+$0x0] =	vst.idx.msk $0xffff, v11  }
0x41c: {  	s22 =	sadd.s32 $0x10, s22;
	[tilespmem:v12+s10+$0x0] =	vst.idx.msk $0xffff, v25;
	v11 =	vld [tilespmem:s19+$0xFFFFC800];
	v12 =	vadd.s32 $0x8, v4  }
0x41d: {  	p0 =	slt.u32 s22, $0x7F0;
	v25 =	vadd.s32 $0x3, v5;
	v13 =	vld [tilespmem:s21+$0xFFFFA000];
	[tilespmem:v23+s10+$0x0] =	vst.idx.msk $0xffff, v22  }
0x41e: {  	v23 =	vadd.s32 $0xB, v1;
	[tilespmem:v26+s10+$0x0] =	vst.idx.msk $0xffff, v24;
	v22 =	vld [tilespmem:s18+$0xFFFFE000]  }
0x41f: {  	v26 =	vadd.s32 $0x6, v6;
	v24 =	vld [tilespmem:s20+$0xFFFFB800];
	[tilespmem:v21+s10+$0x0] =	vst.idx.msk $0xffff, v20  }
0x420: {  	v21 =	vadd.s32 $0xE, v7;
	[tilespmem:v14+s10+$0x0] =	vst.idx.msk $0xffff, v27;
	v20 =	vld [tilespmem:s17+$0xFFFFF800]  }
0x421: {  	v28 =	vadd.s32 $0x1, v14;
	v27 =	vld [tilespmem:s23+$0xFFFF9000];
	[tilespmem:v12+s10+$0x0] =	vst.idx.msk $0xffff, v11  }
0x422: {  	v30 =	vadd.s32 $0x9, v4;
	[tilespmem:v25+s10+$0x0] =	vst.idx.msk $0xffff, v13;
	v29 =	vld [tilespmem:s19+$0xFFFFD000]  }
0x423: {  	v32 =	vadd.s32 $0x4, v5;
	v31 =	vld [tilespmem:s21+$0xFFFFA800];
	[tilespmem:v23+s10+$0x0] =	vst.idx.msk $0xffff, v22  }
0x424: {  	v34 =	vadd.s32 $0xC, v1;
	[tilespmem:v26+s10+$0x0] =	vst.idx.msk $0xffff, v24;
	v33 =	vld [tilespmem:s18+$0xFFFFE800]  }
0x425: {  	v36 =	vadd.s32 $0x7, v6;
	v35 =	vld [tilespmem:s20+$0xFFFFC000];
	[tilespmem:v21+s10+$0x0] =	vst.idx.msk $0xffff, v20  }
.Ltmp13:
0x426: {  	v13 =	vadd.s32 $0xF, v7;
	v7 =	vmovc v1;
	v1 =	vmovc v4;
	v4 =	vmov v6;
	v6 =	vmov v5;
	[tilespmem:v28+s10+$0x0] =	vst.idx.msk $0xffff, v27;
	v11 =	vld [tilespmem:s17+$0x0];
	s17 =	smov.u32 s18;
	s18 =	smov.u32 s19;
	(pc) =	sbr.rel @p0 .LBB2_25-.Ltmp13, $4  }
0x427: {  	v12 =	vadd.s32 $0x2, v14;
	v5 =	vmov v14;
	s19 =	smov.u32 s20;
	s20 =	smov.u32 s21;
	s21 =	smov.u32 s23;
	v25 =	vld [tilespmem:s23+$0xFFFF9800];
	[tilespmem:v30+s10+$0x0] =	vst.idx.msk $0xffff, v29  }
0x428: {  	v23 =	vadd.s32 $0xA, v1;
	[tilespmem:v32+s10+$0x0] =	vst.idx.msk $0xffff, v31;
	v22 =	vld [tilespmem:s18+$0xFFFFD800]  }
0x429: {  	v26 =	vadd.s32 $0x5, v6;
	v24 =	vld [tilespmem:s20+$0xFFFFB000];
	[tilespmem:v34+s10+$0x0] =	vst.idx.msk $0xffff, v33  }
0x42a: {  	v21 =	vadd.s32 $0xD, v7;
	s23 =	sadd.s32 $0x10, s23;
	[tilespmem:v36+s10+$0x0] =	vst.idx.msk $0xffff, v35;
	v20 =	vld [tilespmem:s17+$0xFFFFF000]  }
0x42b: {  	_ =	sdelay $0x3  }
0x42c: {  	[tilespmem:v12+s10+$0x0] =	vst.idx.msk $0xffff, v25  }
0x42d: {  	v14 =	vadd.s32 $0x3, v5;
	v12 =	vld [tilespmem:s21+$0xFFFFA000];
	_ =	sdelay $0x4  }
0x42e: {  	[tilespmem:v14+s10+$0x0] =	vst.idx.msk $0xffff, v12  }
0x42f: {  	v14 =	vadd.s32 $0x4, v5;
	v12 =	vld [tilespmem:s21+$0xFFFFA800];
	_ =	sdelay $0x4  }
0x430: {  	[tilespmem:v14+s10+$0x0] =	vst.idx.msk $0xffff, v12  }
0x431: {  	v14 =	vadd.s32 $0x5, v5;
	v12 =	vld [tilespmem:s21+$0xFFFFB000];
	_ =	sdelay $0x3  }
0x432: {  	[tilespmem:v26+s10+$0x0] =	vst.idx.msk $0xffff, v24  }
0x433: {  	v38 =	vadd.s32 $0x6, v6;
	v24 =	vld [tilespmem:s20+$0xFFFFB800];
	[tilespmem:v14+s10+$0x0] =	vst.idx.msk $0xffff, v12  }
0x434: {  	v14 =	vadd.s32 $0x6, v5;
	v12 =	vld [tilespmem:s21+$0xFFFFB800];
	_ =	sdelay $0x3  }
0x435: {  	[tilespmem:v38+s10+$0x0] =	vst.idx.msk $0xffff, v24  }
0x436: {  	v39 =	vadd.s32 $0x7, v6;
	v24 =	vld [tilespmem:s20+$0xFFFFC000];
	[tilespmem:v14+s10+$0x0] =	vst.idx.msk $0xffff, v12  }
0x437: {  	v14 =	vadd.s32 $0x7, v5;
	v12 =	vld [tilespmem:s21+$0xFFFFC000];
	_ =	sdelay $0x3  }
0x438: {  	v40 =	vld [tilespmem:s19+$0xFFFFC800];
	v27 =	vadd.s32 $0x8, v4;
	[tilespmem:v39+s10+$0x0] =	vst.idx.msk $0xffff, v24  }
0x439: {  	v41 =	vadd.s32 $0x8, v6;
	v24 =	vld [tilespmem:s20+$0xFFFFC800];
	[tilespmem:v14+s10+$0x0] =	vst.idx.msk $0xffff, v12  }
0x43a: {  	v14 =	vadd.s32 $0x8, v5;
	v12 =	vld [tilespmem:s21+$0xFFFFC800];
	_ =	sdelay $0x2  }
0x43b: {  	[tilespmem:v27+s10+$0x0] =	vst.idx.msk $0xffff, v40  }
0x43c: {  	v42 =	vadd.s32 $0x9, v4;
	v26 =	vld [tilespmem:s19+$0xFFFFD000];
	[tilespmem:v41+s10+$0x0] =	vst.idx.msk $0xffff, v24  }
0x43d: {  	v43 =	vadd.s32 $0x9, v6;
	v24 =	vld [tilespmem:s20+$0xFFFFD000];
	[tilespmem:v14+s10+$0x0] =	vst.idx.msk $0xffff, v12  }
0x43e: {  	v14 =	vadd.s32 $0x9, v5;
	v12 =	vld [tilespmem:s21+$0xFFFFD000];
	_ =	sdelay $0x2  }
0x43f: {  	[tilespmem:v42+s10+$0x0] =	vst.idx.msk $0xffff, v26  }
0x440: {  	v44 =	vadd.s32 $0xA, v4;
	v26 =	vld [tilespmem:s19+$0xFFFFD800];
	[tilespmem:v43+s10+$0x0] =	vst.idx.msk $0xffff, v24  }
0x441: {  	v45 =	vadd.s32 $0xA, v6;
	v24 =	vld [tilespmem:s20+$0xFFFFD800];
	[tilespmem:v14+s10+$0x0] =	vst.idx.msk $0xffff, v12  }
0x442: {  	v14 =	vadd.s32 $0xA, v5;
	v12 =	vld [tilespmem:s21+$0xFFFFD800];
	_ =	sdelay $0x1  }
0x443: {  	[tilespmem:v23+s10+$0x0] =	vst.idx.msk $0xffff, v22  }
0x444: {  	v23 =	vadd.s32 $0xB, v1;
	v22 =	vld [tilespmem:s18+$0xFFFFE000];
	[tilespmem:v44+s10+$0x0] =	vst.idx.msk $0xffff, v26  }
0x445: {  	v46 =	vadd.s32 $0xB, v4;
	v26 =	vld [tilespmem:s19+$0xFFFFE000];
	[tilespmem:v45+s10+$0x0] =	vst.idx.msk $0xffff, v24  }
0x446: {  	v47 =	vadd.s32 $0xB, v6;
	v24 =	vld [tilespmem:s20+$0xFFFFE000];
	[tilespmem:v14+s10+$0x0] =	vst.idx.msk $0xffff, v12  }
0x447: {  	v14 =	vadd.s32 $0xB, v5;
	v12 =	vld [tilespmem:s21+$0xFFFFE000];
	_ =	sdelay $0x1  }
0x448: {  	[tilespmem:v23+s10+$0x0] =	vst.idx.msk $0xffff, v22  }
0x449: {  	v23 =	vadd.s32 $0xC, v1;
	v22 =	vld [tilespmem:s18+$0xFFFFE800];
	[tilespmem:v46+s10+$0x0] =	vst.idx.msk $0xffff, v26  }
0x44a: {  	v48 =	vadd.s32 $0xC, v4;
	v26 =	vld [tilespmem:s19+$0xFFFFE800];
	[tilespmem:v47+s10+$0x0] =	vst.idx.msk $0xffff, v24  }
0x44b: {  	v49 =	vadd.s32 $0xC, v6;
	v24 =	vld [tilespmem:s20+$0xFFFFE800];
	[tilespmem:v14+s10+$0x0] =	vst.idx.msk $0xffff, v12  }
0x44c: {  	v14 =	vadd.s32 $0xC, v5;
	v12 =	vld [tilespmem:s21+$0xFFFFE800];
	_ =	sdelay $0x1  }
0x44d: {  	[tilespmem:v23+s10+$0x0] =	vst.idx.msk $0xffff, v22  }
0x44e: {  	v23 =	vadd.s32 $0xD, v1;
	v22 =	vld [tilespmem:s18+$0xFFFFF000];
	[tilespmem:v48+s10+$0x0] =	vst.idx.msk $0xffff, v26  }
0x44f: {  	v50 =	vadd.s32 $0xD, v4;
	v26 =	vld [tilespmem:s19+$0xFFFFF000];
	[tilespmem:v49+s10+$0x0] =	vst.idx.msk $0xffff, v24  }
0x450: {  	v51 =	vadd.s32 $0xD, v6;
	v24 =	vld [tilespmem:s20+$0xFFFFF000];
	[tilespmem:v14+s10+$0x0] =	vst.idx.msk $0xffff, v12  }
0x451: {  	v14 =	vadd.s32 $0xD, v5;
	v12 =	vld [tilespmem:s21+$0xFFFFF000]  }
0x452: {  	[tilespmem:v21+s10+$0x0] =	vst.idx.msk $0xffff, v20  }
0x453: {  	v21 =	vadd.s32 $0xE, v7;
	v20 =	vld [tilespmem:s17+$0xFFFFF800];
	[tilespmem:v23+s10+$0x0] =	vst.idx.msk $0xffff, v22  }
0x454: {  	v23 =	vadd.s32 $0xE, v1;
	v22 =	vld [tilespmem:s18+$0xFFFFF800];
	[tilespmem:v50+s10+$0x0] =	vst.idx.msk $0xffff, v26  }
0x455: {  	v52 =	vadd.s32 $0xE, v4;
	v26 =	vld [tilespmem:s19+$0xFFFFF800];
	[tilespmem:v51+s10+$0x0] =	vst.idx.msk $0xffff, v24  }
0x456: {  	v53 =	vadd.s32 $0xE, v6;
	v24 =	vld [tilespmem:s20+$0xFFFFF800];
	[tilespmem:v14+s10+$0x0] =	vst.idx.msk $0xffff, v12  }
0x457: {  	v14 =	vadd.s32 $0xE, v5;
	v12 =	vld [tilespmem:s21+$0xFFFFF800]  }
0x458: {  	[tilespmem:v21+s10+$0x0] =	vst.idx.msk $0xffff, v20  }
0x459: {  	v7 =	vadd.s32 $0xF, v7;
	v20 =	vld [tilespmem:s17+$0x0];
	[tilespmem:v23+s10+$0x0] =	vst.idx.msk $0xffff, v22  }
0x45a: {  	v1 =	vadd.s32 $0xF, v1;
	v21 =	vld [tilespmem:s18+$0x0];
	[tilespmem:v52+s10+$0x0] =	vst.idx.msk $0xffff, v26  }
0x45b: {  	v4 =	vadd.s32 $0xF, v4;
	v22 =	vld [tilespmem:s19+$0x0];
	[tilespmem:v53+s10+$0x0] =	vst.idx.msk $0xffff, v24  }
0x45c: {  	v6 =	vadd.s32 $0xF, v6;
	v23 =	vld [tilespmem:s20+$0x0];
	[tilespmem:v14+s10+$0x0] =	vst.idx.msk $0xffff, v12  }
0x45d: {  	[tilespmem:v13+s10+$0x0] =	vst.idx.msk $0xffff, v11;
	v5 =	vadd.s32 $0xF, v5;
	v11 =	vld [tilespmem:s21+$0x0]  }
0x45e: {  	[tilespmem:v7+s10+$0x0] =	vst.idx.msk $0xffff, v20  }
0x45f: {  	[tilespmem:v1+s10+$0x0] =	vst.idx.msk $0xffff, v21  }
0x460: {  	[tilespmem:v4+s10+$0x0] =	vst.idx.msk $0xffff, v22  }
0x461: {  	[tilespmem:v6+s10+$0x0] =	vst.idx.msk $0xffff, v23  }
0x462: {  	s31 =	simm.s32 $0x10044;
	[tilespmem:v5+s10+$0x0] =	vst.idx.msk $0xffff, v11  }
0x463: {  	v1 =	vld [tilespmem:s31+$0x33]  }
0x464: {  	v4 =	vld [tilespmem:s31+$0xFFFFFFCD]  }
0x465: {  	v5 =	vld [tilespmem:s31+$0xFFFFFFDE]  }
0x466: {  	v12 =	vld [tilespmem:s31+$0xFFFFFFEF]  }
0x467: {  	v13 =	vld [tilespmem:s31+$0x0]  }
0x468: {  	v7 =	vimm.f32 $-1.000000020e+30;
	v20 =	vimm.f32 $-1.000000020e+30;
	v11 =	vld [tilespmem:s31+$0x11]  }
0x469: {  	v21 =	vimm.f32 $-1.000000020e+30;
	v6 =	vimm.f32 $-1.000000020e+30;
	v14 =	vimm.f32 $-1.000000020e+30;
	v22 =	vld [tilespmem:s31+$0x22]  }
0x46a: {  	s19 =	simm.s32 $0x0;
	s20 =	simm.s32 $0x100CC;
	v23 =	vld [tilespmem:s31+$0xFFFFFFBC];
	v1 =	vmax.f32 v6, v1;
	v4 =	vmax.f32 v6, v4;
	v5 =	vmax.f32 v6, v5  }
.LBB2_27:
0x46b: {  	v24 =	vld [tilespmem:s20+$0x33];
	s19 =	sadd.s32 $0x88, s19;
	v6 =	vmax.f32 v6, v12  }
0x46c: {  	v25 =	vld [tilespmem:s20+$0xFFFFFFCD];
	p0 =	slt.u32 s19, $0x8778;
	v7 =	vmax.f32 v7, v13  }
0x46d: {  	v26 =	vld [tilespmem:s20+$0xFFFFFFDE];
	v14 =	vmax.f32 v14, v11  }
.Ltmp14:
0x46e: {  	v12 =	vld [tilespmem:s20+$0xFFFFFFEF];
	v20 =	vmax.f32 v20, v22;
	(pc) =	sbr.rel @p0 .LBB2_27-.Ltmp14, $4  }
0x46f: {  	v13 =	vld [tilespmem:s20+$0x0];
	v21 =	vmax.f32 v21, v23  }
0x470: {  	s18 =	simm.s32 $0x18840;
	s17 =	simm.s32 $0x198C0;
	v11 =	vld [tilespmem:s20+$0x11];
	v1 =	vmax.f32 v1, v24  }
0x471: {  	v4 =	vmax.f32 v4, v25;
	v22 =	vld [tilespmem:s20+$0x22]  }
0x472: {  	v23 =	vld [tilespmem:s20+$0xFFFFFFBC];
	v5 =	vmax.f32 v5, v26;
	s20 =	sadd.s32 $0x88, s20  }
0x473: {  	[tilespmem:s18+$0xFFFFFFC0] =	vst v2  }
0x474: {  	[tilespmem:s17+$0xFFFFFFC0] =	vst v2  }
0x475: {  	[tilespmem:s18+$0xFFFFFFD0] =	vst v2  }
0x476: {  	[tilespmem:s17+$0xFFFFFFD0] =	vst v2  }
0x477: {  	[tilespmem:s18+$0xFFFFFFE0] =	vst v2  }
0x478: {  	[tilespmem:s17+$0xFFFFFFE0] =	vst v2  }
0x479: {  	[tilespmem:s18+$0xFFFFFFF0] =	vst v2  }
0x47a: {  	[tilespmem:s17+$0xFFFFFFF0] =	vst v2  }
0x47b: {  	[tilespmem:s18+$0x0] =	vst v2  }
0x47c: {  	[tilespmem:s17+$0x0] =	vst v2  }
0x47d: {  	[tilespmem:s18+$0x10] =	vst v2  }
0x47e: {  	[tilespmem:s17+$0x10] =	vst v2  }
0x47f: {  	[tilespmem:s18+$0x20] =	vst v2  }
0x480: {  	v12 =	vmax.f32 v6, v12;
	v6 =	vmax.f32 v7, v13;
	[tilespmem:s17+$0x20] =	vst v2  }
0x481: {  	s19 =	simm.s32 $0x0;
	v7 =	vmax.f32 v14, v11;
	v11 =	vmax.f32 v20, v22;
	v13 =	vmax.f32 v21, v23;
	[tilespmem:s18+$0x30] =	vst v2  }
.LBB2_29:
0x482: {  	s19 =	sadd.s32 $0x8, s19;
	[tilespmem:s17+$0x30] =	vst v2;
	s18 =	sadd.s32 $0x80, s18;
	s17 =	sadd.s32 $0x80, s17  }
0x483: {  	[tilespmem:s18+$0xFFFFFFC0] =	vst v2;
	p0 =	slt.u32 s19, $0x100  }
0x484: {  	[tilespmem:s17+$0xFFFFFFC0] =	vst v2  }
0x485: {  	[tilespmem:s18+$0xFFFFFFD0] =	vst v2  }
0x486: {  	[tilespmem:s17+$0xFFFFFFD0] =	vst v2  }
0x487: {  	[tilespmem:s18+$0xFFFFFFE0] =	vst v2  }
0x488: {  	[tilespmem:s17+$0xFFFFFFE0] =	vst v2  }
0x489: {  	[tilespmem:s18+$0xFFFFFFF0] =	vst v2  }
0x48a: {  	[tilespmem:s17+$0xFFFFFFF0] =	vst v2  }
0x48b: {  	[tilespmem:s18+$0x0] =	vst v2  }
0x48c: {  	[tilespmem:s17+$0x0] =	vst v2  }
.Ltmp15:
0x48d: {  	[tilespmem:s18+$0x10] =	vst v2;
	(pc) =	sbr.rel @p0 .LBB2_29-.Ltmp15, $4  }
0x48e: {  	[tilespmem:s17+$0x10] =	vst v2  }
0x48f: {  	[tilespmem:s18+$0x20] =	vst v2  }
0x490: {  	[tilespmem:s17+$0x20] =	vst v2  }
0x491: {  	[tilespmem:s18+$0x30] =	vst v2  }
0x492: {  	v4 =	vmax.f32 v13, v4  }
0x493: {  	[tilespmem:s17+$0x30] =	vst v2;
	s23 =	simm.s32 $0x10044;
	v4 =	vmax.f32 v4, v5  }
0x494: {  	v5 =	vld [tilespmem:s23+$0xFFFFFFBC];
	v4 =	vmax.f32 v4, v12  }
0x495: {  	v4 =	vmax.f32 v4, v6  }
0x496: {  	v4 =	vmax.f32 v4, v7  }
0x497: {  	v4 =	vmax.f32 v4, v11  }
0x498: {  	v32 =	vmax.f32 v4, v1  }
0x499: {  	v1 =	vsub.f32 v32, v5;
	_ =	sdelay $0x1  }
0x49a: {  	v1 =	vmul.f32 $2.560000000e+02, v1;
	_ =	sdelay $0x1  }
0x49b: {  	v6 =	vlaneseq.u32;
	v4 =	vtrunc.f32 v1  }
0x49c: {  	v33 =	vmul.u32 $0x101, v6;
	v4 =	vcvt.f32.s32 v4  }
0x49d: {  	vm1 =	vlt.f32 v1, $2.560000000e+02  }
0x49e: {  	v1 =	vadd.s32 v33, v4;
	_ =	sdelay $0x3  }
0x49f: {  	v34 =	vimm.f32 $1.000000000e+00  }
0x4a0: {  	[tilespmem:v1+s11+$0x0] =	vst.idx.add.f32.msk vm1, v34  }
0x4a1: {  	[tilespmem:v1+s12+$0x0] =	vst.idx.add.f32.msk vm1, v5  }
0x4a2: {  	v1 =	vld [tilespmem:s23+$0xFFFFFFCD];
	_ =	sdelay $0x1  }
0x4a3: {  	s17 =	simm.s32 $0x100CC  }
0x4a4: {  	v4 =	vld [tilespmem:s17+$0xFFFFFFBC];
	_ =	sdelay $0x1  }
0x4a5: {  	v5 =	vsub.f32 v32, v1;
	_ =	sdelay $0x1  }
0x4a6: {  	v5 =	vmul.f32 $2.560000000e+02, v5  }
0x4a7: {  	v6 =	vsub.f32 v32, v4  }
0x4a8: {  	v7 =	vtrunc.f32 v5  }
0x4a9: {  	v6 =	vmul.f32 $2.560000000e+02, v6;
	v7 =	vcvt.f32.s32 v7  }
0x4aa: {  	vm1 =	vlt.f32 v5, $2.560000000e+02  }
0x4ab: {  	v5 =	vtrunc.f32 v6;
	v7 =	vadd.s32 v33, v7  }
0x4ac: {  	v5 =	vcvt.f32.s32 v5  }
0x4ad: {  	vm2 =	vlt.f32 v6, $2.560000000e+02  }
0x4ae: {  	v5 =	vadd.s32 v33, v5;
	_ =	sdelay $0x1  }
0x4af: {  	[tilespmem:v7+s11+$0x0] =	vst.idx.add.f32.msk vm1, v34  }
0x4b0: {  	[tilespmem:v7+s12+$0x0] =	vst.idx.add.f32.msk vm1, v1  }
0x4b1: {  	v1 =	vld [tilespmem:s23+$0xFFFFFFDE]  }
0x4b2: {  	[tilespmem:v5+s11+$0x0] =	vst.idx.add.f32.msk vm2, v34  }
0x4b3: {  	[tilespmem:v5+s12+$0x0] =	vst.idx.add.f32.msk vm2, v4  }
0x4b4: {  	v4 =	vld [tilespmem:s17+$0xFFFFFFCD];
	_ =	sdelay $0x1  }
0x4b5: {  	v5 =	vsub.f32 v32, v1  }
0x4b6: {  	s18 =	simm.s32 $0x10154  }
0x4b7: {  	v6 =	vld [tilespmem:s18+$0xFFFFFFBC];
	v5 =	vmul.f32 $2.560000000e+02, v5  }
0x4b8: {  	v7 =	vsub.f32 v32, v4  }
0x4b9: {  	v11 =	vtrunc.f32 v5  }
0x4ba: {  	v7 =	vmul.f32 $2.560000000e+02, v7;
	v11 =	vcvt.f32.s32 v11  }
0x4bb: {  	vm1 =	vlt.f32 v5, $2.560000000e+02  }
0x4bc: {  	v12 =	vsub.f32 v32, v6;
	v5 =	vtrunc.f32 v7;
	v11 =	vadd.s32 v33, v11  }
0x4bd: {  	v5 =	vcvt.f32.s32 v5  }
0x4be: {  	v12 =	vmul.f32 $2.560000000e+02, v12;
	vm2 =	vlt.f32 v7, $2.560000000e+02  }
0x4bf: {  	v5 =	vadd.s32 v33, v5  }
0x4c0: {  	v7 =	vtrunc.f32 v12  }
0x4c1: {  	v7 =	vcvt.f32.s32 v7;
	[tilespmem:v11+s11+$0x0] =	vst.idx.add.f32.msk vm1, v34  }
0x4c2: {  	vm3 =	vlt.f32 v12, $2.560000000e+02;
	[tilespmem:v11+s12+$0x0] =	vst.idx.add.f32.msk vm1, v1  }
0x4c3: {  	v7 =	vadd.s32 v33, v7;
	v1 =	vld [tilespmem:s23+$0xFFFFFFEF]  }
0x4c4: {  	[tilespmem:v5+s11+$0x0] =	vst.idx.add.f32.msk vm2, v34  }
0x4c5: {  	[tilespmem:v5+s12+$0x0] =	vst.idx.add.f32.msk vm2, v4  }
0x4c6: {  	v4 =	vld [tilespmem:s17+$0xFFFFFFDE];
	_ =	sdelay $0x1  }
0x4c7: {  	[tilespmem:v7+s11+$0x0] =	vst.idx.add.f32.msk vm3, v34;
	v5 =	vsub.f32 v32, v1  }
0x4c8: {  	[tilespmem:v7+s12+$0x0] =	vst.idx.add.f32.msk vm3, v6  }
0x4c9: {  	v6 =	vld [tilespmem:s18+$0xFFFFFFCD];
	v5 =	vmul.f32 $2.560000000e+02, v5  }
0x4ca: {  	v7 =	vsub.f32 v32, v4  }
0x4cb: {  	v11 =	vtrunc.f32 v5  }
0x4cc: {  	s19 =	simm.s32 $0x101DC;
	v7 =	vmul.f32 $2.560000000e+02, v7;
	v11 =	vcvt.f32.s32 v11  }
0x4cd: {  	v12 =	vld [tilespmem:s19+$0xFFFFFFBC];
	vm1 =	vlt.f32 v5, $2.560000000e+02  }
0x4ce: {  	v13 =	vsub.f32 v32, v6;
	v5 =	vadd.s32 v33, v11;
	v11 =	vtrunc.f32 v7  }
0x4cf: {  	v11 =	vcvt.f32.s32 v11  }
0x4d0: {  	v13 =	vmul.f32 $2.560000000e+02, v13;
	vm2 =	vlt.f32 v7, $2.560000000e+02  }
0x4d1: {  	v11 =	vadd.s32 v33, v11  }
0x4d2: {  	v14 =	vsub.f32 v32, v12;
	v7 =	vtrunc.f32 v13  }
0x4d3: {  	v7 =	vcvt.f32.s32 v7;
	[tilespmem:v5+s11+$0x0] =	vst.idx.add.f32.msk vm1, v34  }
0x4d4: {  	vm3 =	vlt.f32 v13, $2.560000000e+02;
	v13 =	vmul.f32 $2.560000000e+02, v14;
	[tilespmem:v5+s12+$0x0] =	vst.idx.add.f32.msk vm1, v1  }
0x4d5: {  	v7 =	vadd.s32 v33, v7;
	v1 =	vld [tilespmem:s23+$0x0]  }
0x4d6: {  	v5 =	vtrunc.f32 v13;
	[tilespmem:v11+s11+$0x0] =	vst.idx.add.f32.msk vm2, v34  }
0x4d7: {  	v5 =	vcvt.f32.s32 v5;
	[tilespmem:v11+s12+$0x0] =	vst.idx.add.f32.msk vm2, v4  }
0x4d8: {  	vm1 =	vlt.f32 v13, $2.560000000e+02;
	v4 =	vld [tilespmem:s17+$0xFFFFFFEF]  }
0x4d9: {  	v5 =	vadd.s32 v33, v5  }
0x4da: {  	[tilespmem:v7+s11+$0x0] =	vst.idx.add.f32.msk vm3, v34;
	v11 =	vsub.f32 v32, v1  }
0x4db: {  	[tilespmem:v7+s12+$0x0] =	vst.idx.add.f32.msk vm3, v6  }
0x4dc: {  	v6 =	vld [tilespmem:s18+$0xFFFFFFDE];
	v7 =	vmul.f32 $2.560000000e+02, v11  }
0x4dd: {  	v11 =	vsub.f32 v32, v4  }
0x4de: {  	[tilespmem:v5+s11+$0x0] =	vst.idx.add.f32.msk vm1, v34;
	v13 =	vtrunc.f32 v7  }
0x4df: {  	[tilespmem:v5+s12+$0x0] =	vst.idx.add.f32.msk vm1, v12;
	v5 =	vcvt.f32.s32 v13;
	v11 =	vmul.f32 $2.560000000e+02, v11  }
0x4e0: {  	v12 =	vld [tilespmem:s19+$0xFFFFFFCD];
	vm1 =	vlt.f32 v7, $2.560000000e+02  }
0x4e1: {  	v7 =	vsub.f32 v32, v6;
	v5 =	vadd.s32 v33, v5;
	v13 =	vtrunc.f32 v11  }
0x4e2: {  	v13 =	vcvt.f32.s32 v13  }
0x4e3: {  	v7 =	vmul.f32 $2.560000000e+02, v7;
	vm2 =	vlt.f32 v11, $2.560000000e+02  }
0x4e4: {  	s20 =	simm.s32 $0x10264;
	v11 =	vadd.s32 v33, v13  }
0x4e5: {  	v14 =	vld [tilespmem:s20+$0xFFFFFFBC];
	v20 =	vsub.f32 v32, v12;
	v13 =	vtrunc.f32 v7  }
0x4e6: {  	v13 =	vcvt.f32.s32 v13;
	[tilespmem:v5+s11+$0x0] =	vst.idx.add.f32.msk vm1, v34  }
0x4e7: {  	vm3 =	vlt.f32 v7, $2.560000000e+02;
	v7 =	vmul.f32 $2.560000000e+02, v20;
	[tilespmem:v5+s12+$0x0] =	vst.idx.add.f32.msk vm1, v1  }
0x4e8: {  	v1 =	vadd.s32 v33, v13;
	v5 =	vld [tilespmem:s23+$0x11]  }
0x4e9: {  	v13 =	vtrunc.f32 v7;
	[tilespmem:v11+s11+$0x0] =	vst.idx.add.f32.msk vm2, v34  }
0x4ea: {  	v20 =	vsub.f32 v32, v14;
	v13 =	vcvt.f32.s32 v13;
	[tilespmem:v11+s12+$0x0] =	vst.idx.add.f32.msk vm2, v4  }
0x4eb: {  	vm1 =	vlt.f32 v7, $2.560000000e+02;
	v4 =	vld [tilespmem:s17+$0x0]  }
0x4ec: {  	v7 =	vmul.f32 $2.560000000e+02, v20;
	v11 =	vadd.s32 v33, v13  }
0x4ed: {  	[tilespmem:v1+s11+$0x0] =	vst.idx.add.f32.msk vm3, v34;
	v13 =	vsub.f32 v32, v5  }
0x4ee: {  	[tilespmem:v1+s12+$0x0] =	vst.idx.add.f32.msk vm3, v6;
	v1 =	vtrunc.f32 v7  }
0x4ef: {  	v6 =	vld [tilespmem:s18+$0xFFFFFFEF];
	v1 =	vcvt.f32.s32 v1;
	v13 =	vmul.f32 $2.560000000e+02, v13  }
0x4f0: {  	vm2 =	vlt.f32 v7, $2.560000000e+02;
	v7 =	vsub.f32 v32, v4  }
0x4f1: {  	[tilespmem:v11+s11+$0x0] =	vst.idx.add.f32.msk vm1, v34;
	v1 =	vadd.s32 v33, v1;
	v20 =	vtrunc.f32 v13  }
0x4f2: {  	[tilespmem:v11+s12+$0x0] =	vst.idx.add.f32.msk vm1, v12;
	v20 =	vcvt.f32.s32 v20;
	v7 =	vmul.f32 $2.560000000e+02, v7  }
0x4f3: {  	vm1 =	vlt.f32 v13, $2.560000000e+02;
	v11 =	vld [tilespmem:s19+$0xFFFFFFDE]  }
0x4f4: {  	s21 =	simm.s32 $0x102EC;
	v12 =	vsub.f32 v32, v6;
	v13 =	vadd.s32 v33, v20;
	v20 =	vtrunc.f32 v7  }
0x4f5: {  	v21 =	vld [tilespmem:s21+$0xFFFFFFBC];
	v20 =	vcvt.f32.s32 v20  }
0x4f6: {  	vm3 =	vlt.f32 v7, $2.560000000e+02;
	v12 =	vmul.f32 $2.560000000e+02, v12;
	[tilespmem:v1+s11+$0x0] =	vst.idx.add.f32.msk vm2, v34  }
0x4f7: {  	[tilespmem:v1+s12+$0x0] =	vst.idx.add.f32.msk vm2, v14;
	v1 =	vadd.s32 v33, v20  }
0x4f8: {  	v7 =	vtrunc.f32 v12;
	v14 =	vld [tilespmem:s20+$0xFFFFFFCD];
	v20 =	vsub.f32 v32, v11  }
0x4f9: {  	v7 =	vcvt.f32.s32 v7;
	[tilespmem:v13+s11+$0x0] =	vst.idx.add.f32.msk vm1, v34  }
0x4fa: {  	vm2 =	vlt.f32 v12, $2.560000000e+02;
	[tilespmem:v13+s12+$0x0] =	vst.idx.add.f32.msk vm1, v5;
	v5 =	vmul.f32 $2.560000000e+02, v20  }
0x4fb: {  	v12 =	vsub.f32 v32, v21;
	v7 =	vadd.s32 v33, v7;
	v13 =	vld [tilespmem:s23+$0x22]  }
0x4fc: {  	[tilespmem:v1+s11+$0x0] =	vst.idx.add.f32.msk vm3, v34;
	v20 =	vtrunc.f32 v5  }
0x4fd: {  	v12 =	vmul.f32 $2.560000000e+02, v12;
	v22 =	vsub.f32 v32, v14;
	[tilespmem:v1+s12+$0x0] =	vst.idx.add.f32.msk vm3, v4;
	v1 =	vcvt.f32.s32 v20  }
0x4fe: {  	vm1 =	vlt.f32 v5, $2.560000000e+02;
	v4 =	vld [tilespmem:s17+$0x11]  }
0x4ff: {  	v20 =	vtrunc.f32 v12;
	v5 =	vmul.f32 $2.560000000e+02, v22;
	v1 =	vadd.s32 v33, v1  }
0x500: {  	v20 =	vcvt.f32.s32 v20;
	[tilespmem:v7+s11+$0x0] =	vst.idx.add.f32.msk vm2, v34  }
0x501: {  	[tilespmem:v7+s12+$0x0] =	vst.idx.add.f32.msk vm2, v6;
	v6 =	vtrunc.f32 v5;
	vm2 =	vlt.f32 v12, $2.560000000e+02;
	v7 =	vsub.f32 v32, v13  }
0x502: {  	s22 =	simm.s32 $0x10374;
	v20 =	vadd.s32 v33, v20;
	v12 =	vld [tilespmem:s18+$0x0];
	v6 =	vcvt.f32.s32 v6  }
0x503: {  	v22 =	vld [tilespmem:s22+$0xFFFFFFBC];
	vm3 =	vlt.f32 v5, $2.560000000e+02;
	v5 =	vmul.f32 $2.560000000e+02, v7;
	v7 =	vsub.f32 v32, v4  }
0x504: {  	v6 =	vadd.s32 v33, v6;
	[tilespmem:v1+s11+$0x0] =	vst.idx.add.f32.msk vm1, v34  }
0x505: {  	v23 =	vtrunc.f32 v5;
	v7 =	vmul.f32 $2.560000000e+02, v7;
	[tilespmem:v1+s12+$0x0] =	vst.idx.add.f32.msk vm1, v11  }
0x506: {  	v1 =	vcvt.f32.s32 v23;
	v11 =	vld [tilespmem:s19+$0xFFFFFFEF]  }
0x507: {  	vm1 =	vlt.f32 v5, $2.560000000e+02;
	v23 =	vsub.f32 v32, v12;
	[tilespmem:v20+s11+$0x0] =	vst.idx.add.f32.msk vm2, v34;
	v24 =	vtrunc.f32 v7  }
0x508: {  	[tilespmem:v20+s12+$0x0] =	vst.idx.add.f32.msk vm2, v21;
	v1 =	vadd.s32 v33, v1;
	v5 =	vcvt.f32.s32 v24  }
0x509: {  	vm2 =	vlt.f32 v7, $2.560000000e+02;
	v20 =	vmul.f32 $2.560000000e+02, v23;
	[tilespmem:v6+s11+$0x0] =	vst.idx.add.f32.msk vm3, v34  }
0x50a: {  	[tilespmem:v6+s12+$0x0] =	vst.idx.add.f32.msk vm3, v14;
	v5 =	vadd.s32 v33, v5  }
0x50b: {  	v6 =	vtrunc.f32 v20;
	v7 =	vld [tilespmem:s20+$0xFFFFFFDE];
	v14 =	vsub.f32 v32, v11  }
0x50c: {  	v21 =	vld [tilespmem:s21+$0xFFFFFFCD];
	v6 =	vcvt.f32.s32 v6  }
0x50d: {  	vm3 =	vlt.f32 v20, $2.560000000e+02;
	[tilespmem:v1+s11+$0x0] =	vst.idx.add.f32.msk vm1, v34;
	v14 =	vmul.f32 $2.560000000e+02, v14  }
0x50e: {  	v6 =	vadd.s32 v33, v6;
	[tilespmem:v1+s12+$0x0] =	vst.idx.add.f32.msk vm1, v13;
	v1 =	vsub.f32 v32, v22  }
0x50f: {  	[tilespmem:v5+s11+$0x0] =	vst.idx.add.f32.msk vm2, v34;
	v13 =	vtrunc.f32 v14  }
0x510: {  	v1 =	vmul.f32 $2.560000000e+02, v1;
	[tilespmem:v5+s12+$0x0] =	vst.idx.add.f32.msk vm2, v4;
	v4 =	vsub.f32 v32, v7;
	v5 =	vcvt.f32.s32 v13  }
0x511: {  	vm1 =	vlt.f32 v14, $2.560000000e+02  }
0x512: {  	v13 =	vld [tilespmem:s17+$0x22];
	v14 =	vtrunc.f32 v1;
	v4 =	vmul.f32 $2.560000000e+02, v4;
	v20 =	vadd.s32 v33, v5  }
0x513: {  	[tilespmem:v6+s11+$0x0] =	vst.idx.add.f32.msk vm3, v34;
	v14 =	vcvt.f32.s32 v14  }
0x514: {  	vm2 =	vlt.f32 v1, $2.560000000e+02;
	v5 =	vsub.f32 v32, v21;
	[tilespmem:v6+s12+$0x0] =	vst.idx.add.f32.msk vm3, v12;
	v1 =	vtrunc.f32 v4  }
0x515: {  	v23 =	vld [tilespmem:s18+$0x11];
	v14 =	vadd.s32 v33, v14;
	v1 =	vcvt.f32.s32 v1  }
0x516: {  	v12 =	vld [tilespmem:s23+$0x33];
	v6 =	vmul.f32 $2.560000000e+02, v5;
	vm3 =	vlt.f32 v4, $2.560000000e+02  }
0x517: {  	v1 =	vadd.s32 v33, v1;
	[tilespmem:v20+s11+$0x0] =	vst.idx.add.f32.msk vm1, v34  }
0x518: {  	v4 =	vtrunc.f32 v6;
	[tilespmem:v20+s12+$0x0] =	vst.idx.add.f32.msk vm1, v11;
	vm1 =	vlt.f32 v6, $2.560000000e+02;
	v6 =	vsub.f32 v32, v13  }
0x519: {  	v4 =	vcvt.f32.s32 v4;
	v46 =	vld [tilespmem:s19+$0x0]  }
0x51a: {  	[tilespmem:v14+s11+$0x0] =	vst.idx.add.f32.msk vm2, v34;
	v11 =	vsub.f32 v32, v23;
	v6 =	vmul.f32 $2.560000000e+02, v6  }
0x51b: {  	v4 =	vadd.s32 v33, v4;
	[tilespmem:v14+s12+$0x0] =	vst.idx.add.f32.msk vm2, v22  }
0x51c: {  	v14 =	vsub.f32 v32, v12;
	v11 =	vmul.f32 $2.560000000e+02, v11;
	[tilespmem:v1+s11+$0x0] =	vst.idx.add.f32.msk vm3, v34;
	v20 =	vtrunc.f32 v6  }
0x51d: {  	[tilespmem:v1+s12+$0x0] =	vst.idx.add.f32.msk vm3, v7;
	v1 =	vcvt.f32.s32 v20  }
0x51e: {  	v7 =	vmul.f32 $2.560000000e+02, v14;
	v14 =	vtrunc.f32 v11;
	vm3 =	vlt.f32 v6, $2.560000000e+02;
	v6 =	vld [tilespmem:s22+$0xFFFFFFCD]  }
0x51f: {  	v47 =	vld [tilespmem:s20+$0xFFFFFFEF];
	v20 =	vsub.f32 v32, v46;
	v22 =	vadd.s32 v33, v1;
	v1 =	vcvt.f32.s32 v14  }
0x520: {  	vm4 =	vlt.f32 v11, $2.560000000e+02;
	[tilespmem:v4+s11+$0x0] =	vst.idx.add.f32.msk vm1, v34;
	v14 =	vtrunc.f32 v7  }
0x521: {  	s24 =	simm.s32 $0x103FC;
	[tilespmem:v4+s12+$0x0] =	vst.idx.add.f32.msk vm1, v21;
	v11 =	vmul.f32 $2.560000000e+02, v20;
	v4 =	vcvt.f32.s32 v14;
	v14 =	vadd.s32 v33, v1  }
0x522: {  	v5 =	vld [tilespmem:s24+$0xFFFFFFBC];
	vm1 =	vlt.f32 v7, $2.560000000e+02  }
0x523: {  	v38 =	vimm.f32 $1.000000000e+00;
	v1 =	vld [tilespmem:s21+$0xFFFFFFDE];
	v7 =	vtrunc.f32 v11;
	v45 =	vadd.s32 v33, v4  }
0x524: {  	v39 =	vimm.f32 $1.000000000e+00;
	v4 =	vsub.f32 v32, v47;
	v20 =	vcvt.f32.s32 v7;
	[tilespmem:v22+s11+$0x0] =	vst.idx.add.f32.msk vm3, v34  }
0x525: {  	v35 =	vimm.f32 $1.000000000e+00;
	v36 =	vimm.f32 $1.000000000e+00;
	v40 =	vmovc v33;
	v37 =	vmovc v33;
	vm2 =	vlt.f32 v11, $2.560000000e+02;
	[tilespmem:v22+s12+$0x0] =	vst.idx.add.f32.msk vm3, v13  }
0x526: {  	v21 =	vsub.f32 v32, v6;
	v7 =	vmul.f32 $2.560000000e+02, v4;
	v4 =	vadd.s32 v33, v20;
	[tilespmem:v14+s11+$0x0] =	vst.idx.add.f32.msk vm4, v34  }
0x527: {  	v41 =	vimm.f32 $1.000000000e+00;
	v43 =	vmovc v33;
	v42 =	vmovc v33;
	v44 =	vmov v33;
	v11 =	vsub.f32 v32, v5;
	[tilespmem:v14+s12+$0x0] =	vst.idx.add.f32.msk vm4, v23  }
0x528: {  	s25 =	simm.s32 $0x3B8;
	s23 =	simm.s32 $0x103FC;
	v20 =	vmul.f32 $2.560000000e+02, v21;
	v13 =	vmovc v33;
	v21 =	vsub.f32 v32, v1;
	v14 =	vtrunc.f32 v7;
	[tilespmem:v45+s11+$0x0] =	vst.idx.add.f32.msk vm1, v34  }
.LBB2_31:
0x529: {  	s25 =	sadd.s32 $0x88, s25;
	v11 =	vmul.f32 $2.560000000e+02, v11;
	v14 =	vcvt.f32.s32 v14;
	[tilespmem:v45+s12+$0x0] =	vst.idx.add.f32.msk vm1, v12;
	v22 =	vmovc v38;
	v38 =	vmov v39  }
0x52a: {  	vm1 =	vlt.f32 v7, $2.560000000e+02;
	v39 =	vmovc v35;
	v35 =	vmovc v36;
	p0 =	slt.u32 s25, $0x8778;
	v12 =	vtrunc.f32 v20;
	v21 =	vmul.f32 $2.560000000e+02, v21;
	v7 =	vld [tilespmem:s18+$0x22]  }
0x52b: {  	v36 =	vmov v34;
	v23 =	vtrunc.f32 v11;
	v14 =	vadd.s32 v13, v14;
	[tilespmem:v4+s11+$0x0] =	vst.idx.add.f32.msk vm2, v38  }
0x52c: {  	v24 =	vcvt.f32.s32 v12;
	v23 =	vcvt.f32.s32 v23;
	[tilespmem:v4+s12+$0x0] =	vst.idx.add.f32.msk vm2, v46  }
0x52d: {  	vm3 =	vlt.f32 v11, $2.560000000e+02;
	v4 =	vtrunc.f32 v21;
	v25 =	vld [tilespmem:s19+$0x11]  }
0x52e: {  	s24 =	sadd.s32 $0x88, s24;
	vm2 =	vlt.f32 v20, $2.560000000e+02;
	v4 =	vcvt.f32.s32 v4;
	v11 =	vadd.s32 v33, v23;
	v12 =	vld [tilespmem:s17+$0x33];
	s17 =	smov.u32 s18;
	s18 =	smov.u32 s19  }
0x52f: {  	vm4 =	vlt.f32 v21, $2.560000000e+02;
	s19 =	smov.u32 s20;
	s20 =	smov.u32 s21;
	s21 =	smov.u32 s22;
	v20 =	vld [tilespmem:s24+$0xFFFFFFBC];
	v21 =	vsub.f32 v32, v7  }
0x530: {  	s22 =	smov.u32 s23;
	s23 =	smov.u32 s24;
	v4 =	vadd.s32 v40, v4;
	[tilespmem:v14+s11+$0x0] =	vst.idx.add.f32.msk vm1, v39  }
0x531: {  	v23 =	vadd.s32 v37, v24;
	[tilespmem:v14+s12+$0x0] =	vst.idx.add.f32.msk vm1, v47;
	v14 =	vmul.f32 $2.560000000e+02, v21  }
0x532: {  	v46 =	vld [tilespmem:s19+$0x0];
	v21 =	vsub.f32 v32, v25  }
0x533: {  	[tilespmem:v11+s11+$0x0] =	vst.idx.add.f32.msk vm3, v34;
	v24 =	vtrunc.f32 v14;
	v26 =	vsub.f32 v32, v12  }
0x534: {  	[tilespmem:v11+s12+$0x0] =	vst.idx.add.f32.msk vm3, v5;
	v11 =	vmul.f32 $2.560000000e+02, v21;
	v21 =	vcvt.f32.s32 v24;
	v5 =	vmov v20  }
0x535: {  	[tilespmem:v4+s11+$0x0] =	vst.idx.add.f32.msk vm4, v35;
	v20 =	vmul.f32 $2.560000000e+02, v26  }
0x536: {  	vm3 =	vlt.f32 v14, $2.560000000e+02;
	[tilespmem:v4+s12+$0x0] =	vst.idx.add.f32.msk vm4, v1;
	v1 =	vtrunc.f32 v11;
	v4 =	vadd.s32 v43, v21  }
0x537: {  	v47 =	vld [tilespmem:s20+$0xFFFFFFEF];
	v14 =	vsub.f32 v32, v46;
	v1 =	vcvt.f32.s32 v1;
	v21 =	vtrunc.f32 v20  }
0x538: {  	vm4 =	vlt.f32 v11, $2.560000000e+02;
	[tilespmem:v23+s11+$0x0] =	vst.idx.add.f32.msk vm2, v36;
	v11 =	vcvt.f32.s32 v21  }
0x539: {  	vm1 =	vlt.f32 v20, $2.560000000e+02;
	v21 =	vld [tilespmem:s22+$0xFFFFFFCD];
	v14 =	vmul.f32 $2.560000000e+02, v14;
	v24 =	vadd.s32 v42, v1  }
0x53a: {  	[tilespmem:v23+s12+$0x0] =	vst.idx.add.f32.msk vm2, v6;
	v45 =	vadd.s32 v44, v11;
	v44 =	vmovc v43;
	v43 =	vmov v42;
	v42 =	vmov v13  }
0x53b: {  	v13 =	vmovc v40;
	v40 =	vmov v37;
	v37 =	vmov v33;
	v1 =	vld [tilespmem:s21+$0xFFFFFFDE];
	v6 =	vtrunc.f32 v14  }
.Ltmp16:
0x53c: {  	v11 =	vsub.f32 v32, v47;
	v20 =	vcvt.f32.s32 v6;
	[tilespmem:v4+s11+$0x0] =	vst.idx.add.f32.msk vm3, v22;
	(pc) =	sbr.rel @p0 .LBB2_31-.Ltmp16, $4  }
0x53d: {  	vm2 =	vlt.f32 v14, $2.560000000e+02;
	[tilespmem:v4+s12+$0x0] =	vst.idx.add.f32.msk vm3, v7  }
0x53e: {  	v14 =	vsub.f32 v32, v21;
	v7 =	vmul.f32 $2.560000000e+02, v11;
	v4 =	vadd.s32 v42, v20;
	[tilespmem:v24+s11+$0x0] =	vst.idx.add.f32.msk vm4, v38  }
0x53f: {  	v11 =	vsub.f32 v32, v5;
	v6 =	vmov v21;
	[tilespmem:v24+s12+$0x0] =	vst.idx.add.f32.msk vm4, v25  }
0x540: {  	v20 =	vmul.f32 $2.560000000e+02, v14;
	v21 =	vsub.f32 v32, v1;
	v14 =	vtrunc.f32 v7;
	[tilespmem:v45+s11+$0x0] =	vst.idx.add.f32.msk vm1, v41;
	v41 =	vmovc v22  }
0x541: {  	v11 =	vmul.f32 $2.560000000e+02, v11;
	_ =	sdelay $0x1  }
0x542: {  	v22 =	vtrunc.f32 v11  }
0x543: {  	v22 =	vcvt.f32.s32 v22  }
0x544: {  	vm3 =	vlt.f32 v11, $2.560000000e+02  }
0x545: {  	v22 =	vadd.s32 v33, v22;
	_ =	sdelay $0x3  }
0x546: {  	v11 =	vimm.f32 $1.000000000e+00  }
0x547: {  	[tilespmem:v22+s11+$0x0] =	vst.idx.add.f32.msk vm3, v11  }
0x548: {  	[tilespmem:v22+s12+$0x0] =	vst.idx.add.f32.msk vm3, v5  }
0x549: {  	v5 =	vld [tilespmem:s23+$0xFFFFFFCD];
	_ =	sdelay $0x4  }
0x54a: {  	v22 =	vsub.f32 v32, v5  }
0x54b: {  	v23 =	vtrunc.f32 v20  }
0x54c: {  	v23 =	vcvt.f32.s32 v23;
	v22 =	vmul.f32 $2.560000000e+02, v22  }
0x54d: {  	vm3 =	vlt.f32 v20, $2.560000000e+02  }
0x54e: {  	v20 =	vadd.s32 v37, v23;
	v23 =	vtrunc.f32 v22  }
0x54f: {  	v23 =	vcvt.f32.s32 v23  }
0x550: {  	vm4 =	vlt.f32 v22, $2.560000000e+02  }
0x551: {  	v22 =	vadd.s32 v33, v23;
	_ =	sdelay $0x1  }
0x552: {  	[tilespmem:v20+s11+$0x0] =	vst.idx.add.f32.msk vm3, v34  }
0x553: {  	[tilespmem:v20+s12+$0x0] =	vst.idx.add.f32.msk vm3, v6  }
0x554: {  	v6 =	vld [tilespmem:s22+$0xFFFFFFDE]  }
0x555: {  	[tilespmem:v22+s11+$0x0] =	vst.idx.add.f32.msk vm4, v11  }
0x556: {  	[tilespmem:v22+s12+$0x0] =	vst.idx.add.f32.msk vm4, v5  }
0x557: {  	v5 =	vld [tilespmem:s23+$0xFFFFFFDE]  }
0x558: {  	v20 =	vmul.f32 $2.560000000e+02, v21  }
0x559: {  	v21 =	vsub.f32 v32, v6  }
0x55a: {  	v22 =	vtrunc.f32 v20  }
0x55b: {  	v21 =	vmul.f32 $2.560000000e+02, v21;
	v22 =	vcvt.f32.s32 v22  }
0x55c: {  	vm3 =	vlt.f32 v20, $2.560000000e+02;
	v20 =	vsub.f32 v32, v5  }
0x55d: {  	v23 =	vtrunc.f32 v21;
	v22 =	vadd.s32 v40, v22  }
0x55e: {  	v23 =	vcvt.f32.s32 v23;
	v20 =	vmul.f32 $2.560000000e+02, v20  }
0x55f: {  	vm15 =	vlt.f32 v21, $2.560000000e+02  }
0x560: {  	v21 =	vadd.s32 v37, v23;
	v23 =	vtrunc.f32 v20  }
0x561: {  	v23 =	vcvt.f32.s32 v23  }
0x562: {  	[tilespmem:v22+s11+$0x0] =	vst.idx.add.f32.msk vm3, v36;
	vm5 =	vlt.f32 v20, $2.560000000e+02  }
0x563: {  	[tilespmem:v22+s12+$0x0] =	vst.idx.add.f32.msk vm3, v1;
	v1 =	vadd.s32 v33, v23  }
0x564: {  	v20 =	vld [tilespmem:s21+$0xFFFFFFEF]  }
0x565: {  	[tilespmem:v21+s11+$0x0] =	vst.idx.add.f32.msk vm15, v34  }
0x566: {  	[tilespmem:v21+s12+$0x0] =	vst.idx.add.f32.msk vm15, v6  }
0x567: {  	v6 =	vld [tilespmem:s22+$0xFFFFFFEF]  }
0x568: {  	[tilespmem:v1+s11+$0x0] =	vst.idx.add.f32.msk vm5, v11  }
0x569: {  	v21 =	vsub.f32 v32, v20;
	[tilespmem:v1+s12+$0x0] =	vst.idx.add.f32.msk vm5, v5  }
0x56a: {  	v1 =	vld [tilespmem:s23+$0xFFFFFFEF]  }
0x56b: {  	v5 =	vcvt.f32.s32 v14;
	v14 =	vmul.f32 $2.560000000e+02, v21  }
0x56c: {  	vm3 =	vlt.f32 v7, $2.560000000e+02;
	v7 =	vsub.f32 v32, v6  }
0x56d: {  	v5 =	vadd.s32 v13, v5;
	v21 =	vtrunc.f32 v14  }
0x56e: {  	v7 =	vmul.f32 $2.560000000e+02, v7;
	v21 =	vcvt.f32.s32 v21  }
0x56f: {  	vm8 =	vlt.f32 v14, $2.560000000e+02;
	v14 =	vsub.f32 v32, v1  }
0x570: {  	v22 =	vtrunc.f32 v7;
	v21 =	vadd.s32 v40, v21  }
0x571: {  	v22 =	vcvt.f32.s32 v22;
	v14 =	vmul.f32 $2.560000000e+02, v14  }
0x572: {  	vm9 =	vlt.f32 v7, $2.560000000e+02;
	[tilespmem:v5+s11+$0x0] =	vst.idx.add.f32.msk vm3, v35  }
0x573: {  	[tilespmem:v5+s12+$0x0] =	vst.idx.add.f32.msk vm3, v47;
	v5 =	vadd.s32 v37, v22;
	v7 =	vtrunc.f32 v14  }
0x574: {  	v22 =	vld [tilespmem:s20+$0x0];
	v7 =	vcvt.f32.s32 v7  }
0x575: {  	[tilespmem:v21+s11+$0x0] =	vst.idx.add.f32.msk vm8, v36;
	vm3 =	vlt.f32 v14, $2.560000000e+02  }
0x576: {  	[tilespmem:v21+s12+$0x0] =	vst.idx.add.f32.msk vm8, v20;
	v7 =	vadd.s32 v33, v7  }
0x577: {  	v14 =	vld [tilespmem:s21+$0x0]  }
0x578: {  	[tilespmem:v5+s11+$0x0] =	vst.idx.add.f32.msk vm9, v34  }
0x579: {  	v20 =	vsub.f32 v32, v22;
	[tilespmem:v5+s12+$0x0] =	vst.idx.add.f32.msk vm9, v6  }
0x57a: {  	v5 =	vld [tilespmem:s22+$0x0]  }
0x57b: {  	v6 =	vmul.f32 $2.560000000e+02, v20;
	[tilespmem:v7+s11+$0x0] =	vst.idx.add.f32.msk vm3, v11  }
0x57c: {  	v20 =	vsub.f32 v32, v14;
	[tilespmem:v7+s12+$0x0] =	vst.idx.add.f32.msk vm3, v1  }
0x57d: {  	v1 =	vtrunc.f32 v6;
	v7 =	vld [tilespmem:s23+$0x0]  }
0x57e: {  	v20 =	vmul.f32 $2.560000000e+02, v20;
	v1 =	vcvt.f32.s32 v1  }
0x57f: {  	vm3 =	vlt.f32 v6, $2.560000000e+02;
	v6 =	vsub.f32 v32, v5  }
0x580: {  	v21 =	vtrunc.f32 v20;
	v1 =	vadd.s32 v13, v1  }
0x581: {  	v21 =	vcvt.f32.s32 v21;
	v6 =	vmul.f32 $2.560000000e+02, v6  }
0x582: {  	[tilespmem:v4+s11+$0x0] =	vst.idx.add.f32.msk vm2, v39;
	vm10 =	vlt.f32 v20, $2.560000000e+02;
	v20 =	vsub.f32 v32, v7  }
0x583: {  	[tilespmem:v4+s12+$0x0] =	vst.idx.add.f32.msk vm2, v46;
	v4 =	vadd.s32 v40, v21;
	v21 =	vtrunc.f32 v6  }
0x584: {  	v23 =	vld [tilespmem:s19+$0x11];
	v21 =	vcvt.f32.s32 v21;
	v20 =	vmul.f32 $2.560000000e+02, v20  }
0x585: {  	vm2 =	vlt.f32 v6, $2.560000000e+02;
	[tilespmem:v1+s11+$0x0] =	vst.idx.add.f32.msk vm3, v35  }
0x586: {  	[tilespmem:v1+s12+$0x0] =	vst.idx.add.f32.msk vm3, v22;
	v1 =	vadd.s32 v37, v21;
	v6 =	vtrunc.f32 v20  }
0x587: {  	v21 =	vld [tilespmem:s20+$0x11];
	v6 =	vcvt.f32.s32 v6  }
0x588: {  	[tilespmem:v4+s11+$0x0] =	vst.idx.add.f32.msk vm10, v36;
	vm3 =	vlt.f32 v20, $2.560000000e+02  }
0x589: {  	v20 =	vsub.f32 v32, v23;
	[tilespmem:v4+s12+$0x0] =	vst.idx.add.f32.msk vm10, v14;
	v4 =	vadd.s32 v33, v6  }
0x58a: {  	v6 =	vld [tilespmem:s21+$0x11]  }
0x58b: {  	v14 =	vmul.f32 $2.560000000e+02, v20;
	[tilespmem:v1+s11+$0x0] =	vst.idx.add.f32.msk vm2, v34  }
0x58c: {  	v20 =	vsub.f32 v32, v21;
	[tilespmem:v1+s12+$0x0] =	vst.idx.add.f32.msk vm2, v5  }
0x58d: {  	v1 =	vtrunc.f32 v14;
	v5 =	vld [tilespmem:s22+$0x11]  }
0x58e: {  	v1 =	vcvt.f32.s32 v1;
	v20 =	vmul.f32 $2.560000000e+02, v20;
	[tilespmem:v4+s11+$0x0] =	vst.idx.add.f32.msk vm3, v11  }
0x58f: {  	vm2 =	vlt.f32 v14, $2.560000000e+02;
	v14 =	vsub.f32 v32, v6;
	[tilespmem:v4+s12+$0x0] =	vst.idx.add.f32.msk vm3, v7  }
0x590: {  	v1 =	vadd.s32 v42, v1;
	v4 =	vtrunc.f32 v20;
	v7 =	vld [tilespmem:s23+$0x11]  }
0x591: {  	v4 =	vcvt.f32.s32 v4;
	v14 =	vmul.f32 $2.560000000e+02, v14  }
0x592: {  	vm3 =	vlt.f32 v20, $2.560000000e+02;
	v20 =	vsub.f32 v32, v5  }
0x593: {  	v4 =	vadd.s32 v13, v4;
	v22 =	vtrunc.f32 v14  }
0x594: {  	v24 =	vld [tilespmem:s18+$0x22];
	v22 =	vcvt.f32.s32 v22;
	v20 =	vmul.f32 $2.560000000e+02, v20  }
0x595: {  	vm11 =	vlt.f32 v14, $2.560000000e+02;
	[tilespmem:v1+s11+$0x0] =	vst.idx.add.f32.msk vm2, v39;
	v14 =	vsub.f32 v32, v7  }
0x596: {  	[tilespmem:v1+s12+$0x0] =	vst.idx.add.f32.msk vm2, v23;
	v1 =	vadd.s32 v40, v22;
	v22 =	vtrunc.f32 v20  }
0x597: {  	v23 =	vld [tilespmem:s19+$0x22];
	v22 =	vcvt.f32.s32 v22;
	v14 =	vmul.f32 $2.560000000e+02, v14  }
0x598: {  	vm2 =	vlt.f32 v20, $2.560000000e+02;
	[tilespmem:v4+s11+$0x0] =	vst.idx.add.f32.msk vm3, v35  }
0x599: {  	v20 =	vsub.f32 v32, v24;
	[tilespmem:v4+s12+$0x0] =	vst.idx.add.f32.msk vm3, v21;
	v4 =	vadd.s32 v37, v22;
	v21 =	vtrunc.f32 v14  }
0x59a: {  	v22 =	vld [tilespmem:s20+$0x22];
	v21 =	vcvt.f32.s32 v21  }
0x59b: {  	v20 =	vmul.f32 $2.560000000e+02, v20;
	vm3 =	vlt.f32 v14, $2.560000000e+02;
	[tilespmem:v1+s11+$0x0] =	vst.idx.add.f32.msk vm11, v36  }
0x59c: {  	v14 =	vsub.f32 v32, v23;
	[tilespmem:v1+s12+$0x0] =	vst.idx.add.f32.msk vm11, v6;
	v1 =	vadd.s32 v33, v21  }
0x59d: {  	v6 =	vtrunc.f32 v20;
	v21 =	vld [tilespmem:s21+$0x22]  }
0x59e: {  	v6 =	vcvt.f32.s32 v6;
	v14 =	vmul.f32 $2.560000000e+02, v14;
	[tilespmem:v4+s11+$0x0] =	vst.idx.add.f32.msk vm2, v34  }
0x59f: {  	vm12 =	vlt.f32 v20, $2.560000000e+02;
	v20 =	vsub.f32 v32, v22;
	[tilespmem:v4+s12+$0x0] =	vst.idx.add.f32.msk vm2, v5  }
0x5a0: {  	v4 =	vadd.s32 v43, v6;
	v5 =	vtrunc.f32 v14;
	v6 =	vld [tilespmem:s22+$0x22]  }
0x5a1: {  	v5 =	vcvt.f32.s32 v5;
	v20 =	vmul.f32 $2.560000000e+02, v20;
	[tilespmem:v1+s11+$0x0] =	vst.idx.add.f32.msk vm3, v11  }
0x5a2: {  	vm2 =	vlt.f32 v14, $2.560000000e+02;
	v14 =	vsub.f32 v32, v21;
	[tilespmem:v1+s12+$0x0] =	vst.idx.add.f32.msk vm3, v7  }
0x5a3: {  	v1 =	vadd.s32 v42, v5;
	v5 =	vtrunc.f32 v20;
	v7 =	vld [tilespmem:s23+$0x22]  }
0x5a4: {  	v25 =	vld [tilespmem:s17+$0x33];
	v5 =	vcvt.f32.s32 v5;
	v14 =	vmul.f32 $2.560000000e+02, v14  }
0x5a5: {  	vm3 =	vlt.f32 v20, $2.560000000e+02;
	[tilespmem:v4+s11+$0x0] =	vst.idx.add.f32.msk vm12, v38;
	v20 =	vsub.f32 v32, v6  }
0x5a6: {  	[tilespmem:v4+s12+$0x0] =	vst.idx.add.f32.msk vm12, v24;
	v4 =	vadd.s32 v13, v5;
	v5 =	vtrunc.f32 v14  }
0x5a7: {  	v24 =	vld [tilespmem:s18+$0x33];
	v5 =	vcvt.f32.s32 v5;
	v20 =	vmul.f32 $2.560000000e+02, v20  }
0x5a8: {  	vm13 =	vlt.f32 v14, $2.560000000e+02;
	[tilespmem:v1+s11+$0x0] =	vst.idx.add.f32.msk vm2, v39;
	v14 =	vsub.f32 v32, v7  }
0x5a9: {  	[tilespmem:v1+s12+$0x0] =	vst.idx.add.f32.msk vm2, v23;
	v1 =	vadd.s32 v40, v5;
	v5 =	vtrunc.f32 v20  }
0x5aa: {  	v23 =	vld [tilespmem:s19+$0x33];
	v5 =	vcvt.f32.s32 v5;
	v14 =	vmul.f32 $2.560000000e+02, v14  }
0x5ab: {  	vm2 =	vlt.f32 v20, $2.560000000e+02;
	[tilespmem:v4+s11+$0x0] =	vst.idx.add.f32.msk vm3, v35  }
0x5ac: {  	[tilespmem:v4+s12+$0x0] =	vst.idx.add.f32.msk vm3, v22;
	v4 =	vadd.s32 v37, v5;
	v5 =	vtrunc.f32 v14  }
0x5ad: {  	v20 =	vld [tilespmem:s20+$0x33];
	v5 =	vcvt.f32.s32 v5  }
0x5ae: {  	vm3 =	vlt.f32 v14, $2.560000000e+02;
	[tilespmem:v1+s11+$0x0] =	vst.idx.add.f32.msk vm13, v36  }
0x5af: {  	v14 =	vsub.f32 v32, v25;
	[tilespmem:v1+s12+$0x0] =	vst.idx.add.f32.msk vm13, v21;
	v1 =	vadd.s32 v33, v5  }
0x5b0: {  	v5 =	vld [tilespmem:s21+$0x33]  }
0x5b1: {  	v14 =	vmul.f32 $2.560000000e+02, v14;
	v21 =	vsub.f32 v32, v24;
	[tilespmem:v4+s11+$0x0] =	vst.idx.add.f32.msk vm2, v34  }
0x5b2: {  	[tilespmem:v4+s12+$0x0] =	vst.idx.add.f32.msk vm2, v6  }
0x5b3: {  	v4 =	vtrunc.f32 v14;
	v6 =	vmul.f32 $2.560000000e+02, v21;
	v21 =	vsub.f32 v32, v23;
	v22 =	vld [tilespmem:s22+$0x33]  }
0x5b4: {  	vm2 =	vlt.f32 v14, $2.560000000e+02;
	v4 =	vcvt.f32.s32 v4;
	[tilespmem:v1+s11+$0x0] =	vst.idx.add.f32.msk vm3, v11  }
0x5b5: {  	v14 =	vtrunc.f32 v6;
	v21 =	vmul.f32 $2.560000000e+02, v21;
	[tilespmem:v1+s12+$0x0] =	vst.idx.add.f32.msk vm3, v7;
	v1 =	vsub.f32 v32, v20  }
0x5b6: {  	v4 =	vadd.s32 v44, v4;
	v7 =	vcvt.f32.s32 v14;
	vm3 =	vlt.f32 v6, $2.560000000e+02;
	v6 =	vld [tilespmem:s23+$0x33]  }
0x5b7: {  	v26 =	vsub.f32 v32, v5;
	v14 =	vtrunc.f32 v21;
	v1 =	vmul.f32 $2.560000000e+02, v1  }
0x5b8: {  	vm14 =	vlt.f32 v21, $2.560000000e+02;
	v14 =	vcvt.f32.s32 v14;
	v7 =	vadd.s32 v43, v7  }
0x5b9: {  	v26 =	vmul.f32 $2.560000000e+02, v26;
	v27 =	vsub.f32 v32, v22;
	v21 =	vtrunc.f32 v1  }
0x5ba: {  	[tilespmem:v45+s12+$0x0] =	vst.idx.add.f32.msk vm1, v12;
	v12 =	vadd.s32 v42, v14;
	vm1 =	vlt.f32 v1, $2.560000000e+02;
	v14 =	vcvt.f32.s32 v21  }
0x5bb: {  	[tilespmem:v4+s11+$0x0] =	vst.idx.add.f32.msk vm2, v41;
	v1 =	vtrunc.f32 v26;
	v21 =	vmul.f32 $2.560000000e+02, v27;
	v27 =	vsub.f32 v32, v6  }
0x5bc: {  	[tilespmem:v4+s12+$0x0] =	vst.idx.add.f32.msk vm2, v25;
	v1 =	vcvt.f32.s32 v1;
	v4 =	vadd.s32 v13, v14  }
0x5bd: {  	vm2 =	vlt.f32 v26, $2.560000000e+02;
	[tilespmem:v7+s11+$0x0] =	vst.idx.add.f32.msk vm3, v38;
	v13 =	vtrunc.f32 v21;
	v14 =	vmul.f32 $2.560000000e+02, v27  }
0x5be: {  	v1 =	vadd.s32 v40, v1;
	[tilespmem:v7+s12+$0x0] =	vst.idx.add.f32.msk vm3, v24;
	v7 =	vcvt.f32.s32 v13  }
0x5bf: {  	[tilespmem:v12+s11+$0x0] =	vst.idx.add.f32.msk vm14, v39;
	vm3 =	vlt.f32 v21, $2.560000000e+02;
	v13 =	vtrunc.f32 v14  }
0x5c0: {  	[tilespmem:v12+s12+$0x0] =	vst.idx.add.f32.msk vm14, v23;
	v12 =	vadd.s32 v37, v7;
	v7 =	vcvt.f32.s32 v13  }
0x5c1: {  	vm15 =	vlt.f32 v14, $2.560000000e+02;
	[tilespmem:v4+s11+$0x0] =	vst.idx.add.f32.msk vm1, v35  }
0x5c2: {  	[tilespmem:v4+s12+$0x0] =	vst.idx.add.f32.msk vm1, v20;
	v4 =	vadd.s32 v33, v7  }
0x5c3: {  	[tilespmem:v1+s11+$0x0] =	vst.idx.add.f32.msk vm2, v36  }
0x5c4: {  	[tilespmem:v1+s12+$0x0] =	vst.idx.add.f32.msk vm2, v5  }
0x5c5: {  	v7 =	vadd.s32 $0x2, v33;
	[tilespmem:v12+s11+$0x0] =	vst.idx.add.f32.msk vm3, v34  }
0x5c6: {  	[tilespmem:v12+s12+$0x0] =	vst.idx.add.f32.msk vm3, v22  }
0x5c7: {  	v28 =	vadd.f32 $-3.906250000e-03, v32;
	v14 =	vadd.s32 $0x1, v33;
	[tilespmem:v4+s11+$0x0] =	vst.idx.add.f32.msk vm15, v11  }
0x5c8: {  	p1 =	por $0x1, $0x1;
	[tilespmem:v4+s12+$0x0] =	vst.idx.add.f32.msk vm15, v6  }
.Ltmp17:
0x5c9: {  	v5 =	vadd.f32 $-3.906250000e-03, v28;
	v23 =	vld.idx.msk [tilespmem:v33+s11+$0x0], $0xffff;
	(pc) =	sbr.rel @!p1 .LBB2_33-.Ltmp17, $4  }
0x5ca: {  	v13 =	vld.idx.msk [tilespmem:v7+s11+$0x0], $0xffff  }
0x5cb: {  	v4 =	vadd.f32 $-3.906250000e-03, v5;
	v24 =	vld.idx.msk [tilespmem:v33+s12+$0x0], $0xffff  }
0x5cc: {  	v37 =	vld.idx.msk [tilespmem:v14+s11+$0x0], $0xffff  }
0x5cd: {  	p0 =	por $0x0, $0x0;
	v27 =	vadd.s32 $0x3, v33;
	v12 =	vimm.f32 $0.0e+00;
	v25 =	vld.idx.msk [tilespmem:v14+s12+$0x0], $0xffff;
	v1 =	vadd.f32 $-3.906250000e-03, v4  }
0x5ce: {  	_ =	sdelay $0x1  }
0x5cf: {  	v26 =	vadd.f32 v23, v12;
	_ =	sdelay $0x1  }
0x5d0: {  	v14 =	vld.idx.msk [tilespmem:v27+s11+$0x0], $0xffff;
	v22 =	vadd.s32 $0x4, v33;
	v30 =	vadd.f32 v24, v12;
	v20 =	vadd.f32 v37, v26  }
0x5d1: {  	v23 =	vld.idx.msk [tilespmem:v7+s12+$0x0], $0xffff;
	vm3 =	vmneg vm0;
	v21 =	vadd.f32 $-3.906250000e-03, v1;
	v24 =	vmul.f32 v26, v28  }
0x5d2: {  	v6 =	vadd.f32 v25, v30;
	v25 =	vmul.f32 v20, v5;
	v33 =	vadd.f32 v13, v20  }
0x5d3: {  	v27 =	vld.idx.msk [tilespmem:v27+s12+$0x0], $0xffff;
	v7 =	vadd.s32 $0x2, v22;
	v5 =	vadd.f32 $-3.906250000e-03, v21;
	v13 =	vsub.f32 v30, v24  }
0x5d4: {  	v28 =	vadd.s32 $0x1, v22;
	v24 =	vsub.f32 v6, v25;
	v25 =	vmul.f32 v33, v4  }
0x5d5: {  	v36 =	vadd.f32 v14, v33;
	v4 =	vadd.f32 $-3.906250000e-03, v5;
	vm1 =	vge.f32 v13, $1.000000000e+00  }
0x5d6: {  	p1 =	por $0x1, $0x1;
	v35 =	vadd.s32 $0x3, v22;
	v14 =	vadd.f32 v23, v6;
	vm5 =	vmor vm0, vm1  }
.Ltmp18:
0x5d7: {  	v23 =	vld.idx.msk [tilespmem:v22+s11+$0x0], $0xffff;
	vm1 =	vmand vm1, vm3;
	v29 =	vmul.f32 v36, v1;
	v1 =	vadd.f32 $-3.906250000e-03, v4;
	(pc) =	sbr.rel @!p1 .LBB2_35-.Ltmp18, $4  }
0x5d8: {  	v13 =	vld.idx.msk [tilespmem:v7+s11+$0x0], $0xffff;
	vm2 =	vge.f32 v24, $1.000000000e+00;
	v25 =	vsub.f32 v14, v25;
	v34 =	vadd.f32 v27, v14  }
0x5d9: {  	v37 =	vld.idx.msk [tilespmem:v28+s11+$0x0], $0xffff;
	v26 =	vsel vm1, v26, v11;
	vm4 =	vmneg vm5;
	vm3 =	vmor vm5, vm2  }
0x5da: {  	v24 =	vld.idx.msk [tilespmem:v22+s12+$0x0], $0xffff;
	vm5 =	vge.f32 v25, $1.000000000e+00;
	vm6 =	vmneg vm3;
	v29 =	vsub.f32 v34, v29  }
0x5db: {  	s17 =	simm.s32 $0x3E;
	p0 =	por $0x1, $0x1;
	v38 =	vsel vm1, v30, v32;
	v25 =	vld.idx.msk [tilespmem:v28+s12+$0x0], $0xffff;
	vm1 =	vmand vm5, vm6;
	vm3 =	vmor vm3, vm5  }
.LBB2_36:
0x5dc: {  	p1 =	sne.s32 s17, $0x1;
	s17 =	sadd.s32 $0xFFFFFFFF, s17;
	vm2 =	vmand vm2, vm4;
	vm4 =	vge.f32 v29, $1.000000000e+00;
	vm5 =	vmneg vm3  }
0x5dd: {  	v20 =	vsel vm2, v20, v26;
	v6 =	vsel vm2, v6, v38;
	vm2 =	vmand vm4, vm5  }
0x5de: {  	v26 =	vadd.f32 v23, v36;
	v23 =	vld.idx.msk [tilespmem:v35+s11+$0x0], $0xffff;
	v20 =	vsel vm1, v33, v20;
	v6 =	vsel vm1, v14, v6  }
0x5df: {  	vm1 =	vmor vm3, vm4;
	v27 =	vsel vm2, v36, v20;
	v28 =	vsel vm2, v34, v6  }
0x5e0: {  	v22 =	vadd.s32 $0x4, v22;
	v30 =	vadd.f32 v24, v34;
	v20 =	vadd.f32 v37, v26;
	v14 =	vld.idx.msk [tilespmem:v7+s12+$0x0], $0xffff  }
0x5e1: {  	v24 =	vadd.s32 $0x3, v22;
	v29 =	vmul.f32 v26, v21;
	v21 =	vadd.f32 $-3.906250000e-03, v1  }
0x5e2: {  	v6 =	vadd.f32 v25, v30;
	v25 =	vmul.f32 v20, v5;
	v33 =	vadd.f32 v13, v20;
	v31 =	vld.idx.msk [tilespmem:v35+s12+$0x0], $0xffff  }
0x5e3: {  	v7 =	vadd.s32 $0x2, v22;
	v5 =	vadd.f32 $-3.906250000e-03, v21;
	v13 =	vsub.f32 v30, v29;
	v35 =	vmovc v24  }
0x5e4: {  	v24 =	vsub.f32 v6, v25;
	v25 =	vmul.f32 v33, v4;
	v36 =	vadd.f32 v23, v33  }
0x5e5: {  	v38 =	vadd.s32 $0x1, v22;
	v4 =	vadd.f32 $-3.906250000e-03, v5;
	vm3 =	vge.f32 v13, $1.000000000e+00  }
0x5e6: {  	vm2 =	vge.f32 v24, $1.000000000e+00;
	v14 =	vadd.f32 v14, v6;
	v29 =	vmul.f32 v36, v1  }
.Ltmp19:
0x5e7: {  	vm4 =	vmneg vm1;
	vm1 =	vmor vm1, vm3;
	v1 =	vadd.f32 $-3.906250000e-03, v4;
	v23 =	vld.idx.msk [tilespmem:v22+s11+$0x0], $0xffff;
	(pc) =	sbr.rel @p1 .LBB2_36-.Ltmp19, $4  }
0x5e8: {  	vm3 =	vmand vm3, vm4;
	v25 =	vsub.f32 v14, v25;
	v34 =	vadd.f32 v31, v14;
	v13 =	vld.idx.msk [tilespmem:v7+s11+$0x0], $0xffff  }
0x5e9: {  	v26 =	vsel vm3, v26, v27;
	vm4 =	vmneg vm1;
	vm5 =	vmor vm1, vm2;
	v24 =	vld.idx.msk [tilespmem:v22+s12+$0x0], $0xffff  }
0x5ea: {  	vm1 =	vmneg vm5;
	vm6 =	vge.f32 v25, $1.000000000e+00;
	v29 =	vsub.f32 v34, v29;
	v37 =	vld.idx.msk [tilespmem:v38+s11+$0x0], $0xffff  }
0x5eb: {  	vm1 =	vmand vm6, vm1;
	v25 =	vld.idx.msk [tilespmem:v38+s12+$0x0], $0xffff;
	v38 =	vsel vm3, v30, v28;
	vm3 =	vmor vm5, vm6  }
0x5ec: {  	v27 =	vmov v35;
	v28 =	vmov v21  }
.LBB2_38:
0x5ed: {  	_ =	sdelay $0x1  }
0x5ee: {  	vm2 =	vmand @p0 vm2, vm4  }
0x5ef: {  	v21 =	vadd.f32 v23, v36;
	vm5 =	vge.f32 @p0 v29, $1.000000000e+00;
	vm4 =	vmneg @p0 vm3  }
0x5f0: {  	v7 =	vld.idx.msk [tilespmem:v7+s12+$0x0], $0xffff;
	vm6 =	vmmov vm0;
	v20 =	vsel @p0 vm2, v20, v26;
	v23 =	vadd.f32 v24, v34  }
0x5f1: {  	v22 =	vld.idx.msk [tilespmem:v27+s11+$0x0], $0xffff;
	vm4 =	vmand @p0 vm5, vm4;
	vm3 =	vmor @p0 vm3, vm5;
	v24 =	vadd.f32 v37, v21  }
0x5f2: {  	v20 =	vsel @p0 vm1, v33, v20;
	v26 =	vmul.f32 v21, v28;
	vm6 =	vmmov @p0 vm3  }
0x5f3: {  	v27 =	vld.idx.msk [tilespmem:v27+s12+$0x0], $0xffff;
	v25 =	vadd.f32 v25, v23;
	v20 =	vsel @p0 vm4, v36, v20;
	v13 =	vadd.f32 v13, v24  }
0x5f4: {  	vm3 =	vmneg vm6;
	v5 =	vmul.f32 v24, v5;
	v26 =	vsub.f32 v23, v26  }
0x5f5: {  	v11 =	vpsel p0, v20, v11;
	v7 =	vadd.f32 v7, v25;
	v4 =	vmul.f32 v13, v4  }
0x5f6: {  	v5 =	vsub.f32 v25, v5;
	v22 =	vadd.f32 v22, v13;
	vm5 =	vge.f32 v26, $1.000000000e+00  }
0x5f7: {  	vm6 =	vmor vm6, vm5;
	vm3 =	vmand vm5, vm3;
	v4 =	vsub.f32 v7, v4  }
0x5f8: {  	vm7 =	vge.f32 v5, $1.000000000e+00;
	v1 =	vmul.f32 v22, v1;
	v5 =	vadd.f32 v27, v7  }
0x5f9: {  	vm5 =	vmor vm6, vm7;
	vm6 =	vmneg vm6;
	vm8 =	vge.f32 v4, $1.000000000e+00  }
0x5fa: {  	vm9 =	vmneg vm5;
	v1 =	vsub.f32 v5, v1;
	v4 =	vsel vm3, v21, v11  }
0x5fb: {  	vm6 =	vmand vm7, vm6;
	vm9 =	vmand vm8, vm9;
	vm5 =	vmor vm5, vm8  }
0x5fc: {  	vm7 =	vge.f32 v1, $1.000000000e+00;
	vm5 =	vmneg vm5;
	v1 =	vsel vm6, v24, v4  }
0x5fd: {  	vm5 =	vmand vm7, vm5;
	v1 =	vsel vm9, v13, v1  }
0x5fe: {  	v1 =	vsel vm5, v22, v1  }
0x5ff: {  	v4 =	vsel @p0 vm2, v6, v38;
	(erf) = vrcp.f32 v1  }
0x600: {  	v1 =	vsel @p0 vm1, v14, v4  }
0x601: {  	v1 =	vsel @p0 vm4, v34, v1  }
0x602: {  	v1 =	vpsel p0, v1, v32  }
0x603: {  	s18 =	simm.s32 $0x10044;
	v1 =	vsel vm3, v23, v1  }
0x604: {  	v11 =	vld [tilespmem:s18+$0x33];
	v1 =	vsel vm6, v25, v1  }
0x605: {  	v4 =	vld [tilespmem:s18+$0xFFFFFFBC];
	v1 =	vsel vm9, v7, v1  }
0x606: {  	v1 =	vsel vm5, v5, v1;
	v5 =	vld [tilespmem:s18+$0xFFFFFFDE]  }
0x607: {  	v13 =	vld [tilespmem:s18+$0xFFFFFFCD];
	v1 =	vadd.f32 $-1.000000000e+00, v1  }
0x608: {  	v33 =	vimm.f32 $0.0e+00;
	v6 =	vpop (erf)  }
0x609: {  	v26 =	vimm.f32 $0.0e+00;
	v24 =	vimm.f32 $0.0e+00;
	v14 =	vld [tilespmem:s18+$0x0];
	v7 =	vmul.f32 v1, v6  }
0x60a: {  	v22 =	vld [tilespmem:s18+$0x11];
	v34 =	vimm.f32 $0.0e+00;
	v32 =	vimm.f32 $0.0e+00;
	v23 =	vimm.f32 $0.0e+00  }
0x60b: {  	v25 =	vimm.f32 $0.0e+00;
	v1 =	vld [tilespmem:s18+$0x22];
	vm1 =	vgt.f32 v4, v7;
	vm3 =	vgt.f32 v5, v7  }
0x60c: {  	vm2 =	vgt.f32 v11, v7;
	vm4 =	vgt.f32 v13, v7;
	v6 =	vsel vm1, $0x3F800000, v2  }
0x60d: {  	v4 =	vnsel vm1, $0x0, v4;
	v20 =	vnsel vm3, $0x0, v5;
	v5 =	vsel vm2, $0x3F800000, v2  }
0x60e: {  	v11 =	vnsel vm2, $0x0, v11;
	vm2 =	vgt.f32 v14, v7;
	v27 =	vsel vm3, $0x3F800000, v2  }
0x60f: {  	v35 =	vld [tilespmem:s18+$0xFFFFFFEF];
	vm3 =	vgt.f32 v22, v7;
	v21 =	vadd.f32 v6, v12;
	v6 =	vadd.f32 v4, v12  }
0x610: {  	v5 =	vadd.f32 v5, v12;
	v4 =	vadd.f32 v11, v12;
	vm1 =	vgt.f32 v1, v7  }
0x611: {  	v11 =	vnsel vm2, $0x0, v14;
	v20 =	vadd.f32 v20, v12;
	v1 =	vnsel vm1, $0x0, v1  }
0x612: {  	s17 =	simm.s32 $0x0;
	s18 =	simm.s32 $0x100CC;
	v14 =	vimm.f32 $0.0e+00;
	v11 =	vadd.f32 v11, v12;
	v1 =	vadd.f32 v1, v12  }
.LBB2_39:
0x613: {  	v28 =	vld [tilespmem:s18+$0xFFFFFFBC];
	s17 =	sadd.s32 $0x88, s17;
	v12 =	vadd.f32 v27, v12;
	v27 =	vsel vm3, $0x3F800000, v2;
	v22 =	vnsel vm3, $0x0, v22  }
0x614: {  	v30 =	vsel vm4, $0x3F800000, v2;
	v31 =	vnsel vm4, $0x0, v13;
	vm3 =	vgt.f32 v35, v7;
	v29 =	vld [tilespmem:s18+$0x33];
	p0 =	slt.u32 s17, $0x8778  }
0x615: {  	v37 =	vsel vm3, $0x3F800000, v2;
	v23 =	vadd.f32 v27, v23;
	v14 =	vadd.f32 v22, v14;
	v36 =	vld [tilespmem:s18+$0xFFFFFFDE]  }
0x616: {  	v24 =	vadd.f32 v31, v24;
	v22 =	vnsel vm3, $0x0, v35;
	v27 =	vsel vm2, $0x3F800000, v2;
	v13 =	vld [tilespmem:s18+$0xFFFFFFCD]  }
0x617: {  	v34 =	vadd.f32 v37, v34;
	v33 =	vadd.f32 v27, v33;
	v27 =	vsel vm1, $0x3F800000, v2;
	v31 =	vld [tilespmem:s18+$0x22]  }
0x618: {  	v26 =	vadd.f32 v30, v26;
	v25 =	vadd.f32 v22, v25;
	vm1 =	vgt.f32 v28, v7;
	v37 =	vld [tilespmem:s18+$0x0]  }
0x619: {  	v32 =	vadd.f32 v27, v32;
	v35 =	vld [tilespmem:s18+$0xFFFFFFEF]  }
0x61a: {  	v27 =	vsel vm1, $0x3F800000, v2;
	vm2 =	vgt.f32 v29, v7;
	vm3 =	vgt.f32 v36, v7;
	v22 =	vld [tilespmem:s18+$0x11]  }
0x61b: {  	v21 =	vadd.f32 v27, v21;
	v27 =	vnsel vm1, $0x0, v28;
	v28 =	vnsel vm3, $0x0, v36  }
.Ltmp20:
0x61c: {  	v30 =	vsel vm2, $0x3F800000, v2;
	v29 =	vnsel vm2, $0x0, v29;
	vm1 =	vgt.f32 v31, v7;
	(pc) =	sbr.rel @p0 .LBB2_39-.Ltmp20, $4  }
0x61d: {  	v6 =	vadd.f32 v27, v6;
	v5 =	vadd.f32 v30, v5;
	v27 =	vnsel vm1, $0x0, v31  }
0x61e: {  	v4 =	vadd.f32 v29, v4;
	vm2 =	vgt.f32 v37, v7;
	v1 =	vadd.f32 v27, v1  }
0x61f: {  	v27 =	vsel vm3, $0x3F800000, v2;
	v29 =	vnsel vm2, $0x0, v37;
	vm3 =	vgt.f32 v22, v7  }
0x620: {  	s18 =	sadd.s32 $0x88, s18;
	vm4 =	vgt.f32 v13, v7;
	v20 =	vadd.f32 v28, v20;
	v11 =	vadd.f32 v29, v11  }
0x621: {  	v28 =	vsel vm4, $0x3F800000, v2  }
0x622: {  	v26 =	vadd.f32 v28, v26;
	_ =	sdelay $0x1  }
0x623: {  	v12 =	vadd.f32 v27, v12;
	vm5 =	vgt.f32 v35, v7;
	v7 =	vadd.f32 v26, v21  }
0x624: {  	v21 =	vsel vm5, $0x3F800000, v2  }
0x625: {  	v21 =	vadd.f32 v21, v34;
	v7 =	vadd.f32 v12, v7  }
0x626: {  	v12 =	vsel vm2, $0x3F800000, v2  }
0x627: {  	v12 =	vadd.f32 v12, v33;
	v7 =	vadd.f32 v21, v7  }
0x628: {  	v21 =	vsel vm3, $0x3F800000, v2  }
0x629: {  	v13 =	vnsel vm4, $0x0, v13;
	v21 =	vadd.f32 v21, v23;
	v7 =	vadd.f32 v12, v7  }
0x62a: {  	v12 =	vadd.f32 v13, v24;
	v13 =	vsel vm1, $0x3F800000, v2  }
0x62b: {  	v13 =	vadd.f32 v13, v32;
	v7 =	vadd.f32 v21, v7  }
0x62c: {  	v6 =	vadd.f32 v12, v6  }
0x62d: {  	v12 =	vnsel vm5, $0x0, v35;
	v7 =	vadd.f32 v13, v7  }
0x62e: {  	v12 =	vadd.f32 v12, v25;
	v6 =	vadd.f32 v20, v6  }
0x62f: {  	v5 =	vadd.f32 v5, v7  }
0x630: {  	v6 =	vadd.f32 v12, v6  }
0x631: {  	v7 =	vnsel vm3, $0x0, v22;
	v5 =	vmax.f32 v5, $1.000000000e+00  }
0x632: {  	v7 =	vadd.f32 v7, v14;
	v6 =	vadd.f32 v11, v6;
	(erf) = vrcp.f32 v5;
	_ =	sdelay $0x1  }
0x633: {  	v5 =	vadd.f32 v7, v6;
	_ =	sdelay $0x1  }
0x634: {  	s18 =	simm.s32 $0x10044;
	v1 =	vadd.f32 v1, v5  }
0x635: {  	v12 =	vld [tilespmem:s18+$0xFFFFFFCD]  }
0x636: {  	v5 =	vld [tilespmem:s18+$0xFFFFFFDE];
	v1 =	vadd.f32 v4, v1  }
0x637: {  	v4 =	vld [tilespmem:s18+$0xFFFFFFBC]  }
0x638: {  	v7 =	vld [tilespmem:s18+$0x33];
	v1 =	vadd.f32 $-1.000000000e+00, v1  }
0x639: {  	v26 =	vimm.f32 $0.0e+00;
	v34 =	vimm.f32 $0.0e+00;
	v6 =	vpop (erf)  }
0x63a: {  	v33 =	vimm.f32 $0.0e+00;
	v23 =	vimm.f32 $0.0e+00;
	v22 =	vld [tilespmem:s18+$0x11];
	v6 =	vmul.f32 v6, v1  }
0x63b: {  	v24 =	vimm.f32 $0.0e+00;
	v32 =	vimm.f32 $0.0e+00;
	v25 =	vimm.f32 $0.0e+00;
	v11 =	vld [tilespmem:s18+$0x0]  }
0x63c: {  	v14 =	vimm.f32 $0.0e+00;
	v1 =	vld [tilespmem:s18+$0x22];
	vm1 =	vgt.f32 v4, v6;
	vm3 =	vgt.f32 v5, v6  }
0x63d: {  	vm2 =	vgt.f32 v7, v6;
	vm4 =	vgt.f32 v12, v6;
	v13 =	vsel vm1, $0x3F800000, v2  }
0x63e: {  	v4 =	vnsel vm1, $0x0, v4;
	v20 =	vnsel vm2, $0x0, v7;
	v27 =	vsel vm3, $0x3F800000, v2  }
0x63f: {  	v21 =	vadd.f32 v13, v14;
	v13 =	vnsel vm3, $0x0, v5;
	v5 =	vsel vm2, $0x3F800000, v2  }
0x640: {  	v35 =	vld [tilespmem:s18+$0xFFFFFFEF];
	v7 =	vadd.f32 v4, v14;
	vm2 =	vgt.f32 v11, v6;
	v4 =	vadd.f32 v20, v14  }
0x641: {  	vm3 =	vgt.f32 v22, v6;
	vm1 =	vgt.f32 v1, v6;
	v5 =	vadd.f32 v5, v14  }
0x642: {  	v11 =	vnsel vm2, $0x0, v11;
	v20 =	vadd.f32 v13, v14;
	v1 =	vnsel vm1, $0x0, v1  }
0x643: {  	s17 =	simm.s32 $0x0;
	s18 =	simm.s32 $0x100CC;
	v13 =	vimm.f32 $0.0e+00;
	v11 =	vadd.f32 v11, v14;
	v1 =	vadd.f32 v1, v14  }
.LBB2_41:
0x644: {  	v28 =	vld [tilespmem:s18+$0xFFFFFFBC];
	s17 =	sadd.s32 $0x88, s17;
	v14 =	vadd.f32 v27, v14;
	v27 =	vsel vm3, $0x3F800000, v2;
	v22 =	vnsel vm3, $0x0, v22  }
0x645: {  	v30 =	vsel vm4, $0x3F800000, v2;
	v31 =	vnsel vm4, $0x0, v12;
	vm3 =	vgt.f32 v35, v6;
	v29 =	vld [tilespmem:s18+$0x33];
	p0 =	slt.u32 s17, $0x8778  }
0x646: {  	v37 =	vsel vm3, $0x3F800000, v2;
	v23 =	vadd.f32 v27, v23;
	v13 =	vadd.f32 v22, v13;
	v36 =	vld [tilespmem:s18+$0xFFFFFFDE]  }
0x647: {  	v24 =	vadd.f32 v31, v24;
	v22 =	vnsel vm3, $0x0, v35;
	v27 =	vsel vm2, $0x3F800000, v2;
	v12 =	vld [tilespmem:s18+$0xFFFFFFCD]  }
0x648: {  	v34 =	vadd.f32 v37, v34;
	v33 =	vadd.f32 v27, v33;
	v27 =	vsel vm1, $0x3F800000, v2;
	v31 =	vld [tilespmem:s18+$0x22]  }
0x649: {  	v26 =	vadd.f32 v30, v26;
	v25 =	vadd.f32 v22, v25;
	vm1 =	vgt.f32 v28, v6;
	v37 =	vld [tilespmem:s18+$0x0]  }
0x64a: {  	v32 =	vadd.f32 v27, v32;
	v35 =	vld [tilespmem:s18+$0xFFFFFFEF]  }
0x64b: {  	v27 =	vsel vm1, $0x3F800000, v2;
	vm2 =	vgt.f32 v29, v6;
	vm3 =	vgt.f32 v36, v6;
	v22 =	vld [tilespmem:s18+$0x11]  }
0x64c: {  	v21 =	vadd.f32 v27, v21;
	v27 =	vnsel vm1, $0x0, v28;
	v28 =	vnsel vm3, $0x0, v36  }
.Ltmp21:
0x64d: {  	v30 =	vsel vm2, $0x3F800000, v2;
	v29 =	vnsel vm2, $0x0, v29;
	vm1 =	vgt.f32 v31, v6;
	(pc) =	sbr.rel @p0 .LBB2_41-.Ltmp21, $4  }
0x64e: {  	v7 =	vadd.f32 v27, v7;
	v5 =	vadd.f32 v30, v5;
	v27 =	vnsel vm1, $0x0, v31  }
0x64f: {  	v4 =	vadd.f32 v29, v4;
	vm2 =	vgt.f32 v37, v6;
	v1 =	vadd.f32 v27, v1  }
0x650: {  	v27 =	vsel vm3, $0x3F800000, v2;
	v29 =	vnsel vm2, $0x0, v37;
	vm3 =	vgt.f32 v22, v6  }
0x651: {  	s18 =	sadd.s32 $0x88, s18;
	vm4 =	vgt.f32 v12, v6;
	v20 =	vadd.f32 v28, v20;
	v11 =	vadd.f32 v29, v11  }
0x652: {  	v28 =	vsel vm4, $0x3F800000, v2  }
0x653: {  	v26 =	vadd.f32 v28, v26;
	_ =	sdelay $0x1  }
0x654: {  	v14 =	vadd.f32 v27, v14;
	vm5 =	vgt.f32 v35, v6;
	v6 =	vadd.f32 v26, v21  }
0x655: {  	v52 =	vsel vm5, $0x3F800000, v2  }
0x656: {  	v21 =	vadd.f32 v52, v34;
	v6 =	vadd.f32 v14, v6  }
0x657: {  	v14 =	vsel vm2, $0x3F800000, v2  }
0x658: {  	v14 =	vadd.f32 v14, v33;
	v6 =	vadd.f32 v21, v6  }
0x659: {  	v53 =	vsel vm3, $0x3F800000, v2  }
0x65a: {  	v12 =	vnsel vm4, $0x0, v12;
	v21 =	vadd.f32 v53, v23;
	v6 =	vadd.f32 v14, v6  }
0x65b: {  	v12 =	vadd.f32 v12, v24;
	v14 =	vsel vm1, $0x3F800000, v2  }
0x65c: {  	v14 =	vadd.f32 v14, v32;
	v6 =	vadd.f32 v21, v6  }
0x65d: {  	v7 =	vadd.f32 v12, v7  }
0x65e: {  	v12 =	vnsel vm5, $0x0, v35;
	v6 =	vadd.f32 v14, v6  }
0x65f: {  	v12 =	vadd.f32 v12, v25;
	v7 =	vadd.f32 v20, v7  }
0x660: {  	v5 =	vadd.f32 v5, v6  }
0x661: {  	v6 =	vadd.f32 v12, v7  }
0x662: {  	v7 =	vnsel vm3, $0x0, v22;
	v5 =	vmax.f32 v5, $1.000000000e+00  }
0x663: {  	v7 =	vadd.f32 v7, v13;
	v6 =	vadd.f32 v11, v6;
	(erf) = vrcp.f32 v5;
	_ =	sdelay $0x1  }
0x664: {  	v5 =	vadd.f32 v7, v6;
	_ =	sdelay $0x1  }
0x665: {  	v1 =	vadd.f32 v1, v5;
	_ =	sdelay $0x1  }
0x666: {  	s17 =	simm.s32 $0x10044;
	v1 =	vadd.f32 v4, v1  }
0x667: {  	v5 =	vld [tilespmem:s17+$0x33]  }
0x668: {  	v7 =	vld [tilespmem:s17+$0xFFFFFFCD];
	v1 =	vadd.f32 $-1.000000000e+00, v1  }
0x669: {  	v12 =	vld [tilespmem:s17+$0xFFFFFFDE];
	v4 =	vpop (erf)  }
0x66a: {  	v11 =	vld [tilespmem:s17+$0xFFFFFFEF];
	v1 =	vmul.f32 v4, v1  }
0x66b: {  	v6 =	vld [tilespmem:s17+$0x0]  }
0x66c: {  	v4 =	vld [tilespmem:s17+$0x11];
	v14 =	vsub.f32 v5, v1  }
0x66d: {  	v5 =	vld [tilespmem:s17+$0x22];
	v13 =	vsub.f32 v7, v1  }
0x66e: {  	s18 =	simm.s32 $0x0;
	s19 =	simm.s32 $0x100CC;
	v7 =	vld [tilespmem:s17+$0xFFFFFFBC];
	v12 =	vsub.f32 v12, v1;
	v14 =	vmax.f32 v14, $0.0e+00  }
.LBB2_43:
0x66f: {  	v20 =	vld [tilespmem:s19+$0x33];
	s18 =	sadd.s32 $0x88, s18;
	v13 =	vmax.f32 v13, $0.0e+00;
	v11 =	vsub.f32 v11, v1;
	[tilespmem:s17+$0x33] =	vst v14  }
0x670: {  	v14 =	vld [tilespmem:s19+$0xFFFFFFCD];
	p0 =	slt.u32 s18, $0x8778;
	[tilespmem:s17+$0xFFFFFFCD] =	vst v13;
	v12 =	vmax.f32 v12, $0.0e+00;
	v6 =	vsub.f32 v6, v1  }
0x671: {  	v21 =	vld [tilespmem:s19+$0xFFFFFFDE];
	[tilespmem:s17+$0xFFFFFFDE] =	vst v12;
	v12 =	vmax.f32 v11, $0.0e+00;
	v4 =	vsub.f32 v4, v1  }
.Ltmp22:
0x672: {  	v11 =	vld [tilespmem:s19+$0xFFFFFFEF];
	[tilespmem:s17+$0xFFFFFFEF] =	vst v12;
	v12 =	vmax.f32 v6, $0.0e+00;
	v5 =	vsub.f32 v5, v1;
	(pc) =	sbr.rel @p0 .LBB2_43-.Ltmp22, $4  }
0x673: {  	v6 =	vld [tilespmem:s19+$0x0];
	v7 =	vsub.f32 v7, v1;
	[tilespmem:s17+$0x0] =	vst v12;
	v12 =	vmax.f32 v4, $0.0e+00  }
0x674: {  	v4 =	vld [tilespmem:s19+$0x11];
	v20 =	vsub.f32 v20, v1;
	[tilespmem:s17+$0x11] =	vst v12;
	v12 =	vmax.f32 v5, $0.0e+00  }
0x675: {  	v13 =	vsub.f32 v14, v1;
	v5 =	vld [tilespmem:s19+$0x22];
	v22 =	vmax.f32 v7, $0.0e+00;
	[tilespmem:s17+$0x22] =	vst v12  }
0x676: {  	v7 =	vld [tilespmem:s19+$0xFFFFFFBC];
	v12 =	vsub.f32 v21, v1;
	v14 =	vmax.f32 v20, $0.0e+00;
	[tilespmem:s17+$0xFFFFFFBC] =	vst v22;
	s17 =	smov.u32 s19;
	s19 =	sadd.s32 $0x88, s19  }
0x677: {  	v13 =	vmax.f32 v13, $0.0e+00;
	v11 =	vsub.f32 v11, v1;
	[tilespmem:s17+$0x33] =	vst v14  }
0x678: {  	[tilespmem:s17+$0xFFFFFFCD] =	vst v13;
	v12 =	vmax.f32 v12, $0.0e+00;
	v6 =	vsub.f32 v6, v1  }
0x679: {  	[tilespmem:s17+$0xFFFFFFDE] =	vst v12;
	v11 =	vmax.f32 v11, $0.0e+00;
	v4 =	vsub.f32 v4, v1  }
0x67a: {  	[tilespmem:s17+$0xFFFFFFEF] =	vst v11;
	v6 =	vmax.f32 v6, $0.0e+00;
	v5 =	vsub.f32 v5, v1  }
0x67b: {  	v1 =	vsub.f32 v7, v1;
	[tilespmem:s17+$0x0] =	vst v6;
	v4 =	vmax.f32 v4, $0.0e+00  }
0x67c: {  	[tilespmem:s17+$0x11] =	vst v4;
	v4 =	vmax.f32 v5, $0.0e+00  }
0x67d: {  	v1 =	vmax.f32 v1, $0.0e+00;
	[tilespmem:s17+$0x22] =	vst v4  }
0x67e: {  	[tilespmem:s17+$0xFFFFFFBC] =	vst v1  }
0x67f: {  	v1 =	vld.idx.msk [tilespmem:v19+s10+$0x0], $0xffff;
	_ =	sdelay $0x3  }
0x680: {  	s17 =	simm.s32 $0xF800  }
0x681: {  	[tilespmem:s17+$0xFFFF8800] =	vst v1  }
0x682: {  	v1 =	vld [tilespmem:$0x1FE30];
	_ =	sdelay $0x7  }
0x683: {  	v1 =	vld.idx.msk [tilespmem:v1+s10+$0x0], $0xffff;
	_ =	sdelay $0x4  }
0x684: {  	[tilespmem:s17+$0xFFFF9000] =	vst v1  }
0x685: {  	v1 =	vld [tilespmem:$0x1FE40];
	_ =	sdelay $0x7  }
0x686: {  	v1 =	vld.idx.msk [tilespmem:v1+s10+$0x0], $0xffff  }
0x687: {  	v4 =	vld.idx.msk [tilespmem:v18+s10+$0x0], $0xffff;
	_ =	sdelay $0x3  }
0x688: {  	s18 =	simm.s32 $0xF810;
	[tilespmem:s17+$0xFFFF9800] =	vst v1  }
0x689: {  	v1 =	vld [tilespmem:$0x1FE50];
	[tilespmem:s18+$0xFFFF8800] =	vst v4  }
0x68a: {  	v4 =	vld [tilespmem:$0x1FE60];
	_ =	sdelay $0x6  }
0x68b: {  	v1 =	vld.idx.msk [tilespmem:v1+s10+$0x0], $0xffff  }
0x68c: {  	v4 =	vld.idx.msk [tilespmem:v4+s10+$0x0], $0xffff;
	_ =	sdelay $0x3  }
0x68d: {  	[tilespmem:s17+$0xFFFFA000] =	vst v1  }
0x68e: {  	[tilespmem:s18+$0xFFFF9000] =	vst v4  }
0x68f: {  	v4 =	vld [tilespmem:$0x1FE80];
	_ =	sdelay $0x6  }
0x690: {  	v1 =	vld.idx.msk [tilespmem:v55+s10+$0x0], $0xffff  }
0x691: {  	v4 =	vld.idx.msk [tilespmem:v4+s10+$0x0], $0xffff  }
0x692: {  	v5 =	vld.idx.msk [tilespmem:v16+s10+$0x0], $0xffff;
	_ =	sdelay $0x2  }
0x693: {  	[tilespmem:s17+$0xFFFFA800] =	vst v1  }
0x694: {  	s19 =	simm.s32 $0xF820;
	v1 =	vld [tilespmem:$0x1FE90];
	[tilespmem:s18+$0xFFFF9800] =	vst v4  }
0x695: {  	v4 =	vld [tilespmem:$0x1FEA0];
	[tilespmem:s19+$0xFFFF8800] =	vst v5  }
0x696: {  	v5 =	vld [tilespmem:$0x1FEC0];
	_ =	sdelay $0x5  }
0x697: {  	v1 =	vld.idx.msk [tilespmem:v1+s10+$0x0], $0xffff  }
0x698: {  	v4 =	vld.idx.msk [tilespmem:v4+s10+$0x0], $0xffff  }
0x699: {  	v5 =	vld.idx.msk [tilespmem:v5+s10+$0x0], $0xffff;
	_ =	sdelay $0x2  }
0x69a: {  	[tilespmem:s17+$0xFFFFB000] =	vst v1  }
0x69b: {  	[tilespmem:s18+$0xFFFFA000] =	vst v4  }
0x69c: {  	[tilespmem:s19+$0xFFFF9000] =	vst v5  }
0x69d: {  	v5 =	vld [tilespmem:$0x1FEF0];
	_ =	sdelay $0x5  }
0x69e: {  	v1 =	vld.idx.msk [tilespmem:v54+s10+$0x0], $0xffff  }
0x69f: {  	v4 =	vld.idx.msk [tilespmem:v56+s10+$0x0], $0xffff  }
0x6a0: {  	v5 =	vld.idx.msk [tilespmem:v5+s10+$0x0], $0xffff  }
0x6a1: {  	v6 =	vld.idx.msk [tilespmem:v15+s10+$0x0], $0xffff;
	_ =	sdelay $0x1  }
0x6a2: {  	[tilespmem:s17+$0xFFFFB800] =	vst v1  }
0x6a3: {  	[tilespmem:s18+$0xFFFFA800] =	vst v4  }
0x6a4: {  	s20 =	simm.s32 $0xF830;
	v4 =	vld [tilespmem:$0x1FF00];
	[tilespmem:s19+$0xFFFF9800] =	vst v5  }
0x6a5: {  	v5 =	vld [tilespmem:$0x1FF20];
	[tilespmem:s20+$0xFFFF8800] =	vst v6  }
0x6a6: {  	v6 =	vld [tilespmem:$0x1FF40];
	_ =	sdelay $0x2  }
0x6a7: {  	v1 =	vld.idx.msk [tilespmem:v57+s10+$0x0], $0xffff;
	_ =	sdelay $0x2  }
0x6a8: {  	v4 =	vld.idx.msk [tilespmem:v4+s10+$0x0], $0xffff  }
0x6a9: {  	v5 =	vld.idx.msk [tilespmem:v5+s10+$0x0], $0xffff  }
0x6aa: {  	[tilespmem:s17+$0xFFFFC000] =	vst v1;
	v6 =	vld.idx.msk [tilespmem:v6+s10+$0x0], $0xffff  }
0x6ab: {  	v1 =	vld [tilespmem:$0x1FF10];
	_ =	sdelay $0x1  }
0x6ac: {  	[tilespmem:s18+$0xFFFFB000] =	vst v4  }
0x6ad: {  	[tilespmem:s19+$0xFFFFA000] =	vst v5  }
0x6ae: {  	[tilespmem:s20+$0xFFFF9000] =	vst v6  }
0x6af: {  	v6 =	vld [tilespmem:$0x1FF50];
	_ =	sdelay $0x2  }
0x6b0: {  	v1 =	vld.idx.msk [tilespmem:v1+s10+$0x0], $0xffff;
	_ =	sdelay $0x2  }
0x6b1: {  	v4 =	vld.idx.msk [tilespmem:v58+s10+$0x0], $0xffff  }
0x6b2: {  	v5 =	vld.idx.msk [tilespmem:v59+s10+$0x0], $0xffff  }
0x6b3: {  	[tilespmem:s17+$0xFFFFC800] =	vst v1;
	v6 =	vld.idx.msk [tilespmem:v6+s10+$0x0], $0xffff  }
0x6b4: {  	v1 =	vld.idx.msk [tilespmem:v60+s10+$0x0], $0xffff  }
0x6b5: {  	v7 =	vld.idx.msk [tilespmem:v17+s10+$0x0], $0xffff  }
0x6b6: {  	[tilespmem:s18+$0xFFFFB800] =	vst v4  }
0x6b7: {  	[tilespmem:s19+$0xFFFFA800] =	vst v5  }
0x6b8: {  	v5 =	vld [tilespmem:$0x1FF70];
	[tilespmem:s20+$0xFFFF9800] =	vst v6  }
0x6b9: {  	s21 =	simm.s32 $0xF840;
	v6 =	vld [tilespmem:$0x1FF90];
	[tilespmem:s17+$0xFFFFD000] =	vst v1  }
0x6ba: {  	[tilespmem:s21+$0xFFFF8800] =	vst v7  }
0x6bb: {  	v1 =	vld [tilespmem:$0x1FF60]  }
0x6bc: {  	v7 =	vld [tilespmem:$0x1FFA0];
	_ =	sdelay $0x3  }
0x6bd: {  	v4 =	vld.idx.msk [tilespmem:v61+s10+$0x0], $0xffff  }
0x6be: {  	v5 =	vld.idx.msk [tilespmem:v5+s10+$0x0], $0xffff  }
0x6bf: {  	v6 =	vld.idx.msk [tilespmem:v6+s10+$0x0], $0xffff  }
0x6c0: {  	v1 =	vld.idx.msk [tilespmem:v1+s10+$0x0], $0xffff  }
0x6c1: {  	v7 =	vld.idx.msk [tilespmem:v7+s10+$0x0], $0xffff  }
0x6c2: {  	[tilespmem:s18+$0xFFFFC000] =	vst v4  }
0x6c3: {  	v4 =	vld [tilespmem:$0x1FF80];
	[tilespmem:s19+$0xFFFFB000] =	vst v5  }
0x6c4: {  	[tilespmem:s20+$0xFFFFA000] =	vst v6  }
0x6c5: {  	[tilespmem:s17+$0xFFFFD800] =	vst v1  }
0x6c6: {  	[tilespmem:s21+$0xFFFF9000] =	vst v7  }
0x6c7: {  	v1 =	vld [tilespmem:$0x1FFB0];
	_ =	sdelay $0x3  }
0x6c8: {  	v4 =	vld.idx.msk [tilespmem:v4+s10+$0x0], $0xffff  }
0x6c9: {  	v5 =	vld.idx.msk [tilespmem:v62+s10+$0x0], $0xffff  }
0x6ca: {  	v6 =	vld.idx.msk [tilespmem:v63+s10+$0x0], $0xffff  }
0x6cb: {  	v0 =	vld.idx.msk [tilespmem:v0+s10+$0x0], $0xffff  }
0x6cc: {  	v1 =	vld.idx.msk [tilespmem:v1+s10+$0x0], $0xffff  }
0x6cd: {  	[tilespmem:s18+$0xFFFFC800] =	vst v4  }
0x6ce: {  	v11 =	vadd.s32 $0x110, v17;
	[tilespmem:s19+$0xFFFFB800] =	vst v5  }
0x6cf: {  	v4 =	vld.idx.msk [tilespmem:v8+s10+$0x0], $0xffff;
	[tilespmem:s20+$0xFFFFA800] =	vst v6  }
0x6d0: {  	v6 =	vld [tilespmem:$0x1FFD0];
	[tilespmem:s17+$0xFFFFE000] =	vst v0  }
0x6d1: {  	v5 =	vld.idx.msk [tilespmem:v9+s10+$0x0], $0xffff;
	[tilespmem:s21+$0xFFFF9800] =	vst v1  }
0x6d2: {  	v9 =	vld [tilespmem:$0x1FFF0]  }
0x6d3: {  	v7 =	vld.idx.msk [tilespmem:v11+s10+$0x0], $0xffff;
	_ =	sdelay $0x3  }
0x6d4: {  	s22 =	simm.s32 $0xF850;
	[tilespmem:s18+$0xFFFFD000] =	vst v4  }
0x6d5: {  	v0 =	vld.idx.msk [tilespmem:v10+s10+$0x0], $0xffff;
	[tilespmem:s22+$0xFFFF8800] =	vst v7  }
0x6d6: {  	v8 =	vadd.s32 $0x1, v11;
	v7 =	vld [tilespmem:$0x1FFC0]  }
0x6d7: {  	[tilespmem:s19+$0xFFFFC000] =	vst v5;
	v10 =	vld.idx.msk [tilespmem:v9+s10+$0x0], $0xffff  }
0x6d8: {  	v9 =	vld [tilespmem:$0x1FFE0];
	_ =	sdelay $0x2  }
0x6d9: {  	v8 =	vld.idx.msk [tilespmem:v8+s10+$0x0], $0xffff  }
0x6da: {  	v13 =	vadd.s32 $0x2, v11;
	v6 =	vld.idx.msk [tilespmem:v6+s10+$0x0], $0xffff  }
0x6db: {  	v1 =	vadd.s32 $0x6, v15  }
0x6dc: {  	v4 =	vadd.s32 $0xD, v19  }
0x6dd: {  	v12 =	vadd.s32 $0x4, v17;
	v7 =	vld.idx.msk [tilespmem:v7+s10+$0x0], $0xffff  }
0x6de: {  	v5 =	vadd.s32 $0xB, v18;
	[tilespmem:s22+$0xFFFF9000] =	vst v8;
	v14 =	vld.idx.msk [tilespmem:v9+s10+$0x0], $0xffff  }
0x6df: {  	[tilespmem:s20+$0xFFFFB000] =	vst v6;
	v6 =	vadd.s32 $0x9, v16;
	v13 =	vld.idx.msk [tilespmem:v13+s10+$0x0], $0xffff  }
0x6e0: {  	[tilespmem:s17+$0xFFFFE800] =	vst v0;
	v8 =	vadd.s32 $0x110, v11;
	v9 =	vld.idx.msk [tilespmem:v1+s10+$0x0], $0xffff  }
0x6e1: {  	[tilespmem:s21+$0xFFFFA000] =	vst v10;
	v10 =	vadd.s32 $0x7, v15;
	v1 =	vld.idx.msk [tilespmem:v4+s10+$0x0], $0xffff  }
0x6e2: {  	v12 =	vld.idx.msk [tilespmem:v12+s10+$0x0], $0xffff;
	[tilespmem:s18+$0xFFFFD800] =	vst v7;
	v4 =	vadd.s32 $0xE, v19  }
0x6e3: {  	v5 =	vld.idx.msk [tilespmem:v5+s10+$0x0], $0xffff;
	[tilespmem:s19+$0xFFFFC800] =	vst v14;
	v14 =	vadd.s32 $0x5, v17  }
0x6e4: {  	s23 =	simm.s32 $0x50;
	v0 =	vmov v19;
	v7 =	vld.idx.msk [tilespmem:v6+s10+$0x0], $0xffff;
	v6 =	vadd.s32 $0xC, v18  }
.LBB2_45:
0x6e5: {  	v20 =	vld.idx.msk [tilespmem:v8+s10+$0x0], $0xffff;
	s23 =	sadd.s32 $0x10, s23;
	v21 =	vadd.s32 $0x3, v11;
	[tilespmem:s20+$0xFFFFB800] =	vst v9;
	s24 =	smov.u32 s20;
	s20 =	smov.u32 s21  }
0x6e6: {  	s21 =	smov.u32 s22;
	p0 =	slt.u32 s23, $0x7F0;
	v9 =	vld.idx.msk [tilespmem:v10+s10+$0x0], $0xffff;
	v10 =	vadd.s32 $0xA, v16;
	[tilespmem:s17+$0xFFFFF000] =	vst v1  }
0x6e7: {  	v1 =	vadd.s32 $0x1, v8;
	[tilespmem:s20+$0xFFFFA800] =	vst v12;
	v4 =	vld.idx.msk [tilespmem:v4+s10+$0x0], $0xffff  }
0x6e8: {  	v12 =	vld.idx.msk [tilespmem:v14+s10+$0x0], $0xffff;
	v14 =	vadd.s32 $0x8, v15;
	[tilespmem:s18+$0xFFFFE000] =	vst v5  }
0x6e9: {  	[tilespmem:s22+$0xFFFF9800] =	vst v13;
	v5 =	vld.idx.msk [tilespmem:v6+s10+$0x0], $0xffff;
	v6 =	vadd.s32 $0xF, v0;
	v0 =	vmovc v18;
	v18 =	vmovc v16;
	v16 =	vmov v15;
	v15 =	vmov v17  }
0x6ea: {  	s22 =	sadd.s32 $0x10, s22;
	v17 =	vmov v11;
	v11 =	vmov v8;
	v13 =	vld.idx.msk [tilespmem:v21+s10+$0x0], $0xffff;
	v21 =	vadd.s32 $0x6, v15;
	[tilespmem:s19+$0xFFFFD000] =	vst v7  }
0x6eb: {  	[tilespmem:s22+$0xFFFF8800] =	vst v20;
	v7 =	vld.idx.msk [tilespmem:v10+s10+$0x0], $0xffff;
	v10 =	vadd.s32 $0xD, v0  }
0x6ec: {  	v22 =	vadd.s32 $0x4, v17;
	v20 =	vld.idx.msk [tilespmem:v1+s10+$0x0], $0xffff;
	[tilespmem:s24+$0xFFFFC000] =	vst v9  }
0x6ed: {  	v23 =	vld.idx.msk [tilespmem:v14+s10+$0x0], $0xffff;
	v14 =	vadd.s32 $0xB, v18;
	[tilespmem:s17+$0xFFFFF800] =	vst v4  }
0x6ee: {  	v24 =	vadd.s32 $0x2, v8;
	[tilespmem:s20+$0xFFFFB000] =	vst v12;
	v25 =	vld.idx.msk [tilespmem:v6+s10+$0x0], $0xffff  }
0x6ef: {  	v6 =	vadd.s32 $0x9, v16;
	v9 =	vld.idx.msk [tilespmem:v21+s10+$0x0], $0xffff;
	[tilespmem:s18+$0xFFFFE800] =	vst v5  }
.Ltmp23:
0x6f0: {  	v8 =	vadd.s32 $0x110, v8;
	[tilespmem:s21+$0xFFFFA000] =	vst v13;
	v1 =	vld.idx.msk [tilespmem:v10+s10+$0x0], $0xffff;
	(pc) =	sbr.rel @p0 .LBB2_45-.Ltmp23, $4  }
0x6f1: {  	v10 =	vadd.s32 $0x7, v15;
	v12 =	vld.idx.msk [tilespmem:v22+s10+$0x0], $0xffff;
	[tilespmem:s19+$0xFFFFD800] =	vst v7  }
0x6f2: {  	v4 =	vadd.s32 $0xE, v0;
	[tilespmem:s22+$0xFFFF9000] =	vst v20;
	v5 =	vld.idx.msk [tilespmem:v14+s10+$0x0], $0xffff  }
0x6f3: {  	v14 =	vadd.s32 $0x5, v17;
	v13 =	vld.idx.msk [tilespmem:v24+s10+$0x0], $0xffff;
	[tilespmem:s24+$0xFFFFC800] =	vst v23  }
0x6f4: {  	v7 =	vld.idx.msk [tilespmem:v6+s10+$0x0], $0xffff;
	v6 =	vadd.s32 $0xC, v18;
	[tilespmem:s17+$0x0] =	vst v25;
	s17 =	smov.u32 s18;
	s18 =	smov.u32 s19;
	s19 =	smov.u32 s24  }
0x6f5: {  	v8 =	vadd.s32 $0x3, v11;
	_ =	sdelay $0x3  }
0x6f6: {  	[tilespmem:s22+$0xFFFF9800] =	vst v13  }
0x6f7: {  	v8 =	vld.idx.msk [tilespmem:v8+s10+$0x0], $0xffff  }
0x6f8: {  	v27 =	vadd.s32 $0x4, v11;
	_ =	sdelay $0x3  }
0x6f9: {  	[tilespmem:s22+$0xFFFFA000] =	vst v8  }
0x6fa: {  	v8 =	vld.idx.msk [tilespmem:v27+s10+$0x0], $0xffff  }
0x6fb: {  	v28 =	vadd.s32 $0x5, v11;
	_ =	sdelay $0x2  }
0x6fc: {  	[tilespmem:s21+$0xFFFFA800] =	vst v12  }
0x6fd: {  	v12 =	vld.idx.msk [tilespmem:v14+s10+$0x0], $0xffff;
	[tilespmem:s22+$0xFFFFA800] =	vst v8  }
0x6fe: {  	v29 =	vadd.s32 $0x6, v17;
	v13 =	vld.idx.msk [tilespmem:v28+s10+$0x0], $0xffff  }
0x6ff: {  	v30 =	vadd.s32 $0x6, v11;
	_ =	sdelay $0x2  }
0x700: {  	[tilespmem:s21+$0xFFFFB000] =	vst v12  }
0x701: {  	v8 =	vld.idx.msk [tilespmem:v29+s10+$0x0], $0xffff;
	[tilespmem:s22+$0xFFFFB000] =	vst v13  }
0x702: {  	v31 =	vadd.s32 $0x7, v17;
	v13 =	vld.idx.msk [tilespmem:v30+s10+$0x0], $0xffff  }
0x703: {  	v32 =	vadd.s32 $0x7, v11;
	_ =	sdelay $0x1  }
0x704: {  	[tilespmem:s20+$0xFFFFB800] =	vst v9  }
0x705: {  	v9 =	vld.idx.msk [tilespmem:v10+s10+$0x0], $0xffff;
	[tilespmem:s21+$0xFFFFB800] =	vst v8  }
0x706: {  	v33 =	vadd.s32 $0x8, v15;
	v34 =	vld.idx.msk [tilespmem:v31+s10+$0x0], $0xffff;
	[tilespmem:s22+$0xFFFFB800] =	vst v13  }
0x707: {  	v35 =	vadd.s32 $0x8, v17;
	v13 =	vld.idx.msk [tilespmem:v32+s10+$0x0], $0xffff  }
0x708: {  	v36 =	vadd.s32 $0x8, v11;
	_ =	sdelay $0x1  }
0x709: {  	[tilespmem:s20+$0xFFFFC000] =	vst v9  }
0x70a: {  	v8 =	vld.idx.msk [tilespmem:v33+s10+$0x0], $0xffff;
	[tilespmem:s21+$0xFFFFC000] =	vst v34  }
0x70b: {  	v37 =	vadd.s32 $0x9, v15;
	v10 =	vld.idx.msk [tilespmem:v35+s10+$0x0], $0xffff;
	[tilespmem:s22+$0xFFFFC000] =	vst v13  }
0x70c: {  	v38 =	vadd.s32 $0x9, v17;
	v13 =	vld.idx.msk [tilespmem:v36+s10+$0x0], $0xffff  }
0x70d: {  	v39 =	vadd.s32 $0x9, v11;
	_ =	sdelay $0x1  }
0x70e: {  	[tilespmem:s20+$0xFFFFC800] =	vst v8  }
0x70f: {  	v40 =	vadd.s32 $0xA, v16;
	v9 =	vld.idx.msk [tilespmem:v37+s10+$0x0], $0xffff;
	[tilespmem:s21+$0xFFFFC800] =	vst v10  }
0x710: {  	v41 =	vadd.s32 $0xA, v15;
	v12 =	vld.idx.msk [tilespmem:v38+s10+$0x0], $0xffff;
	[tilespmem:s22+$0xFFFFC800] =	vst v13  }
0x711: {  	v42 =	vadd.s32 $0xA, v17;
	v14 =	vld.idx.msk [tilespmem:v39+s10+$0x0], $0xffff  }
0x712: {  	v20 =	vadd.s32 $0xA, v11  }
0x713: {  	[tilespmem:s19+$0xFFFFD000] =	vst v7  }
0x714: {  	v7 =	vld.idx.msk [tilespmem:v40+s10+$0x0], $0xffff;
	[tilespmem:s20+$0xFFFFD000] =	vst v9  }
0x715: {  	v43 =	vadd.s32 $0xB, v16;
	v9 =	vld.idx.msk [tilespmem:v41+s10+$0x0], $0xffff;
	[tilespmem:s21+$0xFFFFD000] =	vst v12  }
0x716: {  	v44 =	vadd.s32 $0xB, v15;
	v12 =	vld.idx.msk [tilespmem:v42+s10+$0x0], $0xffff;
	[tilespmem:s22+$0xFFFFD000] =	vst v14  }
0x717: {  	v45 =	vadd.s32 $0xB, v17;
	v14 =	vld.idx.msk [tilespmem:v20+s10+$0x0], $0xffff  }
0x718: {  	v20 =	vadd.s32 $0xB, v11  }
0x719: {  	[tilespmem:s19+$0xFFFFD800] =	vst v7  }
0x71a: {  	v7 =	vld.idx.msk [tilespmem:v43+s10+$0x0], $0xffff;
	[tilespmem:s20+$0xFFFFD800] =	vst v9  }
0x71b: {  	v46 =	vadd.s32 $0xC, v16;
	v9 =	vld.idx.msk [tilespmem:v44+s10+$0x0], $0xffff;
	[tilespmem:s21+$0xFFFFD800] =	vst v12  }
0x71c: {  	v47 =	vadd.s32 $0xC, v15;
	v12 =	vld.idx.msk [tilespmem:v45+s10+$0x0], $0xffff;
	[tilespmem:s22+$0xFFFFD800] =	vst v14  }
0x71d: {  	v48 =	vadd.s32 $0xC, v17;
	v14 =	vld.idx.msk [tilespmem:v20+s10+$0x0], $0xffff  }
0x71e: {  	[tilespmem:s18+$0xFFFFE000] =	vst v5;
	v5 =	vadd.s32 $0xC, v11  }
0x71f: {  	v6 =	vld.idx.msk [tilespmem:v6+s10+$0x0], $0xffff;
	[tilespmem:s19+$0xFFFFE000] =	vst v7  }
0x720: {  	v49 =	vadd.s32 $0xD, v18;
	v8 =	vld.idx.msk [tilespmem:v46+s10+$0x0], $0xffff;
	[tilespmem:s20+$0xFFFFE000] =	vst v9  }
0x721: {  	v50 =	vadd.s32 $0xD, v16;
	v10 =	vld.idx.msk [tilespmem:v47+s10+$0x0], $0xffff;
	[tilespmem:s21+$0xFFFFE000] =	vst v12  }
0x722: {  	v51 =	vadd.s32 $0xD, v15;
	v13 =	vld.idx.msk [tilespmem:v48+s10+$0x0], $0xffff;
	[tilespmem:s22+$0xFFFFE000] =	vst v14  }
0x723: {  	v52 =	vadd.s32 $0xD, v17;
	v5 =	vld.idx.msk [tilespmem:v5+s10+$0x0], $0xffff  }
0x724: {  	v53 =	vadd.s32 $0xD, v11;
	[tilespmem:s18+$0xFFFFE800] =	vst v6  }
0x725: {  	v7 =	vld.idx.msk [tilespmem:v49+s10+$0x0], $0xffff;
	[tilespmem:s19+$0xFFFFE800] =	vst v8  }
0x726: {  	v54 =	vadd.s32 $0xE, v18;
	v9 =	vld.idx.msk [tilespmem:v50+s10+$0x0], $0xffff;
	[tilespmem:s20+$0xFFFFE800] =	vst v10  }
0x727: {  	v55 =	vadd.s32 $0xE, v16;
	v12 =	vld.idx.msk [tilespmem:v51+s10+$0x0], $0xffff;
	[tilespmem:s21+$0xFFFFE800] =	vst v13  }
0x728: {  	v56 =	vadd.s32 $0xE, v15;
	v14 =	vld.idx.msk [tilespmem:v52+s10+$0x0], $0xffff;
	[tilespmem:s22+$0xFFFFE800] =	vst v5  }
0x729: {  	[tilespmem:s17+$0xFFFFF000] =	vst v1;
	v1 =	vadd.s32 $0xE, v17;
	v5 =	vld.idx.msk [tilespmem:v53+s10+$0x0], $0xffff  }
0x72a: {  	v57 =	vadd.s32 $0xE, v11;
	v4 =	vld.idx.msk [tilespmem:v4+s10+$0x0], $0xffff;
	[tilespmem:s18+$0xFFFFF000] =	vst v7  }
0x72b: {  	v0 =	vadd.s32 $0xF, v0;
	v7 =	vld.idx.msk [tilespmem:v54+s10+$0x0], $0xffff;
	[tilespmem:s19+$0xFFFFF000] =	vst v9  }
0x72c: {  	v58 =	vadd.s32 $0xF, v18;
	v9 =	vld.idx.msk [tilespmem:v55+s10+$0x0], $0xffff;
	[tilespmem:s20+$0xFFFFF000] =	vst v12  }
0x72d: {  	v59 =	vadd.s32 $0xF, v16;
	v12 =	vld.idx.msk [tilespmem:v56+s10+$0x0], $0xffff;
	[tilespmem:s21+$0xFFFFF000] =	vst v14  }
0x72e: {  	v60 =	vadd.s32 $0xF, v15;
	v1 =	vld.idx.msk [tilespmem:v1+s10+$0x0], $0xffff;
	[tilespmem:s22+$0xFFFFF000] =	vst v5  }
0x72f: {  	[tilespmem:s17+$0xFFFFF800] =	vst v4;
	v4 =	vadd.s32 $0xF, v17;
	v5 =	vld.idx.msk [tilespmem:v57+s10+$0x0], $0xffff  }
0x730: {  	v61 =	vadd.s32 $0xF, v11;
	v0 =	vld.idx.msk [tilespmem:v0+s10+$0x0], $0xffff;
	[tilespmem:s18+$0xFFFFF800] =	vst v7  }
0x731: {  	v7 =	vld.idx.msk [tilespmem:v58+s10+$0x0], $0xffff;
	[tilespmem:s19+$0xFFFFF800] =	vst v9  }
0x732: {  	v62 =	vld.idx.msk [tilespmem:v59+s10+$0x0], $0xffff;
	[tilespmem:s20+$0xFFFFF800] =	vst v12  }
0x733: {  	v63 =	vld.idx.msk [tilespmem:v60+s10+$0x0], $0xffff;
	[tilespmem:s21+$0xFFFFF800] =	vst v1  }
0x734: {  	v1 =	vld.idx.msk [tilespmem:v4+s10+$0x0], $0xffff;
	[tilespmem:s22+$0xFFFFF800] =	vst v5  }
0x735: {  	[tilespmem:s17+$0x0] =	vst v0;
	v0 =	vld.idx.msk [tilespmem:v61+s10+$0x0], $0xffff  }
0x736: {  	[tilespmem:s18+$0x0] =	vst v7  }
0x737: {  	[tilespmem:s19+$0x0] =	vst v62  }
0x738: {  	[tilespmem:s20+$0x0] =	vst v63  }
0x739: {  	s15 =	sadd.s32 $0x1, s15;
	[tilespmem:s21+$0x0] =	vst v1  }
0x73a: {  	s16 =	sadd.s32 s4, s16;
	p0 =	sne.s32 s15, $0x8;
	[tilespmem:s22+$0x0] =	vst v0  }
0x73b: {  	[hbm4b:s16+s3] =	stream.linear.scatter [tilespmem:s9], [sflag:$0x2], $0x8000, $0x38;
	[tilespmem:$0x1A900] =	vst v63  }
.Ltmp24:
0x73c: {  	_ = 	snop;
	(pc) =	sbr.rel @p0 .LBB2_2-.Ltmp24, $4  }
.Ltmp25:
0x73d: {  	_ = 	snop;
	(pc) =	sbr.rel @!p0 .LBB2_47-.Ltmp25, $4  }
0x73e: {  	_ =	swait.ge [sflag:s13], $0x8000  }
0x73f: {  	[sflag:s13] =	ssyncset.done $0x0  }
0x740: {  	[sflag:s13] =	ssyncadd.s32 $0xFFFF8000  }
0x741: {  	_ = 	snop  }
.LBB2_11:
.Ltmp26:
0x742: {  	(pc) =	sbr.rel .LBB2_16-.Ltmp26, $2  }
0x743: {  	_ =	sdelay $0x2  }
0x744: {  	v54 =	vimm.f32 $0.0e+00;
	v21 =	vimm.f32 $0.0e+00  }
.LBB2_33:
.Ltmp27:
0x745: {  	(pc) =	sbr.rel .LBB2_38-.Ltmp27, $2  }
0x746: {  	_ =	sdelay $0x2  }
0x747: {  	v36 =	vimm.f32 $0.0e+00;
	v34 =	vimm.f32 $0.0e+00  }
.LBB2_13:
.Ltmp28:
0x748: {  	(pc) =	sbr.rel .LBB2_16-.Ltmp28, $2  }
0x749: {  	_ =	sdelay $0x2  }
0x74a: {  	v27 =	vmov v22;
	v28 =	vmov v13  }
.LBB2_35:
.Ltmp29:
0x74b: {  	(pc) =	sbr.rel .LBB2_38-.Ltmp29, $2  }
0x74c: {  	_ =	sdelay $0x2  }
0x74d: {  	v27 =	vmov v35;
	v28 =	vmov v21  }
.LBB2_48:
0x74e: {  	_ =	sfence.sel $0x180000  }
0x74f: {  	[bflag:$0x0] =	sbarrier.arrive $0xFFFF  }
0x750: {  	p0 =	sne.s32 s1, $0x0;
	_ =	strace $0x9000004A  }
0x751: {  	s0 =	sadd.s32 @!p0 $0x100000, s0;
	[bflag:$0x2] =	sbarrier.arrive $0xFFFF  }
0x752: {  	[sflag:s0] =	ssyncadd.tile.s32 @!p0 $0x1;
	_ =	shalt  }
.Lfunc_end2:
_tile_overlayer_lowered:
.L_overlay_start_2:
0x753: {  	(tag) =	ssettag $0x2  }
0x754: {  	s0 =	rddreg [dreg:$0x0];
	s2 =	stileid.u32  }
0x755: {  	s1 =	rddreg [dreg:$0x1];
	p0 =	sne.s32 s2, $0x0  }
0x756: {  	s3 =	rddreg [dreg:$0x2];
	[bflag:$0x3] =	sbarrier.arrive $0xFFFF;
	s2 =	simm.s32 @!p0 $0x1C02  }
0x757: {  	[timem:s3], [sflag:s2] =	dma.local @!p0 [hbm:s0], s1  }
0x758: {  	s0 =	simm.s32 @!p0 $0x2  }
0x759: {  	_ =	swait.ge @!p0 [sflag:s0], s1  }
0x75a: {  	s1 =	ssub.s32 @!p0 $0x0, s1;
	[sflag:s0] =	ssyncset.done @!p0 $0x0  }
0x75b: {  	[sflag:s0] =	ssyncadd.s32 @!p0 s1  }
0x75c: {  	[bflag:$0x3] =	sbarrier.arrive $0xFFFF  }
0x75d: {  	_ =	shalt  }

// kernel: sparse-core-data-format-call.cloned.1.call-start
scs
called_computation_lowered:
.L_overlay_start_0:
0x0: {  	s2 =	sld [smem:$0x3FD9]  }
0x1: {  	s3 =	sld [smem:$0x3FFE];
	_ =	sdelay $0x1  }
0x2: {  	s1 =	srdreg.scid  }
0x3: {  	s0 =	sand.u32 $0x1, s1  }
0x4: {  	s19 =	sshll.u32 s0, $0xA;
	s2 =	sadd.s32 s3, s2  }
0x5: {  	s2 =	sadd.s32 s2, s19  }
0x6: {  	[smem:$0x3FC7] =	sst s2  }
0x7: {  	_ = 	snop  }
0x8: {  	s2 =	sld [smem:$0x3FC9]  }
0x9: {  	s20 =	sld [smem:$0x3FD0];
	(tm) =	ssettm $0x1  }
0xa: {  	s4 =	sld [smem:$0x3FFB];
	_ =	sdelay $0x3  }
0xb: {  	_ =	strace s4  }
0xc: {  	s4 =	sld [smem:$0x3FFC];
	_ =	sdelay $0x3  }
0xd: {  	_ =	strace s4  }
0xe: {  	s4 =	sld [smem:$0x3FFD];
	_ =	sdelay $0x3  }
0xf: {  	_ =	strace s4  }
0x10: {  	_ =	strace $0x8FFFFFFF  }
0x11: {  	s21 =	sld [smem:$0x3FDB];
	_ =	sdelay $0x1  }
0x12: {  	s5 =	simm.s32 $_scs_section_size  }
0x13: {  	s6 =	simm.s32 $_size__tile_overlayer_lowered;
	s7 =	simm.s32 $_tile_overlayer_lowered  }
0x14: {  	s24 =	simm.s32 $0x1BFF;
	s23 =	sshll.u32 s7, $0x1;
	s4 =	sadd.s32 s5, s21  }
0x15: {  	s8 =	simm.s32 $0x0;
	s22 =	sshll.u32 s6, $0x1;
	s6 =	sadd.s32 s23, s4  }
0x16: {  	[timem:s8], [sflag:s24] =	dma.local [hbm:s6], s22  }
0x17: {  	_ =	swait.ge [sflag:s24], s22  }
0x18: {  	s5 =	ssub.s32 $0x0, s22;
	[sflag:s24] =	ssyncset.done $0x0  }
0x19: {  	[sflag:s24] =	ssyncadd.s32 s5;
	_ =	sdelay $0x1  }
0x1a: {  	s25 =	simm.s32 $0x1B8B  }
0x1b: {  	_ =	swait.ge [sflag:s25], $0x1  }
0x1c: {  	[sflag:s25] =	ssyncset.done $0x0  }
0x1d: {  	s26 =	simm.s32 $0x1B8E;
	[sflag:s25] =	ssyncadd.s32 $0xFFFFFFFF  }
0x1e: {  	s27 =	simm.s32 $execute0_lowered;
	[smem:$0x3FD2] =	sst s26  }
0x1f: {  	s5 =	sshll.u32 s27, $0x1;
	_ =	strace $0x80000046;
	[dreg:$0x1] =	wrdreg $0xFFFFFFFF  }
0x20: {  	s28 =	simm.s32 $_size_execute0_lowered;
	s4 =	sadd.s32 s4, s5;
	[dreg:$0x0] =	wrdreg $0x0  }
0x21: {  	s5 =	sshll.u32 s28, $0x1;
	[dreg:$0x2] =	wrdreg s4  }
0x22: {  	[dreg:$0x3] =	wrdreg s5  }
0x23: {  	[dreg:$0x4] =	wrdreg $0xC0  }
0x24: {  	_ =	task [dreg:s8], $0x5FFFF  }
0x25: {  	[dreg:$0x1] =	wrdreg $0xFFFFFFFF  }
0x26: {  	[dreg:$0x0] =	wrdreg $0x60  }
0x27: {  	[dreg:$0x2] =	wrdreg s2  }
0x28: {  	[dreg:$0x3] =	wrdreg s20  }
0x29: {  	[dreg:$0x4] =	wrdreg $0x9  }
0x2a: {  	_ =	task.clear_ibuf [dreg:s8], $0x5FFFF;
	_ =	strace $0x90000046  }
0x2b: {  	s29 =	simm.s32 $0x9;
	_ =	strace $0x80000048  }
0x2c: {  	_ =	swait.ge [sflag:s29], $0x1  }
0x2d: {  	[sflag:s29] =	ssyncadd.s32 $0xFFFFFFFF  }
0x2e: {  	_ =	strace $0x90000048  }
0x2f: {  	_ =	sfence  }
0x30: {  	s30 =	sld [smem:$0x0];
	_ =	sdelay $0x2  }
0x31: {  	s31 =	sshll.u32 s1, $0xD;
	s1 =	sshrl.u32 s1, $0x2  }
0x32: {  	s3 =	sand.u32 $0x4000, s31;
	s1 =	sadd.s32 s1, s30  }
0x33: {  	s0 =	sor.u32 s3, s0;
	s1 =	sshll.u32 s1, $0x11  }
0x34: {  	s0 =	sor.u32 s1, s0  }
0x35: {  	s0 =	sadd.s32 $0x8F2B, s0  }
0x36: {  	[sflag:s0] =	ssyncadd.remote.s32 $0x1  }
0x37: {  	_ =	sfence.sel $0xFFFF  }
0x38: {  	[dreg:$0x0] =	wrdreg $0xFFFFFFFF;
	(pc) =	sbr.abs _section_cstart, $3  }
0x39: {  	[dreg:$0x1] =	wrdreg $0xFFFFFFFF  }
0x3a: {  	_ =	task.clear_ibuf [dreg:s8], $0x2FFFF;
	_ =	strace $0x9FFFFFFF  }
0x3b: {  	(tm) =	ssettm $0x7FFFFFFF  }
tec
execute0_lowered:
.L_overlay_start_1:
0x0: {  	(tag) =	ssettag $0x1  }
0x1: {  	s2 =	rddreg [dreg:$0x0]  }
0x2: {  	s3 =	rddreg [dreg:$0x1]  }
0x3: {  	s0 =	rddreg [dreg:$0x2];
	s4 =	srdreg.scid  }
.Ltmp0:
0x4: {  	_ =	strace $0x80000047;
	s1 =	stileid.u32;
	(pc) =	sbr.rel .LBB1_1-.Ltmp0, $4  }
0x5: {  	s6 =	simm.s32 $0x2;
	p0 =	por $0x0, $0x0;
	s5 =	sshll.u32 s4, $0x4  }
0x6: {  	s9 =	simm.s32 $0x0;
	s4 =	simm.s32 $0x1;
	s5 =	sand.u32 $0x10, s5  }
0x7: {  	s7 =	simm.s32 $0x0;
	[sflag:s4] =	ssyncpa.u1 $0x0;
	s5 =	sor.u32 s1, s5  }
0x8: {  	[sflag:s6] =	ssyncpa.u1 $0x0;
	s6 =	simm.s32 $0x0;
	s8 =	smov.u32 s5  }
.LBB1_7:
0x9: {  	s11 =	sadd.s32 $0x20, s8  }
0xa: {  	p1 =	slt.u32 s7, $0x2;
	s7 =	sadd.s32 $0x1, s7;
	p2 =	sgt.s32 s11, $0x3FF  }
0xb: {  	s11 =	smov.u32 @p2 s5;
	p2 =	sne.s32 s7, $0x22  }
.Ltmp1:
0xc: {  	_ = 	snop;
	(pc) =	sbr.rel @!p2 .LBB1_8-.Ltmp1, $4  }
0xd: {  	s10 =	simm.s32 @!p1 $0x2  }
0xe: {  	_ =	swait.ge @!p1 [sflag:s10], $0x4000  }
0xf: {  	s9 =	smov.u32 s8;
	[sflag:s10] =	ssyncset.done @!p1 $0x0  }
0x10: {  	p0 =	por !p0, !p0;
	s8 =	smov.u32 s11;
	[sflag:s10] =	ssyncadd.s32 @!p1 $0xFFFFC000  }
.LBB1_1:
0x11: {  	p1 =	sgt.u32 s7, $0x1F  }
0x12: {  	s10 =	sxor.u32 @!p1 $0xFFFFFFFF, s7  }
0x13: {  	s11 =	sshll.u32 @!p1 s8, $0xB;
	s10 =	sshll.u32 @!p1 s10, $0xE  }
0x14: {  	s12 =	simm.s32 @!p1 $0x0;
	s11 =	sadd.s32 @!p1 s2, s11;
	s10 =	sand.u32 @!p1 $0x4000, s10  }
0x15: {  	[tilespmem:s10], [sflag:$0x1] =	stream.linear.gather @!p1 [hbm4b:s11+s12], $0x4000, $0x38;
	[tilespmem:$0x10000] =	vst v63  }
0x16: {  	p1 =	seq.s32 s7, $0x0  }
0x17: {  	p2 =	seq.s32 @!p1 s7, $0x21  }
0x18: {  	p1 =	por p1, p2  }
.Ltmp2:
0x19: {  	_ = 	snop;
	(pc) =	sbr.rel @p1 .LBB1_7-.Ltmp2, $1  }
0x1a: {  	_ =	sdelay $0x3  }
0x1b: {  	s10 =	simm.s32 $0x1;
	_ =	swait.ge [sflag:s4], $0x4000;
	s12 =	sshll.u32 s7, $0xE  }
0x1c: {  	s13 =	simm.s32 $0x0;
	s10 =	simm.s32 @!p0 $0x0;
	[sflag:s4] =	ssyncset.done $0x0  }
0x1d: {  	s12 =	sand.u32 $0x4000, s12;
	s11 =	sshll.u32 s10, $0xE;
	[sflag:s4] =	ssyncadd.s32 $0xFFFFC000  }
0x1e: {  	s12 =	sor.u32 $0x8000, s12;
	s10 =	sor.u32 $0x8040, s11;
	s11 =	sor.u32 $0x40, s11  }
.LBB1_3:
0x1f: {  	v0 =	vmov s11;
	_ =	sdelay $0x3  }
0x20: {  	s15 =	simm.s32 $0x0  }
0x21: {  	v6 =	vld.idx.msk [tilespmem:v0+s15+$0x30 ss:$0x1], $0xffff  }
0x22: {  	v7 =	vld.idx.msk [tilespmem:v0+s15+$0xFFFFFFC0 ss:$0x1], $0xffff  }
0x23: {  	v5 =	vld.idx.msk [tilespmem:v0+s15+$0xFFFFFFD0 ss:$0x1], $0xffff  }
0x24: {  	v4 =	vld.idx.msk [tilespmem:v0+s15+$0xFFFFFFE0 ss:$0x1], $0xffff  }
0x25: {  	v3 =	vld.idx.msk [tilespmem:v0+s15+$0xFFFFFFF0 ss:$0x1], $0xffff  }
0x26: {  	v1 =	vld.idx.msk [tilespmem:v0+s15+$0x0 ss:$0x1], $0xffff  }
0x27: {  	v2 =	vld.idx.msk [tilespmem:v0+s15+$0x10 ss:$0x1], $0xffff;
	[tilespmem:s10+$0x30] =	vst v6  }
0x28: {  	s14 =	simm.s32 $0x80;
	s16 =	simm.s32 $0x400;
	[tilespmem:s10+$0xFFFFFFC0] =	vst v7;
	v6 =	vld.idx.msk [tilespmem:v0+s15+$0x20 ss:$0x1], $0xffff;
	s15 =	smov.u32 s10  }
.LBB1_4:
0x29: {  	p1 =	sne.s32 s16, $0xE00;
	v7 =	vld.idx.msk [tilespmem:v0+s14+$0x30 ss:$0x1], $0xffff;
	[tilespmem:s15+$0xFFFFFFD0] =	vst v5  }
0x2a: {  	v8 =	vld.idx.msk [tilespmem:v0+s14+$0xFFFFFFC0 ss:$0x1], $0xffff;
	[tilespmem:s15+$0xFFFFFFE0] =	vst v4  }
0x2b: {  	v5 =	vld.idx.msk [tilespmem:v0+s14+$0xFFFFFFD0 ss:$0x1], $0xffff;
	[tilespmem:s15+$0xFFFFFFF0] =	vst v3  }
.Ltmp3:
0x2c: {  	v4 =	vld.idx.msk [tilespmem:v0+s14+$0xFFFFFFE0 ss:$0x1], $0xffff;
	[tilespmem:s15+$0x0] =	vst v1;
	(pc) =	sbr.rel @p1 .LBB1_4-.Ltmp3, $4  }
0x2d: {  	v3 =	vld.idx.msk [tilespmem:v0+s14+$0xFFFFFFF0 ss:$0x1], $0xffff;
	[tilespmem:s15+$0x10] =	vst v2  }
0x2e: {  	v1 =	vld.idx.msk [tilespmem:v0+s14+$0x0 ss:$0x1], $0xffff;
	[tilespmem:s15+$0x20] =	vst v6;
	s15 =	sadd.s32 $0x800, s15  }
0x2f: {  	v2 =	vld.idx.msk [tilespmem:v0+s14+$0x10 ss:$0x1], $0xffff;
	[tilespmem:s15+$0x30] =	vst v7  }
0x30: {  	[tilespmem:s15+$0xFFFFFFC0] =	vst v8;
	v6 =	vld.idx.msk [tilespmem:v0+s14+$0x20 ss:$0x1], $0xffff;
	s14 =	sshra.s32 s16, $0x2;
	s16 =	sadd.s32 $0x200, s16  }
0x31: {  	_ =	sdelay $0x2  }
0x32: {  	[tilespmem:s15+$0xFFFFFFD0] =	vst v5  }
0x33: {  	v56 =	vld.idx.msk [tilespmem:v0+s14+$0x30 ss:$0x1], $0xffff;
	[tilespmem:s15+$0xFFFFFFE0] =	vst v4  }
0x34: {  	v57 =	vld.idx.msk [tilespmem:v0+s14+$0xFFFFFFC0 ss:$0x1], $0xffff;
	[tilespmem:s15+$0xFFFFFFF0] =	vst v3  }
0x35: {  	v58 =	vld.idx.msk [tilespmem:v0+s14+$0xFFFFFFD0 ss:$0x1], $0xffff;
	[tilespmem:s15+$0x0] =	vst v1  }
0x36: {  	v59 =	vld.idx.msk [tilespmem:v0+s14+$0xFFFFFFE0 ss:$0x1], $0xffff;
	[tilespmem:s15+$0x10] =	vst v2  }
0x37: {  	v60 =	vld.idx.msk [tilespmem:v0+s14+$0xFFFFFFF0 ss:$0x1], $0xffff;
	s31 =	sadd.s32 $0x800, s15;
	[tilespmem:s15+$0x20] =	vst v6  }
0x38: {  	v61 =	vld.idx.msk [tilespmem:v0+s14+$0x0 ss:$0x1], $0xffff;
	[tilespmem:s31+$0x30] =	vst v56  }
0x39: {  	v62 =	vld.idx.msk [tilespmem:v0+s14+$0x10 ss:$0x1], $0xffff;
	s13 =	sadd.s32 $0x1, s13;
	[tilespmem:s31+$0xFFFFFFC0] =	vst v57  }
0x3a: {  	v63 =	vld.idx.msk [tilespmem:v0+s14+$0x20 ss:$0x1], $0xffff;
	p1 =	sne.s32 s13, $0x10;
	[tilespmem:s31+$0xFFFFFFD0] =	vst v58  }
.Ltmp4:
0x3b: {  	[tilespmem:s31+$0xFFFFFFE0] =	vst v59;
	(pc) =	sbr.rel @p1 .LBB1_3-.Ltmp4, $4  }
0x3c: {  	[tilespmem:s31+$0xFFFFFFF0] =	vst v60  }
0x3d: {  	[tilespmem:s31+$0x0] =	vst v61  }
0x3e: {  	[tilespmem:s31+$0x10] =	vst v62  }
0x3f: {  	s10 =	sadd.s32 $0x80, s10;
	s11 =	sadd.s32 $0x400, s11;
	[tilespmem:s31+$0x20] =	vst v63  }
.Ltmp5:
0x40: {  	(pc) =	sbr.rel .LBB1_7-.Ltmp5, $4  }
0x41: {  	_ = 	snop  }
0x42: {  	s9 =	sshll.u32 s9, $0xB  }
0x43: {  	s9 =	sadd.s32 s3, s9  }
0x44: {  	[hbm4b:s9+s6] =	stream.linear.scatter [tilespmem:s12], [sflag:$0x2], $0x4000, $0x38;
	[tilespmem:$0x10000] =	vst v63  }
.LBB1_8:
0x45: {  	_ =	sfence.sel $0x180000  }
0x46: {  	s2 =	simm.s32 $0x1;
	[bflag:$0x0] =	sbarrier.arrive $0xFFFF  }
0x47: {  	s31 =	simm.s32 $0x2;
	[sflag:s2] =	ssyncpa.u1 $0x1  }
0x48: {  	[sflag:s31] =	ssyncpa.u1 $0x1  }
0x49: {  	p0 =	sne.s32 s1, $0x0;
	_ =	strace $0x90000047  }
0x4a: {  	s0 =	sadd.s32 @!p0 $0x100000, s0;
	[bflag:$0x2] =	sbarrier.arrive $0xFFFF  }
0x4b: {  	[sflag:s0] =	ssyncadd.tile.s32 @!p0 $0x1;
	_ =	shalt  }
.Lfunc_end1:
_tile_overlayer_lowered:
.L_overlay_start_2:
0x4c: {  	(tag) =	ssettag $0x2  }
0x4d: {  	s0 =	rddreg [dreg:$0x0];
	s2 =	stileid.u32  }
0x4e: {  	s1 =	rddreg [dreg:$0x1];
	p0 =	sne.s32 s2, $0x0  }
0x4f: {  	s3 =	rddreg [dreg:$0x2];
	[bflag:$0x3] =	sbarrier.arrive $0xFFFF;
	s2 =	simm.s32 @!p0 $0x1C01  }
0x50: {  	[timem:s3], [sflag:s2] =	dma.local @!p0 [hbm:s0], s1  }
0x51: {  	s0 =	simm.s32 @!p0 $0x1  }
0x52: {  	_ =	swait.ge @!p0 [sflag:s0], s1  }
0x53: {  	s1 =	ssub.s32 @!p0 $0x0, s1;
	[sflag:s0] =	ssyncset.done @!p0 $0x0  }
0x54: {  	[sflag:s0] =	ssyncadd.s32 @!p0 s1  }
0x55: {  	[bflag:$0x3] =	sbarrier.arrive $0xFFFF  }
0x56: {  	_ =	shalt  }

</sc_bundles>
